<compile_context>
chip_gen: v7x
topology: tpu7x:2x2x1
jax: 0.10.2.dev20260603
libtpu: 0.0.44.dev20260713+nightly
codegen_flags: <defaults>
</compile_context>

<pallas_src>
import dataclasses
import functools

import jax
import jax.numpy as jnp
from jax import lax
from jax.experimental import pallas as pl
from jax.experimental.pallas import tpu as pltpu
from jax.experimental.pallas import tpu_sc as plsc

LANES = 16
NC, NS = 2, 16
NW = NC * NS
TPR = 16384
TVB = 2 * TPR


def _transpose_table(table_t):
    D, V = table_t.shape
    VB, PR = TVB, TPR
    grid = pl.cdiv(V, VB)

    def body(xa_ref, xb_ref, o_ref):
        z = jnp.concatenate([xa_ref[...], xb_ref[...]], axis=0)
        o_ref[...] = jnp.swapaxes(z, 0, 1)

    jmax = (V - 1) // PR

    return pl.pallas_call(
        body,
        grid=(grid,),
        in_specs=[pl.BlockSpec((D, PR), lambda i: (0, 2 * i)),
                  pl.BlockSpec((D, PR),
                               lambda i: (0, jnp.minimum(2 * i + 1, jmax)))],
        out_specs=pl.BlockSpec((PR, 2 * D), lambda i: (i, 0)),
        out_shape=jax.ShapeDtypeStruct((grid * PR, 2 * D), jnp.float32),
    )(table_t, table_t)


def kernel(feats, weights, table, bias):
    B, L = feats.shape
    V, D = table.shape
    KD = D // LANES
    RPW = B // NW
    CB = 8
    NSTEPS = RPW // CB
    IDX = CB * L
    IPG = 80
    NG = IDX // IPG
    NIDX = NSTEPS * IDX

    tlin = _transpose_table(jnp.swapaxes(table, 0, 1))
    VR = tlin.shape[0] * 2
    table_lin = tlin.reshape(VR, D)
    VB, PR = TVB, TPR
    f = feats.astype(jnp.int32)
    fm = f % VB
    h = (f // VB) * VB + (fm % PR) * 2 + fm // PR
    h_t = jnp.swapaxes(h, 0, 1)
    w_t = jnp.swapaxes(weights, 0, 1)

    mesh = plsc.VectorSubcoreMesh(core_axis_name="c", subcore_axis_name="s")

    cp = pltpu.CompilerParams()
    if "needs_layout_passes" in pltpu.CompilerParams.__dataclass_fields__:
        cp = dataclasses.replace(cp, needs_layout_passes=False)
    if "use_tc_tiling_on_sc" in pltpu.CompilerParams.__dataclass_fields__:
        cp = dataclasses.replace(cp, use_tc_tiling_on_sc=False)

    @functools.partial(
        pl.kernel,
        compiler_params=cp,
        out_type=jax.ShapeDtypeStruct((B, D), jnp.float32),
        mesh=mesh,
        scratch_types=[
            pltpu.VMEM((NIDX,), jnp.int32),
            pltpu.VMEM((L, 128), jnp.int32),
            pltpu.VMEM((L, RPW), jnp.float32),
            pltpu.VMEM((IDX, D), jnp.float32),
            pltpu.VMEM((IDX, D), jnp.float32),
            pltpu.VMEM((CB, D), jnp.float32),
            pltpu.VMEM((CB, D), jnp.float32),
            pltpu.VMEM((D,), jnp.float32),
            pltpu.SemaphoreType.DMA,
            pltpu.SemaphoreType.DMA,
            pltpu.SemaphoreType.DMA,
            pltpu.SemaphoreType.DMA,
        ],
    )
    def run(feats_hbm, w_hbm, table_hbm, bias_hbm, out_hbm,
            idx_all, idxt_v, w_lm, rows_v0, rows_v1, out_v0, out_v1, bias_v,
            sem_g0, sem_g1, sem_o0, sem_o1):
        wid = lax.axis_index("s") * NC + lax.axis_index("c")
        gsems = (sem_g0, sem_g1)
        osems = (sem_o0, sem_o1)
        rbufs = (rows_v0, rows_v1)
        obufs = (out_v0, out_v1)

        pltpu.sync_copy(bias_hbm, bias_v)
        pltpu.sync_copy(w_hbm.at[:, pl.ds(wid * RPW, RPW)], w_lm)
        bchunks = tuple(bias_v[pl.ds(k * LANES, LANES)] for k in range(KD))
        iota16 = lax.iota(jnp.int32, LANES)
        iota50 = iota16 * L

        for c in range(RPW // 128):
            pltpu.sync_copy(
                feats_hbm.at[:, pl.ds(wid * RPW + c * 128, 128)], idxt_v)

            @pl.loop(0, L)
            def _(l):
                for jc in range(128 // LANES):
                    vec = idxt_v[l, pl.ds(jc * LANES, LANES)]
                    pos = iota50 + ((c * 128 + jc * LANES) * L + l)
                    plsc.store_scatter(idx_all, [pos], vec)

        def lane_bcast(vec, lane):
            dn = lax.GatherDimensionNumbers(
                offset_dims=(), collapsed_slice_dims=(0,), start_index_map=(0,))
            idx = jnp.full((LANES, 1), lane, jnp.int32)
            return lax.gather(vec, idx, dn, slice_sizes=(1,),
                              mode=lax.GatherScatterMode.PROMISE_IN_BOUNDS)

        def issue_gathers(s, buf):
            for g in range(NG):
                pltpu.async_copy(
                    table_hbm.at[idx_all.at[pl.ds(s * IDX + g * IPG, IPG)]],
                    rbufs[buf].at[pl.ds(g * IPG, IPG)],
                    gsems[buf])

        def wait_gathers(s, buf):
            for g in range(NG):
                pltpu.make_async_copy(
                    table_hbm.at[idx_all.at[pl.ds(s * IDX + g * IPG, IPG)]],
                    rbufs[buf].at[pl.ds(g * IPG, IPG)],
                    gsems[buf]).wait()

        def wait_out(s, ob):
            pltpu.make_async_copy(
                obufs[ob], out_hbm.at[pl.ds(wid * RPW + s * CB, CB)],
                osems[ob]).wait()

        def compute_step(s, buf):
            rows = rbufs[buf]
            obuf = obufs[buf]

            @pl.loop(0, CB)
            def _(b):
                base = b * L
                col = jnp.full((LANES,), s * CB + b, jnp.int32)
                starts = (0, 16, 32, 34)
                wv = tuple(
                    plsc.load_gather(w_lm, [iota16 + st, col])
                    for st in starts)
                acc_e = list(bchunks)
                acc_o = [jnp.zeros((LANES,), jnp.float32) for _ in range(KD)]
                for l in range(L):
                    if l < 48:
                        src, lane = divmod(l, 16)
                    else:
                        src, lane = 3, l - 34
                    wspl = lane_bcast(wv[src], lane)
                    tgt = acc_e if l % 2 == 0 else acc_o
                    for k in range(KD):
                        tgt[k] = tgt[k] + wspl * rows[base + l,
                                                      pl.ds(k * LANES, LANES)]
                for k in range(KD):
                    obuf[b, pl.ds(k * LANES, LANES)] = acc_e[k] + acc_o[k]

            pltpu.async_copy(
                obuf, out_hbm.at[pl.ds(wid * RPW + s * CB, CB)], osems[buf])

        issue_gathers(0, 0)

        @pl.loop(0, NSTEPS // 2)
        def _(it):
            for half in range(2):
                s = it * 2 + half
                buf = half

                @pl.when(s + 1 < NSTEPS)
                def _():
                    issue_gathers(s + 1, 1 - buf)

                wait_gathers(s, buf)

                @pl.when(s >= 2)
                def _():
                    wait_out(s - 2, buf)

                compute_step(s, buf)

        wait_out(NSTEPS - 2, 0)
        wait_out(NSTEPS - 1, 1)

    return run(h_t, w_t, table_lin, bias)

# --- scband reference (transcript-rebuilt; emitter-appended) ---
"""Pipeline reference for scband-decoder-7499012899671 (READ-ONLY COPY).

The authoritative reference and input builder live on the scoring server;
editing this copy changes nothing except your own understanding.
"""

import jax, jax.numpy as jnp
import numpy as np

B, L, D, V = 16384, 50, 64, 1000000

def setup_inputs(seed: int = 0) -> dict:
    key = jax.random.key(seed)
    k1, k2, k3, k4 = jax.random.split(key, 4)
    feats = jax.random.randint(k1, (B, L), 0, V, dtype=jnp.int64 if jax.config.read('jax_enable_x64') else jnp.int32)
    weights = jax.random.normal(k2, (B, L), dtype=jnp.float32)
    table = jax.random.normal(k3, (V, D), dtype=jnp.float32) * 0.02
    bias = jax.random.normal(k4, (D,), dtype=jnp.float32) * 0.02
    return {"feats": feats, "weights": weights, "table": table, "bias": bias}

def reference(feats, weights, table, bias):
    # vecs = lookup(feats): [B, L, D]
    vecs = jnp.take(table, feats, axis=0)
    # embed = matmul(vecs.mT, weights.unsqueeze(-1)).squeeze(-1): [B, D]
    embed = jnp.matmul(jnp.swapaxes(vecs, -1, -2), weights[..., None]).squeeze(-1)
    embed = embed + bias
    return embed

if __name__ == "__main__":
    import jax
    _d = setup_inputs()
    print(jax.jit(kernel)(*tuple(_d.values())))

</pallas_src>

<mosaic_0001>
#map = affine_map<(d0, d1) -> (0, 0)>
#map1 = affine_map<(d0, d1) -> (0)>
module attributes {stable_mosaic.version = 14 : i64} {
  func.func @run(%arg0: i32, %arg1: i32, %arg2: memref<50x16384xi32, #tpu.memory_space<hbm>>, %arg3: memref<50x16384xf32, #tpu.memory_space<hbm>>, %arg4: memref<1015808x64xf32, #tpu.memory_space<hbm>>, %arg5: memref<64xf32, #tpu.memory_space<hbm>>, %arg6: memref<16384x64xf32, #tpu.memory_space<hbm>>, %arg7: memref<25600xi32, #tpu.memory_space<vmem>>, %arg8: memref<50x128xi32, #tpu.memory_space<vmem>>, %arg9: memref<50x512xf32, #tpu.memory_space<vmem>>, %arg10: memref<400x64xf32, #tpu.memory_space<vmem>>, %arg11: memref<400x64xf32, #tpu.memory_space<vmem>>, %arg12: memref<8x64xf32, #tpu.memory_space<vmem>>, %arg13: memref<8x64xf32, #tpu.memory_space<vmem>>, %arg14: memref<64xf32, #tpu.memory_space<vmem>>, %arg15: memref<!tpu.dma_semaphore, #tpu.memory_space<semaphore_mem>>, %arg16: memref<!tpu.dma_semaphore, #tpu.memory_space<semaphore_mem>>, %arg17: memref<!tpu.dma_semaphore, #tpu.memory_space<semaphore_mem>>, %arg18: memref<!tpu.dma_semaphore, #tpu.memory_space<semaphore_mem>>) attributes {dimension_semantics = [#tpu.dimension_semantics<core_parallel>, #tpu.dimension_semantics<subcore_parallel>], iteration_bounds = array<i64: 2, 16>, scalar_prefetch = 0 : i64, scratch_operands = 12 : i64, tpu.core_type = #tpu.core_type<sc_vector_subcore>, window_params = [{transform_indices = #map}, {transform_indices = #map}, {transform_indices = #map}, {transform_indices = #map1}, {transform_indices = #map}]} {
    %mul3A = arith.constant 2 : i32
    %mul3A_0 = arith.muli %arg1, %mul3A : i32
    %add3A = arith.addi %mul3A_0, %arg0 : i32
    "tpu.region"() ({
      %run_scoped3A = tpu.sem_alloc : memref<!tpu.dma_semaphore, #tpu.memory_space<semaphore_mem>>
      tpu.enqueue_dma source(%arg5 : memref<64xf32, #tpu.memory_space<hbm>>) target(%arg14 : memref<64xf32, #tpu.memory_space<vmem>>) target_semaphore(%run_scoped3A : memref<!tpu.dma_semaphore, #tpu.memory_space<semaphore_mem>>)
      tpu.wait_dma2 semaphore(%run_scoped3A : memref<!tpu.dma_semaphore, #tpu.memory_space<semaphore_mem>>) src(%arg5 : memref<64xf32, #tpu.memory_space<hbm>>) dst(%arg14 : memref<64xf32, #tpu.memory_space<vmem>>)
      tpu.yield
    }) : () -> ()
    %mul3A_1 = arith.constant 512 : i32
    %mul3A_2 = arith.muli %add3A, %mul3A_1 : i32
    "tpu.region"() ({
      %run_scoped3A = tpu.sem_alloc : memref<!tpu.dma_semaphore, #tpu.memory_space<semaphore_mem>>
      %dma_start3A_107 = arith.constant 0 : i32
      %dma_start3A_108 = tpu.memref_slice %arg3[%dma_start3A_107, %mul3A_2] : memref<50x16384xf32, #tpu.memory_space<hbm>> -> memref<50x512xf32, #tpu.memory_space<hbm>>
      %dma_start3A_109 = arith.constant 0 : i32
      %dma_start3A_110 = tpu.memref_slice %arg3[%dma_start3A_109, %mul3A_2] : memref<50x16384xf32, #tpu.memory_space<hbm>> -> memref<50x512xf32, #tpu.memory_space<hbm>>
      tpu.enqueue_dma source(%dma_start3A_110 : memref<50x512xf32, #tpu.memory_space<hbm>>) target(%arg9 : memref<50x512xf32, #tpu.memory_space<vmem>>) target_semaphore(%run_scoped3A : memref<!tpu.dma_semaphore, #tpu.memory_space<semaphore_mem>>)
      %dma_wait3A_111 = arith.constant 0 : i32
      %dma_wait3A_112 = tpu.memref_slice %arg3[%dma_wait3A_111, %mul3A_2] : memref<50x16384xf32, #tpu.memory_space<hbm>> -> memref<50x512xf32, #tpu.memory_space<hbm>>
      %dma_wait3A_113 = arith.constant 0 : i32
      %dma_wait3A_114 = tpu.memref_slice %arg3[%dma_wait3A_113, %mul3A_2] : memref<50x16384xf32, #tpu.memory_space<hbm>> -> memref<50x512xf32, #tpu.memory_space<hbm>>
      tpu.wait_dma2 semaphore(%run_scoped3A : memref<!tpu.dma_semaphore, #tpu.memory_space<semaphore_mem>>) src(%dma_wait3A_114 : memref<50x512xf32, #tpu.memory_space<hbm>>) dst(%arg9 : memref<50x512xf32, #tpu.memory_space<vmem>>)
      tpu.yield
    }) : () -> ()
    %get3A = arith.constant 0 : index
    %get3A_3 = tpu.vector_load %arg14[%get3A] {strides = array<i32>} : memref<64xf32, #tpu.memory_space<vmem>>, vector<16xf32>,
    %get3A_4 = arith.constant 16 : index
    %get3A_5 = tpu.vector_load %arg14[%get3A_4] {strides = array<i32>} : memref<64xf32, #tpu.memory_space<vmem>>, vector<16xf32>,
    %get3A_6 = arith.constant 32 : index
    %get3A_7 = tpu.vector_load %arg14[%get3A_6] {strides = array<i32>} : memref<64xf32, #tpu.memory_space<vmem>>, vector<16xf32>,
    %get3A_8 = arith.constant 48 : index
    %get3A_9 = tpu.vector_load %arg14[%get3A_8] {strides = array<i32>} : memref<64xf32, #tpu.memory_space<vmem>>, vector<16xf32>,
    %iota3A = tpu.iota {dimensions = array<i32: 0>} : vector<16xi32>
    %mul3A_10 = arith.constant 50 : i32
    %mul3A_11 = vector.broadcast %mul3A_10 : i32 to vector<16xi32>
    %mul3A_12 = arith.muli %iota3A, %mul3A_11 : vector<16xi32>
    %mul3A_13 = arith.constant 512 : i32
    %mul3A_14 = arith.muli %add3A, %mul3A_13 : i32
    %add3A_15 = arith.constant 0 : i32
    %add3A_16 = arith.addi %mul3A_14, %add3A_15 : i32
    "tpu.region"() ({
      %run_scoped3A = tpu.sem_alloc : memref<!tpu.dma_semaphore, #tpu.memory_space<semaphore_mem>>
      %dma_start3A_107 = arith.constant 0 : i32
      %dma_start3A_108 = tpu.memref_slice %arg2[%dma_start3A_107, %add3A_16] : memref<50x16384xi32, #tpu.memory_space<hbm>> -> memref<50x128xi32, #tpu.memory_space<hbm>>
      %dma_start3A_109 = arith.constant 0 : i32
      %dma_start3A_110 = tpu.memref_slice %arg2[%dma_start3A_109, %add3A_16] : memref<50x16384xi32, #tpu.memory_space<hbm>> -> memref<50x128xi32, #tpu.memory_space<hbm>>
      tpu.enqueue_dma source(%dma_start3A_110 : memref<50x128xi32, #tpu.memory_space<hbm>>) target(%arg8 : memref<50x128xi32, #tpu.memory_space<vmem>>) target_semaphore(%run_scoped3A : memref<!tpu.dma_semaphore, #tpu.memory_space<semaphore_mem>>)
      %dma_wait3A_111 = arith.constant 0 : i32
      %dma_wait3A_112 = tpu.memref_slice %arg2[%dma_wait3A_111, %add3A_16] : memref<50x16384xi32, #tpu.memory_space<hbm>> -> memref<50x128xi32, #tpu.memory_space<hbm>>
      %dma_wait3A_113 = arith.constant 0 : i32
      %dma_wait3A_114 = tpu.memref_slice %arg2[%dma_wait3A_113, %add3A_16] : memref<50x16384xi32, #tpu.memory_space<hbm>> -> memref<50x128xi32, #tpu.memory_space<hbm>>
      tpu.wait_dma2 semaphore(%run_scoped3A : memref<!tpu.dma_semaphore, #tpu.memory_space<semaphore_mem>>) src(%dma_wait3A_114 : memref<50x128xi32, #tpu.memory_space<hbm>>) dst(%arg8 : memref<50x128xi32, #tpu.memory_space<vmem>>)
      tpu.yield
    }) : () -> ()
    %scan3A = arith.constant 0 : i32
    %scan3A_17 = arith.constant 50 : i32
    %scan3A_18 = arith.addi %scan3A, %scan3A_17 : i32
    %scan3A_19 = arith.constant 1 : i32
    scf.for %scan3A_107 = %scan3A to %scan3A_18 step %scan3A_19  : i32 {
      %mul3A_108 = arith.constant 1 : i32
      %mul3A_109 = arith.muli %scan3A_107, %mul3A_108 : i32
      %add3A_110 = arith.constant 0 : i32
      %add3A_111 = arith.addi %add3A_110, %mul3A_109 : i32
      %get3A_112 = arith.index_cast %add3A_111 : i32 to index
      %get3A_113 = arith.constant 0 : index
      %get3A_114 = tpu.vector_load %arg8[%get3A_112, %get3A_113] {strides = array<i32>} : memref<50x128xi32, #tpu.memory_space<vmem>>, vector<16xi32>,
      %add3A_115 = arith.constant 0 : i32
      %add3A_116 = arith.addi %add3A_115, %add3A_111 : i32
      %add3A_117 = vector.broadcast %add3A_116 : i32 to vector<16xi32>
      %add3A_118 = arith.addi %mul3A_12, %add3A_117 : vector<16xi32>
      tpu.vector_store_idx %arg7[%add3A_118], %get3A_114 : memref<25600xi32, #tpu.memory_space<vmem>>[vector<16xi32>], vector<16xi32>,
      %get3A_119 = arith.index_cast %add3A_111 : i32 to index
      %get3A_120 = arith.constant 16 : index
      %get3A_121 = tpu.vector_load %arg8[%get3A_119, %get3A_120] {strides = array<i32>} : memref<50x128xi32, #tpu.memory_space<vmem>>, vector<16xi32>,
      %add3A_122 = arith.constant 800 : i32
      %add3A_123 = arith.addi %add3A_122, %add3A_111 : i32
      %add3A_124 = vector.broadcast %add3A_123 : i32 to vector<16xi32>
      %add3A_125 = arith.addi %mul3A_12, %add3A_124 : vector<16xi32>
      tpu.vector_store_idx %arg7[%add3A_125], %get3A_121 : memref<25600xi32, #tpu.memory_space<vmem>>[vector<16xi32>], vector<16xi32>,
      %get3A_126 = arith.index_cast %add3A_111 : i32 to index
      %get3A_127 = arith.constant 32 : index
      %get3A_128 = tpu.vector_load %arg8[%get3A_126, %get3A_127] {strides = array<i32>} : memref<50x128xi32, #tpu.memory_space<vmem>>, vector<16xi32>,
      %add3A_129 = arith.constant 1600 : i32
      %add3A_130 = arith.addi %add3A_129, %add3A_111 : i32
      %add3A_131 = vector.broadcast %add3A_130 : i32 to vector<16xi32>
      %add3A_132 = arith.addi %mul3A_12, %add3A_131 : vector<16xi32>
      tpu.vector_store_idx %arg7[%add3A_132], %get3A_128 : memref<25600xi32, #tpu.memory_space<vmem>>[vector<16xi32>], vector<16xi32>,
      %get3A_133 = arith.index_cast %add3A_111 : i32 to index
      %get3A_134 = arith.constant 48 : index
      %get3A_135 = tpu.vector_load %arg8[%get3A_133, %get3A_134] {strides = array<i32>} : memref<50x128xi32, #tpu.memory_space<vmem>>, vector<16xi32>,
      %add3A_136 = arith.constant 2400 : i32
      %add3A_137 = arith.addi %add3A_136, %add3A_111 : i32
      %add3A_138 = vector.broadcast %add3A_137 : i32 to vector<16xi32>
      %add3A_139 = arith.addi %mul3A_12, %add3A_138 : vector<16xi32>
      tpu.vector_store_idx %arg7[%add3A_139], %get3A_135 : memref<25600xi32, #tpu.memory_space<vmem>>[vector<16xi32>], vector<16xi32>,
      %get3A_140 = arith.index_cast %add3A_111 : i32 to index
      %get3A_141 = arith.constant 64 : index
      %get3A_142 = tpu.vector_load %arg8[%get3A_140, %get3A_141] {strides = array<i32>} : memref<50x128xi32, #tpu.memory_space<vmem>>, vector<16xi32>,
      %add3A_143 = arith.constant 3200 : i32
      %add3A_144 = arith.addi %add3A_143, %add3A_111 : i32
      %add3A_145 = vector.broadcast %add3A_144 : i32 to vector<16xi32>
      %add3A_146 = arith.addi %mul3A_12, %add3A_145 : vector<16xi32>
      tpu.vector_store_idx %arg7[%add3A_146], %get3A_142 : memref<25600xi32, #tpu.memory_space<vmem>>[vector<16xi32>], vector<16xi32>,
      %get3A_147 = arith.index_cast %add3A_111 : i32 to index
      %get3A_148 = arith.constant 80 : index
      %get3A_149 = tpu.vector_load %arg8[%get3A_147, %get3A_148] {strides = array<i32>} : memref<50x128xi32, #tpu.memory_space<vmem>>, vector<16xi32>,
      %add3A_150 = arith.constant 4000 : i32
      %add3A_151 = arith.addi %add3A_150, %add3A_111 : i32
      %add3A_152 = vector.broadcast %add3A_151 : i32 to vector<16xi32>
      %add3A_153 = arith.addi %mul3A_12, %add3A_152 : vector<16xi32>
      tpu.vector_store_idx %arg7[%add3A_153], %get3A_149 : memref<25600xi32, #tpu.memory_space<vmem>>[vector<16xi32>], vector<16xi32>,
      %get3A_154 = arith.index_cast %add3A_111 : i32 to index
      %get3A_155 = arith.constant 96 : index
      %get3A_156 = tpu.vector_load %arg8[%get3A_154, %get3A_155] {strides = array<i32>} : memref<50x128xi32, #tpu.memory_space<vmem>>, vector<16xi32>,
      %add3A_157 = arith.constant 4800 : i32
      %add3A_158 = arith.addi %add3A_157, %add3A_111 : i32
      %add3A_159 = vector.broadcast %add3A_158 : i32 to vector<16xi32>
      %add3A_160 = arith.addi %mul3A_12, %add3A_159 : vector<16xi32>
      tpu.vector_store_idx %arg7[%add3A_160], %get3A_156 : memref<25600xi32, #tpu.memory_space<vmem>>[vector<16xi32>], vector<16xi32>,
      %get3A_161 = arith.index_cast %add3A_111 : i32 to index
      %get3A_162 = arith.constant 112 : index
      %get3A_163 = tpu.vector_load %arg8[%get3A_161, %get3A_162] {strides = array<i32>} : memref<50x128xi32, #tpu.memory_space<vmem>>, vector<16xi32>,
      %add3A_164 = arith.constant 5600 : i32
      %add3A_165 = arith.addi %add3A_164, %add3A_111 : i32
      %add3A_166 = vector.broadcast %add3A_165 : i32 to vector<16xi32>
      %add3A_167 = arith.addi %mul3A_12, %add3A_166 : vector<16xi32>
      tpu.vector_store_idx %arg7[%add3A_167], %get3A_163 : memref<25600xi32, #tpu.memory_space<vmem>>[vector<16xi32>], vector<16xi32>,
    }
    %scan3A_20 = arith.constant 50 : i32
    %mul3A_21 = arith.constant 512 : i32
    %mul3A_22 = arith.muli %add3A, %mul3A_21 : i32
    %add3A_23 = arith.constant 128 : i32
    %add3A_24 = arith.addi %mul3A_22, %add3A_23 : i32
    "tpu.region"() ({
      %run_scoped3A = tpu.sem_alloc : memref<!tpu.dma_semaphore, #tpu.memory_space<semaphore_mem>>
      %dma_start3A_107 = arith.constant 0 : i32
      %dma_start3A_108 = tpu.memref_slice %arg2[%dma_start3A_107, %add3A_24] : memref<50x16384xi32, #tpu.memory_space<hbm>> -> memref<50x128xi32, #tpu.memory_space<hbm>>
      %dma_start3A_109 = arith.constant 0 : i32
      %dma_start3A_110 = tpu.memref_slice %arg2[%dma_start3A_109, %add3A_24] : memref<50x16384xi32, #tpu.memory_space<hbm>> -> memref<50x128xi32, #tpu.memory_space<hbm>>
      tpu.enqueue_dma source(%dma_start3A_110 : memref<50x128xi32, #tpu.memory_space<hbm>>) target(%arg8 : memref<50x128xi32, #tpu.memory_space<vmem>>) target_semaphore(%run_scoped3A : memref<!tpu.dma_semaphore, #tpu.memory_space<semaphore_mem>>)
      %dma_wait3A_111 = arith.constant 0 : i32
      %dma_wait3A_112 = tpu.memref_slice %arg2[%dma_wait3A_111, %add3A_24] : memref<50x16384xi32, #tpu.memory_space<hbm>> -> memref<50x128xi32, #tpu.memory_space<hbm>>
      %dma_wait3A_113 = arith.constant 0 : i32
      %dma_wait3A_114 = tpu.memref_slice %arg2[%dma_wait3A_113, %add3A_24] : memref<50x16384xi32, #tpu.memory_space<hbm>> -> memref<50x128xi32, #tpu.memory_space<hbm>>
      tpu.wait_dma2 semaphore(%run_scoped3A : memref<!tpu.dma_semaphore, #tpu.memory_space<semaphore_mem>>) src(%dma_wait3A_114 : memref<50x128xi32, #tpu.memory_space<hbm>>) dst(%arg8 : memref<50x128xi32, #tpu.memory_space<vmem>>)
      tpu.yield
    }) : () -> ()
    %scan3A_25 = arith.constant 0 : i32
    %scan3A_26 = arith.constant 50 : i32
    %scan3A_27 = arith.addi %scan3A_25, %scan3A_26 : i32
    %scan3A_28 = arith.constant 1 : i32
    scf.for %scan3A_107 = %scan3A_25 to %scan3A_27 step %scan3A_28  : i32 {
      %mul3A_108 = arith.constant 1 : i32
      %mul3A_109 = arith.muli %scan3A_107, %mul3A_108 : i32
      %add3A_110 = arith.constant 0 : i32
      %add3A_111 = arith.addi %add3A_110, %mul3A_109 : i32
      %get3A_112 = arith.index_cast %add3A_111 : i32 to index
      %get3A_113 = arith.constant 0 : index
      %get3A_114 = tpu.vector_load %arg8[%get3A_112, %get3A_113] {strides = array<i32>} : memref<50x128xi32, #tpu.memory_space<vmem>>, vector<16xi32>,
      %add3A_115 = arith.constant 6400 : i32
      %add3A_116 = arith.addi %add3A_115, %add3A_111 : i32
      %add3A_117 = vector.broadcast %add3A_116 : i32 to vector<16xi32>
      %add3A_118 = arith.addi %mul3A_12, %add3A_117 : vector<16xi32>
      tpu.vector_store_idx %arg7[%add3A_118], %get3A_114 : memref<25600xi32, #tpu.memory_space<vmem>>[vector<16xi32>], vector<16xi32>,
      %get3A_119 = arith.index_cast %add3A_111 : i32 to index
      %get3A_120 = arith.constant 16 : index
      %get3A_121 = tpu.vector_load %arg8[%get3A_119, %get3A_120] {strides = array<i32>} : memref<50x128xi32, #tpu.memory_space<vmem>>, vector<16xi32>,
      %add3A_122 = arith.constant 7200 : i32
      %add3A_123 = arith.addi %add3A_122, %add3A_111 : i32
      %add3A_124 = vector.broadcast %add3A_123 : i32 to vector<16xi32>
      %add3A_125 = arith.addi %mul3A_12, %add3A_124 : vector<16xi32>
      tpu.vector_store_idx %arg7[%add3A_125], %get3A_121 : memref<25600xi32, #tpu.memory_space<vmem>>[vector<16xi32>], vector<16xi32>,
      %get3A_126 = arith.index_cast %add3A_111 : i32 to index
      %get3A_127 = arith.constant 32 : index
      %get3A_128 = tpu.vector_load %arg8[%get3A_126, %get3A_127] {strides = array<i32>} : memref<50x128xi32, #tpu.memory_space<vmem>>, vector<16xi32>,
      %add3A_129 = arith.constant 8000 : i32
      %add3A_130 = arith.addi %add3A_129, %add3A_111 : i32
      %add3A_131 = vector.broadcast %add3A_130 : i32 to vector<16xi32>
      %add3A_132 = arith.addi %mul3A_12, %add3A_131 : vector<16xi32>
      tpu.vector_store_idx %arg7[%add3A_132], %get3A_128 : memref<25600xi32, #tpu.memory_space<vmem>>[vector<16xi32>], vector<16xi32>,
      %get3A_133 = arith.index_cast %add3A_111 : i32 to index
      %get3A_134 = arith.constant 48 : index
      %get3A_135 = tpu.vector_load %arg8[%get3A_133, %get3A_134] {strides = array<i32>} : memref<50x128xi32, #tpu.memory_space<vmem>>, vector<16xi32>,
      %add3A_136 = arith.constant 8800 : i32
      %add3A_137 = arith.addi %add3A_136, %add3A_111 : i32
      %add3A_138 = vector.broadcast %add3A_137 : i32 to vector<16xi32>
      %add3A_139 = arith.addi %mul3A_12, %add3A_138 : vector<16xi32>
      tpu.vector_store_idx %arg7[%add3A_139], %get3A_135 : memref<25600xi32, #tpu.memory_space<vmem>>[vector<16xi32>], vector<16xi32>,
      %get3A_140 = arith.index_cast %add3A_111 : i32 to index
      %get3A_141 = arith.constant 64 : index
      %get3A_142 = tpu.vector_load %arg8[%get3A_140, %get3A_141] {strides = array<i32>} : memref<50x128xi32, #tpu.memory_space<vmem>>, vector<16xi32>,
      %add3A_143 = arith.constant 9600 : i32
      %add3A_144 = arith.addi %add3A_143, %add3A_111 : i32
      %add3A_145 = vector.broadcast %add3A_144 : i32 to vector<16xi32>
      %add3A_146 = arith.addi %mul3A_12, %add3A_145 : vector<16xi32>
      tpu.vector_store_idx %arg7[%add3A_146], %get3A_142 : memref<25600xi32, #tpu.memory_space<vmem>>[vector<16xi32>], vector<16xi32>,
      %get3A_147 = arith.index_cast %add3A_111 : i32 to index
      %get3A_148 = arith.constant 80 : index
      %get3A_149 = tpu.vector_load %arg8[%get3A_147, %get3A_148] {strides = array<i32>} : memref<50x128xi32, #tpu.memory_space<vmem>>, vector<16xi32>,
      %add3A_150 = arith.constant 10400 : i32
      %add3A_151 = arith.addi %add3A_150, %add3A_111 : i32
      %add3A_152 = vector.broadcast %add3A_151 : i32 to vector<16xi32>
      %add3A_153 = arith.addi %mul3A_12, %add3A_152 : vector<16xi32>
      tpu.vector_store_idx %arg7[%add3A_153], %get3A_149 : memref<25600xi32, #tpu.memory_space<vmem>>[vector<16xi32>], vector<16xi32>,
      %get3A_154 = arith.index_cast %add3A_111 : i32 to index
      %get3A_155 = arith.constant 96 : index
      %get3A_156 = tpu.vector_load %arg8[%get3A_154, %get3A_155] {strides = array<i32>} : memref<50x128xi32, #tpu.memory_space<vmem>>, vector<16xi32>,
      %add3A_157 = arith.constant 11200 : i32
      %add3A_158 = arith.addi %add3A_157, %add3A_111 : i32
      %add3A_159 = vector.broadcast %add3A_158 : i32 to vector<16xi32>
      %add3A_160 = arith.addi %mul3A_12, %add3A_159 : vector<16xi32>
      tpu.vector_store_idx %arg7[%add3A_160], %get3A_156 : memref<25600xi32, #tpu.memory_space<vmem>>[vector<16xi32>], vector<16xi32>,
      %get3A_161 = arith.index_cast %add3A_111 : i32 to index
      %get3A_162 = arith.constant 112 : index
      %get3A_163 = tpu.vector_load %arg8[%get3A_161, %get3A_162] {strides = array<i32>} : memref<50x128xi32, #tpu.memory_space<vmem>>, vector<16xi32>,
      %add3A_164 = arith.constant 12000 : i32
      %add3A_165 = arith.addi %add3A_164, %add3A_111 : i32
      %add3A_166 = vector.broadcast %add3A_165 : i32 to vector<16xi32>
      %add3A_167 = arith.addi %mul3A_12, %add3A_166 : vector<16xi32>
      tpu.vector_store_idx %arg7[%add3A_167], %get3A_163 : memref<25600xi32, #tpu.memory_space<vmem>>[vector<16xi32>], vector<16xi32>,
    }
    %scan3A_29 = arith.constant 50 : i32
    %mul3A_30 = arith.constant 512 : i32
    %mul3A_31 = arith.muli %add3A, %mul3A_30 : i32
    %add3A_32 = arith.constant 256 : i32
    %add3A_33 = arith.addi %mul3A_31, %add3A_32 : i32
    "tpu.region"() ({
      %run_scoped3A = tpu.sem_alloc : memref<!tpu.dma_semaphore, #tpu.memory_space<semaphore_mem>>
      %dma_start3A_107 = arith.constant 0 : i32
      %dma_start3A_108 = tpu.memref_slice %arg2[%dma_start3A_107, %add3A_33] : memref<50x16384xi32, #tpu.memory_space<hbm>> -> memref<50x128xi32, #tpu.memory_space<hbm>>
      %dma_start3A_109 = arith.constant 0 : i32
      %dma_start3A_110 = tpu.memref_slice %arg2[%dma_start3A_109, %add3A_33] : memref<50x16384xi32, #tpu.memory_space<hbm>> -> memref<50x128xi32, #tpu.memory_space<hbm>>
      tpu.enqueue_dma source(%dma_start3A_110 : memref<50x128xi32, #tpu.memory_space<hbm>>) target(%arg8 : memref<50x128xi32, #tpu.memory_space<vmem>>) target_semaphore(%run_scoped3A : memref<!tpu.dma_semaphore, #tpu.memory_space<semaphore_mem>>)
      %dma_wait3A_111 = arith.constant 0 : i32
      %dma_wait3A_112 = tpu.memref_slice %arg2[%dma_wait3A_111, %add3A_33] : memref<50x16384xi32, #tpu.memory_space<hbm>> -> memref<50x128xi32, #tpu.memory_space<hbm>>
      %dma_wait3A_113 = arith.constant 0 : i32
      %dma_wait3A_114 = tpu.memref_slice %arg2[%dma_wait3A_113, %add3A_33] : memref<50x16384xi32, #tpu.memory_space<hbm>> -> memref<50x128xi32, #tpu.memory_space<hbm>>
      tpu.wait_dma2 semaphore(%run_scoped3A : memref<!tpu.dma_semaphore, #tpu.memory_space<semaphore_mem>>) src(%dma_wait3A_114 : memref<50x128xi32, #tpu.memory_space<hbm>>) dst(%arg8 : memref<50x128xi32, #tpu.memory_space<vmem>>)
      tpu.yield
    }) : () -> ()
    %scan3A_34 = arith.constant 0 : i32
    %scan3A_35 = arith.constant 50 : i32
    %scan3A_36 = arith.addi %scan3A_34, %scan3A_35 : i32
    %scan3A_37 = arith.constant 1 : i32
    scf.for %scan3A_107 = %scan3A_34 to %scan3A_36 step %scan3A_37  : i32 {
      %mul3A_108 = arith.constant 1 : i32
      %mul3A_109 = arith.muli %scan3A_107, %mul3A_108 : i32
      %add3A_110 = arith.constant 0 : i32
      %add3A_111 = arith.addi %add3A_110, %mul3A_109 : i32
      %get3A_112 = arith.index_cast %add3A_111 : i32 to index
      %get3A_113 = arith.constant 0 : index
      %get3A_114 = tpu.vector_load %arg8[%get3A_112, %get3A_113] {strides = array<i32>} : memref<50x128xi32, #tpu.memory_space<vmem>>, vector<16xi32>,
      %add3A_115 = arith.constant 12800 : i32
      %add3A_116 = arith.addi %add3A_115, %add3A_111 : i32
      %add3A_117 = vector.broadcast %add3A_116 : i32 to vector<16xi32>
      %add3A_118 = arith.addi %mul3A_12, %add3A_117 : vector<16xi32>
      tpu.vector_store_idx %arg7[%add3A_118], %get3A_114 : memref<25600xi32, #tpu.memory_space<vmem>>[vector<16xi32>], vector<16xi32>,
      %get3A_119 = arith.index_cast %add3A_111 : i32 to index
      %get3A_120 = arith.constant 16 : index
      %get3A_121 = tpu.vector_load %arg8[%get3A_119, %get3A_120] {strides = array<i32>} : memref<50x128xi32, #tpu.memory_space<vmem>>, vector<16xi32>,
      %add3A_122 = arith.constant 13600 : i32
      %add3A_123 = arith.addi %add3A_122, %add3A_111 : i32
      %add3A_124 = vector.broadcast %add3A_123 : i32 to vector<16xi32>
      %add3A_125 = arith.addi %mul3A_12, %add3A_124 : vector<16xi32>
      tpu.vector_store_idx %arg7[%add3A_125], %get3A_121 : memref<25600xi32, #tpu.memory_space<vmem>>[vector<16xi32>], vector<16xi32>,
      %get3A_126 = arith.index_cast %add3A_111 : i32 to index
      %get3A_127 = arith.constant 32 : index
      %get3A_128 = tpu.vector_load %arg8[%get3A_126, %get3A_127] {strides = array<i32>} : memref<50x128xi32, #tpu.memory_space<vmem>>, vector<16xi32>,
      %add3A_129 = arith.constant 14400 : i32
      %add3A_130 = arith.addi %add3A_129, %add3A_111 : i32
      %add3A_131 = vector.broadcast %add3A_130 : i32 to vector<16xi32>
      %add3A_132 = arith.addi %mul3A_12, %add3A_131 : vector<16xi32>
      tpu.vector_store_idx %arg7[%add3A_132], %get3A_128 : memref<25600xi32, #tpu.memory_space<vmem>>[vector<16xi32>], vector<16xi32>,
      %get3A_133 = arith.index_cast %add3A_111 : i32 to index
      %get3A_134 = arith.constant 48 : index
      %get3A_135 = tpu.vector_load %arg8[%get3A_133, %get3A_134] {strides = array<i32>} : memref<50x128xi32, #tpu.memory_space<vmem>>, vector<16xi32>,
      %add3A_136 = arith.constant 15200 : i32
      %add3A_137 = arith.addi %add3A_136, %add3A_111 : i32
      %add3A_138 = vector.broadcast %add3A_137 : i32 to vector<16xi32>
      %add3A_139 = arith.addi %mul3A_12, %add3A_138 : vector<16xi32>
      tpu.vector_store_idx %arg7[%add3A_139], %get3A_135 : memref<25600xi32, #tpu.memory_space<vmem>>[vector<16xi32>], vector<16xi32>,
      %get3A_140 = arith.index_cast %add3A_111 : i32 to index
      %get3A_141 = arith.constant 64 : index
      %get3A_142 = tpu.vector_load %arg8[%get3A_140, %get3A_141] {strides = array<i32>} : memref<50x128xi32, #tpu.memory_space<vmem>>, vector<16xi32>,
      %add3A_143 = arith.constant 16000 : i32
      %add3A_144 = arith.addi %add3A_143, %add3A_111 : i32
      %add3A_145 = vector.broadcast %add3A_144 : i32 to vector<16xi32>
      %add3A_146 = arith.addi %mul3A_12, %add3A_145 : vector<16xi32>
      tpu.vector_store_idx %arg7[%add3A_146], %get3A_142 : memref<25600xi32, #tpu.memory_space<vmem>>[vector<16xi32>], vector<16xi32>,
      %get3A_147 = arith.index_cast %add3A_111 : i32 to index
      %get3A_148 = arith.constant 80 : index
      %get3A_149 = tpu.vector_load %arg8[%get3A_147, %get3A_148] {strides = array<i32>} : memref<50x128xi32, #tpu.memory_space<vmem>>, vector<16xi32>,
      %add3A_150 = arith.constant 16800 : i32
      %add3A_151 = arith.addi %add3A_150, %add3A_111 : i32
      %add3A_152 = vector.broadcast %add3A_151 : i32 to vector<16xi32>
      %add3A_153 = arith.addi %mul3A_12, %add3A_152 : vector<16xi32>
      tpu.vector_store_idx %arg7[%add3A_153], %get3A_149 : memref<25600xi32, #tpu.memory_space<vmem>>[vector<16xi32>], vector<16xi32>,
      %get3A_154 = arith.index_cast %add3A_111 : i32 to index
      %get3A_155 = arith.constant 96 : index
      %get3A_156 = tpu.vector_load %arg8[%get3A_154, %get3A_155] {strides = array<i32>} : memref<50x128xi32, #tpu.memory_space<vmem>>, vector<16xi32>,
      %add3A_157 = arith.constant 17600 : i32
      %add3A_158 = arith.addi %add3A_157, %add3A_111 : i32
      %add3A_159 = vector.broadcast %add3A_158 : i32 to vector<16xi32>
      %add3A_160 = arith.addi %mul3A_12, %add3A_159 : vector<16xi32>
      tpu.vector_store_idx %arg7[%add3A_160], %get3A_156 : memref<25600xi32, #tpu.memory_space<vmem>>[vector<16xi32>], vector<16xi32>,
      %get3A_161 = arith.index_cast %add3A_111 : i32 to index
      %get3A_162 = arith.constant 112 : index
      %get3A_163 = tpu.vector_load %arg8[%get3A_161, %get3A_162] {strides = array<i32>} : memref<50x128xi32, #tpu.memory_space<vmem>>, vector<16xi32>,
      %add3A_164 = arith.constant 18400 : i32
      %add3A_165 = arith.addi %add3A_164, %add3A_111 : i32
      %add3A_166 = vector.broadcast %add3A_165 : i32 to vector<16xi32>
      %add3A_167 = arith.addi %mul3A_12, %add3A_166 : vector<16xi32>
      tpu.vector_store_idx %arg7[%add3A_167], %get3A_163 : memref<25600xi32, #tpu.memory_space<vmem>>[vector<16xi32>], vector<16xi32>,
    }
    %scan3A_38 = arith.constant 50 : i32
    %mul3A_39 = arith.constant 512 : i32
    %mul3A_40 = arith.muli %add3A, %mul3A_39 : i32
    %add3A_41 = arith.constant 384 : i32
    %add3A_42 = arith.addi %mul3A_40, %add3A_41 : i32
    "tpu.region"() ({
      %run_scoped3A = tpu.sem_alloc : memref<!tpu.dma_semaphore, #tpu.memory_space<semaphore_mem>>
      %dma_start3A_107 = arith.constant 0 : i32
      %dma_start3A_108 = tpu.memref_slice %arg2[%dma_start3A_107, %add3A_42] : memref<50x16384xi32, #tpu.memory_space<hbm>> -> memref<50x128xi32, #tpu.memory_space<hbm>>
      %dma_start3A_109 = arith.constant 0 : i32
      %dma_start3A_110 = tpu.memref_slice %arg2[%dma_start3A_109, %add3A_42] : memref<50x16384xi32, #tpu.memory_space<hbm>> -> memref<50x128xi32, #tpu.memory_space<hbm>>
      tpu.enqueue_dma source(%dma_start3A_110 : memref<50x128xi32, #tpu.memory_space<hbm>>) target(%arg8 : memref<50x128xi32, #tpu.memory_space<vmem>>) target_semaphore(%run_scoped3A : memref<!tpu.dma_semaphore, #tpu.memory_space<semaphore_mem>>)
      %dma_wait3A_111 = arith.constant 0 : i32
      %dma_wait3A_112 = tpu.memref_slice %arg2[%dma_wait3A_111, %add3A_42] : memref<50x16384xi32, #tpu.memory_space<hbm>> -> memref<50x128xi32, #tpu.memory_space<hbm>>
      %dma_wait3A_113 = arith.constant 0 : i32
      %dma_wait3A_114 = tpu.memref_slice %arg2[%dma_wait3A_113, %add3A_42] : memref<50x16384xi32, #tpu.memory_space<hbm>> -> memref<50x128xi32, #tpu.memory_space<hbm>>
      tpu.wait_dma2 semaphore(%run_scoped3A : memref<!tpu.dma_semaphore, #tpu.memory_space<semaphore_mem>>) src(%dma_wait3A_114 : memref<50x128xi32, #tpu.memory_space<hbm>>) dst(%arg8 : memref<50x128xi32, #tpu.memory_space<vmem>>)
      tpu.yield
    }) : () -> ()
    %scan3A_43 = arith.constant 0 : i32
    %scan3A_44 = arith.constant 50 : i32
    %scan3A_45 = arith.addi %scan3A_43, %scan3A_44 : i32
    %scan3A_46 = arith.constant 1 : i32
    scf.for %scan3A_107 = %scan3A_43 to %scan3A_45 step %scan3A_46  : i32 {
      %mul3A_108 = arith.constant 1 : i32
      %mul3A_109 = arith.muli %scan3A_107, %mul3A_108 : i32
      %add3A_110 = arith.constant 0 : i32
      %add3A_111 = arith.addi %add3A_110, %mul3A_109 : i32
      %get3A_112 = arith.index_cast %add3A_111 : i32 to index
      %get3A_113 = arith.constant 0 : index
      %get3A_114 = tpu.vector_load %arg8[%get3A_112, %get3A_113] {strides = array<i32>} : memref<50x128xi32, #tpu.memory_space<vmem>>, vector<16xi32>,
      %add3A_115 = arith.constant 19200 : i32
      %add3A_116 = arith.addi %add3A_115, %add3A_111 : i32
      %add3A_117 = vector.broadcast %add3A_116 : i32 to vector<16xi32>
      %add3A_118 = arith.addi %mul3A_12, %add3A_117 : vector<16xi32>
      tpu.vector_store_idx %arg7[%add3A_118], %get3A_114 : memref<25600xi32, #tpu.memory_space<vmem>>[vector<16xi32>], vector<16xi32>,
      %get3A_119 = arith.index_cast %add3A_111 : i32 to index
      %get3A_120 = arith.constant 16 : index
      %get3A_121 = tpu.vector_load %arg8[%get3A_119, %get3A_120] {strides = array<i32>} : memref<50x128xi32, #tpu.memory_space<vmem>>, vector<16xi32>,
      %add3A_122 = arith.constant 20000 : i32
      %add3A_123 = arith.addi %add3A_122, %add3A_111 : i32
      %add3A_124 = vector.broadcast %add3A_123 : i32 to vector<16xi32>
      %add3A_125 = arith.addi %mul3A_12, %add3A_124 : vector<16xi32>
      tpu.vector_store_idx %arg7[%add3A_125], %get3A_121 : memref<25600xi32, #tpu.memory_space<vmem>>[vector<16xi32>], vector<16xi32>,
      %get3A_126 = arith.index_cast %add3A_111 : i32 to index
      %get3A_127 = arith.constant 32 : index
      %get3A_128 = tpu.vector_load %arg8[%get3A_126, %get3A_127] {strides = array<i32>} : memref<50x128xi32, #tpu.memory_space<vmem>>, vector<16xi32>,
      %add3A_129 = arith.constant 20800 : i32
      %add3A_130 = arith.addi %add3A_129, %add3A_111 : i32
      %add3A_131 = vector.broadcast %add3A_130 : i32 to vector<16xi32>
      %add3A_132 = arith.addi %mul3A_12, %add3A_131 : vector<16xi32>
      tpu.vector_store_idx %arg7[%add3A_132], %get3A_128 : memref<25600xi32, #tpu.memory_space<vmem>>[vector<16xi32>], vector<16xi32>,
      %get3A_133 = arith.index_cast %add3A_111 : i32 to index
      %get3A_134 = arith.constant 48 : index
      %get3A_135 = tpu.vector_load %arg8[%get3A_133, %get3A_134] {strides = array<i32>} : memref<50x128xi32, #tpu.memory_space<vmem>>, vector<16xi32>,
      %add3A_136 = arith.constant 21600 : i32
      %add3A_137 = arith.addi %add3A_136, %add3A_111 : i32
      %add3A_138 = vector.broadcast %add3A_137 : i32 to vector<16xi32>
      %add3A_139 = arith.addi %mul3A_12, %add3A_138 : vector<16xi32>
      tpu.vector_store_idx %arg7[%add3A_139], %get3A_135 : memref<25600xi32, #tpu.memory_space<vmem>>[vector<16xi32>], vector<16xi32>,
      %get3A_140 = arith.index_cast %add3A_111 : i32 to index
      %get3A_141 = arith.constant 64 : index
      %get3A_142 = tpu.vector_load %arg8[%get3A_140, %get3A_141] {strides = array<i32>} : memref<50x128xi32, #tpu.memory_space<vmem>>, vector<16xi32>,
      %add3A_143 = arith.constant 22400 : i32
      %add3A_144 = arith.addi %add3A_143, %add3A_111 : i32
      %add3A_145 = vector.broadcast %add3A_144 : i32 to vector<16xi32>
      %add3A_146 = arith.addi %mul3A_12, %add3A_145 : vector<16xi32>
      tpu.vector_store_idx %arg7[%add3A_146], %get3A_142 : memref<25600xi32, #tpu.memory_space<vmem>>[vector<16xi32>], vector<16xi32>,
      %get3A_147 = arith.index_cast %add3A_111 : i32 to index
      %get3A_148 = arith.constant 80 : index
      %get3A_149 = tpu.vector_load %arg8[%get3A_147, %get3A_148] {strides = array<i32>} : memref<50x128xi32, #tpu.memory_space<vmem>>, vector<16xi32>,
      %add3A_150 = arith.constant 23200 : i32
      %add3A_151 = arith.addi %add3A_150, %add3A_111 : i32
      %add3A_152 = vector.broadcast %add3A_151 : i32 to vector<16xi32>
      %add3A_153 = arith.addi %mul3A_12, %add3A_152 : vector<16xi32>
      tpu.vector_store_idx %arg7[%add3A_153], %get3A_149 : memref<25600xi32, #tpu.memory_space<vmem>>[vector<16xi32>], vector<16xi32>,
      %get3A_154 = arith.index_cast %add3A_111 : i32 to index
      %get3A_155 = arith.constant 96 : index
      %get3A_156 = tpu.vector_load %arg8[%get3A_154, %get3A_155] {strides = array<i32>} : memref<50x128xi32, #tpu.memory_space<vmem>>, vector<16xi32>,
      %add3A_157 = arith.constant 24000 : i32
      %add3A_158 = arith.addi %add3A_157, %add3A_111 : i32
      %add3A_159 = vector.broadcast %add3A_158 : i32 to vector<16xi32>
      %add3A_160 = arith.addi %mul3A_12, %add3A_159 : vector<16xi32>
      tpu.vector_store_idx %arg7[%add3A_160], %get3A_156 : memref<25600xi32, #tpu.memory_space<vmem>>[vector<16xi32>], vector<16xi32>,
      %get3A_161 = arith.index_cast %add3A_111 : i32 to index
      %get3A_162 = arith.constant 112 : index
      %get3A_163 = tpu.vector_load %arg8[%get3A_161, %get3A_162] {strides = array<i32>} : memref<50x128xi32, #tpu.memory_space<vmem>>, vector<16xi32>,
      %add3A_164 = arith.constant 24800 : i32
      %add3A_165 = arith.addi %add3A_164, %add3A_111 : i32
      %add3A_166 = vector.broadcast %add3A_165 : i32 to vector<16xi32>
      %add3A_167 = arith.addi %mul3A_12, %add3A_166 : vector<16xi32>
      tpu.vector_store_idx %arg7[%add3A_167], %get3A_163 : memref<25600xi32, #tpu.memory_space<vmem>>[vector<16xi32>], vector<16xi32>,
    }
    %scan3A_47 = arith.constant 50 : i32
    %dma_start3A = arith.constant 0 : i32
    %dma_start3A_48 = arith.constant 0 : i32
    %dma_start3A_49 = tpu.memref_slice %arg10[%dma_start3A, %dma_start3A_48] : memref<400x64xf32, #tpu.memory_space<vmem>> -> memref<80x64xf32, #tpu.memory_space<vmem>>
    %dma_start3A_50 = arith.constant 0 : i32
    %dma_start3A_51 = tpu.memref_slice %arg7[%dma_start3A_50] : memref<25600xi32, #tpu.memory_space<vmem>> -> memref<80xi32, #tpu.memory_space<vmem>>
    %dma_start3A_52 = arith.constant 0 : i32
    %dma_start3A_53 = arith.constant 0 : i32
    %dma_start3A_54 = tpu.memref_slice %arg4[%dma_start3A_52, %dma_start3A_53] : memref<1015808x64xf32, #tpu.memory_space<hbm>> -> memref<1015808x64xf32, #tpu.memory_space<hbm>>
    tpu.enqueue_indirect_dma source(%dma_start3A_54 : memref<1015808x64xf32, #tpu.memory_space<hbm>>) target(%dma_start3A_49 : memref<80x64xf32, #tpu.memory_space<vmem>>) offsets(%dma_start3A_51 : memref<80xi32, #tpu.memory_space<vmem>>) semaphore(%arg15 : memref<!tpu.dma_semaphore, #tpu.memory_space<semaphore_mem>>)
    %dma_start3A_55 = arith.constant 80 : i32
    %dma_start3A_56 = arith.constant 0 : i32
    %dma_start3A_57 = tpu.memref_slice %arg10[%dma_start3A_55, %dma_start3A_56] : memref<400x64xf32, #tpu.memory_space<vmem>> -> memref<80x64xf32, #tpu.memory_space<vmem>>
    %dma_start3A_58 = arith.constant 80 : i32
    %dma_start3A_59 = tpu.memref_slice %arg7[%dma_start3A_58] : memref<25600xi32, #tpu.memory_space<vmem>> -> memref<80xi32, #tpu.memory_space<vmem>>
    %dma_start3A_60 = arith.constant 0 : i32
    %dma_start3A_61 = arith.constant 0 : i32
    %dma_start3A_62 = tpu.memref_slice %arg4[%dma_start3A_60, %dma_start3A_61] : memref<1015808x64xf32, #tpu.memory_space<hbm>> -> memref<1015808x64xf32, #tpu.memory_space<hbm>>
    tpu.enqueue_indirect_dma source(%dma_start3A_62 : memref<1015808x64xf32, #tpu.memory_space<hbm>>) target(%dma_start3A_57 : memref<80x64xf32, #tpu.memory_space<vmem>>) offsets(%dma_start3A_59 : memref<80xi32, #tpu.memory_space<vmem>>) semaphore(%arg15 : memref<!tpu.dma_semaphore, #tpu.memory_space<semaphore_mem>>)
    %dma_start3A_63 = arith.constant 160 : i32
    %dma_start3A_64 = arith.constant 0 : i32
    %dma_start3A_65 = tpu.memref_slice %arg10[%dma_start3A_63, %dma_start3A_64] : memref<400x64xf32, #tpu.memory_space<vmem>> -> memref<80x64xf32, #tpu.memory_space<vmem>>
    %dma_start3A_66 = arith.constant 160 : i32
    %dma_start3A_67 = tpu.memref_slice %arg7[%dma_start3A_66] : memref<25600xi32, #tpu.memory_space<vmem>> -> memref<80xi32, #tpu.memory_space<vmem>>
    %dma_start3A_68 = arith.constant 0 : i32
    %dma_start3A_69 = arith.constant 0 : i32
    %dma_start3A_70 = tpu.memref_slice %arg4[%dma_start3A_68, %dma_start3A_69] : memref<1015808x64xf32, #tpu.memory_space<hbm>> -> memref<1015808x64xf32, #tpu.memory_space<hbm>>
    tpu.enqueue_indirect_dma source(%dma_start3A_70 : memref<1015808x64xf32, #tpu.memory_space<hbm>>) target(%dma_start3A_65 : memref<80x64xf32, #tpu.memory_space<vmem>>) offsets(%dma_start3A_67 : memref<80xi32, #tpu.memory_space<vmem>>) semaphore(%arg15 : memref<!tpu.dma_semaphore, #tpu.memory_space<semaphore_mem>>)
    %dma_start3A_71 = arith.constant 240 : i32
    %dma_start3A_72 = arith.constant 0 : i32
    %dma_start3A_73 = tpu.memref_slice %arg10[%dma_start3A_71, %dma_start3A_72] : memref<400x64xf32, #tpu.memory_space<vmem>> -> memref<80x64xf32, #tpu.memory_space<vmem>>
    %dma_start3A_74 = arith.constant 240 : i32
    %dma_start3A_75 = tpu.memref_slice %arg7[%dma_start3A_74] : memref<25600xi32, #tpu.memory_space<vmem>> -> memref<80xi32, #tpu.memory_space<vmem>>
    %dma_start3A_76 = arith.constant 0 : i32
    %dma_start3A_77 = arith.constant 0 : i32
    %dma_start3A_78 = tpu.memref_slice %arg4[%dma_start3A_76, %dma_start3A_77] : memref<1015808x64xf32, #tpu.memory_space<hbm>> -> memref<1015808x64xf32, #tpu.memory_space<hbm>>
    tpu.enqueue_indirect_dma source(%dma_start3A_78 : memref<1015808x64xf32, #tpu.memory_space<hbm>>) target(%dma_start3A_73 : memref<80x64xf32, #tpu.memory_space<vmem>>) offsets(%dma_start3A_75 : memref<80xi32, #tpu.memory_space<vmem>>) semaphore(%arg15 : memref<!tpu.dma_semaphore, #tpu.memory_space<semaphore_mem>>)
    %dma_start3A_79 = arith.constant 320 : i32
    %dma_start3A_80 = arith.constant 0 : i32
    %dma_start3A_81 = tpu.memref_slice %arg10[%dma_start3A_79, %dma_start3A_80] : memref<400x64xf32, #tpu.memory_space<vmem>> -> memref<80x64xf32, #tpu.memory_space<vmem>>
    %dma_start3A_82 = arith.constant 320 : i32
    %dma_start3A_83 = tpu.memref_slice %arg7[%dma_start3A_82] : memref<25600xi32, #tpu.memory_space<vmem>> -> memref<80xi32, #tpu.memory_space<vmem>>
    %dma_start3A_84 = arith.constant 0 : i32
    %dma_start3A_85 = arith.constant 0 : i32
    %dma_start3A_86 = tpu.memref_slice %arg4[%dma_start3A_84, %dma_start3A_85] : memref<1015808x64xf32, #tpu.memory_space<hbm>> -> memref<1015808x64xf32, #tpu.memory_space<hbm>>
    tpu.enqueue_indirect_dma source(%dma_start3A_86 : memref<1015808x64xf32, #tpu.memory_space<hbm>>) target(%dma_start3A_81 : memref<80x64xf32, #tpu.memory_space<vmem>>) offsets(%dma_start3A_83 : memref<80xi32, #tpu.memory_space<vmem>>) semaphore(%arg15 : memref<!tpu.dma_semaphore, #tpu.memory_space<semaphore_mem>>)
    %scan3A_87 = arith.constant 0 : i32
    %scan3A_88 = arith.constant 32 : i32
    %scan3A_89 = arith.addi %scan3A_87, %scan3A_88 : i32
    %scan3A_90 = arith.constant 1 : i32
    scf.for %scan3A_107 = %scan3A_87 to %scan3A_89 step %scan3A_90  : i32 {
      %mul3A_108 = arith.constant 1 : i32
      %mul3A_109 = arith.muli %scan3A_107, %mul3A_108 : i32
      %add3A_110 = arith.constant 0 : i32
      %add3A_111 = arith.addi %add3A_110, %mul3A_109 : i32
      %mul3A_112 = arith.constant 2 : i32
      %mul3A_113 = arith.muli %add3A_111, %mul3A_112 : i32
      %add3A_114 = arith.constant 0 : i32
      %add3A_115 = arith.addi %mul3A_113, %add3A_114 : i32
      %add3A_116 = arith.constant 1 : i32
      %add3A_117 = arith.addi %add3A_115, %add3A_116 : i32
      %lt3A = arith.constant 64 : i32
      %lt3A_118 = arith.cmpi slt, %add3A_117, %lt3A : i32
      %convert_element_type3A = arith.extui %lt3A_118 : i1 to i32
      %cond3A = arith.constant 0 : i32
      %cond3A_119 = arith.cmpi ne, %convert_element_type3A, %cond3A : i32
      scf.if %cond3A_119 {
        %add3A_278 = arith.constant 1 : i32
        %add3A_279 = arith.addi %add3A_115, %add3A_278 : i32
        %mul3A_280 = arith.constant 400 : i32
        %mul3A_281 = arith.muli %add3A_279, %mul3A_280 : i32
        %add3A_282 = arith.constant 0 : i32
        %add3A_283 = arith.addi %mul3A_281, %add3A_282 : i32
        %dma_start3A_284 = arith.constant 0 : i32
        %dma_start3A_285 = arith.constant 0 : i32
        %dma_start3A_286 = tpu.memref_slice %arg11[%dma_start3A_284, %dma_start3A_285] : memref<400x64xf32, #tpu.memory_space<vmem>> -> memref<80x64xf32, #tpu.memory_space<vmem>>
        %dma_start3A_287 = tpu.memref_slice %arg7[%add3A_283] : memref<25600xi32, #tpu.memory_space<vmem>> -> memref<80xi32, #tpu.memory_space<vmem>>
        %dma_start3A_288 = arith.constant 0 : i32
        %dma_start3A_289 = arith.constant 0 : i32
        %dma_start3A_290 = tpu.memref_slice %arg4[%dma_start3A_288, %dma_start3A_289] : memref<1015808x64xf32, #tpu.memory_space<hbm>> -> memref<1015808x64xf32, #tpu.memory_space<hbm>>
        tpu.enqueue_indirect_dma source(%dma_start3A_290 : memref<1015808x64xf32, #tpu.memory_space<hbm>>) target(%dma_start3A_286 : memref<80x64xf32, #tpu.memory_space<vmem>>) offsets(%dma_start3A_287 : memref<80xi32, #tpu.memory_space<vmem>>) semaphore(%arg16 : memref<!tpu.dma_semaphore, #tpu.memory_space<semaphore_mem>>)
        %mul3A_291 = arith.constant 400 : i32
        %mul3A_292 = arith.muli %add3A_279, %mul3A_291 : i32
        %add3A_293 = arith.constant 80 : i32
        %add3A_294 = arith.addi %mul3A_292, %add3A_293 : i32
        %dma_start3A_295 = arith.constant 80 : i32
        %dma_start3A_296 = arith.constant 0 : i32
        %dma_start3A_297 = tpu.memref_slice %arg11[%dma_start3A_295, %dma_start3A_296] : memref<400x64xf32, #tpu.memory_space<vmem>> -> memref<80x64xf32, #tpu.memory_space<vmem>>
        %dma_start3A_298 = tpu.memref_slice %arg7[%add3A_294] : memref<25600xi32, #tpu.memory_space<vmem>> -> memref<80xi32, #tpu.memory_space<vmem>>
        %dma_start3A_299 = arith.constant 0 : i32
        %dma_start3A_300 = arith.constant 0 : i32
        %dma_start3A_301 = tpu.memref_slice %arg4[%dma_start3A_299, %dma_start3A_300] : memref<1015808x64xf32, #tpu.memory_space<hbm>> -> memref<1015808x64xf32, #tpu.memory_space<hbm>>
        tpu.enqueue_indirect_dma source(%dma_start3A_301 : memref<1015808x64xf32, #tpu.memory_space<hbm>>) target(%dma_start3A_297 : memref<80x64xf32, #tpu.memory_space<vmem>>) offsets(%dma_start3A_298 : memref<80xi32, #tpu.memory_space<vmem>>) semaphore(%arg16 : memref<!tpu.dma_semaphore, #tpu.memory_space<semaphore_mem>>)
        %mul3A_302 = arith.constant 400 : i32
        %mul3A_303 = arith.muli %add3A_279, %mul3A_302 : i32
        %add3A_304 = arith.constant 160 : i32
        %add3A_305 = arith.addi %mul3A_303, %add3A_304 : i32
        %dma_start3A_306 = arith.constant 160 : i32
        %dma_start3A_307 = arith.constant 0 : i32
        %dma_start3A_308 = tpu.memref_slice %arg11[%dma_start3A_306, %dma_start3A_307] : memref<400x64xf32, #tpu.memory_space<vmem>> -> memref<80x64xf32, #tpu.memory_space<vmem>>
        %dma_start3A_309 = tpu.memref_slice %arg7[%add3A_305] : memref<25600xi32, #tpu.memory_space<vmem>> -> memref<80xi32, #tpu.memory_space<vmem>>
        %dma_start3A_310 = arith.constant 0 : i32
        %dma_start3A_311 = arith.constant 0 : i32
        %dma_start3A_312 = tpu.memref_slice %arg4[%dma_start3A_310, %dma_start3A_311] : memref<1015808x64xf32, #tpu.memory_space<hbm>> -> memref<1015808x64xf32, #tpu.memory_space<hbm>>
        tpu.enqueue_indirect_dma source(%dma_start3A_312 : memref<1015808x64xf32, #tpu.memory_space<hbm>>) target(%dma_start3A_308 : memref<80x64xf32, #tpu.memory_space<vmem>>) offsets(%dma_start3A_309 : memref<80xi32, #tpu.memory_space<vmem>>) semaphore(%arg16 : memref<!tpu.dma_semaphore, #tpu.memory_space<semaphore_mem>>)
        %mul3A_313 = arith.constant 400 : i32
        %mul3A_314 = arith.muli %add3A_279, %mul3A_313 : i32
        %add3A_315 = arith.constant 240 : i32
        %add3A_316 = arith.addi %mul3A_314, %add3A_315 : i32
        %dma_start3A_317 = arith.constant 240 : i32
        %dma_start3A_318 = arith.constant 0 : i32
        %dma_start3A_319 = tpu.memref_slice %arg11[%dma_start3A_317, %dma_start3A_318] : memref<400x64xf32, #tpu.memory_space<vmem>> -> memref<80x64xf32, #tpu.memory_space<vmem>>
        %dma_start3A_320 = tpu.memref_slice %arg7[%add3A_316] : memref<25600xi32, #tpu.memory_space<vmem>> -> memref<80xi32, #tpu.memory_space<vmem>>
        %dma_start3A_321 = arith.constant 0 : i32
        %dma_start3A_322 = arith.constant 0 : i32
        %dma_start3A_323 = tpu.memref_slice %arg4[%dma_start3A_321, %dma_start3A_322] : memref<1015808x64xf32, #tpu.memory_space<hbm>> -> memref<1015808x64xf32, #tpu.memory_space<hbm>>
        tpu.enqueue_indirect_dma source(%dma_start3A_323 : memref<1015808x64xf32, #tpu.memory_space<hbm>>) target(%dma_start3A_319 : memref<80x64xf32, #tpu.memory_space<vmem>>) offsets(%dma_start3A_320 : memref<80xi32, #tpu.memory_space<vmem>>) semaphore(%arg16 : memref<!tpu.dma_semaphore, #tpu.memory_space<semaphore_mem>>)
        %mul3A_324 = arith.constant 400 : i32
        %mul3A_325 = arith.muli %add3A_279, %mul3A_324 : i32
        %add3A_326 = arith.constant 320 : i32
        %add3A_327 = arith.addi %mul3A_325, %add3A_326 : i32
        %dma_start3A_328 = arith.constant 320 : i32
        %dma_start3A_329 = arith.constant 0 : i32
        %dma_start3A_330 = tpu.memref_slice %arg11[%dma_start3A_328, %dma_start3A_329] : memref<400x64xf32, #tpu.memory_space<vmem>> -> memref<80x64xf32, #tpu.memory_space<vmem>>
        %dma_start3A_331 = tpu.memref_slice %arg7[%add3A_327] : memref<25600xi32, #tpu.memory_space<vmem>> -> memref<80xi32, #tpu.memory_space<vmem>>
        %dma_start3A_332 = arith.constant 0 : i32
        %dma_start3A_333 = arith.constant 0 : i32
        %dma_start3A_334 = tpu.memref_slice %arg4[%dma_start3A_332, %dma_start3A_333] : memref<1015808x64xf32, #tpu.memory_space<hbm>> -> memref<1015808x64xf32, #tpu.memory_space<hbm>>
        tpu.enqueue_indirect_dma source(%dma_start3A_334 : memref<1015808x64xf32, #tpu.memory_space<hbm>>) target(%dma_start3A_330 : memref<80x64xf32, #tpu.memory_space<vmem>>) offsets(%dma_start3A_331 : memref<80xi32, #tpu.memory_space<vmem>>) semaphore(%arg16 : memref<!tpu.dma_semaphore, #tpu.memory_space<semaphore_mem>>)
      } else {
      }
      %mul3A_120 = arith.constant 400 : i32
      %mul3A_121 = arith.muli %add3A_115, %mul3A_120 : i32
      %add3A_122 = arith.constant 0 : i32
      %add3A_123 = arith.addi %mul3A_121, %add3A_122 : i32
      %dma_wait3A_124 = arith.constant 0 : i32
      %dma_wait3A_125 = arith.constant 0 : i32
      %dma_wait3A_126 = tpu.memref_slice %arg10[%dma_wait3A_124, %dma_wait3A_125] : memref<400x64xf32, #tpu.memory_space<vmem>> -> memref<80x64xf32, #tpu.memory_space<vmem>>
      %dma_wait3A_127 = tpu.memref_slice %arg7[%add3A_123] : memref<25600xi32, #tpu.memory_space<vmem>> -> memref<80xi32, #tpu.memory_space<vmem>>
      %dma_wait3A_128 = arith.constant 0 : i32
      %dma_wait3A_129 = arith.constant 0 : i32
      %dma_wait3A_130 = tpu.memref_slice %arg4[%dma_wait3A_128, %dma_wait3A_129] : memref<1015808x64xf32, #tpu.memory_space<hbm>> -> memref<1015808x64xf32, #tpu.memory_space<hbm>>
      tpu.wait_indirect_dma semaphore(%arg15 : memref<!tpu.dma_semaphore, #tpu.memory_space<semaphore_mem>>) src(%dma_wait3A_130 : memref<1015808x64xf32, #tpu.memory_space<hbm>>) dst(%dma_wait3A_126 : memref<80x64xf32, #tpu.memory_space<vmem>>)
      %mul3A_131 = arith.constant 400 : i32
      %mul3A_132 = arith.muli %add3A_115, %mul3A_131 : i32
      %add3A_133 = arith.constant 80 : i32
      %add3A_134 = arith.addi %mul3A_132, %add3A_133 : i32
      %dma_wait3A_135 = arith.constant 80 : i32
      %dma_wait3A_136 = arith.constant 0 : i32
      %dma_wait3A_137 = tpu.memref_slice %arg10[%dma_wait3A_135, %dma_wait3A_136] : memref<400x64xf32, #tpu.memory_space<vmem>> -> memref<80x64xf32, #tpu.memory_space<vmem>>
      %dma_wait3A_138 = tpu.memref_slice %arg7[%add3A_134] : memref<25600xi32, #tpu.memory_space<vmem>> -> memref<80xi32, #tpu.memory_space<vmem>>
      %dma_wait3A_139 = arith.constant 0 : i32
      %dma_wait3A_140 = arith.constant 0 : i32
      %dma_wait3A_141 = tpu.memref_slice %arg4[%dma_wait3A_139, %dma_wait3A_140] : memref<1015808x64xf32, #tpu.memory_space<hbm>> -> memref<1015808x64xf32, #tpu.memory_space<hbm>>
      tpu.wait_indirect_dma semaphore(%arg15 : memref<!tpu.dma_semaphore, #tpu.memory_space<semaphore_mem>>) src(%dma_wait3A_141 : memref<1015808x64xf32, #tpu.memory_space<hbm>>) dst(%dma_wait3A_137 : memref<80x64xf32, #tpu.memory_space<vmem>>)
      %mul3A_142 = arith.constant 400 : i32
      %mul3A_143 = arith.muli %add3A_115, %mul3A_142 : i32
      %add3A_144 = arith.constant 160 : i32
      %add3A_145 = arith.addi %mul3A_143, %add3A_144 : i32
      %dma_wait3A_146 = arith.constant 160 : i32
      %dma_wait3A_147 = arith.constant 0 : i32
      %dma_wait3A_148 = tpu.memref_slice %arg10[%dma_wait3A_146, %dma_wait3A_147] : memref<400x64xf32, #tpu.memory_space<vmem>> -> memref<80x64xf32, #tpu.memory_space<vmem>>
      %dma_wait3A_149 = tpu.memref_slice %arg7[%add3A_145] : memref<25600xi32, #tpu.memory_space<vmem>> -> memref<80xi32, #tpu.memory_space<vmem>>
      %dma_wait3A_150 = arith.constant 0 : i32
      %dma_wait3A_151 = arith.constant 0 : i32
      %dma_wait3A_152 = tpu.memref_slice %arg4[%dma_wait3A_150, %dma_wait3A_151] : memref<1015808x64xf32, #tpu.memory_space<hbm>> -> memref<1015808x64xf32, #tpu.memory_space<hbm>>
      tpu.wait_indirect_dma semaphore(%arg15 : memref<!tpu.dma_semaphore, #tpu.memory_space<semaphore_mem>>) src(%dma_wait3A_152 : memref<1015808x64xf32, #tpu.memory_space<hbm>>) dst(%dma_wait3A_148 : memref<80x64xf32, #tpu.memory_space<vmem>>)
      %mul3A_153 = arith.constant 400 : i32
      %mul3A_154 = arith.muli %add3A_115, %mul3A_153 : i32
      %add3A_155 = arith.constant 240 : i32
      %add3A_156 = arith.addi %mul3A_154, %add3A_155 : i32
      %dma_wait3A_157 = arith.constant 240 : i32
      %dma_wait3A_158 = arith.constant 0 : i32
      %dma_wait3A_159 = tpu.memref_slice %arg10[%dma_wait3A_157, %dma_wait3A_158] : memref<400x64xf32, #tpu.memory_space<vmem>> -> memref<80x64xf32, #tpu.memory_space<vmem>>
      %dma_wait3A_160 = tpu.memref_slice %arg7[%add3A_156] : memref<25600xi32, #tpu.memory_space<vmem>> -> memref<80xi32, #tpu.memory_space<vmem>>
      %dma_wait3A_161 = arith.constant 0 : i32
      %dma_wait3A_162 = arith.constant 0 : i32
      %dma_wait3A_163 = tpu.memref_slice %arg4[%dma_wait3A_161, %dma_wait3A_162] : memref<1015808x64xf32, #tpu.memory_space<hbm>> -> memref<1015808x64xf32, #tpu.memory_space<hbm>>
      tpu.wait_indirect_dma semaphore(%arg15 : memref<!tpu.dma_semaphore, #tpu.memory_space<semaphore_mem>>) src(%dma_wait3A_163 : memref<1015808x64xf32, #tpu.memory_space<hbm>>) dst(%dma_wait3A_159 : memref<80x64xf32, #tpu.memory_space<vmem>>)
      %mul3A_164 = arith.constant 400 : i32
      %mul3A_165 = arith.muli %add3A_115, %mul3A_164 : i32
      %add3A_166 = arith.constant 320 : i32
      %add3A_167 = arith.addi %mul3A_165, %add3A_166 : i32
      %dma_wait3A_168 = arith.constant 320 : i32
      %dma_wait3A_169 = arith.constant 0 : i32
      %dma_wait3A_170 = tpu.memref_slice %arg10[%dma_wait3A_168, %dma_wait3A_169] : memref<400x64xf32, #tpu.memory_space<vmem>> -> memref<80x64xf32, #tpu.memory_space<vmem>>
      %dma_wait3A_171 = tpu.memref_slice %arg7[%add3A_167] : memref<25600xi32, #tpu.memory_space<vmem>> -> memref<80xi32, #tpu.memory_space<vmem>>
      %dma_wait3A_172 = arith.constant 0 : i32
      %dma_wait3A_173 = arith.constant 0 : i32
      %dma_wait3A_174 = tpu.memref_slice %arg4[%dma_wait3A_172, %dma_wait3A_173] : memref<1015808x64xf32, #tpu.memory_space<hbm>> -> memref<1015808x64xf32, #tpu.memory_space<hbm>>
      tpu.wait_indirect_dma semaphore(%arg15 : memref<!tpu.dma_semaphore, #tpu.memory_space<semaphore_mem>>) src(%dma_wait3A_174 : memref<1015808x64xf32, #tpu.memory_space<hbm>>) dst(%dma_wait3A_170 : memref<80x64xf32, #tpu.memory_space<vmem>>)
      %ge3A = arith.constant 2 : i32
      %ge3A_175 = arith.cmpi sge, %add3A_115, %ge3A : i32
      %convert_element_type3A_176 = arith.extui %ge3A_175 : i1 to i32
      %cond3A_177 = arith.constant 0 : i32
      %cond3A_178 = arith.cmpi ne, %convert_element_type3A_176, %cond3A_177 : i32
      scf.if %cond3A_178 {
        %sub3A = arith.constant 2 : i32
        %sub3A_278 = arith.subi %add3A_115, %sub3A : i32
        %mul3A_279 = arith.constant 512 : i32
        %mul3A_280 = arith.muli %add3A, %mul3A_279 : i32
        %mul3A_281 = arith.constant 8 : i32
        %mul3A_282 = arith.muli %sub3A_278, %mul3A_281 : i32
        %add3A_283 = arith.addi %mul3A_280, %mul3A_282 : i32
        %dma_wait3A_284 = arith.constant 0 : i32
        %dma_wait3A_285 = tpu.memref_slice %arg6[%add3A_283, %dma_wait3A_284] : memref<16384x64xf32, #tpu.memory_space<hbm>> -> memref<8x64xf32, #tpu.memory_space<hbm>>
        %dma_wait3A_286 = arith.constant 0 : i32
        %dma_wait3A_287 = tpu.memref_slice %arg6[%add3A_283, %dma_wait3A_286] : memref<16384x64xf32, #tpu.memory_space<hbm>> -> memref<8x64xf32, #tpu.memory_space<hbm>>
        tpu.wait_dma2 semaphore(%arg17 : memref<!tpu.dma_semaphore, #tpu.memory_space<semaphore_mem>>) src(%arg12 : memref<8x64xf32, #tpu.memory_space<vmem>>) dst(%dma_wait3A_287 : memref<8x64xf32, #tpu.memory_space<hbm>>)
      } else {
      }
      %scan3A_179 = arith.constant 0 : i32
      %scan3A_180 = arith.constant 8 : i32
      %scan3A_181 = arith.addi %scan3A_179, %scan3A_180 : i32
      %scan3A_182 = arith.constant 1 : i32
      scf.for %scan3A_278 = %scan3A_179 to %scan3A_181 step %scan3A_182  : i32 {
        %mul3A_279 = arith.constant 1 : i32
        %mul3A_280 = arith.muli %scan3A_278, %mul3A_279 : i32
        %add3A_281 = arith.constant 0 : i32
        %add3A_282 = arith.addi %add3A_281, %mul3A_280 : i32
        %mul3A_283 = arith.constant 50 : i32
        %mul3A_284 = arith.muli %add3A_282, %mul3A_283 : i32
        %mul3A_285 = arith.constant 8 : i32
        %mul3A_286 = arith.muli %add3A_115, %mul3A_285 : i32
        %add3A_287 = arith.addi %mul3A_286, %add3A_282 : i32
        %broadcast_in_dim3A = vector.broadcast %add3A_287 : i32 to vector<16xi32>
        %add3A_288 = arith.constant 0 : i32
        %add3A_289 = vector.broadcast %add3A_288 : i32 to vector<16xi32>
        %add3A_290 = arith.addi %iota3A, %add3A_289 : vector<16xi32>
        %gather3A = tpu.vector_load_idx %arg9[%add3A_290, %broadcast_in_dim3A] : memref<50x512xf32, #tpu.memory_space<vmem>>[vector<16xi32>, vector<16xi32>], vector<16xf32>,
        %add3A_291 = arith.constant 16 : i32
        %add3A_292 = vector.broadcast %add3A_291 : i32 to vector<16xi32>
        %add3A_293 = arith.addi %iota3A, %add3A_292 : vector<16xi32>
        %gather3A_294 = tpu.vector_load_idx %arg9[%add3A_293, %broadcast_in_dim3A] : memref<50x512xf32, #tpu.memory_space<vmem>>[vector<16xi32>, vector<16xi32>], vector<16xf32>,
        %add3A_295 = arith.constant 32 : i32
        %add3A_296 = vector.broadcast %add3A_295 : i32 to vector<16xi32>
        %add3A_297 = arith.addi %iota3A, %add3A_296 : vector<16xi32>
        %gather3A_298 = tpu.vector_load_idx %arg9[%add3A_297, %broadcast_in_dim3A] : memref<50x512xf32, #tpu.memory_space<vmem>>[vector<16xi32>, vector<16xi32>], vector<16xf32>,
        %add3A_299 = arith.constant 34 : i32
        %add3A_300 = vector.broadcast %add3A_299 : i32 to vector<16xi32>
        %add3A_301 = arith.addi %iota3A, %add3A_300 : vector<16xi32>
        %gather3A_302 = tpu.vector_load_idx %arg9[%add3A_301, %broadcast_in_dim3A] : memref<50x512xf32, #tpu.memory_space<vmem>>[vector<16xi32>, vector<16xi32>], vector<16xf32>,
        %broadcast_in_dim3A_303 = arith.constant 0.000000e+00 : f32
        %broadcast_in_dim3A_304 = vector.broadcast %broadcast_in_dim3A_303 : f32 to vector<16xf32>
        %broadcast_in_dim3A_305 = arith.constant 0.000000e+00 : f32
        %broadcast_in_dim3A_306 = vector.broadcast %broadcast_in_dim3A_305 : f32 to vector<16xf32>
        %broadcast_in_dim3A_307 = arith.constant 0.000000e+00 : f32
        %broadcast_in_dim3A_308 = vector.broadcast %broadcast_in_dim3A_307 : f32 to vector<16xf32>
        %broadcast_in_dim3A_309 = arith.constant 0.000000e+00 : f32
        %broadcast_in_dim3A_310 = vector.broadcast %broadcast_in_dim3A_309 : f32 to vector<16xf32>
        %broadcast_in_dim3A_311 = arith.constant 0 : i32
        %broadcast_in_dim3A_312 = vector.broadcast %broadcast_in_dim3A_311 : i32 to vector<16x1xi32>
        %gather3A_313 = vector.shape_cast %broadcast_in_dim3A_312 : vector<16x1xi32> to vector<16xi32>
        %gather3A_314 = tpu.dynamic_gather %gather3A[%gather3A_313] in [0] : vector<16xf32>, vector<16xi32> -> vector<16xf32>
        %add3A_315 = arith.constant 0 : i32
        %add3A_316 = arith.addi %mul3A_284, %add3A_315 : i32
        %get3A_317 = arith.index_cast %add3A_316 : i32 to index
        %get3A_318 = arith.constant 0 : index
        %get3A_319 = tpu.vector_load %arg10[%get3A_317, %get3A_318] {strides = array<i32>} : memref<400x64xf32, #tpu.memory_space<vmem>>, vector<16xf32>,
        %mul3A_320 = arith.mulf %gather3A_314, %get3A_319 : vector<16xf32>
        %add3A_321 = arith.addf %get3A_3, %mul3A_320 : vector<16xf32>
        %add3A_322 = arith.constant 0 : i32
        %add3A_323 = arith.addi %mul3A_284, %add3A_322 : i32
        %get3A_324 = arith.index_cast %add3A_323 : i32 to index
        %get3A_325 = arith.constant 16 : index
        %get3A_326 = tpu.vector_load %arg10[%get3A_324, %get3A_325] {strides = array<i32>} : memref<400x64xf32, #tpu.memory_space<vmem>>, vector<16xf32>,
        %mul3A_327 = arith.mulf %gather3A_314, %get3A_326 : vector<16xf32>
        %add3A_328 = arith.addf %get3A_5, %mul3A_327 : vector<16xf32>
        %add3A_329 = arith.constant 0 : i32
        %add3A_330 = arith.addi %mul3A_284, %add3A_329 : i32
        %get3A_331 = arith.index_cast %add3A_330 : i32 to index
        %get3A_332 = arith.constant 32 : index
        %get3A_333 = tpu.vector_load %arg10[%get3A_331, %get3A_332] {strides = array<i32>} : memref<400x64xf32, #tpu.memory_space<vmem>>, vector<16xf32>,
        %mul3A_334 = arith.mulf %gather3A_314, %get3A_333 : vector<16xf32>
        %add3A_335 = arith.addf %get3A_7, %mul3A_334 : vector<16xf32>
        %add3A_336 = arith.constant 0 : i32
        %add3A_337 = arith.addi %mul3A_284, %add3A_336 : i32
        %get3A_338 = arith.index_cast %add3A_337 : i32 to index
        %get3A_339 = arith.constant 48 : index
        %get3A_340 = tpu.vector_load %arg10[%get3A_338, %get3A_339] {strides = array<i32>} : memref<400x64xf32, #tpu.memory_space<vmem>>, vector<16xf32>,
        %mul3A_341 = arith.mulf %gather3A_314, %get3A_340 : vector<16xf32>
        %add3A_342 = arith.addf %get3A_9, %mul3A_341 : vector<16xf32>
        %broadcast_in_dim3A_343 = arith.constant 1 : i32
        %broadcast_in_dim3A_344 = vector.broadcast %broadcast_in_dim3A_343 : i32 to vector<16x1xi32>
        %gather3A_345 = vector.shape_cast %broadcast_in_dim3A_344 : vector<16x1xi32> to vector<16xi32>
        %gather3A_346 = tpu.dynamic_gather %gather3A[%gather3A_345] in [0] : vector<16xf32>, vector<16xi32> -> vector<16xf32>
        %add3A_347 = arith.constant 1 : i32
        %add3A_348 = arith.addi %mul3A_284, %add3A_347 : i32
        %get3A_349 = arith.index_cast %add3A_348 : i32 to index
        %get3A_350 = arith.constant 0 : index
        %get3A_351 = tpu.vector_load %arg10[%get3A_349, %get3A_350] {strides = array<i32>} : memref<400x64xf32, #tpu.memory_space<vmem>>, vector<16xf32>,
        %mul3A_352 = arith.mulf %gather3A_346, %get3A_351 : vector<16xf32>
        %add3A_353 = arith.addf %broadcast_in_dim3A_304, %mul3A_352 : vector<16xf32>
        %add3A_354 = arith.constant 1 : i32
        %add3A_355 = arith.addi %mul3A_284, %add3A_354 : i32
        %get3A_356 = arith.index_cast %add3A_355 : i32 to index
        %get3A_357 = arith.constant 16 : index
        %get3A_358 = tpu.vector_load %arg10[%get3A_356, %get3A_357] {strides = array<i32>} : memref<400x64xf32, #tpu.memory_space<vmem>>, vector<16xf32>,
        %mul3A_359 = arith.mulf %gather3A_346, %get3A_358 : vector<16xf32>
        %add3A_360 = arith.addf %broadcast_in_dim3A_306, %mul3A_359 : vector<16xf32>
        %add3A_361 = arith.constant 1 : i32
        %add3A_362 = arith.addi %mul3A_284, %add3A_361 : i32
        %get3A_363 = arith.index_cast %add3A_362 : i32 to index
        %get3A_364 = arith.constant 32 : index
        %get3A_365 = tpu.vector_load %arg10[%get3A_363, %get3A_364] {strides = array<i32>} : memref<400x64xf32, #tpu.memory_space<vmem>>, vector<16xf32>,
        %mul3A_366 = arith.mulf %gather3A_346, %get3A_365 : vector<16xf32>
        %add3A_367 = arith.addf %broadcast_in_dim3A_308, %mul3A_366 : vector<16xf32>
        %add3A_368 = arith.constant 1 : i32
        %add3A_369 = arith.addi %mul3A_284, %add3A_368 : i32
        %get3A_370 = arith.index_cast %add3A_369 : i32 to index
        %get3A_371 = arith.constant 48 : index
        %get3A_372 = tpu.vector_load %arg10[%get3A_370, %get3A_371] {strides = array<i32>} : memref<400x64xf32, #tpu.memory_space<vmem>>, vector<16xf32>,
        %mul3A_373 = arith.mulf %gather3A_346, %get3A_372 : vector<16xf32>
        %add3A_374 = arith.addf %broadcast_in_dim3A_310, %mul3A_373 : vector<16xf32>
        %broadcast_in_dim3A_375 = arith.constant 2 : i32
        %broadcast_in_dim3A_376 = vector.broadcast %broadcast_in_dim3A_375 : i32 to vector<16x1xi32>
        %gather3A_377 = vector.shape_cast %broadcast_in_dim3A_376 : vector<16x1xi32> to vector<16xi32>
        %gather3A_378 = tpu.dynamic_gather %gather3A[%gather3A_377] in [0] : vector<16xf32>, vector<16xi32> -> vector<16xf32>
        %add3A_379 = arith.constant 2 : i32
        %add3A_380 = arith.addi %mul3A_284, %add3A_379 : i32
        %get3A_381 = arith.index_cast %add3A_380 : i32 to index
        %get3A_382 = arith.constant 0 : index
        %get3A_383 = tpu.vector_load %arg10[%get3A_381, %get3A_382] {strides = array<i32>} : memref<400x64xf32, #tpu.memory_space<vmem>>, vector<16xf32>,
        %mul3A_384 = arith.mulf %gather3A_378, %get3A_383 : vector<16xf32>
        %add3A_385 = arith.addf %add3A_321, %mul3A_384 : vector<16xf32>
        %add3A_386 = arith.constant 2 : i32
        %add3A_387 = arith.addi %mul3A_284, %add3A_386 : i32
        %get3A_388 = arith.index_cast %add3A_387 : i32 to index
        %get3A_389 = arith.constant 16 : index
        %get3A_390 = tpu.vector_load %arg10[%get3A_388, %get3A_389] {strides = array<i32>} : memref<400x64xf32, #tpu.memory_space<vmem>>, vector<16xf32>,
        %mul3A_391 = arith.mulf %gather3A_378, %get3A_390 : vector<16xf32>
        %add3A_392 = arith.addf %add3A_328, %mul3A_391 : vector<16xf32>
        %add3A_393 = arith.constant 2 : i32
        %add3A_394 = arith.addi %mul3A_284, %add3A_393 : i32
        %get3A_395 = arith.index_cast %add3A_394 : i32 to index
        %get3A_396 = arith.constant 32 : index
        %get3A_397 = tpu.vector_load %arg10[%get3A_395, %get3A_396] {strides = array<i32>} : memref<400x64xf32, #tpu.memory_space<vmem>>, vector<16xf32>,
        %mul3A_398 = arith.mulf %gather3A_378, %get3A_397 : vector<16xf32>
        %add3A_399 = arith.addf %add3A_335, %mul3A_398 : vector<16xf32>
        %add3A_400 = arith.constant 2 : i32
        %add3A_401 = arith.addi %mul3A_284, %add3A_400 : i32
        %get3A_402 = arith.index_cast %add3A_401 : i32 to index
        %get3A_403 = arith.constant 48 : index
        %get3A_404 = tpu.vector_load %arg10[%get3A_402, %get3A_403] {strides = array<i32>} : memref<400x64xf32, #tpu.memory_space<vmem>>, vector<16xf32>,
        %mul3A_405 = arith.mulf %gather3A_378, %get3A_404 : vector<16xf32>
        %add3A_406 = arith.addf %add3A_342, %mul3A_405 : vector<16xf32>
        %broadcast_in_dim3A_407 = arith.constant 3 : i32
        %broadcast_in_dim3A_408 = vector.broadcast %broadcast_in_dim3A_407 : i32 to vector<16x1xi32>
        %gather3A_409 = vector.shape_cast %broadcast_in_dim3A_408 : vector<16x1xi32> to vector<16xi32>
        %gather3A_410 = tpu.dynamic_gather %gather3A[%gather3A_409] in [0] : vector<16xf32>, vector<16xi32> -> vector<16xf32>
        %add3A_411 = arith.constant 3 : i32
        %add3A_412 = arith.addi %mul3A_284, %add3A_411 : i32
        %get3A_413 = arith.index_cast %add3A_412 : i32 to index
        %get3A_414 = arith.constant 0 : index
        %get3A_415 = tpu.vector_load %arg10[%get3A_413, %get3A_414] {strides = array<i32>} : memref<400x64xf32, #tpu.memory_space<vmem>>, vector<16xf32>,
        %mul3A_416 = arith.mulf %gather3A_410, %get3A_415 : vector<16xf32>
        %add3A_417 = arith.addf %add3A_353, %mul3A_416 : vector<16xf32>
        %add3A_418 = arith.constant 3 : i32
        %add3A_419 = arith.addi %mul3A_284, %add3A_418 : i32
        %get3A_420 = arith.index_cast %add3A_419 : i32 to index
        %get3A_421 = arith.constant 16 : index
        %get3A_422 = tpu.vector_load %arg10[%get3A_420, %get3A_421] {strides = array<i32>} : memref<400x64xf32, #tpu.memory_space<vmem>>, vector<16xf32>,
        %mul3A_423 = arith.mulf %gather3A_410, %get3A_422 : vector<16xf32>
        %add3A_424 = arith.addf %add3A_360, %mul3A_423 : vector<16xf32>
        %add3A_425 = arith.constant 3 : i32
        %add3A_426 = arith.addi %mul3A_284, %add3A_425 : i32
        %get3A_427 = arith.index_cast %add3A_426 : i32 to index
        %get3A_428 = arith.constant 32 : index
        %get3A_429 = tpu.vector_load %arg10[%get3A_427, %get3A_428] {strides = array<i32>} : memref<400x64xf32, #tpu.memory_space<vmem>>, vector<16xf32>,
        %mul3A_430 = arith.mulf %gather3A_410, %get3A_429 : vector<16xf32>
        %add3A_431 = arith.addf %add3A_367, %mul3A_430 : vector<16xf32>
        %add3A_432 = arith.constant 3 : i32
        %add3A_433 = arith.addi %mul3A_284, %add3A_432 : i32
        %get3A_434 = arith.index_cast %add3A_433 : i32 to index
        %get3A_435 = arith.constant 48 : index
        %get3A_436 = tpu.vector_load %arg10[%get3A_434, %get3A_435] {strides = array<i32>} : memref<400x64xf32, #tpu.memory_space<vmem>>, vector<16xf32>,
        %mul3A_437 = arith.mulf %gather3A_410, %get3A_436 : vector<16xf32>
        %add3A_438 = arith.addf %add3A_374, %mul3A_437 : vector<16xf32>
        %broadcast_in_dim3A_439 = arith.constant 4 : i32
        %broadcast_in_dim3A_440 = vector.broadcast %broadcast_in_dim3A_439 : i32 to vector<16x1xi32>
        %gather3A_441 = vector.shape_cast %broadcast_in_dim3A_440 : vector<16x1xi32> to vector<16xi32>
        %gather3A_442 = tpu.dynamic_gather %gather3A[%gather3A_441] in [0] : vector<16xf32>, vector<16xi32> -> vector<16xf32>
        %add3A_443 = arith.constant 4 : i32
        %add3A_444 = arith.addi %mul3A_284, %add3A_443 : i32
        %get3A_445 = arith.index_cast %add3A_444 : i32 to index
        %get3A_446 = arith.constant 0 : index
        %get3A_447 = tpu.vector_load %arg10[%get3A_445, %get3A_446] {strides = array<i32>} : memref<400x64xf32, #tpu.memory_space<vmem>>, vector<16xf32>,
        %mul3A_448 = arith.mulf %gather3A_442, %get3A_447 : vector<16xf32>
        %add3A_449 = arith.addf %add3A_385, %mul3A_448 : vector<16xf32>
        %add3A_450 = arith.constant 4 : i32
        %add3A_451 = arith.addi %mul3A_284, %add3A_450 : i32
        %get3A_452 = arith.index_cast %add3A_451 : i32 to index
        %get3A_453 = arith.constant 16 : index
        %get3A_454 = tpu.vector_load %arg10[%get3A_452, %get3A_453] {strides = array<i32>} : memref<400x64xf32, #tpu.memory_space<vmem>>, vector<16xf32>,
        %mul3A_455 = arith.mulf %gather3A_442, %get3A_454 : vector<16xf32>
        %add3A_456 = arith.addf %add3A_392, %mul3A_455 : vector<16xf32>
        %add3A_457 = arith.constant 4 : i32
        %add3A_458 = arith.addi %mul3A_284, %add3A_457 : i32
        %get3A_459 = arith.index_cast %add3A_458 : i32 to index
        %get3A_460 = arith.constant 32 : index
        %get3A_461 = tpu.vector_load %arg10[%get3A_459, %get3A_460] {strides = array<i32>} : memref<400x64xf32, #tpu.memory_space<vmem>>, vector<16xf32>,
        %mul3A_462 = arith.mulf %gather3A_442, %get3A_461 : vector<16xf32>
        %add3A_463 = arith.addf %add3A_399, %mul3A_462 : vector<16xf32>
        %add3A_464 = arith.constant 4 : i32
        %add3A_465 = arith.addi %mul3A_284, %add3A_464 : i32
        %get3A_466 = arith.index_cast %add3A_465 : i32 to index
        %get3A_467 = arith.constant 48 : index
        %get3A_468 = tpu.vector_load %arg10[%get3A_466, %get3A_467] {strides = array<i32>} : memref<400x64xf32, #tpu.memory_space<vmem>>, vector<16xf32>,
        %mul3A_469 = arith.mulf %gather3A_442, %get3A_468 : vector<16xf32>
        %add3A_470 = arith.addf %add3A_406, %mul3A_469 : vector<16xf32>
        %broadcast_in_dim3A_471 = arith.constant 5 : i32
        %broadcast_in_dim3A_472 = vector.broadcast %broadcast_in_dim3A_471 : i32 to vector<16x1xi32>
        %gather3A_473 = vector.shape_cast %broadcast_in_dim3A_472 : vector<16x1xi32> to vector<16xi32>
        %gather3A_474 = tpu.dynamic_gather %gather3A[%gather3A_473] in [0] : vector<16xf32>, vector<16xi32> -> vector<16xf32>
        %add3A_475 = arith.constant 5 : i32
        %add3A_476 = arith.addi %mul3A_284, %add3A_475 : i32
        %get3A_477 = arith.index_cast %add3A_476 : i32 to index
        %get3A_478 = arith.constant 0 : index
        %get3A_479 = tpu.vector_load %arg10[%get3A_477, %get3A_478] {strides = array<i32>} : memref<400x64xf32, #tpu.memory_space<vmem>>, vector<16xf32>,
        %mul3A_480 = arith.mulf %gather3A_474, %get3A_479 : vector<16xf32>
        %add3A_481 = arith.addf %add3A_417, %mul3A_480 : vector<16xf32>
        %add3A_482 = arith.constant 5 : i32
        %add3A_483 = arith.addi %mul3A_284, %add3A_482 : i32
        %get3A_484 = arith.index_cast %add3A_483 : i32 to index
        %get3A_485 = arith.constant 16 : index
        %get3A_486 = tpu.vector_load %arg10[%get3A_484, %get3A_485] {strides = array<i32>} : memref<400x64xf32, #tpu.memory_space<vmem>>, vector<16xf32>,
        %mul3A_487 = arith.mulf %gather3A_474, %get3A_486 : vector<16xf32>
        %add3A_488 = arith.addf %add3A_424, %mul3A_487 : vector<16xf32>
        %add3A_489 = arith.constant 5 : i32
        %add3A_490 = arith.addi %mul3A_284, %add3A_489 : i32
        %get3A_491 = arith.index_cast %add3A_490 : i32 to index
        %get3A_492 = arith.constant 32 : index
        %get3A_493 = tpu.vector_load %arg10[%get3A_491, %get3A_492] {strides = array<i32>} : memref<400x64xf32, #tpu.memory_space<vmem>>, vector<16xf32>,
        %mul3A_494 = arith.mulf %gather3A_474, %get3A_493 : vector<16xf32>
        %add3A_495 = arith.addf %add3A_431, %mul3A_494 : vector<16xf32>
        %add3A_496 = arith.constant 5 : i32
        %add3A_497 = arith.addi %mul3A_284, %add3A_496 : i32
        %get3A_498 = arith.index_cast %add3A_497 : i32 to index
        %get3A_499 = arith.constant 48 : index
        %get3A_500 = tpu.vector_load %arg10[%get3A_498, %get3A_499] {strides = array<i32>} : memref<400x64xf32, #tpu.memory_space<vmem>>, vector<16xf32>,
        %mul3A_501 = arith.mulf %gather3A_474, %get3A_500 : vector<16xf32>
        %add3A_502 = arith.addf %add3A_438, %mul3A_501 : vector<16xf32>
        %broadcast_in_dim3A_503 = arith.constant 6 : i32
        %broadcast_in_dim3A_504 = vector.broadcast %broadcast_in_dim3A_503 : i32 to vector<16x1xi32>
        %gather3A_505 = vector.shape_cast %broadcast_in_dim3A_504 : vector<16x1xi32> to vector<16xi32>
        %gather3A_506 = tpu.dynamic_gather %gather3A[%gather3A_505] in [0] : vector<16xf32>, vector<16xi32> -> vector<16xf32>
        %add3A_507 = arith.constant 6 : i32
        %add3A_508 = arith.addi %mul3A_284, %add3A_507 : i32
        %get3A_509 = arith.index_cast %add3A_508 : i32 to index
        %get3A_510 = arith.constant 0 : index
        %get3A_511 = tpu.vector_load %arg10[%get3A_509, %get3A_510] {strides = array<i32>} : memref<400x64xf32, #tpu.memory_space<vmem>>, vector<16xf32>,
        %mul3A_512 = arith.mulf %gather3A_506, %get3A_511 : vector<16xf32>
        %add3A_513 = arith.addf %add3A_449, %mul3A_512 : vector<16xf32>
        %add3A_514 = arith.constant 6 : i32
        %add3A_515 = arith.addi %mul3A_284, %add3A_514 : i32
        %get3A_516 = arith.index_cast %add3A_515 : i32 to index
        %get3A_517 = arith.constant 16 : index
        %get3A_518 = tpu.vector_load %arg10[%get3A_516, %get3A_517] {strides = array<i32>} : memref<400x64xf32, #tpu.memory_space<vmem>>, vector<16xf32>,
        %mul3A_519 = arith.mulf %gather3A_506, %get3A_518 : vector<16xf32>
        %add3A_520 = arith.addf %add3A_456, %mul3A_519 : vector<16xf32>
        %add3A_521 = arith.constant 6 : i32
        %add3A_522 = arith.addi %mul3A_284, %add3A_521 : i32
        %get3A_523 = arith.index_cast %add3A_522 : i32 to index
        %get3A_524 = arith.constant 32 : index
        %get3A_525 = tpu.vector_load %arg10[%get3A_523, %get3A_524] {strides = array<i32>} : memref<400x64xf32, #tpu.memory_space<vmem>>, vector<16xf32>,
        %mul3A_526 = arith.mulf %gather3A_506, %get3A_525 : vector<16xf32>
        %add3A_527 = arith.addf %add3A_463, %mul3A_526 : vector<16xf32>
        %add3A_528 = arith.constant 6 : i32
        %add3A_529 = arith.addi %mul3A_284, %add3A_528 : i32
        %get3A_530 = arith.index_cast %add3A_529 : i32 to index
        %get3A_531 = arith.constant 48 : index
        %get3A_532 = tpu.vector_load %arg10[%get3A_530, %get3A_531] {strides = array<i32>} : memref<400x64xf32, #tpu.memory_space<vmem>>, vector<16xf32>,
        %mul3A_533 = arith.mulf %gather3A_506, %get3A_532 : vector<16xf32>
        %add3A_534 = arith.addf %add3A_470, %mul3A_533 : vector<16xf32>
        %broadcast_in_dim3A_535 = arith.constant 7 : i32
        %broadcast_in_dim3A_536 = vector.broadcast %broadcast_in_dim3A_535 : i32 to vector<16x1xi32>
        %gather3A_537 = vector.shape_cast %broadcast_in_dim3A_536 : vector<16x1xi32> to vector<16xi32>
        %gather3A_538 = tpu.dynamic_gather %gather3A[%gather3A_537] in [0] : vector<16xf32>, vector<16xi32> -> vector<16xf32>
        %add3A_539 = arith.constant 7 : i32
        %add3A_540 = arith.addi %mul3A_284, %add3A_539 : i32
        %get3A_541 = arith.index_cast %add3A_540 : i32 to index
        %get3A_542 = arith.constant 0 : index
        %get3A_543 = tpu.vector_load %arg10[%get3A_541, %get3A_542] {strides = array<i32>} : memref<400x64xf32, #tpu.memory_space<vmem>>, vector<16xf32>,
        %mul3A_544 = arith.mulf %gather3A_538, %get3A_543 : vector<16xf32>
        %add3A_545 = arith.addf %add3A_481, %mul3A_544 : vector<16xf32>
        %add3A_546 = arith.constant 7 : i32
        %add3A_547 = arith.addi %mul3A_284, %add3A_546 : i32
        %get3A_548 = arith.index_cast %add3A_547 : i32 to index
        %get3A_549 = arith.constant 16 : index
        %get3A_550 = tpu.vector_load %arg10[%get3A_548, %get3A_549] {strides = array<i32>} : memref<400x64xf32, #tpu.memory_space<vmem>>, vector<16xf32>,
        %mul3A_551 = arith.mulf %gather3A_538, %get3A_550 : vector<16xf32>
        %add3A_552 = arith.addf %add3A_488, %mul3A_551 : vector<16xf32>
        %add3A_553 = arith.constant 7 : i32
        %add3A_554 = arith.addi %mul3A_284, %add3A_553 : i32
        %get3A_555 = arith.index_cast %add3A_554 : i32 to index
        %get3A_556 = arith.constant 32 : index
        %get3A_557 = tpu.vector_load %arg10[%get3A_555, %get3A_556] {strides = array<i32>} : memref<400x64xf32, #tpu.memory_space<vmem>>, vector<16xf32>,
        %mul3A_558 = arith.mulf %gather3A_538, %get3A_557 : vector<16xf32>
        %add3A_559 = arith.addf %add3A_495, %mul3A_558 : vector<16xf32>
        %add3A_560 = arith.constant 7 : i32
        %add3A_561 = arith.addi %mul3A_284, %add3A_560 : i32
        %get3A_562 = arith.index_cast %add3A_561 : i32 to index
        %get3A_563 = arith.constant 48 : index
        %get3A_564 = tpu.vector_load %arg10[%get3A_562, %get3A_563] {strides = array<i32>} : memref<400x64xf32, #tpu.memory_space<vmem>>, vector<16xf32>,
        %mul3A_565 = arith.mulf %gather3A_538, %get3A_564 : vector<16xf32>
        %add3A_566 = arith.addf %add3A_502, %mul3A_565 : vector<16xf32>
        %broadcast_in_dim3A_567 = arith.constant 8 : i32
        %broadcast_in_dim3A_568 = vector.broadcast %broadcast_in_dim3A_567 : i32 to vector<16x1xi32>
        %gather3A_569 = vector.shape_cast %broadcast_in_dim3A_568 : vector<16x1xi32> to vector<16xi32>
        %gather3A_570 = tpu.dynamic_gather %gather3A[%gather3A_569] in [0] : vector<16xf32>, vector<16xi32> -> vector<16xf32>
        %add3A_571 = arith.constant 8 : i32
        %add3A_572 = arith.addi %mul3A_284, %add3A_571 : i32
        %get3A_573 = arith.index_cast %add3A_572 : i32 to index
        %get3A_574 = arith.constant 0 : index
        %get3A_575 = tpu.vector_load %arg10[%get3A_573, %get3A_574] {strides = array<i32>} : memref<400x64xf32, #tpu.memory_space<vmem>>, vector<16xf32>,
        %mul3A_576 = arith.mulf %gather3A_570, %get3A_575 : vector<16xf32>
        %add3A_577 = arith.addf %add3A_513, %mul3A_576 : vector<16xf32>
        %add3A_578 = arith.constant 8 : i32
        %add3A_579 = arith.addi %mul3A_284, %add3A_578 : i32
        %get3A_580 = arith.index_cast %add3A_579 : i32 to index
        %get3A_581 = arith.constant 16 : index
        %get3A_582 = tpu.vector_load %arg10[%get3A_580, %get3A_581] {strides = array<i32>} : memref<400x64xf32, #tpu.memory_space<vmem>>, vector<16xf32>,
        %mul3A_583 = arith.mulf %gather3A_570, %get3A_582 : vector<16xf32>
        %add3A_584 = arith.addf %add3A_520, %mul3A_583 : vector<16xf32>
        %add3A_585 = arith.constant 8 : i32
        %add3A_586 = arith.addi %mul3A_284, %add3A_585 : i32
        %get3A_587 = arith.index_cast %add3A_586 : i32 to index
        %get3A_588 = arith.constant 32 : index
        %get3A_589 = tpu.vector_load %arg10[%get3A_587, %get3A_588] {strides = array<i32>} : memref<400x64xf32, #tpu.memory_space<vmem>>, vector<16xf32>,
        %mul3A_590 = arith.mulf %gather3A_570, %get3A_589 : vector<16xf32>
        %add3A_591 = arith.addf %add3A_527, %mul3A_590 : vector<16xf32>
        %add3A_592 = arith.constant 8 : i32
        %add3A_593 = arith.addi %mul3A_284, %add3A_592 : i32
        %get3A_594 = arith.index_cast %add3A_593 : i32 to index
        %get3A_595 = arith.constant 48 : index
        %get3A_596 = tpu.vector_load %arg10[%get3A_594, %get3A_595] {strides = array<i32>} : memref<400x64xf32, #tpu.memory_space<vmem>>, vector<16xf32>,
        %mul3A_597 = arith.mulf %gather3A_570, %get3A_596 : vector<16xf32>
        %add3A_598 = arith.addf %add3A_534, %mul3A_597 : vector<16xf32>
        %broadcast_in_dim3A_599 = arith.constant 9 : i32
        %broadcast_in_dim3A_600 = vector.broadcast %broadcast_in_dim3A_599 : i32 to vector<16x1xi32>
        %gather3A_601 = vector.shape_cast %broadcast_in_dim3A_600 : vector<16x1xi32> to vector<16xi32>
        %gather3A_602 = tpu.dynamic_gather %gather3A[%gather3A_601] in [0] : vector<16xf32>, vector<16xi32> -> vector<16xf32>
        %add3A_603 = arith.constant 9 : i32
        %add3A_604 = arith.addi %mul3A_284, %add3A_603 : i32
        %get3A_605 = arith.index_cast %add3A_604 : i32 to index
        %get3A_606 = arith.constant 0 : index
        %get3A_607 = tpu.vector_load %arg10[%get3A_605, %get3A_606] {strides = array<i32>} : memref<400x64xf32, #tpu.memory_space<vmem>>, vector<16xf32>,
        %mul3A_608 = arith.mulf %gather3A_602, %get3A_607 : vector<16xf32>
        %add3A_609 = arith.addf %add3A_545, %mul3A_608 : vector<16xf32>
        %add3A_610 = arith.constant 9 : i32
        %add3A_611 = arith.addi %mul3A_284, %add3A_610 : i32
        %get3A_612 = arith.index_cast %add3A_611 : i32 to index
        %get3A_613 = arith.constant 16 : index
        %get3A_614 = tpu.vector_load %arg10[%get3A_612, %get3A_613] {strides = array<i32>} : memref<400x64xf32, #tpu.memory_space<vmem>>, vector<16xf32>,
        %mul3A_615 = arith.mulf %gather3A_602, %get3A_614 : vector<16xf32>
        %add3A_616 = arith.addf %add3A_552, %mul3A_615 : vector<16xf32>
        %add3A_617 = arith.constant 9 : i32
        %add3A_618 = arith.addi %mul3A_284, %add3A_617 : i32
        %get3A_619 = arith.index_cast %add3A_618 : i32 to index
        %get3A_620 = arith.constant 32 : index
        %get3A_621 = tpu.vector_load %arg10[%get3A_619, %get3A_620] {strides = array<i32>} : memref<400x64xf32, #tpu.memory_space<vmem>>, vector<16xf32>,
        %mul3A_622 = arith.mulf %gather3A_602, %get3A_621 : vector<16xf32>
        %add3A_623 = arith.addf %add3A_559, %mul3A_622 : vector<16xf32>
        %add3A_624 = arith.constant 9 : i32
        %add3A_625 = arith.addi %mul3A_284, %add3A_624 : i32
        %get3A_626 = arith.index_cast %add3A_625 : i32 to index
        %get3A_627 = arith.constant 48 : index
        %get3A_628 = tpu.vector_load %arg10[%get3A_626, %get3A_627] {strides = array<i32>} : memref<400x64xf32, #tpu.memory_space<vmem>>, vector<16xf32>,
        %mul3A_629 = arith.mulf %gather3A_602, %get3A_628 : vector<16xf32>
        %add3A_630 = arith.addf %add3A_566, %mul3A_629 : vector<16xf32>
        %broadcast_in_dim3A_631 = arith.constant 10 : i32
        %broadcast_in_dim3A_632 = vector.broadcast %broadcast_in_dim3A_631 : i32 to vector<16x1xi32>
        %gather3A_633 = vector.shape_cast %broadcast_in_dim3A_632 : vector<16x1xi32> to vector<16xi32>
        %gather3A_634 = tpu.dynamic_gather %gather3A[%gather3A_633] in [0] : vector<16xf32>, vector<16xi32> -> vector<16xf32>
        %add3A_635 = arith.constant 10 : i32
        %add3A_636 = arith.addi %mul3A_284, %add3A_635 : i32
        %get3A_637 = arith.index_cast %add3A_636 : i32 to index
        %get3A_638 = arith.constant 0 : index
        %get3A_639 = tpu.vector_load %arg10[%get3A_637, %get3A_638] {strides = array<i32>} : memref<400x64xf32, #tpu.memory_space<vmem>>, vector<16xf32>,
        %mul3A_640 = arith.mulf %gather3A_634, %get3A_639 : vector<16xf32>
        %add3A_641 = arith.addf %add3A_577, %mul3A_640 : vector<16xf32>
        %add3A_642 = arith.constant 10 : i32
        %add3A_643 = arith.addi %mul3A_284, %add3A_642 : i32
        %get3A_644 = arith.index_cast %add3A_643 : i32 to index
        %get3A_645 = arith.constant 16 : index
        %get3A_646 = tpu.vector_load %arg10[%get3A_644, %get3A_645] {strides = array<i32>} : memref<400x64xf32, #tpu.memory_space<vmem>>, vector<16xf32>,
        %mul3A_647 = arith.mulf %gather3A_634, %get3A_646 : vector<16xf32>
        %add3A_648 = arith.addf %add3A_584, %mul3A_647 : vector<16xf32>
        %add3A_649 = arith.constant 10 : i32
        %add3A_650 = arith.addi %mul3A_284, %add3A_649 : i32
        %get3A_651 = arith.index_cast %add3A_650 : i32 to index
        %get3A_652 = arith.constant 32 : index
        %get3A_653 = tpu.vector_load %arg10[%get3A_651, %get3A_652] {strides = array<i32>} : memref<400x64xf32, #tpu.memory_space<vmem>>, vector<16xf32>,
        %mul3A_654 = arith.mulf %gather3A_634, %get3A_653 : vector<16xf32>
        %add3A_655 = arith.addf %add3A_591, %mul3A_654 : vector<16xf32>
        %add3A_656 = arith.constant 10 : i32
        %add3A_657 = arith.addi %mul3A_284, %add3A_656 : i32
        %get3A_658 = arith.index_cast %add3A_657 : i32 to index
        %get3A_659 = arith.constant 48 : index
        %get3A_660 = tpu.vector_load %arg10[%get3A_658, %get3A_659] {strides = array<i32>} : memref<400x64xf32, #tpu.memory_space<vmem>>, vector<16xf32>,
        %mul3A_661 = arith.mulf %gather3A_634, %get3A_660 : vector<16xf32>
        %add3A_662 = arith.addf %add3A_598, %mul3A_661 : vector<16xf32>
        %broadcast_in_dim3A_663 = arith.constant 11 : i32
        %broadcast_in_dim3A_664 = vector.broadcast %broadcast_in_dim3A_663 : i32 to vector<16x1xi32>
        %gather3A_665 = vector.shape_cast %broadcast_in_dim3A_664 : vector<16x1xi32> to vector<16xi32>
        %gather3A_666 = tpu.dynamic_gather %gather3A[%gather3A_665] in [0] : vector<16xf32>, vector<16xi32> -> vector<16xf32>
        %add3A_667 = arith.constant 11 : i32
        %add3A_668 = arith.addi %mul3A_284, %add3A_667 : i32
        %get3A_669 = arith.index_cast %add3A_668 : i32 to index
        %get3A_670 = arith.constant 0 : index
        %get3A_671 = tpu.vector_load %arg10[%get3A_669, %get3A_670] {strides = array<i32>} : memref<400x64xf32, #tpu.memory_space<vmem>>, vector<16xf32>,
        %mul3A_672 = arith.mulf %gather3A_666, %get3A_671 : vector<16xf32>
        %add3A_673 = arith.addf %add3A_609, %mul3A_672 : vector<16xf32>
        %add3A_674 = arith.constant 11 : i32
        %add3A_675 = arith.addi %mul3A_284, %add3A_674 : i32
        %get3A_676 = arith.index_cast %add3A_675 : i32 to index
        %get3A_677 = arith.constant 16 : index
        %get3A_678 = tpu.vector_load %arg10[%get3A_676, %get3A_677] {strides = array<i32>} : memref<400x64xf32, #tpu.memory_space<vmem>>, vector<16xf32>,
        %mul3A_679 = arith.mulf %gather3A_666, %get3A_678 : vector<16xf32>
        %add3A_680 = arith.addf %add3A_616, %mul3A_679 : vector<16xf32>
        %add3A_681 = arith.constant 11 : i32
        %add3A_682 = arith.addi %mul3A_284, %add3A_681 : i32
        %get3A_683 = arith.index_cast %add3A_682 : i32 to index
        %get3A_684 = arith.constant 32 : index
        %get3A_685 = tpu.vector_load %arg10[%get3A_683, %get3A_684] {strides = array<i32>} : memref<400x64xf32, #tpu.memory_space<vmem>>, vector<16xf32>,
        %mul3A_686 = arith.mulf %gather3A_666, %get3A_685 : vector<16xf32>
        %add3A_687 = arith.addf %add3A_623, %mul3A_686 : vector<16xf32>
        %add3A_688 = arith.constant 11 : i32
        %add3A_689 = arith.addi %mul3A_284, %add3A_688 : i32
        %get3A_690 = arith.index_cast %add3A_689 : i32 to index
        %get3A_691 = arith.constant 48 : index
        %get3A_692 = tpu.vector_load %arg10[%get3A_690, %get3A_691] {strides = array<i32>} : memref<400x64xf32, #tpu.memory_space<vmem>>, vector<16xf32>,
        %mul3A_693 = arith.mulf %gather3A_666, %get3A_692 : vector<16xf32>
        %add3A_694 = arith.addf %add3A_630, %mul3A_693 : vector<16xf32>
        %broadcast_in_dim3A_695 = arith.constant 12 : i32
        %broadcast_in_dim3A_696 = vector.broadcast %broadcast_in_dim3A_695 : i32 to vector<16x1xi32>
        %gather3A_697 = vector.shape_cast %broadcast_in_dim3A_696 : vector<16x1xi32> to vector<16xi32>
        %gather3A_698 = tpu.dynamic_gather %gather3A[%gather3A_697] in [0] : vector<16xf32>, vector<16xi32> -> vector<16xf32>
        %add3A_699 = arith.constant 12 : i32
        %add3A_700 = arith.addi %mul3A_284, %add3A_699 : i32
        %get3A_701 = arith.index_cast %add3A_700 : i32 to index
        %get3A_702 = arith.constant 0 : index
        %get3A_703 = tpu.vector_load %arg10[%get3A_701, %get3A_702] {strides = array<i32>} : memref<400x64xf32, #tpu.memory_space<vmem>>, vector<16xf32>,
        %mul3A_704 = arith.mulf %gather3A_698, %get3A_703 : vector<16xf32>
        %add3A_705 = arith.addf %add3A_641, %mul3A_704 : vector<16xf32>
        %add3A_706 = arith.constant 12 : i32
        %add3A_707 = arith.addi %mul3A_284, %add3A_706 : i32
        %get3A_708 = arith.index_cast %add3A_707 : i32 to index
        %get3A_709 = arith.constant 16 : index
        %get3A_710 = tpu.vector_load %arg10[%get3A_708, %get3A_709] {strides = array<i32>} : memref<400x64xf32, #tpu.memory_space<vmem>>, vector<16xf32>,
        %mul3A_711 = arith.mulf %gather3A_698, %get3A_710 : vector<16xf32>
        %add3A_712 = arith.addf %add3A_648, %mul3A_711 : vector<16xf32>
        %add3A_713 = arith.constant 12 : i32
        %add3A_714 = arith.addi %mul3A_284, %add3A_713 : i32
        %get3A_715 = arith.index_cast %add3A_714 : i32 to index
        %get3A_716 = arith.constant 32 : index
        %get3A_717 = tpu.vector_load %arg10[%get3A_715, %get3A_716] {strides = array<i32>} : memref<400x64xf32, #tpu.memory_space<vmem>>, vector<16xf32>,
        %mul3A_718 = arith.mulf %gather3A_698, %get3A_717 : vector<16xf32>
        %add3A_719 = arith.addf %add3A_655, %mul3A_718 : vector<16xf32>
        %add3A_720 = arith.constant 12 : i32
        %add3A_721 = arith.addi %mul3A_284, %add3A_720 : i32
        %get3A_722 = arith.index_cast %add3A_721 : i32 to index
        %get3A_723 = arith.constant 48 : index
        %get3A_724 = tpu.vector_load %arg10[%get3A_722, %get3A_723] {strides = array<i32>} : memref<400x64xf32, #tpu.memory_space<vmem>>, vector<16xf32>,
        %mul3A_725 = arith.mulf %gather3A_698, %get3A_724 : vector<16xf32>
        %add3A_726 = arith.addf %add3A_662, %mul3A_725 : vector<16xf32>
        %broadcast_in_dim3A_727 = arith.constant 13 : i32
        %broadcast_in_dim3A_728 = vector.broadcast %broadcast_in_dim3A_727 : i32 to vector<16x1xi32>
        %gather3A_729 = vector.shape_cast %broadcast_in_dim3A_728 : vector<16x1xi32> to vector<16xi32>
        %gather3A_730 = tpu.dynamic_gather %gather3A[%gather3A_729] in [0] : vector<16xf32>, vector<16xi32> -> vector<16xf32>
        %add3A_731 = arith.constant 13 : i32
        %add3A_732 = arith.addi %mul3A_284, %add3A_731 : i32
        %get3A_733 = arith.index_cast %add3A_732 : i32 to index
        %get3A_734 = arith.constant 0 : index
        %get3A_735 = tpu.vector_load %arg10[%get3A_733, %get3A_734] {strides = array<i32>} : memref<400x64xf32, #tpu.memory_space<vmem>>, vector<16xf32>,
        %mul3A_736 = arith.mulf %gather3A_730, %get3A_735 : vector<16xf32>
        %add3A_737 = arith.addf %add3A_673, %mul3A_736 : vector<16xf32>
        %add3A_738 = arith.constant 13 : i32
        %add3A_739 = arith.addi %mul3A_284, %add3A_738 : i32
        %get3A_740 = arith.index_cast %add3A_739 : i32 to index
        %get3A_741 = arith.constant 16 : index
        %get3A_742 = tpu.vector_load %arg10[%get3A_740, %get3A_741] {strides = array<i32>} : memref<400x64xf32, #tpu.memory_space<vmem>>, vector<16xf32>,
        %mul3A_743 = arith.mulf %gather3A_730, %get3A_742 : vector<16xf32>
        %add3A_744 = arith.addf %add3A_680, %mul3A_743 : vector<16xf32>
        %add3A_745 = arith.constant 13 : i32
        %add3A_746 = arith.addi %mul3A_284, %add3A_745 : i32
        %get3A_747 = arith.index_cast %add3A_746 : i32 to index
        %get3A_748 = arith.constant 32 : index
        %get3A_749 = tpu.vector_load %arg10[%get3A_747, %get3A_748] {strides = array<i32>} : memref<400x64xf32, #tpu.memory_space<vmem>>, vector<16xf32>,
        %mul3A_750 = arith.mulf %gather3A_730, %get3A_749 : vector<16xf32>
        %add3A_751 = arith.addf %add3A_687, %mul3A_750 : vector<16xf32>
        %add3A_752 = arith.constant 13 : i32
        %add3A_753 = arith.addi %mul3A_284, %add3A_752 : i32
        %get3A_754 = arith.index_cast %add3A_753 : i32 to index
        %get3A_755 = arith.constant 48 : index
        %get3A_756 = tpu.vector_load %arg10[%get3A_754, %get3A_755] {strides = array<i32>} : memref<400x64xf32, #tpu.memory_space<vmem>>, vector<16xf32>,
        %mul3A_757 = arith.mulf %gather3A_730, %get3A_756 : vector<16xf32>
        %add3A_758 = arith.addf %add3A_694, %mul3A_757 : vector<16xf32>
        %broadcast_in_dim3A_759 = arith.constant 14 : i32
        %broadcast_in_dim3A_760 = vector.broadcast %broadcast_in_dim3A_759 : i32 to vector<16x1xi32>
        %gather3A_761 = vector.shape_cast %broadcast_in_dim3A_760 : vector<16x1xi32> to vector<16xi32>
        %gather3A_762 = tpu.dynamic_gather %gather3A[%gather3A_761] in [0] : vector<16xf32>, vector<16xi32> -> vector<16xf32>
        %add3A_763 = arith.constant 14 : i32
        %add3A_764 = arith.addi %mul3A_284, %add3A_763 : i32
        %get3A_765 = arith.index_cast %add3A_764 : i32 to index
        %get3A_766 = arith.constant 0 : index
        %get3A_767 = tpu.vector_load %arg10[%get3A_765, %get3A_766] {strides = array<i32>} : memref<400x64xf32, #tpu.memory_space<vmem>>, vector<16xf32>,
        %mul3A_768 = arith.mulf %gather3A_762, %get3A_767 : vector<16xf32>
        %add3A_769 = arith.addf %add3A_705, %mul3A_768 : vector<16xf32>
        %add3A_770 = arith.constant 14 : i32
        %add3A_771 = arith.addi %mul3A_284, %add3A_770 : i32
        %get3A_772 = arith.index_cast %add3A_771 : i32 to index
        %get3A_773 = arith.constant 16 : index
        %get3A_774 = tpu.vector_load %arg10[%get3A_772, %get3A_773] {strides = array<i32>} : memref<400x64xf32, #tpu.memory_space<vmem>>, vector<16xf32>,
        %mul3A_775 = arith.mulf %gather3A_762, %get3A_774 : vector<16xf32>
        %add3A_776 = arith.addf %add3A_712, %mul3A_775 : vector<16xf32>
        %add3A_777 = arith.constant 14 : i32
        %add3A_778 = arith.addi %mul3A_284, %add3A_777 : i32
        %get3A_779 = arith.index_cast %add3A_778 : i32 to index
        %get3A_780 = arith.constant 32 : index
        %get3A_781 = tpu.vector_load %arg10[%get3A_779, %get3A_780] {strides = array<i32>} : memref<400x64xf32, #tpu.memory_space<vmem>>, vector<16xf32>,
        %mul3A_782 = arith.mulf %gather3A_762, %get3A_781 : vector<16xf32>
        %add3A_783 = arith.addf %add3A_719, %mul3A_782 : vector<16xf32>
        %add3A_784 = arith.constant 14 : i32
        %add3A_785 = arith.addi %mul3A_284, %add3A_784 : i32
        %get3A_786 = arith.index_cast %add3A_785 : i32 to index
        %get3A_787 = arith.constant 48 : index
        %get3A_788 = tpu.vector_load %arg10[%get3A_786, %get3A_787] {strides = array<i32>} : memref<400x64xf32, #tpu.memory_space<vmem>>, vector<16xf32>,
        %mul3A_789 = arith.mulf %gather3A_762, %get3A_788 : vector<16xf32>
        %add3A_790 = arith.addf %add3A_726, %mul3A_789 : vector<16xf32>
        %broadcast_in_dim3A_791 = arith.constant 15 : i32
        %broadcast_in_dim3A_792 = vector.broadcast %broadcast_in_dim3A_791 : i32 to vector<16x1xi32>
        %gather3A_793 = vector.shape_cast %broadcast_in_dim3A_792 : vector<16x1xi32> to vector<16xi32>
        %gather3A_794 = tpu.dynamic_gather %gather3A[%gather3A_793] in [0] : vector<16xf32>, vector<16xi32> -> vector<16xf32>
        %add3A_795 = arith.constant 15 : i32
        %add3A_796 = arith.addi %mul3A_284, %add3A_795 : i32
        %get3A_797 = arith.index_cast %add3A_796 : i32 to index
        %get3A_798 = arith.constant 0 : index
        %get3A_799 = tpu.vector_load %arg10[%get3A_797, %get3A_798] {strides = array<i32>} : memref<400x64xf32, #tpu.memory_space<vmem>>, vector<16xf32>,
        %mul3A_800 = arith.mulf %gather3A_794, %get3A_799 : vector<16xf32>
        %add3A_801 = arith.addf %add3A_737, %mul3A_800 : vector<16xf32>
        %add3A_802 = arith.constant 15 : i32
        %add3A_803 = arith.addi %mul3A_284, %add3A_802 : i32
        %get3A_804 = arith.index_cast %add3A_803 : i32 to index
        %get3A_805 = arith.constant 16 : index
        %get3A_806 = tpu.vector_load %arg10[%get3A_804, %get3A_805] {strides = array<i32>} : memref<400x64xf32, #tpu.memory_space<vmem>>, vector<16xf32>,
        %mul3A_807 = arith.mulf %gather3A_794, %get3A_806 : vector<16xf32>
        %add3A_808 = arith.addf %add3A_744, %mul3A_807 : vector<16xf32>
        %add3A_809 = arith.constant 15 : i32
        %add3A_810 = arith.addi %mul3A_284, %add3A_809 : i32
        %get3A_811 = arith.index_cast %add3A_810 : i32 to index
        %get3A_812 = arith.constant 32 : index
        %get3A_813 = tpu.vector_load %arg10[%get3A_811, %get3A_812] {strides = array<i32>} : memref<400x64xf32, #tpu.memory_space<vmem>>, vector<16xf32>,
        %mul3A_814 = arith.mulf %gather3A_794, %get3A_813 : vector<16xf32>
        %add3A_815 = arith.addf %add3A_751, %mul3A_814 : vector<16xf32>
        %add3A_816 = arith.constant 15 : i32
        %add3A_817 = arith.addi %mul3A_284, %add3A_816 : i32
        %get3A_818 = arith.index_cast %add3A_817 : i32 to index
        %get3A_819 = arith.constant 48 : index
        %get3A_820 = tpu.vector_load %arg10[%get3A_818, %get3A_819] {strides = array<i32>} : memref<400x64xf32, #tpu.memory_space<vmem>>, vector<16xf32>,
        %mul3A_821 = arith.mulf %gather3A_794, %get3A_820 : vector<16xf32>
        %add3A_822 = arith.addf %add3A_758, %mul3A_821 : vector<16xf32>
        %broadcast_in_dim3A_823 = arith.constant 0 : i32
        %broadcast_in_dim3A_824 = vector.broadcast %broadcast_in_dim3A_823 : i32 to vector<16x1xi32>
        %gather3A_825 = vector.shape_cast %broadcast_in_dim3A_824 : vector<16x1xi32> to vector<16xi32>
        %gather3A_826 = tpu.dynamic_gather %gather3A_294[%gather3A_825] in [0] : vector<16xf32>, vector<16xi32> -> vector<16xf32>
        %add3A_827 = arith.constant 16 : i32
        %add3A_828 = arith.addi %mul3A_284, %add3A_827 : i32
        %get3A_829 = arith.index_cast %add3A_828 : i32 to index
        %get3A_830 = arith.constant 0 : index
        %get3A_831 = tpu.vector_load %arg10[%get3A_829, %get3A_830] {strides = array<i32>} : memref<400x64xf32, #tpu.memory_space<vmem>>, vector<16xf32>,
        %mul3A_832 = arith.mulf %gather3A_826, %get3A_831 : vector<16xf32>
        %add3A_833 = arith.addf %add3A_769, %mul3A_832 : vector<16xf32>
        %add3A_834 = arith.constant 16 : i32
        %add3A_835 = arith.addi %mul3A_284, %add3A_834 : i32
        %get3A_836 = arith.index_cast %add3A_835 : i32 to index
        %get3A_837 = arith.constant 16 : index
        %get3A_838 = tpu.vector_load %arg10[%get3A_836, %get3A_837] {strides = array<i32>} : memref<400x64xf32, #tpu.memory_space<vmem>>, vector<16xf32>,
        %mul3A_839 = arith.mulf %gather3A_826, %get3A_838 : vector<16xf32>
        %add3A_840 = arith.addf %add3A_776, %mul3A_839 : vector<16xf32>
        %add3A_841 = arith.constant 16 : i32
        %add3A_842 = arith.addi %mul3A_284, %add3A_841 : i32
        %get3A_843 = arith.index_cast %add3A_842 : i32 to index
        %get3A_844 = arith.constant 32 : index
        %get3A_845 = tpu.vector_load %arg10[%get3A_843, %get3A_844] {strides = array<i32>} : memref<400x64xf32, #tpu.memory_space<vmem>>, vector<16xf32>,
        %mul3A_846 = arith.mulf %gather3A_826, %get3A_845 : vector<16xf32>
        %add3A_847 = arith.addf %add3A_783, %mul3A_846 : vector<16xf32>
        %add3A_848 = arith.constant 16 : i32
        %add3A_849 = arith.addi %mul3A_284, %add3A_848 : i32
        %get3A_850 = arith.index_cast %add3A_849 : i32 to index
        %get3A_851 = arith.constant 48 : index
        %get3A_852 = tpu.vector_load %arg10[%get3A_850, %get3A_851] {strides = array<i32>} : memref<400x64xf32, #tpu.memory_space<vmem>>, vector<16xf32>,
        %mul3A_853 = arith.mulf %gather3A_826, %get3A_852 : vector<16xf32>
        %add3A_854 = arith.addf %add3A_790, %mul3A_853 : vector<16xf32>
        %broadcast_in_dim3A_855 = arith.constant 1 : i32
        %broadcast_in_dim3A_856 = vector.broadcast %broadcast_in_dim3A_855 : i32 to vector<16x1xi32>
        %gather3A_857 = vector.shape_cast %broadcast_in_dim3A_856 : vector<16x1xi32> to vector<16xi32>
        %gather3A_858 = tpu.dynamic_gather %gather3A_294[%gather3A_857] in [0] : vector<16xf32>, vector<16xi32> -> vector<16xf32>
        %add3A_859 = arith.constant 17 : i32
        %add3A_860 = arith.addi %mul3A_284, %add3A_859 : i32
        %get3A_861 = arith.index_cast %add3A_860 : i32 to index
        %get3A_862 = arith.constant 0 : index
        %get3A_863 = tpu.vector_load %arg10[%get3A_861, %get3A_862] {strides = array<i32>} : memref<400x64xf32, #tpu.memory_space<vmem>>, vector<16xf32>,
        %mul3A_864 = arith.mulf %gather3A_858, %get3A_863 : vector<16xf32>
        %add3A_865 = arith.addf %add3A_801, %mul3A_864 : vector<16xf32>
        %add3A_866 = arith.constant 17 : i32
        %add3A_867 = arith.addi %mul3A_284, %add3A_866 : i32
        %get3A_868 = arith.index_cast %add3A_867 : i32 to index
        %get3A_869 = arith.constant 16 : index
        %get3A_870 = tpu.vector_load %arg10[%get3A_868, %get3A_869] {strides = array<i32>} : memref<400x64xf32, #tpu.memory_space<vmem>>, vector<16xf32>,
        %mul3A_871 = arith.mulf %gather3A_858, %get3A_870 : vector<16xf32>
        %add3A_872 = arith.addf %add3A_808, %mul3A_871 : vector<16xf32>
        %add3A_873 = arith.constant 17 : i32
        %add3A_874 = arith.addi %mul3A_284, %add3A_873 : i32
        %get3A_875 = arith.index_cast %add3A_874 : i32 to index
        %get3A_876 = arith.constant 32 : index
        %get3A_877 = tpu.vector_load %arg10[%get3A_875, %get3A_876] {strides = array<i32>} : memref<400x64xf32, #tpu.memory_space<vmem>>, vector<16xf32>,
        %mul3A_878 = arith.mulf %gather3A_858, %get3A_877 : vector<16xf32>
        %add3A_879 = arith.addf %add3A_815, %mul3A_878 : vector<16xf32>
        %add3A_880 = arith.constant 17 : i32
        %add3A_881 = arith.addi %mul3A_284, %add3A_880 : i32
        %get3A_882 = arith.index_cast %add3A_881 : i32 to index
        %get3A_883 = arith.constant 48 : index
        %get3A_884 = tpu.vector_load %arg10[%get3A_882, %get3A_883] {strides = array<i32>} : memref<400x64xf32, #tpu.memory_space<vmem>>, vector<16xf32>,
        %mul3A_885 = arith.mulf %gather3A_858, %get3A_884 : vector<16xf32>
        %add3A_886 = arith.addf %add3A_822, %mul3A_885 : vector<16xf32>
        %broadcast_in_dim3A_887 = arith.constant 2 : i32
        %broadcast_in_dim3A_888 = vector.broadcast %broadcast_in_dim3A_887 : i32 to vector<16x1xi32>
        %gather3A_889 = vector.shape_cast %broadcast_in_dim3A_888 : vector<16x1xi32> to vector<16xi32>
        %gather3A_890 = tpu.dynamic_gather %gather3A_294[%gather3A_889] in [0] : vector<16xf32>, vector<16xi32> -> vector<16xf32>
        %add3A_891 = arith.constant 18 : i32
        %add3A_892 = arith.addi %mul3A_284, %add3A_891 : i32
        %get3A_893 = arith.index_cast %add3A_892 : i32 to index
        %get3A_894 = arith.constant 0 : index
        %get3A_895 = tpu.vector_load %arg10[%get3A_893, %get3A_894] {strides = array<i32>} : memref<400x64xf32, #tpu.memory_space<vmem>>, vector<16xf32>,
        %mul3A_896 = arith.mulf %gather3A_890, %get3A_895 : vector<16xf32>
        %add3A_897 = arith.addf %add3A_833, %mul3A_896 : vector<16xf32>
        %add3A_898 = arith.constant 18 : i32
        %add3A_899 = arith.addi %mul3A_284, %add3A_898 : i32
        %get3A_900 = arith.index_cast %add3A_899 : i32 to index
        %get3A_901 = arith.constant 16 : index
        %get3A_902 = tpu.vector_load %arg10[%get3A_900, %get3A_901] {strides = array<i32>} : memref<400x64xf32, #tpu.memory_space<vmem>>, vector<16xf32>,
        %mul3A_903 = arith.mulf %gather3A_890, %get3A_902 : vector<16xf32>
        %add3A_904 = arith.addf %add3A_840, %mul3A_903 : vector<16xf32>
        %add3A_905 = arith.constant 18 : i32
        %add3A_906 = arith.addi %mul3A_284, %add3A_905 : i32
        %get3A_907 = arith.index_cast %add3A_906 : i32 to index
        %get3A_908 = arith.constant 32 : index
        %get3A_909 = tpu.vector_load %arg10[%get3A_907, %get3A_908] {strides = array<i32>} : memref<400x64xf32, #tpu.memory_space<vmem>>, vector<16xf32>,
        %mul3A_910 = arith.mulf %gather3A_890, %get3A_909 : vector<16xf32>
        %add3A_911 = arith.addf %add3A_847, %mul3A_910 : vector<16xf32>
        %add3A_912 = arith.constant 18 : i32
        %add3A_913 = arith.addi %mul3A_284, %add3A_912 : i32
        %get3A_914 = arith.index_cast %add3A_913 : i32 to index
        %get3A_915 = arith.constant 48 : index
        %get3A_916 = tpu.vector_load %arg10[%get3A_914, %get3A_915] {strides = array<i32>} : memref<400x64xf32, #tpu.memory_space<vmem>>, vector<16xf32>,
        %mul3A_917 = arith.mulf %gather3A_890, %get3A_916 : vector<16xf32>
        %add3A_918 = arith.addf %add3A_854, %mul3A_917 : vector<16xf32>
        %broadcast_in_dim3A_919 = arith.constant 3 : i32
        %broadcast_in_dim3A_920 = vector.broadcast %broadcast_in_dim3A_919 : i32 to vector<16x1xi32>
        %gather3A_921 = vector.shape_cast %broadcast_in_dim3A_920 : vector<16x1xi32> to vector<16xi32>
        %gather3A_922 = tpu.dynamic_gather %gather3A_294[%gather3A_921] in [0] : vector<16xf32>, vector<16xi32> -> vector<16xf32>
        %add3A_923 = arith.constant 19 : i32
        %add3A_924 = arith.addi %mul3A_284, %add3A_923 : i32
        %get3A_925 = arith.index_cast %add3A_924 : i32 to index
        %get3A_926 = arith.constant 0 : index
        %get3A_927 = tpu.vector_load %arg10[%get3A_925, %get3A_926] {strides = array<i32>} : memref<400x64xf32, #tpu.memory_space<vmem>>, vector<16xf32>,
        %mul3A_928 = arith.mulf %gather3A_922, %get3A_927 : vector<16xf32>
        %add3A_929 = arith.addf %add3A_865, %mul3A_928 : vector<16xf32>
        %add3A_930 = arith.constant 19 : i32
        %add3A_931 = arith.addi %mul3A_284, %add3A_930 : i32
        %get3A_932 = arith.index_cast %add3A_931 : i32 to index
        %get3A_933 = arith.constant 16 : index
        %get3A_934 = tpu.vector_load %arg10[%get3A_932, %get3A_933] {strides = array<i32>} : memref<400x64xf32, #tpu.memory_space<vmem>>, vector<16xf32>,
        %mul3A_935 = arith.mulf %gather3A_922, %get3A_934 : vector<16xf32>
        %add3A_936 = arith.addf %add3A_872, %mul3A_935 : vector<16xf32>
        %add3A_937 = arith.constant 19 : i32
        %add3A_938 = arith.addi %mul3A_284, %add3A_937 : i32
        %get3A_939 = arith.index_cast %add3A_938 : i32 to index
        %get3A_940 = arith.constant 32 : index
        %get3A_941 = tpu.vector_load %arg10[%get3A_939, %get3A_940] {strides = array<i32>} : memref<400x64xf32, #tpu.memory_space<vmem>>, vector<16xf32>,
        %mul3A_942 = arith.mulf %gather3A_922, %get3A_941 : vector<16xf32>
        %add3A_943 = arith.addf %add3A_879, %mul3A_942 : vector<16xf32>
        %add3A_944 = arith.constant 19 : i32
        %add3A_945 = arith.addi %mul3A_284, %add3A_944 : i32
        %get3A_946 = arith.index_cast %add3A_945 : i32 to index
        %get3A_947 = arith.constant 48 : index
        %get3A_948 = tpu.vector_load %arg10[%get3A_946, %get3A_947] {strides = array<i32>} : memref<400x64xf32, #tpu.memory_space<vmem>>, vector<16xf32>,
        %mul3A_949 = arith.mulf %gather3A_922, %get3A_948 : vector<16xf32>
        %add3A_950 = arith.addf %add3A_886, %mul3A_949 : vector<16xf32>
        %broadcast_in_dim3A_951 = arith.constant 4 : i32
        %broadcast_in_dim3A_952 = vector.broadcast %broadcast_in_dim3A_951 : i32 to vector<16x1xi32>
        %gather3A_953 = vector.shape_cast %broadcast_in_dim3A_952 : vector<16x1xi32> to vector<16xi32>
        %gather3A_954 = tpu.dynamic_gather %gather3A_294[%gather3A_953] in [0] : vector<16xf32>, vector<16xi32> -> vector<16xf32>
        %add3A_955 = arith.constant 20 : i32
        %add3A_956 = arith.addi %mul3A_284, %add3A_955 : i32
        %get3A_957 = arith.index_cast %add3A_956 : i32 to index
        %get3A_958 = arith.constant 0 : index
        %get3A_959 = tpu.vector_load %arg10[%get3A_957, %get3A_958] {strides = array<i32>} : memref<400x64xf32, #tpu.memory_space<vmem>>, vector<16xf32>,
        %mul3A_960 = arith.mulf %gather3A_954, %get3A_959 : vector<16xf32>
        %add3A_961 = arith.addf %add3A_897, %mul3A_960 : vector<16xf32>
        %add3A_962 = arith.constant 20 : i32
        %add3A_963 = arith.addi %mul3A_284, %add3A_962 : i32
        %get3A_964 = arith.index_cast %add3A_963 : i32 to index
        %get3A_965 = arith.constant 16 : index
        %get3A_966 = tpu.vector_load %arg10[%get3A_964, %get3A_965] {strides = array<i32>} : memref<400x64xf32, #tpu.memory_space<vmem>>, vector<16xf32>,
        %mul3A_967 = arith.mulf %gather3A_954, %get3A_966 : vector<16xf32>
        %add3A_968 = arith.addf %add3A_904, %mul3A_967 : vector<16xf32>
        %add3A_969 = arith.constant 20 : i32
        %add3A_970 = arith.addi %mul3A_284, %add3A_969 : i32
        %get3A_971 = arith.index_cast %add3A_970 : i32 to index
        %get3A_972 = arith.constant 32 : index
        %get3A_973 = tpu.vector_load %arg10[%get3A_971, %get3A_972] {strides = array<i32>} : memref<400x64xf32, #tpu.memory_space<vmem>>, vector<16xf32>,
        %mul3A_974 = arith.mulf %gather3A_954, %get3A_973 : vector<16xf32>
        %add3A_975 = arith.addf %add3A_911, %mul3A_974 : vector<16xf32>
        %add3A_976 = arith.constant 20 : i32
        %add3A_977 = arith.addi %mul3A_284, %add3A_976 : i32
        %get3A_978 = arith.index_cast %add3A_977 : i32 to index
        %get3A_979 = arith.constant 48 : index
        %get3A_980 = tpu.vector_load %arg10[%get3A_978, %get3A_979] {strides = array<i32>} : memref<400x64xf32, #tpu.memory_space<vmem>>, vector<16xf32>,
        %mul3A_981 = arith.mulf %gather3A_954, %get3A_980 : vector<16xf32>
        %add3A_982 = arith.addf %add3A_918, %mul3A_981 : vector<16xf32>
        %broadcast_in_dim3A_983 = arith.constant 5 : i32
        %broadcast_in_dim3A_984 = vector.broadcast %broadcast_in_dim3A_983 : i32 to vector<16x1xi32>
        %gather3A_985 = vector.shape_cast %broadcast_in_dim3A_984 : vector<16x1xi32> to vector<16xi32>
        %gather3A_986 = tpu.dynamic_gather %gather3A_294[%gather3A_985] in [0] : vector<16xf32>, vector<16xi32> -> vector<16xf32>
        %add3A_987 = arith.constant 21 : i32
        %add3A_988 = arith.addi %mul3A_284, %add3A_987 : i32
        %get3A_989 = arith.index_cast %add3A_988 : i32 to index
        %get3A_990 = arith.constant 0 : index
        %get3A_991 = tpu.vector_load %arg10[%get3A_989, %get3A_990] {strides = array<i32>} : memref<400x64xf32, #tpu.memory_space<vmem>>, vector<16xf32>,
        %mul3A_992 = arith.mulf %gather3A_986, %get3A_991 : vector<16xf32>
        %add3A_993 = arith.addf %add3A_929, %mul3A_992 : vector<16xf32>
        %add3A_994 = arith.constant 21 : i32
        %add3A_995 = arith.addi %mul3A_284, %add3A_994 : i32
        %get3A_996 = arith.index_cast %add3A_995 : i32 to index
        %get3A_997 = arith.constant 16 : index
        %get3A_998 = tpu.vector_load %arg10[%get3A_996, %get3A_997] {strides = array<i32>} : memref<400x64xf32, #tpu.memory_space<vmem>>, vector<16xf32>,
        %mul3A_999 = arith.mulf %gather3A_986, %get3A_998 : vector<16xf32>
        %add3A_1000 = arith.addf %add3A_936, %mul3A_999 : vector<16xf32>
        %add3A_1001 = arith.constant 21 : i32
        %add3A_1002 = arith.addi %mul3A_284, %add3A_1001 : i32
        %get3A_1003 = arith.index_cast %add3A_1002 : i32 to index
        %get3A_1004 = arith.constant 32 : index
        %get3A_1005 = tpu.vector_load %arg10[%get3A_1003, %get3A_1004] {strides = array<i32>} : memref<400x64xf32, #tpu.memory_space<vmem>>, vector<16xf32>,
        %mul3A_1006 = arith.mulf %gather3A_986, %get3A_1005 : vector<16xf32>
        %add3A_1007 = arith.addf %add3A_943, %mul3A_1006 : vector<16xf32>
        %add3A_1008 = arith.constant 21 : i32
        %add3A_1009 = arith.addi %mul3A_284, %add3A_1008 : i32
        %get3A_1010 = arith.index_cast %add3A_1009 : i32 to index
        %get3A_1011 = arith.constant 48 : index
        %get3A_1012 = tpu.vector_load %arg10[%get3A_1010, %get3A_1011] {strides = array<i32>} : memref<400x64xf32, #tpu.memory_space<vmem>>, vector<16xf32>,
        %mul3A_1013 = arith.mulf %gather3A_986, %get3A_1012 : vector<16xf32>
        %add3A_1014 = arith.addf %add3A_950, %mul3A_1013 : vector<16xf32>
        %broadcast_in_dim3A_1015 = arith.constant 6 : i32
        %broadcast_in_dim3A_1016 = vector.broadcast %broadcast_in_dim3A_1015 : i32 to vector<16x1xi32>
        %gather3A_1017 = vector.shape_cast %broadcast_in_dim3A_1016 : vector<16x1xi32> to vector<16xi32>
        %gather3A_1018 = tpu.dynamic_gather %gather3A_294[%gather3A_1017] in [0] : vector<16xf32>, vector<16xi32> -> vector<16xf32>
        %add3A_1019 = arith.constant 22 : i32
        %add3A_1020 = arith.addi %mul3A_284, %add3A_1019 : i32
        %get3A_1021 = arith.index_cast %add3A_1020 : i32 to index
        %get3A_1022 = arith.constant 0 : index
        %get3A_1023 = tpu.vector_load %arg10[%get3A_1021, %get3A_1022] {strides = array<i32>} : memref<400x64xf32, #tpu.memory_space<vmem>>, vector<16xf32>,
        %mul3A_1024 = arith.mulf %gather3A_1018, %get3A_1023 : vector<16xf32>
        %add3A_1025 = arith.addf %add3A_961, %mul3A_1024 : vector<16xf32>
        %add3A_1026 = arith.constant 22 : i32
        %add3A_1027 = arith.addi %mul3A_284, %add3A_1026 : i32
        %get3A_1028 = arith.index_cast %add3A_1027 : i32 to index
        %get3A_1029 = arith.constant 16 : index
        %get3A_1030 = tpu.vector_load %arg10[%get3A_1028, %get3A_1029] {strides = array<i32>} : memref<400x64xf32, #tpu.memory_space<vmem>>, vector<16xf32>,
        %mul3A_1031 = arith.mulf %gather3A_1018, %get3A_1030 : vector<16xf32>
        %add3A_1032 = arith.addf %add3A_968, %mul3A_1031 : vector<16xf32>
        %add3A_1033 = arith.constant 22 : i32
        %add3A_1034 = arith.addi %mul3A_284, %add3A_1033 : i32
        %get3A_1035 = arith.index_cast %add3A_1034 : i32 to index
        %get3A_1036 = arith.constant 32 : index
        %get3A_1037 = tpu.vector_load %arg10[%get3A_1035, %get3A_1036] {strides = array<i32>} : memref<400x64xf32, #tpu.memory_space<vmem>>, vector<16xf32>,
        %mul3A_1038 = arith.mulf %gather3A_1018, %get3A_1037 : vector<16xf32>
        %add3A_1039 = arith.addf %add3A_975, %mul3A_1038 : vector<16xf32>
        %add3A_1040 = arith.constant 22 : i32
        %add3A_1041 = arith.addi %mul3A_284, %add3A_1040 : i32
        %get3A_1042 = arith.index_cast %add3A_1041 : i32 to index
        %get3A_1043 = arith.constant 48 : index
        %get3A_1044 = tpu.vector_load %arg10[%get3A_1042, %get3A_1043] {strides = array<i32>} : memref<400x64xf32, #tpu.memory_space<vmem>>, vector<16xf32>,
        %mul3A_1045 = arith.mulf %gather3A_1018, %get3A_1044 : vector<16xf32>
        %add3A_1046 = arith.addf %add3A_982, %mul3A_1045 : vector<16xf32>
        %broadcast_in_dim3A_1047 = arith.constant 7 : i32
        %broadcast_in_dim3A_1048 = vector.broadcast %broadcast_in_dim3A_1047 : i32 to vector<16x1xi32>
        %gather3A_1049 = vector.shape_cast %broadcast_in_dim3A_1048 : vector<16x1xi32> to vector<16xi32>
        %gather3A_1050 = tpu.dynamic_gather %gather3A_294[%gather3A_1049] in [0] : vector<16xf32>, vector<16xi32> -> vector<16xf32>
        %add3A_1051 = arith.constant 23 : i32
        %add3A_1052 = arith.addi %mul3A_284, %add3A_1051 : i32
        %get3A_1053 = arith.index_cast %add3A_1052 : i32 to index
        %get3A_1054 = arith.constant 0 : index
        %get3A_1055 = tpu.vector_load %arg10[%get3A_1053, %get3A_1054] {strides = array<i32>} : memref<400x64xf32, #tpu.memory_space<vmem>>, vector<16xf32>,
        %mul3A_1056 = arith.mulf %gather3A_1050, %get3A_1055 : vector<16xf32>
        %add3A_1057 = arith.addf %add3A_993, %mul3A_1056 : vector<16xf32>
        %add3A_1058 = arith.constant 23 : i32
        %add3A_1059 = arith.addi %mul3A_284, %add3A_1058 : i32
        %get3A_1060 = arith.index_cast %add3A_1059 : i32 to index
        %get3A_1061 = arith.constant 16 : index
        %get3A_1062 = tpu.vector_load %arg10[%get3A_1060, %get3A_1061] {strides = array<i32>} : memref<400x64xf32, #tpu.memory_space<vmem>>, vector<16xf32>,
        %mul3A_1063 = arith.mulf %gather3A_1050, %get3A_1062 : vector<16xf32>
        %add3A_1064 = arith.addf %add3A_1000, %mul3A_1063 : vector<16xf32>
        %add3A_1065 = arith.constant 23 : i32
        %add3A_1066 = arith.addi %mul3A_284, %add3A_1065 : i32
        %get3A_1067 = arith.index_cast %add3A_1066 : i32 to index
        %get3A_1068 = arith.constant 32 : index
        %get3A_1069 = tpu.vector_load %arg10[%get3A_1067, %get3A_1068] {strides = array<i32>} : memref<400x64xf32, #tpu.memory_space<vmem>>, vector<16xf32>,
        %mul3A_1070 = arith.mulf %gather3A_1050, %get3A_1069 : vector<16xf32>
        %add3A_1071 = arith.addf %add3A_1007, %mul3A_1070 : vector<16xf32>
        %add3A_1072 = arith.constant 23 : i32
        %add3A_1073 = arith.addi %mul3A_284, %add3A_1072 : i32
        %get3A_1074 = arith.index_cast %add3A_1073 : i32 to index
        %get3A_1075 = arith.constant 48 : index
        %get3A_1076 = tpu.vector_load %arg10[%get3A_1074, %get3A_1075] {strides = array<i32>} : memref<400x64xf32, #tpu.memory_space<vmem>>, vector<16xf32>,
        %mul3A_1077 = arith.mulf %gather3A_1050, %get3A_1076 : vector<16xf32>
        %add3A_1078 = arith.addf %add3A_1014, %mul3A_1077 : vector<16xf32>
        %broadcast_in_dim3A_1079 = arith.constant 8 : i32
        %broadcast_in_dim3A_1080 = vector.broadcast %broadcast_in_dim3A_1079 : i32 to vector<16x1xi32>
        %gather3A_1081 = vector.shape_cast %broadcast_in_dim3A_1080 : vector<16x1xi32> to vector<16xi32>
        %gather3A_1082 = tpu.dynamic_gather %gather3A_294[%gather3A_1081] in [0] : vector<16xf32>, vector<16xi32> -> vector<16xf32>
        %add3A_1083 = arith.constant 24 : i32
        %add3A_1084 = arith.addi %mul3A_284, %add3A_1083 : i32
        %get3A_1085 = arith.index_cast %add3A_1084 : i32 to index
        %get3A_1086 = arith.constant 0 : index
        %get3A_1087 = tpu.vector_load %arg10[%get3A_1085, %get3A_1086] {strides = array<i32>} : memref<400x64xf32, #tpu.memory_space<vmem>>, vector<16xf32>,
        %mul3A_1088 = arith.mulf %gather3A_1082, %get3A_1087 : vector<16xf32>
        %add3A_1089 = arith.addf %add3A_1025, %mul3A_1088 : vector<16xf32>
        %add3A_1090 = arith.constant 24 : i32
        %add3A_1091 = arith.addi %mul3A_284, %add3A_1090 : i32
        %get3A_1092 = arith.index_cast %add3A_1091 : i32 to index
        %get3A_1093 = arith.constant 16 : index
        %get3A_1094 = tpu.vector_load %arg10[%get3A_1092, %get3A_1093] {strides = array<i32>} : memref<400x64xf32, #tpu.memory_space<vmem>>, vector<16xf32>,
        %mul3A_1095 = arith.mulf %gather3A_1082, %get3A_1094 : vector<16xf32>
        %add3A_1096 = arith.addf %add3A_1032, %mul3A_1095 : vector<16xf32>
        %add3A_1097 = arith.constant 24 : i32
        %add3A_1098 = arith.addi %mul3A_284, %add3A_1097 : i32
        %get3A_1099 = arith.index_cast %add3A_1098 : i32 to index
        %get3A_1100 = arith.constant 32 : index
        %get3A_1101 = tpu.vector_load %arg10[%get3A_1099, %get3A_1100] {strides = array<i32>} : memref<400x64xf32, #tpu.memory_space<vmem>>, vector<16xf32>,
        %mul3A_1102 = arith.mulf %gather3A_1082, %get3A_1101 : vector<16xf32>
        %add3A_1103 = arith.addf %add3A_1039, %mul3A_1102 : vector<16xf32>
        %add3A_1104 = arith.constant 24 : i32
        %add3A_1105 = arith.addi %mul3A_284, %add3A_1104 : i32
        %get3A_1106 = arith.index_cast %add3A_1105 : i32 to index
        %get3A_1107 = arith.constant 48 : index
        %get3A_1108 = tpu.vector_load %arg10[%get3A_1106, %get3A_1107] {strides = array<i32>} : memref<400x64xf32, #tpu.memory_space<vmem>>, vector<16xf32>,
        %mul3A_1109 = arith.mulf %gather3A_1082, %get3A_1108 : vector<16xf32>
        %add3A_1110 = arith.addf %add3A_1046, %mul3A_1109 : vector<16xf32>
        %broadcast_in_dim3A_1111 = arith.constant 9 : i32
        %broadcast_in_dim3A_1112 = vector.broadcast %broadcast_in_dim3A_1111 : i32 to vector<16x1xi32>
        %gather3A_1113 = vector.shape_cast %broadcast_in_dim3A_1112 : vector<16x1xi32> to vector<16xi32>
        %gather3A_1114 = tpu.dynamic_gather %gather3A_294[%gather3A_1113] in [0] : vector<16xf32>, vector<16xi32> -> vector<16xf32>
        %add3A_1115 = arith.constant 25 : i32
        %add3A_1116 = arith.addi %mul3A_284, %add3A_1115 : i32
        %get3A_1117 = arith.index_cast %add3A_1116 : i32 to index
        %get3A_1118 = arith.constant 0 : index
        %get3A_1119 = tpu.vector_load %arg10[%get3A_1117, %get3A_1118] {strides = array<i32>} : memref<400x64xf32, #tpu.memory_space<vmem>>, vector<16xf32>,
        %mul3A_1120 = arith.mulf %gather3A_1114, %get3A_1119 : vector<16xf32>
        %add3A_1121 = arith.addf %add3A_1057, %mul3A_1120 : vector<16xf32>
        %add3A_1122 = arith.constant 25 : i32
        %add3A_1123 = arith.addi %mul3A_284, %add3A_1122 : i32
        %get3A_1124 = arith.index_cast %add3A_1123 : i32 to index
        %get3A_1125 = arith.constant 16 : index
        %get3A_1126 = tpu.vector_load %arg10[%get3A_1124, %get3A_1125] {strides = array<i32>} : memref<400x64xf32, #tpu.memory_space<vmem>>, vector<16xf32>,
        %mul3A_1127 = arith.mulf %gather3A_1114, %get3A_1126 : vector<16xf32>
        %add3A_1128 = arith.addf %add3A_1064, %mul3A_1127 : vector<16xf32>
        %add3A_1129 = arith.constant 25 : i32
        %add3A_1130 = arith.addi %mul3A_284, %add3A_1129 : i32
        %get3A_1131 = arith.index_cast %add3A_1130 : i32 to index
        %get3A_1132 = arith.constant 32 : index
        %get3A_1133 = tpu.vector_load %arg10[%get3A_1131, %get3A_1132] {strides = array<i32>} : memref<400x64xf32, #tpu.memory_space<vmem>>, vector<16xf32>,
        %mul3A_1134 = arith.mulf %gather3A_1114, %get3A_1133 : vector<16xf32>
        %add3A_1135 = arith.addf %add3A_1071, %mul3A_1134 : vector<16xf32>
        %add3A_1136 = arith.constant 25 : i32
        %add3A_1137 = arith.addi %mul3A_284, %add3A_1136 : i32
        %get3A_1138 = arith.index_cast %add3A_1137 : i32 to index
        %get3A_1139 = arith.constant 48 : index
        %get3A_1140 = tpu.vector_load %arg10[%get3A_1138, %get3A_1139] {strides = array<i32>} : memref<400x64xf32, #tpu.memory_space<vmem>>, vector<16xf32>,
        %mul3A_1141 = arith.mulf %gather3A_1114, %get3A_1140 : vector<16xf32>
        %add3A_1142 = arith.addf %add3A_1078, %mul3A_1141 : vector<16xf32>
        %broadcast_in_dim3A_1143 = arith.constant 10 : i32
        %broadcast_in_dim3A_1144 = vector.broadcast %broadcast_in_dim3A_1143 : i32 to vector<16x1xi32>
        %gather3A_1145 = vector.shape_cast %broadcast_in_dim3A_1144 : vector<16x1xi32> to vector<16xi32>
        %gather3A_1146 = tpu.dynamic_gather %gather3A_294[%gather3A_1145] in [0] : vector<16xf32>, vector<16xi32> -> vector<16xf32>
        %add3A_1147 = arith.constant 26 : i32
        %add3A_1148 = arith.addi %mul3A_284, %add3A_1147 : i32
        %get3A_1149 = arith.index_cast %add3A_1148 : i32 to index
        %get3A_1150 = arith.constant 0 : index
        %get3A_1151 = tpu.vector_load %arg10[%get3A_1149, %get3A_1150] {strides = array<i32>} : memref<400x64xf32, #tpu.memory_space<vmem>>, vector<16xf32>,
        %mul3A_1152 = arith.mulf %gather3A_1146, %get3A_1151 : vector<16xf32>
        %add3A_1153 = arith.addf %add3A_1089, %mul3A_1152 : vector<16xf32>
        %add3A_1154 = arith.constant 26 : i32
        %add3A_1155 = arith.addi %mul3A_284, %add3A_1154 : i32
        %get3A_1156 = arith.index_cast %add3A_1155 : i32 to index
        %get3A_1157 = arith.constant 16 : index
        %get3A_1158 = tpu.vector_load %arg10[%get3A_1156, %get3A_1157] {strides = array<i32>} : memref<400x64xf32, #tpu.memory_space<vmem>>, vector<16xf32>,
        %mul3A_1159 = arith.mulf %gather3A_1146, %get3A_1158 : vector<16xf32>
        %add3A_1160 = arith.addf %add3A_1096, %mul3A_1159 : vector<16xf32>
        %add3A_1161 = arith.constant 26 : i32
        %add3A_1162 = arith.addi %mul3A_284, %add3A_1161 : i32
        %get3A_1163 = arith.index_cast %add3A_1162 : i32 to index
        %get3A_1164 = arith.constant 32 : index
        %get3A_1165 = tpu.vector_load %arg10[%get3A_1163, %get3A_1164] {strides = array<i32>} : memref<400x64xf32, #tpu.memory_space<vmem>>, vector<16xf32>,
        %mul3A_1166 = arith.mulf %gather3A_1146, %get3A_1165 : vector<16xf32>
        %add3A_1167 = arith.addf %add3A_1103, %mul3A_1166 : vector<16xf32>
        %add3A_1168 = arith.constant 26 : i32
        %add3A_1169 = arith.addi %mul3A_284, %add3A_1168 : i32
        %get3A_1170 = arith.index_cast %add3A_1169 : i32 to index
        %get3A_1171 = arith.constant 48 : index
        %get3A_1172 = tpu.vector_load %arg10[%get3A_1170, %get3A_1171] {strides = array<i32>} : memref<400x64xf32, #tpu.memory_space<vmem>>, vector<16xf32>,
        %mul3A_1173 = arith.mulf %gather3A_1146, %get3A_1172 : vector<16xf32>
        %add3A_1174 = arith.addf %add3A_1110, %mul3A_1173 : vector<16xf32>
        %broadcast_in_dim3A_1175 = arith.constant 11 : i32
        %broadcast_in_dim3A_1176 = vector.broadcast %broadcast_in_dim3A_1175 : i32 to vector<16x1xi32>
        %gather3A_1177 = vector.shape_cast %broadcast_in_dim3A_1176 : vector<16x1xi32> to vector<16xi32>
        %gather3A_1178 = tpu.dynamic_gather %gather3A_294[%gather3A_1177] in [0] : vector<16xf32>, vector<16xi32> -> vector<16xf32>
        %add3A_1179 = arith.constant 27 : i32
        %add3A_1180 = arith.addi %mul3A_284, %add3A_1179 : i32
        %get3A_1181 = arith.index_cast %add3A_1180 : i32 to index
        %get3A_1182 = arith.constant 0 : index
        %get3A_1183 = tpu.vector_load %arg10[%get3A_1181, %get3A_1182] {strides = array<i32>} : memref<400x64xf32, #tpu.memory_space<vmem>>, vector<16xf32>,
        %mul3A_1184 = arith.mulf %gather3A_1178, %get3A_1183 : vector<16xf32>
        %add3A_1185 = arith.addf %add3A_1121, %mul3A_1184 : vector<16xf32>
        %add3A_1186 = arith.constant 27 : i32
        %add3A_1187 = arith.addi %mul3A_284, %add3A_1186 : i32
        %get3A_1188 = arith.index_cast %add3A_1187 : i32 to index
        %get3A_1189 = arith.constant 16 : index
        %get3A_1190 = tpu.vector_load %arg10[%get3A_1188, %get3A_1189] {strides = array<i32>} : memref<400x64xf32, #tpu.memory_space<vmem>>, vector<16xf32>,
        %mul3A_1191 = arith.mulf %gather3A_1178, %get3A_1190 : vector<16xf32>
        %add3A_1192 = arith.addf %add3A_1128, %mul3A_1191 : vector<16xf32>
        %add3A_1193 = arith.constant 27 : i32
        %add3A_1194 = arith.addi %mul3A_284, %add3A_1193 : i32
        %get3A_1195 = arith.index_cast %add3A_1194 : i32 to index
        %get3A_1196 = arith.constant 32 : index
        %get3A_1197 = tpu.vector_load %arg10[%get3A_1195, %get3A_1196] {strides = array<i32>} : memref<400x64xf32, #tpu.memory_space<vmem>>, vector<16xf32>,
        %mul3A_1198 = arith.mulf %gather3A_1178, %get3A_1197 : vector<16xf32>
        %add3A_1199 = arith.addf %add3A_1135, %mul3A_1198 : vector<16xf32>
        %add3A_1200 = arith.constant 27 : i32
        %add3A_1201 = arith.addi %mul3A_284, %add3A_1200 : i32
        %get3A_1202 = arith.index_cast %add3A_1201 : i32 to index
        %get3A_1203 = arith.constant 48 : index
        %get3A_1204 = tpu.vector_load %arg10[%get3A_1202, %get3A_1203] {strides = array<i32>} : memref<400x64xf32, #tpu.memory_space<vmem>>, vector<16xf32>,
        %mul3A_1205 = arith.mulf %gather3A_1178, %get3A_1204 : vector<16xf32>
        %add3A_1206 = arith.addf %add3A_1142, %mul3A_1205 : vector<16xf32>
        %broadcast_in_dim3A_1207 = arith.constant 12 : i32
        %broadcast_in_dim3A_1208 = vector.broadcast %broadcast_in_dim3A_1207 : i32 to vector<16x1xi32>
        %gather3A_1209 = vector.shape_cast %broadcast_in_dim3A_1208 : vector<16x1xi32> to vector<16xi32>
        %gather3A_1210 = tpu.dynamic_gather %gather3A_294[%gather3A_1209] in [0] : vector<16xf32>, vector<16xi32> -> vector<16xf32>
        %add3A_1211 = arith.constant 28 : i32
        %add3A_1212 = arith.addi %mul3A_284, %add3A_1211 : i32
        %get3A_1213 = arith.index_cast %add3A_1212 : i32 to index
        %get3A_1214 = arith.constant 0 : index
        %get3A_1215 = tpu.vector_load %arg10[%get3A_1213, %get3A_1214] {strides = array<i32>} : memref<400x64xf32, #tpu.memory_space<vmem>>, vector<16xf32>,
        %mul3A_1216 = arith.mulf %gather3A_1210, %get3A_1215 : vector<16xf32>
        %add3A_1217 = arith.addf %add3A_1153, %mul3A_1216 : vector<16xf32>
        %add3A_1218 = arith.constant 28 : i32
        %add3A_1219 = arith.addi %mul3A_284, %add3A_1218 : i32
        %get3A_1220 = arith.index_cast %add3A_1219 : i32 to index
        %get3A_1221 = arith.constant 16 : index
        %get3A_1222 = tpu.vector_load %arg10[%get3A_1220, %get3A_1221] {strides = array<i32>} : memref<400x64xf32, #tpu.memory_space<vmem>>, vector<16xf32>,
        %mul3A_1223 = arith.mulf %gather3A_1210, %get3A_1222 : vector<16xf32>
        %add3A_1224 = arith.addf %add3A_1160, %mul3A_1223 : vector<16xf32>
        %add3A_1225 = arith.constant 28 : i32
        %add3A_1226 = arith.addi %mul3A_284, %add3A_1225 : i32
        %get3A_1227 = arith.index_cast %add3A_1226 : i32 to index
        %get3A_1228 = arith.constant 32 : index
        %get3A_1229 = tpu.vector_load %arg10[%get3A_1227, %get3A_1228] {strides = array<i32>} : memref<400x64xf32, #tpu.memory_space<vmem>>, vector<16xf32>,
        %mul3A_1230 = arith.mulf %gather3A_1210, %get3A_1229 : vector<16xf32>
        %add3A_1231 = arith.addf %add3A_1167, %mul3A_1230 : vector<16xf32>
        %add3A_1232 = arith.constant 28 : i32
        %add3A_1233 = arith.addi %mul3A_284, %add3A_1232 : i32
        %get3A_1234 = arith.index_cast %add3A_1233 : i32 to index
        %get3A_1235 = arith.constant 48 : index
        %get3A_1236 = tpu.vector_load %arg10[%get3A_1234, %get3A_1235] {strides = array<i32>} : memref<400x64xf32, #tpu.memory_space<vmem>>, vector<16xf32>,
        %mul3A_1237 = arith.mulf %gather3A_1210, %get3A_1236 : vector<16xf32>
        %add3A_1238 = arith.addf %add3A_1174, %mul3A_1237 : vector<16xf32>
        %broadcast_in_dim3A_1239 = arith.constant 13 : i32
        %broadcast_in_dim3A_1240 = vector.broadcast %broadcast_in_dim3A_1239 : i32 to vector<16x1xi32>
        %gather3A_1241 = vector.shape_cast %broadcast_in_dim3A_1240 : vector<16x1xi32> to vector<16xi32>
        %gather3A_1242 = tpu.dynamic_gather %gather3A_294[%gather3A_1241] in [0] : vector<16xf32>, vector<16xi32> -> vector<16xf32>
        %add3A_1243 = arith.constant 29 : i32
        %add3A_1244 = arith.addi %mul3A_284, %add3A_1243 : i32
        %get3A_1245 = arith.index_cast %add3A_1244 : i32 to index
        %get3A_1246 = arith.constant 0 : index
        %get3A_1247 = tpu.vector_load %arg10[%get3A_1245, %get3A_1246] {strides = array<i32>} : memref<400x64xf32, #tpu.memory_space<vmem>>, vector<16xf32>,
        %mul3A_1248 = arith.mulf %gather3A_1242, %get3A_1247 : vector<16xf32>
        %add3A_1249 = arith.addf %add3A_1185, %mul3A_1248 : vector<16xf32>
        %add3A_1250 = arith.constant 29 : i32
        %add3A_1251 = arith.addi %mul3A_284, %add3A_1250 : i32
        %get3A_1252 = arith.index_cast %add3A_1251 : i32 to index
        %get3A_1253 = arith.constant 16 : index
        %get3A_1254 = tpu.vector_load %arg10[%get3A_1252, %get3A_1253] {strides = array<i32>} : memref<400x64xf32, #tpu.memory_space<vmem>>, vector<16xf32>,
        %mul3A_1255 = arith.mulf %gather3A_1242, %get3A_1254 : vector<16xf32>
        %add3A_1256 = arith.addf %add3A_1192, %mul3A_1255 : vector<16xf32>
        %add3A_1257 = arith.constant 29 : i32
        %add3A_1258 = arith.addi %mul3A_284, %add3A_1257 : i32
        %get3A_1259 = arith.index_cast %add3A_1258 : i32 to index
        %get3A_1260 = arith.constant 32 : index
        %get3A_1261 = tpu.vector_load %arg10[%get3A_1259, %get3A_1260] {strides = array<i32>} : memref<400x64xf32, #tpu.memory_space<vmem>>, vector<16xf32>,
        %mul3A_1262 = arith.mulf %gather3A_1242, %get3A_1261 : vector<16xf32>
        %add3A_1263 = arith.addf %add3A_1199, %mul3A_1262 : vector<16xf32>
        %add3A_1264 = arith.constant 29 : i32
        %add3A_1265 = arith.addi %mul3A_284, %add3A_1264 : i32
        %get3A_1266 = arith.index_cast %add3A_1265 : i32 to index
        %get3A_1267 = arith.constant 48 : index
        %get3A_1268 = tpu.vector_load %arg10[%get3A_1266, %get3A_1267] {strides = array<i32>} : memref<400x64xf32, #tpu.memory_space<vmem>>, vector<16xf32>,
        %mul3A_1269 = arith.mulf %gather3A_1242, %get3A_1268 : vector<16xf32>
        %add3A_1270 = arith.addf %add3A_1206, %mul3A_1269 : vector<16xf32>
        %broadcast_in_dim3A_1271 = arith.constant 14 : i32
        %broadcast_in_dim3A_1272 = vector.broadcast %broadcast_in_dim3A_1271 : i32 to vector<16x1xi32>
        %gather3A_1273 = vector.shape_cast %broadcast_in_dim3A_1272 : vector<16x1xi32> to vector<16xi32>
        %gather3A_1274 = tpu.dynamic_gather %gather3A_294[%gather3A_1273] in [0] : vector<16xf32>, vector<16xi32> -> vector<16xf32>
        %add3A_1275 = arith.constant 30 : i32
        %add3A_1276 = arith.addi %mul3A_284, %add3A_1275 : i32
        %get3A_1277 = arith.index_cast %add3A_1276 : i32 to index
        %get3A_1278 = arith.constant 0 : index
        %get3A_1279 = tpu.vector_load %arg10[%get3A_1277, %get3A_1278] {strides = array<i32>} : memref<400x64xf32, #tpu.memory_space<vmem>>, vector<16xf32>,
        %mul3A_1280 = arith.mulf %gather3A_1274, %get3A_1279 : vector<16xf32>
        %add3A_1281 = arith.addf %add3A_1217, %mul3A_1280 : vector<16xf32>
        %add3A_1282 = arith.constant 30 : i32
        %add3A_1283 = arith.addi %mul3A_284, %add3A_1282 : i32
        %get3A_1284 = arith.index_cast %add3A_1283 : i32 to index
        %get3A_1285 = arith.constant 16 : index
        %get3A_1286 = tpu.vector_load %arg10[%get3A_1284, %get3A_1285] {strides = array<i32>} : memref<400x64xf32, #tpu.memory_space<vmem>>, vector<16xf32>,
        %mul3A_1287 = arith.mulf %gather3A_1274, %get3A_1286 : vector<16xf32>
        %add3A_1288 = arith.addf %add3A_1224, %mul3A_1287 : vector<16xf32>
        %add3A_1289 = arith.constant 30 : i32
        %add3A_1290 = arith.addi %mul3A_284, %add3A_1289 : i32
        %get3A_1291 = arith.index_cast %add3A_1290 : i32 to index
        %get3A_1292 = arith.constant 32 : index
        %get3A_1293 = tpu.vector_load %arg10[%get3A_1291, %get3A_1292] {strides = array<i32>} : memref<400x64xf32, #tpu.memory_space<vmem>>, vector<16xf32>,
        %mul3A_1294 = arith.mulf %gather3A_1274, %get3A_1293 : vector<16xf32>
        %add3A_1295 = arith.addf %add3A_1231, %mul3A_1294 : vector<16xf32>
        %add3A_1296 = arith.constant 30 : i32
        %add3A_1297 = arith.addi %mul3A_284, %add3A_1296 : i32
        %get3A_1298 = arith.index_cast %add3A_1297 : i32 to index
        %get3A_1299 = arith.constant 48 : index
        %get3A_1300 = tpu.vector_load %arg10[%get3A_1298, %get3A_1299] {strides = array<i32>} : memref<400x64xf32, #tpu.memory_space<vmem>>, vector<16xf32>,
        %mul3A_1301 = arith.mulf %gather3A_1274, %get3A_1300 : vector<16xf32>
        %add3A_1302 = arith.addf %add3A_1238, %mul3A_1301 : vector<16xf32>
        %broadcast_in_dim3A_1303 = arith.constant 15 : i32
        %broadcast_in_dim3A_1304 = vector.broadcast %broadcast_in_dim3A_1303 : i32 to vector<16x1xi32>
        %gather3A_1305 = vector.shape_cast %broadcast_in_dim3A_1304 : vector<16x1xi32> to vector<16xi32>
        %gather3A_1306 = tpu.dynamic_gather %gather3A_294[%gather3A_1305] in [0] : vector<16xf32>, vector<16xi32> -> vector<16xf32>
        %add3A_1307 = arith.constant 31 : i32
        %add3A_1308 = arith.addi %mul3A_284, %add3A_1307 : i32
        %get3A_1309 = arith.index_cast %add3A_1308 : i32 to index
        %get3A_1310 = arith.constant 0 : index
        %get3A_1311 = tpu.vector_load %arg10[%get3A_1309, %get3A_1310] {strides = array<i32>} : memref<400x64xf32, #tpu.memory_space<vmem>>, vector<16xf32>,
        %mul3A_1312 = arith.mulf %gather3A_1306, %get3A_1311 : vector<16xf32>
        %add3A_1313 = arith.addf %add3A_1249, %mul3A_1312 : vector<16xf32>
        %add3A_1314 = arith.constant 31 : i32
        %add3A_1315 = arith.addi %mul3A_284, %add3A_1314 : i32
        %get3A_1316 = arith.index_cast %add3A_1315 : i32 to index
        %get3A_1317 = arith.constant 16 : index
        %get3A_1318 = tpu.vector_load %arg10[%get3A_1316, %get3A_1317] {strides = array<i32>} : memref<400x64xf32, #tpu.memory_space<vmem>>, vector<16xf32>,
        %mul3A_1319 = arith.mulf %gather3A_1306, %get3A_1318 : vector<16xf32>
        %add3A_1320 = arith.addf %add3A_1256, %mul3A_1319 : vector<16xf32>
        %add3A_1321 = arith.constant 31 : i32
        %add3A_1322 = arith.addi %mul3A_284, %add3A_1321 : i32
        %get3A_1323 = arith.index_cast %add3A_1322 : i32 to index
        %get3A_1324 = arith.constant 32 : index
        %get3A_1325 = tpu.vector_load %arg10[%get3A_1323, %get3A_1324] {strides = array<i32>} : memref<400x64xf32, #tpu.memory_space<vmem>>, vector<16xf32>,
        %mul3A_1326 = arith.mulf %gather3A_1306, %get3A_1325 : vector<16xf32>
        %add3A_1327 = arith.addf %add3A_1263, %mul3A_1326 : vector<16xf32>
        %add3A_1328 = arith.constant 31 : i32
        %add3A_1329 = arith.addi %mul3A_284, %add3A_1328 : i32
        %get3A_1330 = arith.index_cast %add3A_1329 : i32 to index
        %get3A_1331 = arith.constant 48 : index
        %get3A_1332 = tpu.vector_load %arg10[%get3A_1330, %get3A_1331] {strides = array<i32>} : memref<400x64xf32, #tpu.memory_space<vmem>>, vector<16xf32>,
        %mul3A_1333 = arith.mulf %gather3A_1306, %get3A_1332 : vector<16xf32>
        %add3A_1334 = arith.addf %add3A_1270, %mul3A_1333 : vector<16xf32>
        %broadcast_in_dim3A_1335 = arith.constant 0 : i32
        %broadcast_in_dim3A_1336 = vector.broadcast %broadcast_in_dim3A_1335 : i32 to vector<16x1xi32>
        %gather3A_1337 = vector.shape_cast %broadcast_in_dim3A_1336 : vector<16x1xi32> to vector<16xi32>
        %gather3A_1338 = tpu.dynamic_gather %gather3A_298[%gather3A_1337] in [0] : vector<16xf32>, vector<16xi32> -> vector<16xf32>
        %add3A_1339 = arith.constant 32 : i32
        %add3A_1340 = arith.addi %mul3A_284, %add3A_1339 : i32
        %get3A_1341 = arith.index_cast %add3A_1340 : i32 to index
        %get3A_1342 = arith.constant 0 : index
        %get3A_1343 = tpu.vector_load %arg10[%get3A_1341, %get3A_1342] {strides = array<i32>} : memref<400x64xf32, #tpu.memory_space<vmem>>, vector<16xf32>,
        %mul3A_1344 = arith.mulf %gather3A_1338, %get3A_1343 : vector<16xf32>
        %add3A_1345 = arith.addf %add3A_1281, %mul3A_1344 : vector<16xf32>
        %add3A_1346 = arith.constant 32 : i32
        %add3A_1347 = arith.addi %mul3A_284, %add3A_1346 : i32
        %get3A_1348 = arith.index_cast %add3A_1347 : i32 to index
        %get3A_1349 = arith.constant 16 : index
        %get3A_1350 = tpu.vector_load %arg10[%get3A_1348, %get3A_1349] {strides = array<i32>} : memref<400x64xf32, #tpu.memory_space<vmem>>, vector<16xf32>,
        %mul3A_1351 = arith.mulf %gather3A_1338, %get3A_1350 : vector<16xf32>
        %add3A_1352 = arith.addf %add3A_1288, %mul3A_1351 : vector<16xf32>
        %add3A_1353 = arith.constant 32 : i32
        %add3A_1354 = arith.addi %mul3A_284, %add3A_1353 : i32
        %get3A_1355 = arith.index_cast %add3A_1354 : i32 to index
        %get3A_1356 = arith.constant 32 : index
        %get3A_1357 = tpu.vector_load %arg10[%get3A_1355, %get3A_1356] {strides = array<i32>} : memref<400x64xf32, #tpu.memory_space<vmem>>, vector<16xf32>,
        %mul3A_1358 = arith.mulf %gather3A_1338, %get3A_1357 : vector<16xf32>
        %add3A_1359 = arith.addf %add3A_1295, %mul3A_1358 : vector<16xf32>
        %add3A_1360 = arith.constant 32 : i32
        %add3A_1361 = arith.addi %mul3A_284, %add3A_1360 : i32
        %get3A_1362 = arith.index_cast %add3A_1361 : i32 to index
        %get3A_1363 = arith.constant 48 : index
        %get3A_1364 = tpu.vector_load %arg10[%get3A_1362, %get3A_1363] {strides = array<i32>} : memref<400x64xf32, #tpu.memory_space<vmem>>, vector<16xf32>,
        %mul3A_1365 = arith.mulf %gather3A_1338, %get3A_1364 : vector<16xf32>
        %add3A_1366 = arith.addf %add3A_1302, %mul3A_1365 : vector<16xf32>
        %broadcast_in_dim3A_1367 = arith.constant 1 : i32
        %broadcast_in_dim3A_1368 = vector.broadcast %broadcast_in_dim3A_1367 : i32 to vector<16x1xi32>
        %gather3A_1369 = vector.shape_cast %broadcast_in_dim3A_1368 : vector<16x1xi32> to vector<16xi32>
        %gather3A_1370 = tpu.dynamic_gather %gather3A_298[%gather3A_1369] in [0] : vector<16xf32>, vector<16xi32> -> vector<16xf32>
        %add3A_1371 = arith.constant 33 : i32
        %add3A_1372 = arith.addi %mul3A_284, %add3A_1371 : i32
        %get3A_1373 = arith.index_cast %add3A_1372 : i32 to index
        %get3A_1374 = arith.constant 0 : index
        %get3A_1375 = tpu.vector_load %arg10[%get3A_1373, %get3A_1374] {strides = array<i32>} : memref<400x64xf32, #tpu.memory_space<vmem>>, vector<16xf32>,
        %mul3A_1376 = arith.mulf %gather3A_1370, %get3A_1375 : vector<16xf32>
        %add3A_1377 = arith.addf %add3A_1313, %mul3A_1376 : vector<16xf32>
        %add3A_1378 = arith.constant 33 : i32
        %add3A_1379 = arith.addi %mul3A_284, %add3A_1378 : i32
        %get3A_1380 = arith.index_cast %add3A_1379 : i32 to index
        %get3A_1381 = arith.constant 16 : index
        %get3A_1382 = tpu.vector_load %arg10[%get3A_1380, %get3A_1381] {strides = array<i32>} : memref<400x64xf32, #tpu.memory_space<vmem>>, vector<16xf32>,
        %mul3A_1383 = arith.mulf %gather3A_1370, %get3A_1382 : vector<16xf32>
        %add3A_1384 = arith.addf %add3A_1320, %mul3A_1383 : vector<16xf32>
        %add3A_1385 = arith.constant 33 : i32
        %add3A_1386 = arith.addi %mul3A_284, %add3A_1385 : i32
        %get3A_1387 = arith.index_cast %add3A_1386 : i32 to index
        %get3A_1388 = arith.constant 32 : index
        %get3A_1389 = tpu.vector_load %arg10[%get3A_1387, %get3A_1388] {strides = array<i32>} : memref<400x64xf32, #tpu.memory_space<vmem>>, vector<16xf32>,
        %mul3A_1390 = arith.mulf %gather3A_1370, %get3A_1389 : vector<16xf32>
        %add3A_1391 = arith.addf %add3A_1327, %mul3A_1390 : vector<16xf32>
        %add3A_1392 = arith.constant 33 : i32
        %add3A_1393 = arith.addi %mul3A_284, %add3A_1392 : i32
        %get3A_1394 = arith.index_cast %add3A_1393 : i32 to index
        %get3A_1395 = arith.constant 48 : index
        %get3A_1396 = tpu.vector_load %arg10[%get3A_1394, %get3A_1395] {strides = array<i32>} : memref<400x64xf32, #tpu.memory_space<vmem>>, vector<16xf32>,
        %mul3A_1397 = arith.mulf %gather3A_1370, %get3A_1396 : vector<16xf32>
        %add3A_1398 = arith.addf %add3A_1334, %mul3A_1397 : vector<16xf32>
        %broadcast_in_dim3A_1399 = arith.constant 2 : i32
        %broadcast_in_dim3A_1400 = vector.broadcast %broadcast_in_dim3A_1399 : i32 to vector<16x1xi32>
        %gather3A_1401 = vector.shape_cast %broadcast_in_dim3A_1400 : vector<16x1xi32> to vector<16xi32>
        %gather3A_1402 = tpu.dynamic_gather %gather3A_298[%gather3A_1401] in [0] : vector<16xf32>, vector<16xi32> -> vector<16xf32>
        %add3A_1403 = arith.constant 34 : i32
        %add3A_1404 = arith.addi %mul3A_284, %add3A_1403 : i32
        %get3A_1405 = arith.index_cast %add3A_1404 : i32 to index
        %get3A_1406 = arith.constant 0 : index
        %get3A_1407 = tpu.vector_load %arg10[%get3A_1405, %get3A_1406] {strides = array<i32>} : memref<400x64xf32, #tpu.memory_space<vmem>>, vector<16xf32>,
        %mul3A_1408 = arith.mulf %gather3A_1402, %get3A_1407 : vector<16xf32>
        %add3A_1409 = arith.addf %add3A_1345, %mul3A_1408 : vector<16xf32>
        %add3A_1410 = arith.constant 34 : i32
        %add3A_1411 = arith.addi %mul3A_284, %add3A_1410 : i32
        %get3A_1412 = arith.index_cast %add3A_1411 : i32 to index
        %get3A_1413 = arith.constant 16 : index
        %get3A_1414 = tpu.vector_load %arg10[%get3A_1412, %get3A_1413] {strides = array<i32>} : memref<400x64xf32, #tpu.memory_space<vmem>>, vector<16xf32>,
        %mul3A_1415 = arith.mulf %gather3A_1402, %get3A_1414 : vector<16xf32>
        %add3A_1416 = arith.addf %add3A_1352, %mul3A_1415 : vector<16xf32>
        %add3A_1417 = arith.constant 34 : i32
        %add3A_1418 = arith.addi %mul3A_284, %add3A_1417 : i32
        %get3A_1419 = arith.index_cast %add3A_1418 : i32 to index
        %get3A_1420 = arith.constant 32 : index
        %get3A_1421 = tpu.vector_load %arg10[%get3A_1419, %get3A_1420] {strides = array<i32>} : memref<400x64xf32, #tpu.memory_space<vmem>>, vector<16xf32>,
        %mul3A_1422 = arith.mulf %gather3A_1402, %get3A_1421 : vector<16xf32>
        %add3A_1423 = arith.addf %add3A_1359, %mul3A_1422 : vector<16xf32>
        %add3A_1424 = arith.constant 34 : i32
        %add3A_1425 = arith.addi %mul3A_284, %add3A_1424 : i32
        %get3A_1426 = arith.index_cast %add3A_1425 : i32 to index
        %get3A_1427 = arith.constant 48 : index
        %get3A_1428 = tpu.vector_load %arg10[%get3A_1426, %get3A_1427] {strides = array<i32>} : memref<400x64xf32, #tpu.memory_space<vmem>>, vector<16xf32>,
        %mul3A_1429 = arith.mulf %gather3A_1402, %get3A_1428 : vector<16xf32>
        %add3A_1430 = arith.addf %add3A_1366, %mul3A_1429 : vector<16xf32>
        %broadcast_in_dim3A_1431 = arith.constant 3 : i32
        %broadcast_in_dim3A_1432 = vector.broadcast %broadcast_in_dim3A_1431 : i32 to vector<16x1xi32>
        %gather3A_1433 = vector.shape_cast %broadcast_in_dim3A_1432 : vector<16x1xi32> to vector<16xi32>
        %gather3A_1434 = tpu.dynamic_gather %gather3A_298[%gather3A_1433] in [0] : vector<16xf32>, vector<16xi32> -> vector<16xf32>
        %add3A_1435 = arith.constant 35 : i32
        %add3A_1436 = arith.addi %mul3A_284, %add3A_1435 : i32
        %get3A_1437 = arith.index_cast %add3A_1436 : i32 to index
        %get3A_1438 = arith.constant 0 : index
        %get3A_1439 = tpu.vector_load %arg10[%get3A_1437, %get3A_1438] {strides = array<i32>} : memref<400x64xf32, #tpu.memory_space<vmem>>, vector<16xf32>,
        %mul3A_1440 = arith.mulf %gather3A_1434, %get3A_1439 : vector<16xf32>
        %add3A_1441 = arith.addf %add3A_1377, %mul3A_1440 : vector<16xf32>
        %add3A_1442 = arith.constant 35 : i32
        %add3A_1443 = arith.addi %mul3A_284, %add3A_1442 : i32
        %get3A_1444 = arith.index_cast %add3A_1443 : i32 to index
        %get3A_1445 = arith.constant 16 : index
        %get3A_1446 = tpu.vector_load %arg10[%get3A_1444, %get3A_1445] {strides = array<i32>} : memref<400x64xf32, #tpu.memory_space<vmem>>, vector<16xf32>,
        %mul3A_1447 = arith.mulf %gather3A_1434, %get3A_1446 : vector<16xf32>
        %add3A_1448 = arith.addf %add3A_1384, %mul3A_1447 : vector<16xf32>
        %add3A_1449 = arith.constant 35 : i32
        %add3A_1450 = arith.addi %mul3A_284, %add3A_1449 : i32
        %get3A_1451 = arith.index_cast %add3A_1450 : i32 to index
        %get3A_1452 = arith.constant 32 : index
        %get3A_1453 = tpu.vector_load %arg10[%get3A_1451, %get3A_1452] {strides = array<i32>} : memref<400x64xf32, #tpu.memory_space<vmem>>, vector<16xf32>,
        %mul3A_1454 = arith.mulf %gather3A_1434, %get3A_1453 : vector<16xf32>
        %add3A_1455 = arith.addf %add3A_1391, %mul3A_1454 : vector<16xf32>
        %add3A_1456 = arith.constant 35 : i32
        %add3A_1457 = arith.addi %mul3A_284, %add3A_1456 : i32
        %get3A_1458 = arith.index_cast %add3A_1457 : i32 to index
        %get3A_1459 = arith.constant 48 : index
        %get3A_1460 = tpu.vector_load %arg10[%get3A_1458, %get3A_1459] {strides = array<i32>} : memref<400x64xf32, #tpu.memory_space<vmem>>, vector<16xf32>,
        %mul3A_1461 = arith.mulf %gather3A_1434, %get3A_1460 : vector<16xf32>
        %add3A_1462 = arith.addf %add3A_1398, %mul3A_1461 : vector<16xf32>
        %broadcast_in_dim3A_1463 = arith.constant 4 : i32
        %broadcast_in_dim3A_1464 = vector.broadcast %broadcast_in_dim3A_1463 : i32 to vector<16x1xi32>
        %gather3A_1465 = vector.shape_cast %broadcast_in_dim3A_1464 : vector<16x1xi32> to vector<16xi32>
        %gather3A_1466 = tpu.dynamic_gather %gather3A_298[%gather3A_1465] in [0] : vector<16xf32>, vector<16xi32> -> vector<16xf32>
        %add3A_1467 = arith.constant 36 : i32
        %add3A_1468 = arith.addi %mul3A_284, %add3A_1467 : i32
        %get3A_1469 = arith.index_cast %add3A_1468 : i32 to index
        %get3A_1470 = arith.constant 0 : index
        %get3A_1471 = tpu.vector_load %arg10[%get3A_1469, %get3A_1470] {strides = array<i32>} : memref<400x64xf32, #tpu.memory_space<vmem>>, vector<16xf32>,
        %mul3A_1472 = arith.mulf %gather3A_1466, %get3A_1471 : vector<16xf32>
        %add3A_1473 = arith.addf %add3A_1409, %mul3A_1472 : vector<16xf32>
        %add3A_1474 = arith.constant 36 : i32
        %add3A_1475 = arith.addi %mul3A_284, %add3A_1474 : i32
        %get3A_1476 = arith.index_cast %add3A_1475 : i32 to index
        %get3A_1477 = arith.constant 16 : index
        %get3A_1478 = tpu.vector_load %arg10[%get3A_1476, %get3A_1477] {strides = array<i32>} : memref<400x64xf32, #tpu.memory_space<vmem>>, vector<16xf32>,
        %mul3A_1479 = arith.mulf %gather3A_1466, %get3A_1478 : vector<16xf32>
        %add3A_1480 = arith.addf %add3A_1416, %mul3A_1479 : vector<16xf32>
        %add3A_1481 = arith.constant 36 : i32
        %add3A_1482 = arith.addi %mul3A_284, %add3A_1481 : i32
        %get3A_1483 = arith.index_cast %add3A_1482 : i32 to index
        %get3A_1484 = arith.constant 32 : index
        %get3A_1485 = tpu.vector_load %arg10[%get3A_1483, %get3A_1484] {strides = array<i32>} : memref<400x64xf32, #tpu.memory_space<vmem>>, vector<16xf32>,
        %mul3A_1486 = arith.mulf %gather3A_1466, %get3A_1485 : vector<16xf32>
        %add3A_1487 = arith.addf %add3A_1423, %mul3A_1486 : vector<16xf32>
        %add3A_1488 = arith.constant 36 : i32
        %add3A_1489 = arith.addi %mul3A_284, %add3A_1488 : i32
        %get3A_1490 = arith.index_cast %add3A_1489 : i32 to index
        %get3A_1491 = arith.constant 48 : index
        %get3A_1492 = tpu.vector_load %arg10[%get3A_1490, %get3A_1491] {strides = array<i32>} : memref<400x64xf32, #tpu.memory_space<vmem>>, vector<16xf32>,
        %mul3A_1493 = arith.mulf %gather3A_1466, %get3A_1492 : vector<16xf32>
        %add3A_1494 = arith.addf %add3A_1430, %mul3A_1493 : vector<16xf32>
        %broadcast_in_dim3A_1495 = arith.constant 5 : i32
        %broadcast_in_dim3A_1496 = vector.broadcast %broadcast_in_dim3A_1495 : i32 to vector<16x1xi32>
        %gather3A_1497 = vector.shape_cast %broadcast_in_dim3A_1496 : vector<16x1xi32> to vector<16xi32>
        %gather3A_1498 = tpu.dynamic_gather %gather3A_298[%gather3A_1497] in [0] : vector<16xf32>, vector<16xi32> -> vector<16xf32>
        %add3A_1499 = arith.constant 37 : i32
        %add3A_1500 = arith.addi %mul3A_284, %add3A_1499 : i32
        %get3A_1501 = arith.index_cast %add3A_1500 : i32 to index
        %get3A_1502 = arith.constant 0 : index
        %get3A_1503 = tpu.vector_load %arg10[%get3A_1501, %get3A_1502] {strides = array<i32>} : memref<400x64xf32, #tpu.memory_space<vmem>>, vector<16xf32>,
        %mul3A_1504 = arith.mulf %gather3A_1498, %get3A_1503 : vector<16xf32>
        %add3A_1505 = arith.addf %add3A_1441, %mul3A_1504 : vector<16xf32>
        %add3A_1506 = arith.constant 37 : i32
        %add3A_1507 = arith.addi %mul3A_284, %add3A_1506 : i32
        %get3A_1508 = arith.index_cast %add3A_1507 : i32 to index
        %get3A_1509 = arith.constant 16 : index
        %get3A_1510 = tpu.vector_load %arg10[%get3A_1508, %get3A_1509] {strides = array<i32>} : memref<400x64xf32, #tpu.memory_space<vmem>>, vector<16xf32>,
        %mul3A_1511 = arith.mulf %gather3A_1498, %get3A_1510 : vector<16xf32>
        %add3A_1512 = arith.addf %add3A_1448, %mul3A_1511 : vector<16xf32>
        %add3A_1513 = arith.constant 37 : i32
        %add3A_1514 = arith.addi %mul3A_284, %add3A_1513 : i32
        %get3A_1515 = arith.index_cast %add3A_1514 : i32 to index
        %get3A_1516 = arith.constant 32 : index
        %get3A_1517 = tpu.vector_load %arg10[%get3A_1515, %get3A_1516] {strides = array<i32>} : memref<400x64xf32, #tpu.memory_space<vmem>>, vector<16xf32>,
        %mul3A_1518 = arith.mulf %gather3A_1498, %get3A_1517 : vector<16xf32>
        %add3A_1519 = arith.addf %add3A_1455, %mul3A_1518 : vector<16xf32>
        %add3A_1520 = arith.constant 37 : i32
        %add3A_1521 = arith.addi %mul3A_284, %add3A_1520 : i32
        %get3A_1522 = arith.index_cast %add3A_1521 : i32 to index
        %get3A_1523 = arith.constant 48 : index
        %get3A_1524 = tpu.vector_load %arg10[%get3A_1522, %get3A_1523] {strides = array<i32>} : memref<400x64xf32, #tpu.memory_space<vmem>>, vector<16xf32>,
        %mul3A_1525 = arith.mulf %gather3A_1498, %get3A_1524 : vector<16xf32>
        %add3A_1526 = arith.addf %add3A_1462, %mul3A_1525 : vector<16xf32>
        %broadcast_in_dim3A_1527 = arith.constant 6 : i32
        %broadcast_in_dim3A_1528 = vector.broadcast %broadcast_in_dim3A_1527 : i32 to vector<16x1xi32>
        %gather3A_1529 = vector.shape_cast %broadcast_in_dim3A_1528 : vector<16x1xi32> to vector<16xi32>
        %gather3A_1530 = tpu.dynamic_gather %gather3A_298[%gather3A_1529] in [0] : vector<16xf32>, vector<16xi32> -> vector<16xf32>
        %add3A_1531 = arith.constant 38 : i32
        %add3A_1532 = arith.addi %mul3A_284, %add3A_1531 : i32
        %get3A_1533 = arith.index_cast %add3A_1532 : i32 to index
        %get3A_1534 = arith.constant 0 : index
        %get3A_1535 = tpu.vector_load %arg10[%get3A_1533, %get3A_1534] {strides = array<i32>} : memref<400x64xf32, #tpu.memory_space<vmem>>, vector<16xf32>,
        %mul3A_1536 = arith.mulf %gather3A_1530, %get3A_1535 : vector<16xf32>
        %add3A_1537 = arith.addf %add3A_1473, %mul3A_1536 : vector<16xf32>
        %add3A_1538 = arith.constant 38 : i32
        %add3A_1539 = arith.addi %mul3A_284, %add3A_1538 : i32
        %get3A_1540 = arith.index_cast %add3A_1539 : i32 to index
        %get3A_1541 = arith.constant 16 : index
        %get3A_1542 = tpu.vector_load %arg10[%get3A_1540, %get3A_1541] {strides = array<i32>} : memref<400x64xf32, #tpu.memory_space<vmem>>, vector<16xf32>,
        %mul3A_1543 = arith.mulf %gather3A_1530, %get3A_1542 : vector<16xf32>
        %add3A_1544 = arith.addf %add3A_1480, %mul3A_1543 : vector<16xf32>
        %add3A_1545 = arith.constant 38 : i32
        %add3A_1546 = arith.addi %mul3A_284, %add3A_1545 : i32
        %get3A_1547 = arith.index_cast %add3A_1546 : i32 to index
        %get3A_1548 = arith.constant 32 : index
        %get3A_1549 = tpu.vector_load %arg10[%get3A_1547, %get3A_1548] {strides = array<i32>} : memref<400x64xf32, #tpu.memory_space<vmem>>, vector<16xf32>,
        %mul3A_1550 = arith.mulf %gather3A_1530, %get3A_1549 : vector<16xf32>
        %add3A_1551 = arith.addf %add3A_1487, %mul3A_1550 : vector<16xf32>
        %add3A_1552 = arith.constant 38 : i32
        %add3A_1553 = arith.addi %mul3A_284, %add3A_1552 : i32
        %get3A_1554 = arith.index_cast %add3A_1553 : i32 to index
        %get3A_1555 = arith.constant 48 : index
        %get3A_1556 = tpu.vector_load %arg10[%get3A_1554, %get3A_1555] {strides = array<i32>} : memref<400x64xf32, #tpu.memory_space<vmem>>, vector<16xf32>,
        %mul3A_1557 = arith.mulf %gather3A_1530, %get3A_1556 : vector<16xf32>
        %add3A_1558 = arith.addf %add3A_1494, %mul3A_1557 : vector<16xf32>
        %broadcast_in_dim3A_1559 = arith.constant 7 : i32
        %broadcast_in_dim3A_1560 = vector.broadcast %broadcast_in_dim3A_1559 : i32 to vector<16x1xi32>
        %gather3A_1561 = vector.shape_cast %broadcast_in_dim3A_1560 : vector<16x1xi32> to vector<16xi32>
        %gather3A_1562 = tpu.dynamic_gather %gather3A_298[%gather3A_1561] in [0] : vector<16xf32>, vector<16xi32> -> vector<16xf32>
        %add3A_1563 = arith.constant 39 : i32
        %add3A_1564 = arith.addi %mul3A_284, %add3A_1563 : i32
        %get3A_1565 = arith.index_cast %add3A_1564 : i32 to index
        %get3A_1566 = arith.constant 0 : index
        %get3A_1567 = tpu.vector_load %arg10[%get3A_1565, %get3A_1566] {strides = array<i32>} : memref<400x64xf32, #tpu.memory_space<vmem>>, vector<16xf32>,
        %mul3A_1568 = arith.mulf %gather3A_1562, %get3A_1567 : vector<16xf32>
        %add3A_1569 = arith.addf %add3A_1505, %mul3A_1568 : vector<16xf32>
        %add3A_1570 = arith.constant 39 : i32
        %add3A_1571 = arith.addi %mul3A_284, %add3A_1570 : i32
        %get3A_1572 = arith.index_cast %add3A_1571 : i32 to index
        %get3A_1573 = arith.constant 16 : index
        %get3A_1574 = tpu.vector_load %arg10[%get3A_1572, %get3A_1573] {strides = array<i32>} : memref<400x64xf32, #tpu.memory_space<vmem>>, vector<16xf32>,
        %mul3A_1575 = arith.mulf %gather3A_1562, %get3A_1574 : vector<16xf32>
        %add3A_1576 = arith.addf %add3A_1512, %mul3A_1575 : vector<16xf32>
        %add3A_1577 = arith.constant 39 : i32
        %add3A_1578 = arith.addi %mul3A_284, %add3A_1577 : i32
        %get3A_1579 = arith.index_cast %add3A_1578 : i32 to index
        %get3A_1580 = arith.constant 32 : index
        %get3A_1581 = tpu.vector_load %arg10[%get3A_1579, %get3A_1580] {strides = array<i32>} : memref<400x64xf32, #tpu.memory_space<vmem>>, vector<16xf32>,
        %mul3A_1582 = arith.mulf %gather3A_1562, %get3A_1581 : vector<16xf32>
        %add3A_1583 = arith.addf %add3A_1519, %mul3A_1582 : vector<16xf32>
        %add3A_1584 = arith.constant 39 : i32
        %add3A_1585 = arith.addi %mul3A_284, %add3A_1584 : i32
        %get3A_1586 = arith.index_cast %add3A_1585 : i32 to index
        %get3A_1587 = arith.constant 48 : index
        %get3A_1588 = tpu.vector_load %arg10[%get3A_1586, %get3A_1587] {strides = array<i32>} : memref<400x64xf32, #tpu.memory_space<vmem>>, vector<16xf32>,
        %mul3A_1589 = arith.mulf %gather3A_1562, %get3A_1588 : vector<16xf32>
        %add3A_1590 = arith.addf %add3A_1526, %mul3A_1589 : vector<16xf32>
        %broadcast_in_dim3A_1591 = arith.constant 8 : i32
        %broadcast_in_dim3A_1592 = vector.broadcast %broadcast_in_dim3A_1591 : i32 to vector<16x1xi32>
        %gather3A_1593 = vector.shape_cast %broadcast_in_dim3A_1592 : vector<16x1xi32> to vector<16xi32>
        %gather3A_1594 = tpu.dynamic_gather %gather3A_298[%gather3A_1593] in [0] : vector<16xf32>, vector<16xi32> -> vector<16xf32>
        %add3A_1595 = arith.constant 40 : i32
        %add3A_1596 = arith.addi %mul3A_284, %add3A_1595 : i32
        %get3A_1597 = arith.index_cast %add3A_1596 : i32 to index
        %get3A_1598 = arith.constant 0 : index
        %get3A_1599 = tpu.vector_load %arg10[%get3A_1597, %get3A_1598] {strides = array<i32>} : memref<400x64xf32, #tpu.memory_space<vmem>>, vector<16xf32>,
        %mul3A_1600 = arith.mulf %gather3A_1594, %get3A_1599 : vector<16xf32>
        %add3A_1601 = arith.addf %add3A_1537, %mul3A_1600 : vector<16xf32>
        %add3A_1602 = arith.constant 40 : i32
        %add3A_1603 = arith.addi %mul3A_284, %add3A_1602 : i32
        %get3A_1604 = arith.index_cast %add3A_1603 : i32 to index
        %get3A_1605 = arith.constant 16 : index
        %get3A_1606 = tpu.vector_load %arg10[%get3A_1604, %get3A_1605] {strides = array<i32>} : memref<400x64xf32, #tpu.memory_space<vmem>>, vector<16xf32>,
        %mul3A_1607 = arith.mulf %gather3A_1594, %get3A_1606 : vector<16xf32>
        %add3A_1608 = arith.addf %add3A_1544, %mul3A_1607 : vector<16xf32>
        %add3A_1609 = arith.constant 40 : i32
        %add3A_1610 = arith.addi %mul3A_284, %add3A_1609 : i32
        %get3A_1611 = arith.index_cast %add3A_1610 : i32 to index
        %get3A_1612 = arith.constant 32 : index
        %get3A_1613 = tpu.vector_load %arg10[%get3A_1611, %get3A_1612] {strides = array<i32>} : memref<400x64xf32, #tpu.memory_space<vmem>>, vector<16xf32>,
        %mul3A_1614 = arith.mulf %gather3A_1594, %get3A_1613 : vector<16xf32>
        %add3A_1615 = arith.addf %add3A_1551, %mul3A_1614 : vector<16xf32>
        %add3A_1616 = arith.constant 40 : i32
        %add3A_1617 = arith.addi %mul3A_284, %add3A_1616 : i32
        %get3A_1618 = arith.index_cast %add3A_1617 : i32 to index
        %get3A_1619 = arith.constant 48 : index
        %get3A_1620 = tpu.vector_load %arg10[%get3A_1618, %get3A_1619] {strides = array<i32>} : memref<400x64xf32, #tpu.memory_space<vmem>>, vector<16xf32>,
        %mul3A_1621 = arith.mulf %gather3A_1594, %get3A_1620 : vector<16xf32>
        %add3A_1622 = arith.addf %add3A_1558, %mul3A_1621 : vector<16xf32>
        %broadcast_in_dim3A_1623 = arith.constant 9 : i32
        %broadcast_in_dim3A_1624 = vector.broadcast %broadcast_in_dim3A_1623 : i32 to vector<16x1xi32>
        %gather3A_1625 = vector.shape_cast %broadcast_in_dim3A_1624 : vector<16x1xi32> to vector<16xi32>
        %gather3A_1626 = tpu.dynamic_gather %gather3A_298[%gather3A_1625] in [0] : vector<16xf32>, vector<16xi32> -> vector<16xf32>
        %add3A_1627 = arith.constant 41 : i32
        %add3A_1628 = arith.addi %mul3A_284, %add3A_1627 : i32
        %get3A_1629 = arith.index_cast %add3A_1628 : i32 to index
        %get3A_1630 = arith.constant 0 : index
        %get3A_1631 = tpu.vector_load %arg10[%get3A_1629, %get3A_1630] {strides = array<i32>} : memref<400x64xf32, #tpu.memory_space<vmem>>, vector<16xf32>,
        %mul3A_1632 = arith.mulf %gather3A_1626, %get3A_1631 : vector<16xf32>
        %add3A_1633 = arith.addf %add3A_1569, %mul3A_1632 : vector<16xf32>
        %add3A_1634 = arith.constant 41 : i32
        %add3A_1635 = arith.addi %mul3A_284, %add3A_1634 : i32
        %get3A_1636 = arith.index_cast %add3A_1635 : i32 to index
        %get3A_1637 = arith.constant 16 : index
        %get3A_1638 = tpu.vector_load %arg10[%get3A_1636, %get3A_1637] {strides = array<i32>} : memref<400x64xf32, #tpu.memory_space<vmem>>, vector<16xf32>,
        %mul3A_1639 = arith.mulf %gather3A_1626, %get3A_1638 : vector<16xf32>
        %add3A_1640 = arith.addf %add3A_1576, %mul3A_1639 : vector<16xf32>
        %add3A_1641 = arith.constant 41 : i32
        %add3A_1642 = arith.addi %mul3A_284, %add3A_1641 : i32
        %get3A_1643 = arith.index_cast %add3A_1642 : i32 to index
        %get3A_1644 = arith.constant 32 : index
        %get3A_1645 = tpu.vector_load %arg10[%get3A_1643, %get3A_1644] {strides = array<i32>} : memref<400x64xf32, #tpu.memory_space<vmem>>, vector<16xf32>,
        %mul3A_1646 = arith.mulf %gather3A_1626, %get3A_1645 : vector<16xf32>
        %add3A_1647 = arith.addf %add3A_1583, %mul3A_1646 : vector<16xf32>
        %add3A_1648 = arith.constant 41 : i32
        %add3A_1649 = arith.addi %mul3A_284, %add3A_1648 : i32
        %get3A_1650 = arith.index_cast %add3A_1649 : i32 to index
        %get3A_1651 = arith.constant 48 : index
        %get3A_1652 = tpu.vector_load %arg10[%get3A_1650, %get3A_1651] {strides = array<i32>} : memref<400x64xf32, #tpu.memory_space<vmem>>, vector<16xf32>,
        %mul3A_1653 = arith.mulf %gather3A_1626, %get3A_1652 : vector<16xf32>
        %add3A_1654 = arith.addf %add3A_1590, %mul3A_1653 : vector<16xf32>
        %broadcast_in_dim3A_1655 = arith.constant 10 : i32
        %broadcast_in_dim3A_1656 = vector.broadcast %broadcast_in_dim3A_1655 : i32 to vector<16x1xi32>
        %gather3A_1657 = vector.shape_cast %broadcast_in_dim3A_1656 : vector<16x1xi32> to vector<16xi32>
        %gather3A_1658 = tpu.dynamic_gather %gather3A_298[%gather3A_1657] in [0] : vector<16xf32>, vector<16xi32> -> vector<16xf32>
        %add3A_1659 = arith.constant 42 : i32
        %add3A_1660 = arith.addi %mul3A_284, %add3A_1659 : i32
        %get3A_1661 = arith.index_cast %add3A_1660 : i32 to index
        %get3A_1662 = arith.constant 0 : index
        %get3A_1663 = tpu.vector_load %arg10[%get3A_1661, %get3A_1662] {strides = array<i32>} : memref<400x64xf32, #tpu.memory_space<vmem>>, vector<16xf32>,
        %mul3A_1664 = arith.mulf %gather3A_1658, %get3A_1663 : vector<16xf32>
        %add3A_1665 = arith.addf %add3A_1601, %mul3A_1664 : vector<16xf32>
        %add3A_1666 = arith.constant 42 : i32
        %add3A_1667 = arith.addi %mul3A_284, %add3A_1666 : i32
        %get3A_1668 = arith.index_cast %add3A_1667 : i32 to index
        %get3A_1669 = arith.constant 16 : index
        %get3A_1670 = tpu.vector_load %arg10[%get3A_1668, %get3A_1669] {strides = array<i32>} : memref<400x64xf32, #tpu.memory_space<vmem>>, vector<16xf32>,
        %mul3A_1671 = arith.mulf %gather3A_1658, %get3A_1670 : vector<16xf32>
        %add3A_1672 = arith.addf %add3A_1608, %mul3A_1671 : vector<16xf32>
        %add3A_1673 = arith.constant 42 : i32
        %add3A_1674 = arith.addi %mul3A_284, %add3A_1673 : i32
        %get3A_1675 = arith.index_cast %add3A_1674 : i32 to index
        %get3A_1676 = arith.constant 32 : index
        %get3A_1677 = tpu.vector_load %arg10[%get3A_1675, %get3A_1676] {strides = array<i32>} : memref<400x64xf32, #tpu.memory_space<vmem>>, vector<16xf32>,
        %mul3A_1678 = arith.mulf %gather3A_1658, %get3A_1677 : vector<16xf32>
        %add3A_1679 = arith.addf %add3A_1615, %mul3A_1678 : vector<16xf32>
        %add3A_1680 = arith.constant 42 : i32
        %add3A_1681 = arith.addi %mul3A_284, %add3A_1680 : i32
        %get3A_1682 = arith.index_cast %add3A_1681 : i32 to index
        %get3A_1683 = arith.constant 48 : index
        %get3A_1684 = tpu.vector_load %arg10[%get3A_1682, %get3A_1683] {strides = array<i32>} : memref<400x64xf32, #tpu.memory_space<vmem>>, vector<16xf32>,
        %mul3A_1685 = arith.mulf %gather3A_1658, %get3A_1684 : vector<16xf32>
        %add3A_1686 = arith.addf %add3A_1622, %mul3A_1685 : vector<16xf32>
        %broadcast_in_dim3A_1687 = arith.constant 11 : i32
        %broadcast_in_dim3A_1688 = vector.broadcast %broadcast_in_dim3A_1687 : i32 to vector<16x1xi32>
        %gather3A_1689 = vector.shape_cast %broadcast_in_dim3A_1688 : vector<16x1xi32> to vector<16xi32>
        %gather3A_1690 = tpu.dynamic_gather %gather3A_298[%gather3A_1689] in [0] : vector<16xf32>, vector<16xi32> -> vector<16xf32>
        %add3A_1691 = arith.constant 43 : i32
        %add3A_1692 = arith.addi %mul3A_284, %add3A_1691 : i32
        %get3A_1693 = arith.index_cast %add3A_1692 : i32 to index
        %get3A_1694 = arith.constant 0 : index
        %get3A_1695 = tpu.vector_load %arg10[%get3A_1693, %get3A_1694] {strides = array<i32>} : memref<400x64xf32, #tpu.memory_space<vmem>>, vector<16xf32>,
        %mul3A_1696 = arith.mulf %gather3A_1690, %get3A_1695 : vector<16xf32>
        %add3A_1697 = arith.addf %add3A_1633, %mul3A_1696 : vector<16xf32>
        %add3A_1698 = arith.constant 43 : i32
        %add3A_1699 = arith.addi %mul3A_284, %add3A_1698 : i32
        %get3A_1700 = arith.index_cast %add3A_1699 : i32 to index
        %get3A_1701 = arith.constant 16 : index
        %get3A_1702 = tpu.vector_load %arg10[%get3A_1700, %get3A_1701] {strides = array<i32>} : memref<400x64xf32, #tpu.memory_space<vmem>>, vector<16xf32>,
        %mul3A_1703 = arith.mulf %gather3A_1690, %get3A_1702 : vector<16xf32>
        %add3A_1704 = arith.addf %add3A_1640, %mul3A_1703 : vector<16xf32>
        %add3A_1705 = arith.constant 43 : i32
        %add3A_1706 = arith.addi %mul3A_284, %add3A_1705 : i32
        %get3A_1707 = arith.index_cast %add3A_1706 : i32 to index
        %get3A_1708 = arith.constant 32 : index
        %get3A_1709 = tpu.vector_load %arg10[%get3A_1707, %get3A_1708] {strides = array<i32>} : memref<400x64xf32, #tpu.memory_space<vmem>>, vector<16xf32>,
        %mul3A_1710 = arith.mulf %gather3A_1690, %get3A_1709 : vector<16xf32>
        %add3A_1711 = arith.addf %add3A_1647, %mul3A_1710 : vector<16xf32>
        %add3A_1712 = arith.constant 43 : i32
        %add3A_1713 = arith.addi %mul3A_284, %add3A_1712 : i32
        %get3A_1714 = arith.index_cast %add3A_1713 : i32 to index
        %get3A_1715 = arith.constant 48 : index
        %get3A_1716 = tpu.vector_load %arg10[%get3A_1714, %get3A_1715] {strides = array<i32>} : memref<400x64xf32, #tpu.memory_space<vmem>>, vector<16xf32>,
        %mul3A_1717 = arith.mulf %gather3A_1690, %get3A_1716 : vector<16xf32>
        %add3A_1718 = arith.addf %add3A_1654, %mul3A_1717 : vector<16xf32>
        %broadcast_in_dim3A_1719 = arith.constant 12 : i32
        %broadcast_in_dim3A_1720 = vector.broadcast %broadcast_in_dim3A_1719 : i32 to vector<16x1xi32>
        %gather3A_1721 = vector.shape_cast %broadcast_in_dim3A_1720 : vector<16x1xi32> to vector<16xi32>
        %gather3A_1722 = tpu.dynamic_gather %gather3A_298[%gather3A_1721] in [0] : vector<16xf32>, vector<16xi32> -> vector<16xf32>
        %add3A_1723 = arith.constant 44 : i32
        %add3A_1724 = arith.addi %mul3A_284, %add3A_1723 : i32
        %get3A_1725 = arith.index_cast %add3A_1724 : i32 to index
        %get3A_1726 = arith.constant 0 : index
        %get3A_1727 = tpu.vector_load %arg10[%get3A_1725, %get3A_1726] {strides = array<i32>} : memref<400x64xf32, #tpu.memory_space<vmem>>, vector<16xf32>,
        %mul3A_1728 = arith.mulf %gather3A_1722, %get3A_1727 : vector<16xf32>
        %add3A_1729 = arith.addf %add3A_1665, %mul3A_1728 : vector<16xf32>
        %add3A_1730 = arith.constant 44 : i32
        %add3A_1731 = arith.addi %mul3A_284, %add3A_1730 : i32
        %get3A_1732 = arith.index_cast %add3A_1731 : i32 to index
        %get3A_1733 = arith.constant 16 : index
        %get3A_1734 = tpu.vector_load %arg10[%get3A_1732, %get3A_1733] {strides = array<i32>} : memref<400x64xf32, #tpu.memory_space<vmem>>, vector<16xf32>,
        %mul3A_1735 = arith.mulf %gather3A_1722, %get3A_1734 : vector<16xf32>
        %add3A_1736 = arith.addf %add3A_1672, %mul3A_1735 : vector<16xf32>
        %add3A_1737 = arith.constant 44 : i32
        %add3A_1738 = arith.addi %mul3A_284, %add3A_1737 : i32
        %get3A_1739 = arith.index_cast %add3A_1738 : i32 to index
        %get3A_1740 = arith.constant 32 : index
        %get3A_1741 = tpu.vector_load %arg10[%get3A_1739, %get3A_1740] {strides = array<i32>} : memref<400x64xf32, #tpu.memory_space<vmem>>, vector<16xf32>,
        %mul3A_1742 = arith.mulf %gather3A_1722, %get3A_1741 : vector<16xf32>
        %add3A_1743 = arith.addf %add3A_1679, %mul3A_1742 : vector<16xf32>
        %add3A_1744 = arith.constant 44 : i32
        %add3A_1745 = arith.addi %mul3A_284, %add3A_1744 : i32
        %get3A_1746 = arith.index_cast %add3A_1745 : i32 to index
        %get3A_1747 = arith.constant 48 : index
        %get3A_1748 = tpu.vector_load %arg10[%get3A_1746, %get3A_1747] {strides = array<i32>} : memref<400x64xf32, #tpu.memory_space<vmem>>, vector<16xf32>,
        %mul3A_1749 = arith.mulf %gather3A_1722, %get3A_1748 : vector<16xf32>
        %add3A_1750 = arith.addf %add3A_1686, %mul3A_1749 : vector<16xf32>
        %broadcast_in_dim3A_1751 = arith.constant 13 : i32
        %broadcast_in_dim3A_1752 = vector.broadcast %broadcast_in_dim3A_1751 : i32 to vector<16x1xi32>
        %gather3A_1753 = vector.shape_cast %broadcast_in_dim3A_1752 : vector<16x1xi32> to vector<16xi32>
        %gather3A_1754 = tpu.dynamic_gather %gather3A_298[%gather3A_1753] in [0] : vector<16xf32>, vector<16xi32> -> vector<16xf32>
        %add3A_1755 = arith.constant 45 : i32
        %add3A_1756 = arith.addi %mul3A_284, %add3A_1755 : i32
        %get3A_1757 = arith.index_cast %add3A_1756 : i32 to index
        %get3A_1758 = arith.constant 0 : index
        %get3A_1759 = tpu.vector_load %arg10[%get3A_1757, %get3A_1758] {strides = array<i32>} : memref<400x64xf32, #tpu.memory_space<vmem>>, vector<16xf32>,
        %mul3A_1760 = arith.mulf %gather3A_1754, %get3A_1759 : vector<16xf32>
        %add3A_1761 = arith.addf %add3A_1697, %mul3A_1760 : vector<16xf32>
        %add3A_1762 = arith.constant 45 : i32
        %add3A_1763 = arith.addi %mul3A_284, %add3A_1762 : i32
        %get3A_1764 = arith.index_cast %add3A_1763 : i32 to index
        %get3A_1765 = arith.constant 16 : index
        %get3A_1766 = tpu.vector_load %arg10[%get3A_1764, %get3A_1765] {strides = array<i32>} : memref<400x64xf32, #tpu.memory_space<vmem>>, vector<16xf32>,
        %mul3A_1767 = arith.mulf %gather3A_1754, %get3A_1766 : vector<16xf32>
        %add3A_1768 = arith.addf %add3A_1704, %mul3A_1767 : vector<16xf32>
        %add3A_1769 = arith.constant 45 : i32
        %add3A_1770 = arith.addi %mul3A_284, %add3A_1769 : i32
        %get3A_1771 = arith.index_cast %add3A_1770 : i32 to index
        %get3A_1772 = arith.constant 32 : index
        %get3A_1773 = tpu.vector_load %arg10[%get3A_1771, %get3A_1772] {strides = array<i32>} : memref<400x64xf32, #tpu.memory_space<vmem>>, vector<16xf32>,
        %mul3A_1774 = arith.mulf %gather3A_1754, %get3A_1773 : vector<16xf32>
        %add3A_1775 = arith.addf %add3A_1711, %mul3A_1774 : vector<16xf32>
        %add3A_1776 = arith.constant 45 : i32
        %add3A_1777 = arith.addi %mul3A_284, %add3A_1776 : i32
        %get3A_1778 = arith.index_cast %add3A_1777 : i32 to index
        %get3A_1779 = arith.constant 48 : index
        %get3A_1780 = tpu.vector_load %arg10[%get3A_1778, %get3A_1779] {strides = array<i32>} : memref<400x64xf32, #tpu.memory_space<vmem>>, vector<16xf32>,
        %mul3A_1781 = arith.mulf %gather3A_1754, %get3A_1780 : vector<16xf32>
        %add3A_1782 = arith.addf %add3A_1718, %mul3A_1781 : vector<16xf32>
        %broadcast_in_dim3A_1783 = arith.constant 14 : i32
        %broadcast_in_dim3A_1784 = vector.broadcast %broadcast_in_dim3A_1783 : i32 to vector<16x1xi32>
        %gather3A_1785 = vector.shape_cast %broadcast_in_dim3A_1784 : vector<16x1xi32> to vector<16xi32>
        %gather3A_1786 = tpu.dynamic_gather %gather3A_298[%gather3A_1785] in [0] : vector<16xf32>, vector<16xi32> -> vector<16xf32>
        %add3A_1787 = arith.constant 46 : i32
        %add3A_1788 = arith.addi %mul3A_284, %add3A_1787 : i32
        %get3A_1789 = arith.index_cast %add3A_1788 : i32 to index
        %get3A_1790 = arith.constant 0 : index
        %get3A_1791 = tpu.vector_load %arg10[%get3A_1789, %get3A_1790] {strides = array<i32>} : memref<400x64xf32, #tpu.memory_space<vmem>>, vector<16xf32>,
        %mul3A_1792 = arith.mulf %gather3A_1786, %get3A_1791 : vector<16xf32>
        %add3A_1793 = arith.addf %add3A_1729, %mul3A_1792 : vector<16xf32>
        %add3A_1794 = arith.constant 46 : i32
        %add3A_1795 = arith.addi %mul3A_284, %add3A_1794 : i32
        %get3A_1796 = arith.index_cast %add3A_1795 : i32 to index
        %get3A_1797 = arith.constant 16 : index
        %get3A_1798 = tpu.vector_load %arg10[%get3A_1796, %get3A_1797] {strides = array<i32>} : memref<400x64xf32, #tpu.memory_space<vmem>>, vector<16xf32>,
        %mul3A_1799 = arith.mulf %gather3A_1786, %get3A_1798 : vector<16xf32>
        %add3A_1800 = arith.addf %add3A_1736, %mul3A_1799 : vector<16xf32>
        %add3A_1801 = arith.constant 46 : i32
        %add3A_1802 = arith.addi %mul3A_284, %add3A_1801 : i32
        %get3A_1803 = arith.index_cast %add3A_1802 : i32 to index
        %get3A_1804 = arith.constant 32 : index
        %get3A_1805 = tpu.vector_load %arg10[%get3A_1803, %get3A_1804] {strides = array<i32>} : memref<400x64xf32, #tpu.memory_space<vmem>>, vector<16xf32>,
        %mul3A_1806 = arith.mulf %gather3A_1786, %get3A_1805 : vector<16xf32>
        %add3A_1807 = arith.addf %add3A_1743, %mul3A_1806 : vector<16xf32>
        %add3A_1808 = arith.constant 46 : i32
        %add3A_1809 = arith.addi %mul3A_284, %add3A_1808 : i32
        %get3A_1810 = arith.index_cast %add3A_1809 : i32 to index
        %get3A_1811 = arith.constant 48 : index
        %get3A_1812 = tpu.vector_load %arg10[%get3A_1810, %get3A_1811] {strides = array<i32>} : memref<400x64xf32, #tpu.memory_space<vmem>>, vector<16xf32>,
        %mul3A_1813 = arith.mulf %gather3A_1786, %get3A_1812 : vector<16xf32>
        %add3A_1814 = arith.addf %add3A_1750, %mul3A_1813 : vector<16xf32>
        %broadcast_in_dim3A_1815 = arith.constant 15 : i32
        %broadcast_in_dim3A_1816 = vector.broadcast %broadcast_in_dim3A_1815 : i32 to vector<16x1xi32>
        %gather3A_1817 = vector.shape_cast %broadcast_in_dim3A_1816 : vector<16x1xi32> to vector<16xi32>
        %gather3A_1818 = tpu.dynamic_gather %gather3A_298[%gather3A_1817] in [0] : vector<16xf32>, vector<16xi32> -> vector<16xf32>
        %add3A_1819 = arith.constant 47 : i32
        %add3A_1820 = arith.addi %mul3A_284, %add3A_1819 : i32
        %get3A_1821 = arith.index_cast %add3A_1820 : i32 to index
        %get3A_1822 = arith.constant 0 : index
        %get3A_1823 = tpu.vector_load %arg10[%get3A_1821, %get3A_1822] {strides = array<i32>} : memref<400x64xf32, #tpu.memory_space<vmem>>, vector<16xf32>,
        %mul3A_1824 = arith.mulf %gather3A_1818, %get3A_1823 : vector<16xf32>
        %add3A_1825 = arith.addf %add3A_1761, %mul3A_1824 : vector<16xf32>
        %add3A_1826 = arith.constant 47 : i32
        %add3A_1827 = arith.addi %mul3A_284, %add3A_1826 : i32
        %get3A_1828 = arith.index_cast %add3A_1827 : i32 to index
        %get3A_1829 = arith.constant 16 : index
        %get3A_1830 = tpu.vector_load %arg10[%get3A_1828, %get3A_1829] {strides = array<i32>} : memref<400x64xf32, #tpu.memory_space<vmem>>, vector<16xf32>,
        %mul3A_1831 = arith.mulf %gather3A_1818, %get3A_1830 : vector<16xf32>
        %add3A_1832 = arith.addf %add3A_1768, %mul3A_1831 : vector<16xf32>
        %add3A_1833 = arith.constant 47 : i32
        %add3A_1834 = arith.addi %mul3A_284, %add3A_1833 : i32
        %get3A_1835 = arith.index_cast %add3A_1834 : i32 to index
        %get3A_1836 = arith.constant 32 : index
        %get3A_1837 = tpu.vector_load %arg10[%get3A_1835, %get3A_1836] {strides = array<i32>} : memref<400x64xf32, #tpu.memory_space<vmem>>, vector<16xf32>,
        %mul3A_1838 = arith.mulf %gather3A_1818, %get3A_1837 : vector<16xf32>
        %add3A_1839 = arith.addf %add3A_1775, %mul3A_1838 : vector<16xf32>
        %add3A_1840 = arith.constant 47 : i32
        %add3A_1841 = arith.addi %mul3A_284, %add3A_1840 : i32
        %get3A_1842 = arith.index_cast %add3A_1841 : i32 to index
        %get3A_1843 = arith.constant 48 : index
        %get3A_1844 = tpu.vector_load %arg10[%get3A_1842, %get3A_1843] {strides = array<i32>} : memref<400x64xf32, #tpu.memory_space<vmem>>, vector<16xf32>,
        %mul3A_1845 = arith.mulf %gather3A_1818, %get3A_1844 : vector<16xf32>
        %add3A_1846 = arith.addf %add3A_1782, %mul3A_1845 : vector<16xf32>
        %broadcast_in_dim3A_1847 = arith.constant 14 : i32
        %broadcast_in_dim3A_1848 = vector.broadcast %broadcast_in_dim3A_1847 : i32 to vector<16x1xi32>
        %gather3A_1849 = vector.shape_cast %broadcast_in_dim3A_1848 : vector<16x1xi32> to vector<16xi32>
        %gather3A_1850 = tpu.dynamic_gather %gather3A_302[%gather3A_1849] in [0] : vector<16xf32>, vector<16xi32> -> vector<16xf32>
        %add3A_1851 = arith.constant 48 : i32
        %add3A_1852 = arith.addi %mul3A_284, %add3A_1851 : i32
        %get3A_1853 = arith.index_cast %add3A_1852 : i32 to index
        %get3A_1854 = arith.constant 0 : index
        %get3A_1855 = tpu.vector_load %arg10[%get3A_1853, %get3A_1854] {strides = array<i32>} : memref<400x64xf32, #tpu.memory_space<vmem>>, vector<16xf32>,
        %mul3A_1856 = arith.mulf %gather3A_1850, %get3A_1855 : vector<16xf32>
        %add3A_1857 = arith.addf %add3A_1793, %mul3A_1856 : vector<16xf32>
        %add3A_1858 = arith.constant 48 : i32
        %add3A_1859 = arith.addi %mul3A_284, %add3A_1858 : i32
        %get3A_1860 = arith.index_cast %add3A_1859 : i32 to index
        %get3A_1861 = arith.constant 16 : index
        %get3A_1862 = tpu.vector_load %arg10[%get3A_1860, %get3A_1861] {strides = array<i32>} : memref<400x64xf32, #tpu.memory_space<vmem>>, vector<16xf32>,
        %mul3A_1863 = arith.mulf %gather3A_1850, %get3A_1862 : vector<16xf32>
        %add3A_1864 = arith.addf %add3A_1800, %mul3A_1863 : vector<16xf32>
        %add3A_1865 = arith.constant 48 : i32
        %add3A_1866 = arith.addi %mul3A_284, %add3A_1865 : i32
        %get3A_1867 = arith.index_cast %add3A_1866 : i32 to index
        %get3A_1868 = arith.constant 32 : index
        %get3A_1869 = tpu.vector_load %arg10[%get3A_1867, %get3A_1868] {strides = array<i32>} : memref<400x64xf32, #tpu.memory_space<vmem>>, vector<16xf32>,
        %mul3A_1870 = arith.mulf %gather3A_1850, %get3A_1869 : vector<16xf32>
        %add3A_1871 = arith.addf %add3A_1807, %mul3A_1870 : vector<16xf32>
        %add3A_1872 = arith.constant 48 : i32
        %add3A_1873 = arith.addi %mul3A_284, %add3A_1872 : i32
        %get3A_1874 = arith.index_cast %add3A_1873 : i32 to index
        %get3A_1875 = arith.constant 48 : index
        %get3A_1876 = tpu.vector_load %arg10[%get3A_1874, %get3A_1875] {strides = array<i32>} : memref<400x64xf32, #tpu.memory_space<vmem>>, vector<16xf32>,
        %mul3A_1877 = arith.mulf %gather3A_1850, %get3A_1876 : vector<16xf32>
        %add3A_1878 = arith.addf %add3A_1814, %mul3A_1877 : vector<16xf32>
        %broadcast_in_dim3A_1879 = arith.constant 15 : i32
        %broadcast_in_dim3A_1880 = vector.broadcast %broadcast_in_dim3A_1879 : i32 to vector<16x1xi32>
        %gather3A_1881 = vector.shape_cast %broadcast_in_dim3A_1880 : vector<16x1xi32> to vector<16xi32>
        %gather3A_1882 = tpu.dynamic_gather %gather3A_302[%gather3A_1881] in [0] : vector<16xf32>, vector<16xi32> -> vector<16xf32>
        %add3A_1883 = arith.constant 49 : i32
        %add3A_1884 = arith.addi %mul3A_284, %add3A_1883 : i32
        %get3A_1885 = arith.index_cast %add3A_1884 : i32 to index
        %get3A_1886 = arith.constant 0 : index
        %get3A_1887 = tpu.vector_load %arg10[%get3A_1885, %get3A_1886] {strides = array<i32>} : memref<400x64xf32, #tpu.memory_space<vmem>>, vector<16xf32>,
        %mul3A_1888 = arith.mulf %gather3A_1882, %get3A_1887 : vector<16xf32>
        %add3A_1889 = arith.addf %add3A_1825, %mul3A_1888 : vector<16xf32>
        %add3A_1890 = arith.constant 49 : i32
        %add3A_1891 = arith.addi %mul3A_284, %add3A_1890 : i32
        %get3A_1892 = arith.index_cast %add3A_1891 : i32 to index
        %get3A_1893 = arith.constant 16 : index
        %get3A_1894 = tpu.vector_load %arg10[%get3A_1892, %get3A_1893] {strides = array<i32>} : memref<400x64xf32, #tpu.memory_space<vmem>>, vector<16xf32>,
        %mul3A_1895 = arith.mulf %gather3A_1882, %get3A_1894 : vector<16xf32>
        %add3A_1896 = arith.addf %add3A_1832, %mul3A_1895 : vector<16xf32>
        %add3A_1897 = arith.constant 49 : i32
        %add3A_1898 = arith.addi %mul3A_284, %add3A_1897 : i32
        %get3A_1899 = arith.index_cast %add3A_1898 : i32 to index
        %get3A_1900 = arith.constant 32 : index
        %get3A_1901 = tpu.vector_load %arg10[%get3A_1899, %get3A_1900] {strides = array<i32>} : memref<400x64xf32, #tpu.memory_space<vmem>>, vector<16xf32>,
        %mul3A_1902 = arith.mulf %gather3A_1882, %get3A_1901 : vector<16xf32>
        %add3A_1903 = arith.addf %add3A_1839, %mul3A_1902 : vector<16xf32>
        %add3A_1904 = arith.constant 49 : i32
        %add3A_1905 = arith.addi %mul3A_284, %add3A_1904 : i32
        %get3A_1906 = arith.index_cast %add3A_1905 : i32 to index
        %get3A_1907 = arith.constant 48 : index
        %get3A_1908 = tpu.vector_load %arg10[%get3A_1906, %get3A_1907] {strides = array<i32>} : memref<400x64xf32, #tpu.memory_space<vmem>>, vector<16xf32>,
        %mul3A_1909 = arith.mulf %gather3A_1882, %get3A_1908 : vector<16xf32>
        %add3A_1910 = arith.addf %add3A_1846, %mul3A_1909 : vector<16xf32>
        %add3A_1911 = arith.addf %add3A_1857, %add3A_1889 : vector<16xf32>
        %swap3A = arith.index_cast %add3A_282 : i32 to index
        %swap3A_1912 = arith.constant 0 : index
        %swap3A_1913 = tpu.vector_load %arg12[%swap3A, %swap3A_1912] {strides = array<i32>} : memref<8x64xf32, #tpu.memory_space<vmem>>, vector<16xf32>,
        tpu.vector_store %arg12[%swap3A, %swap3A_1912], %add3A_1911 {strides = array<i32>} : memref<8x64xf32, #tpu.memory_space<vmem>>, vector<16xf32>,
        %add3A_1914 = arith.addf %add3A_1864, %add3A_1896 : vector<16xf32>
        %swap3A_1915 = arith.index_cast %add3A_282 : i32 to index
        %swap3A_1916 = arith.constant 16 : index
        %swap3A_1917 = tpu.vector_load %arg12[%swap3A_1915, %swap3A_1916] {strides = array<i32>} : memref<8x64xf32, #tpu.memory_space<vmem>>, vector<16xf32>,
        tpu.vector_store %arg12[%swap3A_1915, %swap3A_1916], %add3A_1914 {strides = array<i32>} : memref<8x64xf32, #tpu.memory_space<vmem>>, vector<16xf32>,
        %add3A_1918 = arith.addf %add3A_1871, %add3A_1903 : vector<16xf32>
        %swap3A_1919 = arith.index_cast %add3A_282 : i32 to index
        %swap3A_1920 = arith.constant 32 : index
        %swap3A_1921 = tpu.vector_load %arg12[%swap3A_1919, %swap3A_1920] {strides = array<i32>} : memref<8x64xf32, #tpu.memory_space<vmem>>, vector<16xf32>,
        tpu.vector_store %arg12[%swap3A_1919, %swap3A_1920], %add3A_1918 {strides = array<i32>} : memref<8x64xf32, #tpu.memory_space<vmem>>, vector<16xf32>,
        %add3A_1922 = arith.addf %add3A_1878, %add3A_1910 : vector<16xf32>
        %swap3A_1923 = arith.index_cast %add3A_282 : i32 to index
        %swap3A_1924 = arith.constant 48 : index
        %swap3A_1925 = tpu.vector_load %arg12[%swap3A_1923, %swap3A_1924] {strides = array<i32>} : memref<8x64xf32, #tpu.memory_space<vmem>>, vector<16xf32>,
        tpu.vector_store %arg12[%swap3A_1923, %swap3A_1924], %add3A_1922 {strides = array<i32>} : memref<8x64xf32, #tpu.memory_space<vmem>>, vector<16xf32>,
      }
      %scan3A_183 = arith.constant 8 : i32
      %mul3A_184 = arith.constant 512 : i32
      %mul3A_185 = arith.muli %add3A, %mul3A_184 : i32
      %mul3A_186 = arith.constant 8 : i32
      %mul3A_187 = arith.muli %add3A_115, %mul3A_186 : i32
      %add3A_188 = arith.addi %mul3A_185, %mul3A_187 : i32
      %dma_start3A_189 = arith.constant 0 : i32
      %dma_start3A_190 = tpu.memref_slice %arg6[%add3A_188, %dma_start3A_189] : memref<16384x64xf32, #tpu.memory_space<hbm>> -> memref<8x64xf32, #tpu.memory_space<hbm>>
      %dma_start3A_191 = arith.constant 0 : i32
      %dma_start3A_192 = tpu.memref_slice %arg6[%add3A_188, %dma_start3A_191] : memref<16384x64xf32, #tpu.memory_space<hbm>> -> memref<8x64xf32, #tpu.memory_space<hbm>>
      tpu.enqueue_dma source(%arg12 : memref<8x64xf32, #tpu.memory_space<vmem>>) target(%dma_start3A_192 : memref<8x64xf32, #tpu.memory_space<hbm>>) target_semaphore(%arg17 : memref<!tpu.dma_semaphore, #tpu.memory_space<semaphore_mem>>)
      %mul3A_193 = arith.constant 2 : i32
      %mul3A_194 = arith.muli %add3A_111, %mul3A_193 : i32
      %add3A_195 = arith.constant 1 : i32
      %add3A_196 = arith.addi %mul3A_194, %add3A_195 : i32
      %add3A_197 = arith.constant 1 : i32
      %add3A_198 = arith.addi %add3A_196, %add3A_197 : i32
      %lt3A_199 = arith.constant 64 : i32
      %lt3A_200 = arith.cmpi slt, %add3A_198, %lt3A_199 : i32
      %convert_element_type3A_201 = arith.extui %lt3A_200 : i1 to i32
      %cond3A_202 = arith.constant 0 : i32
      %cond3A_203 = arith.cmpi ne, %convert_element_type3A_201, %cond3A_202 : i32
      scf.if %cond3A_203 {
        %add3A_278 = arith.constant 1 : i32
        %add3A_279 = arith.addi %add3A_196, %add3A_278 : i32
        %mul3A_280 = arith.constant 400 : i32
        %mul3A_281 = arith.muli %add3A_279, %mul3A_280 : i32
        %add3A_282 = arith.constant 0 : i32
        %add3A_283 = arith.addi %mul3A_281, %add3A_282 : i32
        %dma_start3A_284 = arith.constant 0 : i32
        %dma_start3A_285 = arith.constant 0 : i32
        %dma_start3A_286 = tpu.memref_slice %arg10[%dma_start3A_284, %dma_start3A_285] : memref<400x64xf32, #tpu.memory_space<vmem>> -> memref<80x64xf32, #tpu.memory_space<vmem>>
        %dma_start3A_287 = tpu.memref_slice %arg7[%add3A_283] : memref<25600xi32, #tpu.memory_space<vmem>> -> memref<80xi32, #tpu.memory_space<vmem>>
        %dma_start3A_288 = arith.constant 0 : i32
        %dma_start3A_289 = arith.constant 0 : i32
        %dma_start3A_290 = tpu.memref_slice %arg4[%dma_start3A_288, %dma_start3A_289] : memref<1015808x64xf32, #tpu.memory_space<hbm>> -> memref<1015808x64xf32, #tpu.memory_space<hbm>>
        tpu.enqueue_indirect_dma source(%dma_start3A_290 : memref<1015808x64xf32, #tpu.memory_space<hbm>>) target(%dma_start3A_286 : memref<80x64xf32, #tpu.memory_space<vmem>>) offsets(%dma_start3A_287 : memref<80xi32, #tpu.memory_space<vmem>>) semaphore(%arg15 : memref<!tpu.dma_semaphore, #tpu.memory_space<semaphore_mem>>)
        %mul3A_291 = arith.constant 400 : i32
        %mul3A_292 = arith.muli %add3A_279, %mul3A_291 : i32
        %add3A_293 = arith.constant 80 : i32
        %add3A_294 = arith.addi %mul3A_292, %add3A_293 : i32
        %dma_start3A_295 = arith.constant 80 : i32
        %dma_start3A_296 = arith.constant 0 : i32
        %dma_start3A_297 = tpu.memref_slice %arg10[%dma_start3A_295, %dma_start3A_296] : memref<400x64xf32, #tpu.memory_space<vmem>> -> memref<80x64xf32, #tpu.memory_space<vmem>>
        %dma_start3A_298 = tpu.memref_slice %arg7[%add3A_294] : memref<25600xi32, #tpu.memory_space<vmem>> -> memref<80xi32, #tpu.memory_space<vmem>>
        %dma_start3A_299 = arith.constant 0 : i32
        %dma_start3A_300 = arith.constant 0 : i32
        %dma_start3A_301 = tpu.memref_slice %arg4[%dma_start3A_299, %dma_start3A_300] : memref<1015808x64xf32, #tpu.memory_space<hbm>> -> memref<1015808x64xf32, #tpu.memory_space<hbm>>
        tpu.enqueue_indirect_dma source(%dma_start3A_301 : memref<1015808x64xf32, #tpu.memory_space<hbm>>) target(%dma_start3A_297 : memref<80x64xf32, #tpu.memory_space<vmem>>) offsets(%dma_start3A_298 : memref<80xi32, #tpu.memory_space<vmem>>) semaphore(%arg15 : memref<!tpu.dma_semaphore, #tpu.memory_space<semaphore_mem>>)
        %mul3A_302 = arith.constant 400 : i32
        %mul3A_303 = arith.muli %add3A_279, %mul3A_302 : i32
        %add3A_304 = arith.constant 160 : i32
        %add3A_305 = arith.addi %mul3A_303, %add3A_304 : i32
        %dma_start3A_306 = arith.constant 160 : i32
        %dma_start3A_307 = arith.constant 0 : i32
        %dma_start3A_308 = tpu.memref_slice %arg10[%dma_start3A_306, %dma_start3A_307] : memref<400x64xf32, #tpu.memory_space<vmem>> -> memref<80x64xf32, #tpu.memory_space<vmem>>
        %dma_start3A_309 = tpu.memref_slice %arg7[%add3A_305] : memref<25600xi32, #tpu.memory_space<vmem>> -> memref<80xi32, #tpu.memory_space<vmem>>
        %dma_start3A_310 = arith.constant 0 : i32
        %dma_start3A_311 = arith.constant 0 : i32
        %dma_start3A_312 = tpu.memref_slice %arg4[%dma_start3A_310, %dma_start3A_311] : memref<1015808x64xf32, #tpu.memory_space<hbm>> -> memref<1015808x64xf32, #tpu.memory_space<hbm>>
        tpu.enqueue_indirect_dma source(%dma_start3A_312 : memref<1015808x64xf32, #tpu.memory_space<hbm>>) target(%dma_start3A_308 : memref<80x64xf32, #tpu.memory_space<vmem>>) offsets(%dma_start3A_309 : memref<80xi32, #tpu.memory_space<vmem>>) semaphore(%arg15 : memref<!tpu.dma_semaphore, #tpu.memory_space<semaphore_mem>>)
        %mul3A_313 = arith.constant 400 : i32
        %mul3A_314 = arith.muli %add3A_279, %mul3A_313 : i32
        %add3A_315 = arith.constant 240 : i32
        %add3A_316 = arith.addi %mul3A_314, %add3A_315 : i32
        %dma_start3A_317 = arith.constant 240 : i32
        %dma_start3A_318 = arith.constant 0 : i32
        %dma_start3A_319 = tpu.memref_slice %arg10[%dma_start3A_317, %dma_start3A_318] : memref<400x64xf32, #tpu.memory_space<vmem>> -> memref<80x64xf32, #tpu.memory_space<vmem>>
        %dma_start3A_320 = tpu.memref_slice %arg7[%add3A_316] : memref<25600xi32, #tpu.memory_space<vmem>> -> memref<80xi32, #tpu.memory_space<vmem>>
        %dma_start3A_321 = arith.constant 0 : i32
        %dma_start3A_322 = arith.constant 0 : i32
        %dma_start3A_323 = tpu.memref_slice %arg4[%dma_start3A_321, %dma_start3A_322] : memref<1015808x64xf32, #tpu.memory_space<hbm>> -> memref<1015808x64xf32, #tpu.memory_space<hbm>>
        tpu.enqueue_indirect_dma source(%dma_start3A_323 : memref<1015808x64xf32, #tpu.memory_space<hbm>>) target(%dma_start3A_319 : memref<80x64xf32, #tpu.memory_space<vmem>>) offsets(%dma_start3A_320 : memref<80xi32, #tpu.memory_space<vmem>>) semaphore(%arg15 : memref<!tpu.dma_semaphore, #tpu.memory_space<semaphore_mem>>)
        %mul3A_324 = arith.constant 400 : i32
        %mul3A_325 = arith.muli %add3A_279, %mul3A_324 : i32
        %add3A_326 = arith.constant 320 : i32
        %add3A_327 = arith.addi %mul3A_325, %add3A_326 : i32
        %dma_start3A_328 = arith.constant 320 : i32
        %dma_start3A_329 = arith.constant 0 : i32
        %dma_start3A_330 = tpu.memref_slice %arg10[%dma_start3A_328, %dma_start3A_329] : memref<400x64xf32, #tpu.memory_space<vmem>> -> memref<80x64xf32, #tpu.memory_space<vmem>>
        %dma_start3A_331 = tpu.memref_slice %arg7[%add3A_327] : memref<25600xi32, #tpu.memory_space<vmem>> -> memref<80xi32, #tpu.memory_space<vmem>>
        %dma_start3A_332 = arith.constant 0 : i32
        %dma_start3A_333 = arith.constant 0 : i32
        %dma_start3A_334 = tpu.memref_slice %arg4[%dma_start3A_332, %dma_start3A_333] : memref<1015808x64xf32, #tpu.memory_space<hbm>> -> memref<1015808x64xf32, #tpu.memory_space<hbm>>
        tpu.enqueue_indirect_dma source(%dma_start3A_334 : memref<1015808x64xf32, #tpu.memory_space<hbm>>) target(%dma_start3A_330 : memref<80x64xf32, #tpu.memory_space<vmem>>) offsets(%dma_start3A_331 : memref<80xi32, #tpu.memory_space<vmem>>) semaphore(%arg15 : memref<!tpu.dma_semaphore, #tpu.memory_space<semaphore_mem>>)
      } else {
      }
      %mul3A_204 = arith.constant 400 : i32
      %mul3A_205 = arith.muli %add3A_196, %mul3A_204 : i32
      %add3A_206 = arith.constant 0 : i32
      %add3A_207 = arith.addi %mul3A_205, %add3A_206 : i32
      %dma_wait3A_208 = arith.constant 0 : i32
      %dma_wait3A_209 = arith.constant 0 : i32
      %dma_wait3A_210 = tpu.memref_slice %arg11[%dma_wait3A_208, %dma_wait3A_209] : memref<400x64xf32, #tpu.memory_space<vmem>> -> memref<80x64xf32, #tpu.memory_space<vmem>>
      %dma_wait3A_211 = tpu.memref_slice %arg7[%add3A_207] : memref<25600xi32, #tpu.memory_space<vmem>> -> memref<80xi32, #tpu.memory_space<vmem>>
      %dma_wait3A_212 = arith.constant 0 : i32
      %dma_wait3A_213 = arith.constant 0 : i32
      %dma_wait3A_214 = tpu.memref_slice %arg4[%dma_wait3A_212, %dma_wait3A_213] : memref<1015808x64xf32, #tpu.memory_space<hbm>> -> memref<1015808x64xf32, #tpu.memory_space<hbm>>
      tpu.wait_indirect_dma semaphore(%arg16 : memref<!tpu.dma_semaphore, #tpu.memory_space<semaphore_mem>>) src(%dma_wait3A_214 : memref<1015808x64xf32, #tpu.memory_space<hbm>>) dst(%dma_wait3A_210 : memref<80x64xf32, #tpu.memory_space<vmem>>)
      %mul3A_215 = arith.constant 400 : i32
      %mul3A_216 = arith.muli %add3A_196, %mul3A_215 : i32
      %add3A_217 = arith.constant 80 : i32
      %add3A_218 = arith.addi %mul3A_216, %add3A_217 : i32
      %dma_wait3A_219 = arith.constant 80 : i32
      %dma_wait3A_220 = arith.constant 0 : i32
      %dma_wait3A_221 = tpu.memref_slice %arg11[%dma_wait3A_219, %dma_wait3A_220] : memref<400x64xf32, #tpu.memory_space<vmem>> -> memref<80x64xf32, #tpu.memory_space<vmem>>
      %dma_wait3A_222 = tpu.memref_slice %arg7[%add3A_218] : memref<25600xi32, #tpu.memory_space<vmem>> -> memref<80xi32, #tpu.memory_space<vmem>>
      %dma_wait3A_223 = arith.constant 0 : i32
      %dma_wait3A_224 = arith.constant 0 : i32
      %dma_wait3A_225 = tpu.memref_slice %arg4[%dma_wait3A_223, %dma_wait3A_224] : memref<1015808x64xf32, #tpu.memory_space<hbm>> -> memref<1015808x64xf32, #tpu.memory_space<hbm>>
      tpu.wait_indirect_dma semaphore(%arg16 : memref<!tpu.dma_semaphore, #tpu.memory_space<semaphore_mem>>) src(%dma_wait3A_225 : memref<1015808x64xf32, #tpu.memory_space<hbm>>) dst(%dma_wait3A_221 : memref<80x64xf32, #tpu.memory_space<vmem>>)
      %mul3A_226 = arith.constant 400 : i32
      %mul3A_227 = arith.muli %add3A_196, %mul3A_226 : i32
      %add3A_228 = arith.constant 160 : i32
      %add3A_229 = arith.addi %mul3A_227, %add3A_228 : i32
      %dma_wait3A_230 = arith.constant 160 : i32
      %dma_wait3A_231 = arith.constant 0 : i32
      %dma_wait3A_232 = tpu.memref_slice %arg11[%dma_wait3A_230, %dma_wait3A_231] : memref<400x64xf32, #tpu.memory_space<vmem>> -> memref<80x64xf32, #tpu.memory_space<vmem>>
      %dma_wait3A_233 = tpu.memref_slice %arg7[%add3A_229] : memref<25600xi32, #tpu.memory_space<vmem>> -> memref<80xi32, #tpu.memory_space<vmem>>
      %dma_wait3A_234 = arith.constant 0 : i32
      %dma_wait3A_235 = arith.constant 0 : i32
      %dma_wait3A_236 = tpu.memref_slice %arg4[%dma_wait3A_234, %dma_wait3A_235] : memref<1015808x64xf32, #tpu.memory_space<hbm>> -> memref<1015808x64xf32, #tpu.memory_space<hbm>>
      tpu.wait_indirect_dma semaphore(%arg16 : memref<!tpu.dma_semaphore, #tpu.memory_space<semaphore_mem>>) src(%dma_wait3A_236 : memref<1015808x64xf32, #tpu.memory_space<hbm>>) dst(%dma_wait3A_232 : memref<80x64xf32, #tpu.memory_space<vmem>>)
      %mul3A_237 = arith.constant 400 : i32
      %mul3A_238 = arith.muli %add3A_196, %mul3A_237 : i32
      %add3A_239 = arith.constant 240 : i32
      %add3A_240 = arith.addi %mul3A_238, %add3A_239 : i32
      %dma_wait3A_241 = arith.constant 240 : i32
      %dma_wait3A_242 = arith.constant 0 : i32
      %dma_wait3A_243 = tpu.memref_slice %arg11[%dma_wait3A_241, %dma_wait3A_242] : memref<400x64xf32, #tpu.memory_space<vmem>> -> memref<80x64xf32, #tpu.memory_space<vmem>>
      %dma_wait3A_244 = tpu.memref_slice %arg7[%add3A_240] : memref<25600xi32, #tpu.memory_space<vmem>> -> memref<80xi32, #tpu.memory_space<vmem>>
      %dma_wait3A_245 = arith.constant 0 : i32
      %dma_wait3A_246 = arith.constant 0 : i32
      %dma_wait3A_247 = tpu.memref_slice %arg4[%dma_wait3A_245, %dma_wait3A_246] : memref<1015808x64xf32, #tpu.memory_space<hbm>> -> memref<1015808x64xf32, #tpu.memory_space<hbm>>
      tpu.wait_indirect_dma semaphore(%arg16 : memref<!tpu.dma_semaphore, #tpu.memory_space<semaphore_mem>>) src(%dma_wait3A_247 : memref<1015808x64xf32, #tpu.memory_space<hbm>>) dst(%dma_wait3A_243 : memref<80x64xf32, #tpu.memory_space<vmem>>)
      %mul3A_248 = arith.constant 400 : i32
      %mul3A_249 = arith.muli %add3A_196, %mul3A_248 : i32
      %add3A_250 = arith.constant 320 : i32
      %add3A_251 = arith.addi %mul3A_249, %add3A_250 : i32
      %dma_wait3A_252 = arith.constant 320 : i32
      %dma_wait3A_253 = arith.constant 0 : i32
      %dma_wait3A_254 = tpu.memref_slice %arg11[%dma_wait3A_252, %dma_wait3A_253] : memref<400x64xf32, #tpu.memory_space<vmem>> -> memref<80x64xf32, #tpu.memory_space<vmem>>
      %dma_wait3A_255 = tpu.memref_slice %arg7[%add3A_251] : memref<25600xi32, #tpu.memory_space<vmem>> -> memref<80xi32, #tpu.memory_space<vmem>>
      %dma_wait3A_256 = arith.constant 0 : i32
      %dma_wait3A_257 = arith.constant 0 : i32
      %dma_wait3A_258 = tpu.memref_slice %arg4[%dma_wait3A_256, %dma_wait3A_257] : memref<1015808x64xf32, #tpu.memory_space<hbm>> -> memref<1015808x64xf32, #tpu.memory_space<hbm>>
      tpu.wait_indirect_dma semaphore(%arg16 : memref<!tpu.dma_semaphore, #tpu.memory_space<semaphore_mem>>) src(%dma_wait3A_258 : memref<1015808x64xf32, #tpu.memory_space<hbm>>) dst(%dma_wait3A_254 : memref<80x64xf32, #tpu.memory_space<vmem>>)
      %ge3A_259 = arith.constant 2 : i32
      %ge3A_260 = arith.cmpi sge, %add3A_196, %ge3A_259 : i32
      %convert_element_type3A_261 = arith.extui %ge3A_260 : i1 to i32
      %cond3A_262 = arith.constant 0 : i32
      %cond3A_263 = arith.cmpi ne, %convert_element_type3A_261, %cond3A_262 : i32
      scf.if %cond3A_263 {
        %sub3A = arith.constant 2 : i32
        %sub3A_278 = arith.subi %add3A_196, %sub3A : i32
        %mul3A_279 = arith.constant 512 : i32
        %mul3A_280 = arith.muli %add3A, %mul3A_279 : i32
        %mul3A_281 = arith.constant 8 : i32
        %mul3A_282 = arith.muli %sub3A_278, %mul3A_281 : i32
        %add3A_283 = arith.addi %mul3A_280, %mul3A_282 : i32
        %dma_wait3A_284 = arith.constant 0 : i32
        %dma_wait3A_285 = tpu.memref_slice %arg6[%add3A_283, %dma_wait3A_284] : memref<16384x64xf32, #tpu.memory_space<hbm>> -> memref<8x64xf32, #tpu.memory_space<hbm>>
        %dma_wait3A_286 = arith.constant 0 : i32
        %dma_wait3A_287 = tpu.memref_slice %arg6[%add3A_283, %dma_wait3A_286] : memref<16384x64xf32, #tpu.memory_space<hbm>> -> memref<8x64xf32, #tpu.memory_space<hbm>>
        tpu.wait_dma2 semaphore(%arg18 : memref<!tpu.dma_semaphore, #tpu.memory_space<semaphore_mem>>) src(%arg13 : memref<8x64xf32, #tpu.memory_space<vmem>>) dst(%dma_wait3A_287 : memref<8x64xf32, #tpu.memory_space<hbm>>)
      } else {
      }
      %scan3A_264 = arith.constant 0 : i32
      %scan3A_265 = arith.constant 8 : i32
      %scan3A_266 = arith.addi %scan3A_264, %scan3A_265 : i32
      %scan3A_267 = arith.constant 1 : i32
      scf.for %scan3A_278 = %scan3A_264 to %scan3A_266 step %scan3A_267  : i32 {
        %mul3A_279 = arith.constant 1 : i32
        %mul3A_280 = arith.muli %scan3A_278, %mul3A_279 : i32
        %add3A_281 = arith.constant 0 : i32
        %add3A_282 = arith.addi %add3A_281, %mul3A_280 : i32
        %mul3A_283 = arith.constant 50 : i32
        %mul3A_284 = arith.muli %add3A_282, %mul3A_283 : i32
        %mul3A_285 = arith.constant 8 : i32
        %mul3A_286 = arith.muli %add3A_196, %mul3A_285 : i32
        %add3A_287 = arith.addi %mul3A_286, %add3A_282 : i32
        %broadcast_in_dim3A = vector.broadcast %add3A_287 : i32 to vector<16xi32>
        %add3A_288 = arith.constant 0 : i32
        %add3A_289 = vector.broadcast %add3A_288 : i32 to vector<16xi32>
        %add3A_290 = arith.addi %iota3A, %add3A_289 : vector<16xi32>
        %gather3A = tpu.vector_load_idx %arg9[%add3A_290, %broadcast_in_dim3A] : memref<50x512xf32, #tpu.memory_space<vmem>>[vector<16xi32>, vector<16xi32>], vector<16xf32>,
        %add3A_291 = arith.constant 16 : i32
        %add3A_292 = vector.broadcast %add3A_291 : i32 to vector<16xi32>
        %add3A_293 = arith.addi %iota3A, %add3A_292 : vector<16xi32>
        %gather3A_294 = tpu.vector_load_idx %arg9[%add3A_293, %broadcast_in_dim3A] : memref<50x512xf32, #tpu.memory_space<vmem>>[vector<16xi32>, vector<16xi32>], vector<16xf32>,
        %add3A_295 = arith.constant 32 : i32
        %add3A_296 = vector.broadcast %add3A_295 : i32 to vector<16xi32>
        %add3A_297 = arith.addi %iota3A, %add3A_296 : vector<16xi32>
        %gather3A_298 = tpu.vector_load_idx %arg9[%add3A_297, %broadcast_in_dim3A] : memref<50x512xf32, #tpu.memory_space<vmem>>[vector<16xi32>, vector<16xi32>], vector<16xf32>,
        %add3A_299 = arith.constant 34 : i32
        %add3A_300 = vector.broadcast %add3A_299 : i32 to vector<16xi32>
        %add3A_301 = arith.addi %iota3A, %add3A_300 : vector<16xi32>
        %gather3A_302 = tpu.vector_load_idx %arg9[%add3A_301, %broadcast_in_dim3A] : memref<50x512xf32, #tpu.memory_space<vmem>>[vector<16xi32>, vector<16xi32>], vector<16xf32>,
        %broadcast_in_dim3A_303 = arith.constant 0.000000e+00 : f32
        %broadcast_in_dim3A_304 = vector.broadcast %broadcast_in_dim3A_303 : f32 to vector<16xf32>
        %broadcast_in_dim3A_305 = arith.constant 0.000000e+00 : f32
        %broadcast_in_dim3A_306 = vector.broadcast %broadcast_in_dim3A_305 : f32 to vector<16xf32>
        %broadcast_in_dim3A_307 = arith.constant 0.000000e+00 : f32
        %broadcast_in_dim3A_308 = vector.broadcast %broadcast_in_dim3A_307 : f32 to vector<16xf32>
        %broadcast_in_dim3A_309 = arith.constant 0.000000e+00 : f32
        %broadcast_in_dim3A_310 = vector.broadcast %broadcast_in_dim3A_309 : f32 to vector<16xf32>
        %broadcast_in_dim3A_311 = arith.constant 0 : i32
        %broadcast_in_dim3A_312 = vector.broadcast %broadcast_in_dim3A_311 : i32 to vector<16x1xi32>
        %gather3A_313 = vector.shape_cast %broadcast_in_dim3A_312 : vector<16x1xi32> to vector<16xi32>
        %gather3A_314 = tpu.dynamic_gather %gather3A[%gather3A_313] in [0] : vector<16xf32>, vector<16xi32> -> vector<16xf32>
        %add3A_315 = arith.constant 0 : i32
        %add3A_316 = arith.addi %mul3A_284, %add3A_315 : i32
        %get3A_317 = arith.index_cast %add3A_316 : i32 to index
        %get3A_318 = arith.constant 0 : index
        %get3A_319 = tpu.vector_load %arg11[%get3A_317, %get3A_318] {strides = array<i32>} : memref<400x64xf32, #tpu.memory_space<vmem>>, vector<16xf32>,
        %mul3A_320 = arith.mulf %gather3A_314, %get3A_319 : vector<16xf32>
        %add3A_321 = arith.addf %get3A_3, %mul3A_320 : vector<16xf32>
        %add3A_322 = arith.constant 0 : i32
        %add3A_323 = arith.addi %mul3A_284, %add3A_322 : i32
        %get3A_324 = arith.index_cast %add3A_323 : i32 to index
        %get3A_325 = arith.constant 16 : index
        %get3A_326 = tpu.vector_load %arg11[%get3A_324, %get3A_325] {strides = array<i32>} : memref<400x64xf32, #tpu.memory_space<vmem>>, vector<16xf32>,
        %mul3A_327 = arith.mulf %gather3A_314, %get3A_326 : vector<16xf32>
        %add3A_328 = arith.addf %get3A_5, %mul3A_327 : vector<16xf32>
        %add3A_329 = arith.constant 0 : i32
        %add3A_330 = arith.addi %mul3A_284, %add3A_329 : i32
        %get3A_331 = arith.index_cast %add3A_330 : i32 to index
        %get3A_332 = arith.constant 32 : index
        %get3A_333 = tpu.vector_load %arg11[%get3A_331, %get3A_332] {strides = array<i32>} : memref<400x64xf32, #tpu.memory_space<vmem>>, vector<16xf32>,
        %mul3A_334 = arith.mulf %gather3A_314, %get3A_333 : vector<16xf32>
        %add3A_335 = arith.addf %get3A_7, %mul3A_334 : vector<16xf32>
        %add3A_336 = arith.constant 0 : i32
        %add3A_337 = arith.addi %mul3A_284, %add3A_336 : i32
        %get3A_338 = arith.index_cast %add3A_337 : i32 to index
        %get3A_339 = arith.constant 48 : index
        %get3A_340 = tpu.vector_load %arg11[%get3A_338, %get3A_339] {strides = array<i32>} : memref<400x64xf32, #tpu.memory_space<vmem>>, vector<16xf32>,
        %mul3A_341 = arith.mulf %gather3A_314, %get3A_340 : vector<16xf32>
        %add3A_342 = arith.addf %get3A_9, %mul3A_341 : vector<16xf32>
        %broadcast_in_dim3A_343 = arith.constant 1 : i32
        %broadcast_in_dim3A_344 = vector.broadcast %broadcast_in_dim3A_343 : i32 to vector<16x1xi32>
        %gather3A_345 = vector.shape_cast %broadcast_in_dim3A_344 : vector<16x1xi32> to vector<16xi32>
        %gather3A_346 = tpu.dynamic_gather %gather3A[%gather3A_345] in [0] : vector<16xf32>, vector<16xi32> -> vector<16xf32>
        %add3A_347 = arith.constant 1 : i32
        %add3A_348 = arith.addi %mul3A_284, %add3A_347 : i32
        %get3A_349 = arith.index_cast %add3A_348 : i32 to index
        %get3A_350 = arith.constant 0 : index
        %get3A_351 = tpu.vector_load %arg11[%get3A_349, %get3A_350] {strides = array<i32>} : memref<400x64xf32, #tpu.memory_space<vmem>>, vector<16xf32>,
        %mul3A_352 = arith.mulf %gather3A_346, %get3A_351 : vector<16xf32>
        %add3A_353 = arith.addf %broadcast_in_dim3A_304, %mul3A_352 : vector<16xf32>
        %add3A_354 = arith.constant 1 : i32
        %add3A_355 = arith.addi %mul3A_284, %add3A_354 : i32
        %get3A_356 = arith.index_cast %add3A_355 : i32 to index
        %get3A_357 = arith.constant 16 : index
        %get3A_358 = tpu.vector_load %arg11[%get3A_356, %get3A_357] {strides = array<i32>} : memref<400x64xf32, #tpu.memory_space<vmem>>, vector<16xf32>,
        %mul3A_359 = arith.mulf %gather3A_346, %get3A_358 : vector<16xf32>
        %add3A_360 = arith.addf %broadcast_in_dim3A_306, %mul3A_359 : vector<16xf32>
        %add3A_361 = arith.constant 1 : i32
        %add3A_362 = arith.addi %mul3A_284, %add3A_361 : i32
        %get3A_363 = arith.index_cast %add3A_362 : i32 to index
        %get3A_364 = arith.constant 32 : index
        %get3A_365 = tpu.vector_load %arg11[%get3A_363, %get3A_364] {strides = array<i32>} : memref<400x64xf32, #tpu.memory_space<vmem>>, vector<16xf32>,
        %mul3A_366 = arith.mulf %gather3A_346, %get3A_365 : vector<16xf32>
        %add3A_367 = arith.addf %broadcast_in_dim3A_308, %mul3A_366 : vector<16xf32>
        %add3A_368 = arith.constant 1 : i32
        %add3A_369 = arith.addi %mul3A_284, %add3A_368 : i32
        %get3A_370 = arith.index_cast %add3A_369 : i32 to index
        %get3A_371 = arith.constant 48 : index
        %get3A_372 = tpu.vector_load %arg11[%get3A_370, %get3A_371] {strides = array<i32>} : memref<400x64xf32, #tpu.memory_space<vmem>>, vector<16xf32>,
        %mul3A_373 = arith.mulf %gather3A_346, %get3A_372 : vector<16xf32>
        %add3A_374 = arith.addf %broadcast_in_dim3A_310, %mul3A_373 : vector<16xf32>
        %broadcast_in_dim3A_375 = arith.constant 2 : i32
        %broadcast_in_dim3A_376 = vector.broadcast %broadcast_in_dim3A_375 : i32 to vector<16x1xi32>
        %gather3A_377 = vector.shape_cast %broadcast_in_dim3A_376 : vector<16x1xi32> to vector<16xi32>
        %gather3A_378 = tpu.dynamic_gather %gather3A[%gather3A_377] in [0] : vector<16xf32>, vector<16xi32> -> vector<16xf32>
        %add3A_379 = arith.constant 2 : i32
        %add3A_380 = arith.addi %mul3A_284, %add3A_379 : i32
        %get3A_381 = arith.index_cast %add3A_380 : i32 to index
        %get3A_382 = arith.constant 0 : index
        %get3A_383 = tpu.vector_load %arg11[%get3A_381, %get3A_382] {strides = array<i32>} : memref<400x64xf32, #tpu.memory_space<vmem>>, vector<16xf32>,
        %mul3A_384 = arith.mulf %gather3A_378, %get3A_383 : vector<16xf32>
        %add3A_385 = arith.addf %add3A_321, %mul3A_384 : vector<16xf32>
        %add3A_386 = arith.constant 2 : i32
        %add3A_387 = arith.addi %mul3A_284, %add3A_386 : i32
        %get3A_388 = arith.index_cast %add3A_387 : i32 to index
        %get3A_389 = arith.constant 16 : index
        %get3A_390 = tpu.vector_load %arg11[%get3A_388, %get3A_389] {strides = array<i32>} : memref<400x64xf32, #tpu.memory_space<vmem>>, vector<16xf32>,
        %mul3A_391 = arith.mulf %gather3A_378, %get3A_390 : vector<16xf32>
        %add3A_392 = arith.addf %add3A_328, %mul3A_391 : vector<16xf32>
        %add3A_393 = arith.constant 2 : i32
        %add3A_394 = arith.addi %mul3A_284, %add3A_393 : i32
        %get3A_395 = arith.index_cast %add3A_394 : i32 to index
        %get3A_396 = arith.constant 32 : index
        %get3A_397 = tpu.vector_load %arg11[%get3A_395, %get3A_396] {strides = array<i32>} : memref<400x64xf32, #tpu.memory_space<vmem>>, vector<16xf32>,
        %mul3A_398 = arith.mulf %gather3A_378, %get3A_397 : vector<16xf32>
        %add3A_399 = arith.addf %add3A_335, %mul3A_398 : vector<16xf32>
        %add3A_400 = arith.constant 2 : i32
        %add3A_401 = arith.addi %mul3A_284, %add3A_400 : i32
        %get3A_402 = arith.index_cast %add3A_401 : i32 to index
        %get3A_403 = arith.constant 48 : index
        %get3A_404 = tpu.vector_load %arg11[%get3A_402, %get3A_403] {strides = array<i32>} : memref<400x64xf32, #tpu.memory_space<vmem>>, vector<16xf32>,
        %mul3A_405 = arith.mulf %gather3A_378, %get3A_404 : vector<16xf32>
        %add3A_406 = arith.addf %add3A_342, %mul3A_405 : vector<16xf32>
        %broadcast_in_dim3A_407 = arith.constant 3 : i32
        %broadcast_in_dim3A_408 = vector.broadcast %broadcast_in_dim3A_407 : i32 to vector<16x1xi32>
        %gather3A_409 = vector.shape_cast %broadcast_in_dim3A_408 : vector<16x1xi32> to vector<16xi32>
        %gather3A_410 = tpu.dynamic_gather %gather3A[%gather3A_409] in [0] : vector<16xf32>, vector<16xi32> -> vector<16xf32>
        %add3A_411 = arith.constant 3 : i32
        %add3A_412 = arith.addi %mul3A_284, %add3A_411 : i32
        %get3A_413 = arith.index_cast %add3A_412 : i32 to index
        %get3A_414 = arith.constant 0 : index
        %get3A_415 = tpu.vector_load %arg11[%get3A_413, %get3A_414] {strides = array<i32>} : memref<400x64xf32, #tpu.memory_space<vmem>>, vector<16xf32>,
        %mul3A_416 = arith.mulf %gather3A_410, %get3A_415 : vector<16xf32>
        %add3A_417 = arith.addf %add3A_353, %mul3A_416 : vector<16xf32>
        %add3A_418 = arith.constant 3 : i32
        %add3A_419 = arith.addi %mul3A_284, %add3A_418 : i32
        %get3A_420 = arith.index_cast %add3A_419 : i32 to index
        %get3A_421 = arith.constant 16 : index
        %get3A_422 = tpu.vector_load %arg11[%get3A_420, %get3A_421] {strides = array<i32>} : memref<400x64xf32, #tpu.memory_space<vmem>>, vector<16xf32>,
        %mul3A_423 = arith.mulf %gather3A_410, %get3A_422 : vector<16xf32>
        %add3A_424 = arith.addf %add3A_360, %mul3A_423 : vector<16xf32>
        %add3A_425 = arith.constant 3 : i32
        %add3A_426 = arith.addi %mul3A_284, %add3A_425 : i32
        %get3A_427 = arith.index_cast %add3A_426 : i32 to index
        %get3A_428 = arith.constant 32 : index
        %get3A_429 = tpu.vector_load %arg11[%get3A_427, %get3A_428] {strides = array<i32>} : memref<400x64xf32, #tpu.memory_space<vmem>>, vector<16xf32>,
        %mul3A_430 = arith.mulf %gather3A_410, %get3A_429 : vector<16xf32>
        %add3A_431 = arith.addf %add3A_367, %mul3A_430 : vector<16xf32>
        %add3A_432 = arith.constant 3 : i32
        %add3A_433 = arith.addi %mul3A_284, %add3A_432 : i32
        %get3A_434 = arith.index_cast %add3A_433 : i32 to index
        %get3A_435 = arith.constant 48 : index
        %get3A_436 = tpu.vector_load %arg11[%get3A_434, %get3A_435] {strides = array<i32>} : memref<400x64xf32, #tpu.memory_space<vmem>>, vector<16xf32>,
        %mul3A_437 = arith.mulf %gather3A_410, %get3A_436 : vector<16xf32>
        %add3A_438 = arith.addf %add3A_374, %mul3A_437 : vector<16xf32>
        %broadcast_in_dim3A_439 = arith.constant 4 : i32
        %broadcast_in_dim3A_440 = vector.broadcast %broadcast_in_dim3A_439 : i32 to vector<16x1xi32>
        %gather3A_441 = vector.shape_cast %broadcast_in_dim3A_440 : vector<16x1xi32> to vector<16xi32>
        %gather3A_442 = tpu.dynamic_gather %gather3A[%gather3A_441] in [0] : vector<16xf32>, vector<16xi32> -> vector<16xf32>
        %add3A_443 = arith.constant 4 : i32
        %add3A_444 = arith.addi %mul3A_284, %add3A_443 : i32
        %get3A_445 = arith.index_cast %add3A_444 : i32 to index
        %get3A_446 = arith.constant 0 : index
        %get3A_447 = tpu.vector_load %arg11[%get3A_445, %get3A_446] {strides = array<i32>} : memref<400x64xf32, #tpu.memory_space<vmem>>, vector<16xf32>,
        %mul3A_448 = arith.mulf %gather3A_442, %get3A_447 : vector<16xf32>
        %add3A_449 = arith.addf %add3A_385, %mul3A_448 : vector<16xf32>
        %add3A_450 = arith.constant 4 : i32
        %add3A_451 = arith.addi %mul3A_284, %add3A_450 : i32
        %get3A_452 = arith.index_cast %add3A_451 : i32 to index
        %get3A_453 = arith.constant 16 : index
        %get3A_454 = tpu.vector_load %arg11[%get3A_452, %get3A_453] {strides = array<i32>} : memref<400x64xf32, #tpu.memory_space<vmem>>, vector<16xf32>,
        %mul3A_455 = arith.mulf %gather3A_442, %get3A_454 : vector<16xf32>
        %add3A_456 = arith.addf %add3A_392, %mul3A_455 : vector<16xf32>
        %add3A_457 = arith.constant 4 : i32
        %add3A_458 = arith.addi %mul3A_284, %add3A_457 : i32
        %get3A_459 = arith.index_cast %add3A_458 : i32 to index
        %get3A_460 = arith.constant 32 : index
        %get3A_461 = tpu.vector_load %arg11[%get3A_459, %get3A_460] {strides = array<i32>} : memref<400x64xf32, #tpu.memory_space<vmem>>, vector<16xf32>,
        %mul3A_462 = arith.mulf %gather3A_442, %get3A_461 : vector<16xf32>
        %add3A_463 = arith.addf %add3A_399, %mul3A_462 : vector<16xf32>
        %add3A_464 = arith.constant 4 : i32
        %add3A_465 = arith.addi %mul3A_284, %add3A_464 : i32
        %get3A_466 = arith.index_cast %add3A_465 : i32 to index
        %get3A_467 = arith.constant 48 : index
        %get3A_468 = tpu.vector_load %arg11[%get3A_466, %get3A_467] {strides = array<i32>} : memref<400x64xf32, #tpu.memory_space<vmem>>, vector<16xf32>,
        %mul3A_469 = arith.mulf %gather3A_442, %get3A_468 : vector<16xf32>
        %add3A_470 = arith.addf %add3A_406, %mul3A_469 : vector<16xf32>
        %broadcast_in_dim3A_471 = arith.constant 5 : i32
        %broadcast_in_dim3A_472 = vector.broadcast %broadcast_in_dim3A_471 : i32 to vector<16x1xi32>
        %gather3A_473 = vector.shape_cast %broadcast_in_dim3A_472 : vector<16x1xi32> to vector<16xi32>
        %gather3A_474 = tpu.dynamic_gather %gather3A[%gather3A_473] in [0] : vector<16xf32>, vector<16xi32> -> vector<16xf32>
        %add3A_475 = arith.constant 5 : i32
        %add3A_476 = arith.addi %mul3A_284, %add3A_475 : i32
        %get3A_477 = arith.index_cast %add3A_476 : i32 to index
        %get3A_478 = arith.constant 0 : index
        %get3A_479 = tpu.vector_load %arg11[%get3A_477, %get3A_478] {strides = array<i32>} : memref<400x64xf32, #tpu.memory_space<vmem>>, vector<16xf32>,
        %mul3A_480 = arith.mulf %gather3A_474, %get3A_479 : vector<16xf32>
        %add3A_481 = arith.addf %add3A_417, %mul3A_480 : vector<16xf32>
        %add3A_482 = arith.constant 5 : i32
        %add3A_483 = arith.addi %mul3A_284, %add3A_482 : i32
        %get3A_484 = arith.index_cast %add3A_483 : i32 to index
        %get3A_485 = arith.constant 16 : index
        %get3A_486 = tpu.vector_load %arg11[%get3A_484, %get3A_485] {strides = array<i32>} : memref<400x64xf32, #tpu.memory_space<vmem>>, vector<16xf32>,
        %mul3A_487 = arith.mulf %gather3A_474, %get3A_486 : vector<16xf32>
        %add3A_488 = arith.addf %add3A_424, %mul3A_487 : vector<16xf32>
        %add3A_489 = arith.constant 5 : i32
        %add3A_490 = arith.addi %mul3A_284, %add3A_489 : i32
        %get3A_491 = arith.index_cast %add3A_490 : i32 to index
        %get3A_492 = arith.constant 32 : index
        %get3A_493 = tpu.vector_load %arg11[%get3A_491, %get3A_492] {strides = array<i32>} : memref<400x64xf32, #tpu.memory_space<vmem>>, vector<16xf32>,
        %mul3A_494 = arith.mulf %gather3A_474, %get3A_493 : vector<16xf32>
        %add3A_495 = arith.addf %add3A_431, %mul3A_494 : vector<16xf32>
        %add3A_496 = arith.constant 5 : i32
        %add3A_497 = arith.addi %mul3A_284, %add3A_496 : i32
        %get3A_498 = arith.index_cast %add3A_497 : i32 to index
        %get3A_499 = arith.constant 48 : index
        %get3A_500 = tpu.vector_load %arg11[%get3A_498, %get3A_499] {strides = array<i32>} : memref<400x64xf32, #tpu.memory_space<vmem>>, vector<16xf32>,
        %mul3A_501 = arith.mulf %gather3A_474, %get3A_500 : vector<16xf32>
        %add3A_502 = arith.addf %add3A_438, %mul3A_501 : vector<16xf32>
        %broadcast_in_dim3A_503 = arith.constant 6 : i32
        %broadcast_in_dim3A_504 = vector.broadcast %broadcast_in_dim3A_503 : i32 to vector<16x1xi32>
        %gather3A_505 = vector.shape_cast %broadcast_in_dim3A_504 : vector<16x1xi32> to vector<16xi32>
        %gather3A_506 = tpu.dynamic_gather %gather3A[%gather3A_505] in [0] : vector<16xf32>, vector<16xi32> -> vector<16xf32>
        %add3A_507 = arith.constant 6 : i32
        %add3A_508 = arith.addi %mul3A_284, %add3A_507 : i32
        %get3A_509 = arith.index_cast %add3A_508 : i32 to index
        %get3A_510 = arith.constant 0 : index
        %get3A_511 = tpu.vector_load %arg11[%get3A_509, %get3A_510] {strides = array<i32>} : memref<400x64xf32, #tpu.memory_space<vmem>>, vector<16xf32>,
        %mul3A_512 = arith.mulf %gather3A_506, %get3A_511 : vector<16xf32>
        %add3A_513 = arith.addf %add3A_449, %mul3A_512 : vector<16xf32>
        %add3A_514 = arith.constant 6 : i32
        %add3A_515 = arith.addi %mul3A_284, %add3A_514 : i32
        %get3A_516 = arith.index_cast %add3A_515 : i32 to index
        %get3A_517 = arith.constant 16 : index
        %get3A_518 = tpu.vector_load %arg11[%get3A_516, %get3A_517] {strides = array<i32>} : memref<400x64xf32, #tpu.memory_space<vmem>>, vector<16xf32>,
        %mul3A_519 = arith.mulf %gather3A_506, %get3A_518 : vector<16xf32>
        %add3A_520 = arith.addf %add3A_456, %mul3A_519 : vector<16xf32>
        %add3A_521 = arith.constant 6 : i32
        %add3A_522 = arith.addi %mul3A_284, %add3A_521 : i32
        %get3A_523 = arith.index_cast %add3A_522 : i32 to index
        %get3A_524 = arith.constant 32 : index
        %get3A_525 = tpu.vector_load %arg11[%get3A_523, %get3A_524] {strides = array<i32>} : memref<400x64xf32, #tpu.memory_space<vmem>>, vector<16xf32>,
        %mul3A_526 = arith.mulf %gather3A_506, %get3A_525 : vector<16xf32>
        %add3A_527 = arith.addf %add3A_463, %mul3A_526 : vector<16xf32>
        %add3A_528 = arith.constant 6 : i32
        %add3A_529 = arith.addi %mul3A_284, %add3A_528 : i32
        %get3A_530 = arith.index_cast %add3A_529 : i32 to index
        %get3A_531 = arith.constant 48 : index
        %get3A_532 = tpu.vector_load %arg11[%get3A_530, %get3A_531] {strides = array<i32>} : memref<400x64xf32, #tpu.memory_space<vmem>>, vector<16xf32>,
        %mul3A_533 = arith.mulf %gather3A_506, %get3A_532 : vector<16xf32>
        %add3A_534 = arith.addf %add3A_470, %mul3A_533 : vector<16xf32>
        %broadcast_in_dim3A_535 = arith.constant 7 : i32
        %broadcast_in_dim3A_536 = vector.broadcast %broadcast_in_dim3A_535 : i32 to vector<16x1xi32>
        %gather3A_537 = vector.shape_cast %broadcast_in_dim3A_536 : vector<16x1xi32> to vector<16xi32>
        %gather3A_538 = tpu.dynamic_gather %gather3A[%gather3A_537] in [0] : vector<16xf32>, vector<16xi32> -> vector<16xf32>
        %add3A_539 = arith.constant 7 : i32
        %add3A_540 = arith.addi %mul3A_284, %add3A_539 : i32
        %get3A_541 = arith.index_cast %add3A_540 : i32 to index
        %get3A_542 = arith.constant 0 : index
        %get3A_543 = tpu.vector_load %arg11[%get3A_541, %get3A_542] {strides = array<i32>} : memref<400x64xf32, #tpu.memory_space<vmem>>, vector<16xf32>,
        %mul3A_544 = arith.mulf %gather3A_538, %get3A_543 : vector<16xf32>
        %add3A_545 = arith.addf %add3A_481, %mul3A_544 : vector<16xf32>
        %add3A_546 = arith.constant 7 : i32
        %add3A_547 = arith.addi %mul3A_284, %add3A_546 : i32
        %get3A_548 = arith.index_cast %add3A_547 : i32 to index
        %get3A_549 = arith.constant 16 : index
        %get3A_550 = tpu.vector_load %arg11[%get3A_548, %get3A_549] {strides = array<i32>} : memref<400x64xf32, #tpu.memory_space<vmem>>, vector<16xf32>,
        %mul3A_551 = arith.mulf %gather3A_538, %get3A_550 : vector<16xf32>
        %add3A_552 = arith.addf %add3A_488, %mul3A_551 : vector<16xf32>
        %add3A_553 = arith.constant 7 : i32
        %add3A_554 = arith.addi %mul3A_284, %add3A_553 : i32
        %get3A_555 = arith.index_cast %add3A_554 : i32 to index
        %get3A_556 = arith.constant 32 : index
        %get3A_557 = tpu.vector_load %arg11[%get3A_555, %get3A_556] {strides = array<i32>} : memref<400x64xf32, #tpu.memory_space<vmem>>, vector<16xf32>,
        %mul3A_558 = arith.mulf %gather3A_538, %get3A_557 : vector<16xf32>
        %add3A_559 = arith.addf %add3A_495, %mul3A_558 : vector<16xf32>
        %add3A_560 = arith.constant 7 : i32
        %add3A_561 = arith.addi %mul3A_284, %add3A_560 : i32
        %get3A_562 = arith.index_cast %add3A_561 : i32 to index
        %get3A_563 = arith.constant 48 : index
        %get3A_564 = tpu.vector_load %arg11[%get3A_562, %get3A_563] {strides = array<i32>} : memref<400x64xf32, #tpu.memory_space<vmem>>, vector<16xf32>,
        %mul3A_565 = arith.mulf %gather3A_538, %get3A_564 : vector<16xf32>
        %add3A_566 = arith.addf %add3A_502, %mul3A_565 : vector<16xf32>
        %broadcast_in_dim3A_567 = arith.constant 8 : i32
        %broadcast_in_dim3A_568 = vector.broadcast %broadcast_in_dim3A_567 : i32 to vector<16x1xi32>
        %gather3A_569 = vector.shape_cast %broadcast_in_dim3A_568 : vector<16x1xi32> to vector<16xi32>
        %gather3A_570 = tpu.dynamic_gather %gather3A[%gather3A_569] in [0] : vector<16xf32>, vector<16xi32> -> vector<16xf32>
        %add3A_571 = arith.constant 8 : i32
        %add3A_572 = arith.addi %mul3A_284, %add3A_571 : i32
        %get3A_573 = arith.index_cast %add3A_572 : i32 to index
        %get3A_574 = arith.constant 0 : index
        %get3A_575 = tpu.vector_load %arg11[%get3A_573, %get3A_574] {strides = array<i32>} : memref<400x64xf32, #tpu.memory_space<vmem>>, vector<16xf32>,
        %mul3A_576 = arith.mulf %gather3A_570, %get3A_575 : vector<16xf32>
        %add3A_577 = arith.addf %add3A_513, %mul3A_576 : vector<16xf32>
        %add3A_578 = arith.constant 8 : i32
        %add3A_579 = arith.addi %mul3A_284, %add3A_578 : i32
        %get3A_580 = arith.index_cast %add3A_579 : i32 to index
        %get3A_581 = arith.constant 16 : index
        %get3A_582 = tpu.vector_load %arg11[%get3A_580, %get3A_581] {strides = array<i32>} : memref<400x64xf32, #tpu.memory_space<vmem>>, vector<16xf32>,
        %mul3A_583 = arith.mulf %gather3A_570, %get3A_582 : vector<16xf32>
        %add3A_584 = arith.addf %add3A_520, %mul3A_583 : vector<16xf32>
        %add3A_585 = arith.constant 8 : i32
        %add3A_586 = arith.addi %mul3A_284, %add3A_585 : i32
        %get3A_587 = arith.index_cast %add3A_586 : i32 to index
        %get3A_588 = arith.constant 32 : index
        %get3A_589 = tpu.vector_load %arg11[%get3A_587, %get3A_588] {strides = array<i32>} : memref<400x64xf32, #tpu.memory_space<vmem>>, vector<16xf32>,
        %mul3A_590 = arith.mulf %gather3A_570, %get3A_589 : vector<16xf32>
        %add3A_591 = arith.addf %add3A_527, %mul3A_590 : vector<16xf32>
        %add3A_592 = arith.constant 8 : i32
        %add3A_593 = arith.addi %mul3A_284, %add3A_592 : i32
        %get3A_594 = arith.index_cast %add3A_593 : i32 to index
        %get3A_595 = arith.constant 48 : index
        %get3A_596 = tpu.vector_load %arg11[%get3A_594, %get3A_595] {strides = array<i32>} : memref<400x64xf32, #tpu.memory_space<vmem>>, vector<16xf32>,
        %mul3A_597 = arith.mulf %gather3A_570, %get3A_596 : vector<16xf32>
        %add3A_598 = arith.addf %add3A_534, %mul3A_597 : vector<16xf32>
        %broadcast_in_dim3A_599 = arith.constant 9 : i32
        %broadcast_in_dim3A_600 = vector.broadcast %broadcast_in_dim3A_599 : i32 to vector<16x1xi32>
        %gather3A_601 = vector.shape_cast %broadcast_in_dim3A_600 : vector<16x1xi32> to vector<16xi32>
        %gather3A_602 = tpu.dynamic_gather %gather3A[%gather3A_601] in [0] : vector<16xf32>, vector<16xi32> -> vector<16xf32>
        %add3A_603 = arith.constant 9 : i32
        %add3A_604 = arith.addi %mul3A_284, %add3A_603 : i32
        %get3A_605 = arith.index_cast %add3A_604 : i32 to index
        %get3A_606 = arith.constant 0 : index
        %get3A_607 = tpu.vector_load %arg11[%get3A_605, %get3A_606] {strides = array<i32>} : memref<400x64xf32, #tpu.memory_space<vmem>>, vector<16xf32>,
        %mul3A_608 = arith.mulf %gather3A_602, %get3A_607 : vector<16xf32>
        %add3A_609 = arith.addf %add3A_545, %mul3A_608 : vector<16xf32>
        %add3A_610 = arith.constant 9 : i32
        %add3A_611 = arith.addi %mul3A_284, %add3A_610 : i32
        %get3A_612 = arith.index_cast %add3A_611 : i32 to index
        %get3A_613 = arith.constant 16 : index
        %get3A_614 = tpu.vector_load %arg11[%get3A_612, %get3A_613] {strides = array<i32>} : memref<400x64xf32, #tpu.memory_space<vmem>>, vector<16xf32>,
        %mul3A_615 = arith.mulf %gather3A_602, %get3A_614 : vector<16xf32>
        %add3A_616 = arith.addf %add3A_552, %mul3A_615 : vector<16xf32>
        %add3A_617 = arith.constant 9 : i32
        %add3A_618 = arith.addi %mul3A_284, %add3A_617 : i32
        %get3A_619 = arith.index_cast %add3A_618 : i32 to index
        %get3A_620 = arith.constant 32 : index
        %get3A_621 = tpu.vector_load %arg11[%get3A_619, %get3A_620] {strides = array<i32>} : memref<400x64xf32, #tpu.memory_space<vmem>>, vector<16xf32>,
        %mul3A_622 = arith.mulf %gather3A_602, %get3A_621 : vector<16xf32>
        %add3A_623 = arith.addf %add3A_559, %mul3A_622 : vector<16xf32>
        %add3A_624 = arith.constant 9 : i32
        %add3A_625 = arith.addi %mul3A_284, %add3A_624 : i32
        %get3A_626 = arith.index_cast %add3A_625 : i32 to index
        %get3A_627 = arith.constant 48 : index
        %get3A_628 = tpu.vector_load %arg11[%get3A_626, %get3A_627] {strides = array<i32>} : memref<400x64xf32, #tpu.memory_space<vmem>>, vector<16xf32>,
        %mul3A_629 = arith.mulf %gather3A_602, %get3A_628 : vector<16xf32>
        %add3A_630 = arith.addf %add3A_566, %mul3A_629 : vector<16xf32>
        %broadcast_in_dim3A_631 = arith.constant 10 : i32
        %broadcast_in_dim3A_632 = vector.broadcast %broadcast_in_dim3A_631 : i32 to vector<16x1xi32>
        %gather3A_633 = vector.shape_cast %broadcast_in_dim3A_632 : vector<16x1xi32> to vector<16xi32>
        %gather3A_634 = tpu.dynamic_gather %gather3A[%gather3A_633] in [0] : vector<16xf32>, vector<16xi32> -> vector<16xf32>
        %add3A_635 = arith.constant 10 : i32
        %add3A_636 = arith.addi %mul3A_284, %add3A_635 : i32
        %get3A_637 = arith.index_cast %add3A_636 : i32 to index
        %get3A_638 = arith.constant 0 : index
        %get3A_639 = tpu.vector_load %arg11[%get3A_637, %get3A_638] {strides = array<i32>} : memref<400x64xf32, #tpu.memory_space<vmem>>, vector<16xf32>,
        %mul3A_640 = arith.mulf %gather3A_634, %get3A_639 : vector<16xf32>
        %add3A_641 = arith.addf %add3A_577, %mul3A_640 : vector<16xf32>
        %add3A_642 = arith.constant 10 : i32
        %add3A_643 = arith.addi %mul3A_284, %add3A_642 : i32
        %get3A_644 = arith.index_cast %add3A_643 : i32 to index
        %get3A_645 = arith.constant 16 : index
        %get3A_646 = tpu.vector_load %arg11[%get3A_644, %get3A_645] {strides = array<i32>} : memref<400x64xf32, #tpu.memory_space<vmem>>, vector<16xf32>,
        %mul3A_647 = arith.mulf %gather3A_634, %get3A_646 : vector<16xf32>
        %add3A_648 = arith.addf %add3A_584, %mul3A_647 : vector<16xf32>
        %add3A_649 = arith.constant 10 : i32
        %add3A_650 = arith.addi %mul3A_284, %add3A_649 : i32
        %get3A_651 = arith.index_cast %add3A_650 : i32 to index
        %get3A_652 = arith.constant 32 : index
        %get3A_653 = tpu.vector_load %arg11[%get3A_651, %get3A_652] {strides = array<i32>} : memref<400x64xf32, #tpu.memory_space<vmem>>, vector<16xf32>,
        %mul3A_654 = arith.mulf %gather3A_634, %get3A_653 : vector<16xf32>
        %add3A_655 = arith.addf %add3A_591, %mul3A_654 : vector<16xf32>
        %add3A_656 = arith.constant 10 : i32
        %add3A_657 = arith.addi %mul3A_284, %add3A_656 : i32
        %get3A_658 = arith.index_cast %add3A_657 : i32 to index
        %get3A_659 = arith.constant 48 : index
        %get3A_660 = tpu.vector_load %arg11[%get3A_658, %get3A_659] {strides = array<i32>} : memref<400x64xf32, #tpu.memory_space<vmem>>, vector<16xf32>,
        %mul3A_661 = arith.mulf %gather3A_634, %get3A_660 : vector<16xf32>
        %add3A_662 = arith.addf %add3A_598, %mul3A_661 : vector<16xf32>
        %broadcast_in_dim3A_663 = arith.constant 11 : i32
        %broadcast_in_dim3A_664 = vector.broadcast %broadcast_in_dim3A_663 : i32 to vector<16x1xi32>
        %gather3A_665 = vector.shape_cast %broadcast_in_dim3A_664 : vector<16x1xi32> to vector<16xi32>
        %gather3A_666 = tpu.dynamic_gather %gather3A[%gather3A_665] in [0] : vector<16xf32>, vector<16xi32> -> vector<16xf32>
        %add3A_667 = arith.constant 11 : i32
        %add3A_668 = arith.addi %mul3A_284, %add3A_667 : i32
        %get3A_669 = arith.index_cast %add3A_668 : i32 to index
        %get3A_670 = arith.constant 0 : index
        %get3A_671 = tpu.vector_load %arg11[%get3A_669, %get3A_670] {strides = array<i32>} : memref<400x64xf32, #tpu.memory_space<vmem>>, vector<16xf32>,
        %mul3A_672 = arith.mulf %gather3A_666, %get3A_671 : vector<16xf32>
        %add3A_673 = arith.addf %add3A_609, %mul3A_672 : vector<16xf32>
        %add3A_674 = arith.constant 11 : i32
        %add3A_675 = arith.addi %mul3A_284, %add3A_674 : i32
        %get3A_676 = arith.index_cast %add3A_675 : i32 to index
        %get3A_677 = arith.constant 16 : index
        %get3A_678 = tpu.vector_load %arg11[%get3A_676, %get3A_677] {strides = array<i32>} : memref<400x64xf32, #tpu.memory_space<vmem>>, vector<16xf32>,
        %mul3A_679 = arith.mulf %gather3A_666, %get3A_678 : vector<16xf32>
        %add3A_680 = arith.addf %add3A_616, %mul3A_679 : vector<16xf32>
        %add3A_681 = arith.constant 11 : i32
        %add3A_682 = arith.addi %mul3A_284, %add3A_681 : i32
        %get3A_683 = arith.index_cast %add3A_682 : i32 to index
        %get3A_684 = arith.constant 32 : index
        %get3A_685 = tpu.vector_load %arg11[%get3A_683, %get3A_684] {strides = array<i32>} : memref<400x64xf32, #tpu.memory_space<vmem>>, vector<16xf32>,
        %mul3A_686 = arith.mulf %gather3A_666, %get3A_685 : vector<16xf32>
        %add3A_687 = arith.addf %add3A_623, %mul3A_686 : vector<16xf32>
        %add3A_688 = arith.constant 11 : i32
        %add3A_689 = arith.addi %mul3A_284, %add3A_688 : i32
        %get3A_690 = arith.index_cast %add3A_689 : i32 to index
        %get3A_691 = arith.constant 48 : index
        %get3A_692 = tpu.vector_load %arg11[%get3A_690, %get3A_691] {strides = array<i32>} : memref<400x64xf32, #tpu.memory_space<vmem>>, vector<16xf32>,
        %mul3A_693 = arith.mulf %gather3A_666, %get3A_692 : vector<16xf32>
        %add3A_694 = arith.addf %add3A_630, %mul3A_693 : vector<16xf32>
        %broadcast_in_dim3A_695 = arith.constant 12 : i32
        %broadcast_in_dim3A_696 = vector.broadcast %broadcast_in_dim3A_695 : i32 to vector<16x1xi32>
        %gather3A_697 = vector.shape_cast %broadcast_in_dim3A_696 : vector<16x1xi32> to vector<16xi32>
        %gather3A_698 = tpu.dynamic_gather %gather3A[%gather3A_697] in [0] : vector<16xf32>, vector<16xi32> -> vector<16xf32>
        %add3A_699 = arith.constant 12 : i32
        %add3A_700 = arith.addi %mul3A_284, %add3A_699 : i32
        %get3A_701 = arith.index_cast %add3A_700 : i32 to index
        %get3A_702 = arith.constant 0 : index
        %get3A_703 = tpu.vector_load %arg11[%get3A_701, %get3A_702] {strides = array<i32>} : memref<400x64xf32, #tpu.memory_space<vmem>>, vector<16xf32>,
        %mul3A_704 = arith.mulf %gather3A_698, %get3A_703 : vector<16xf32>
        %add3A_705 = arith.addf %add3A_641, %mul3A_704 : vector<16xf32>
        %add3A_706 = arith.constant 12 : i32
        %add3A_707 = arith.addi %mul3A_284, %add3A_706 : i32
        %get3A_708 = arith.index_cast %add3A_707 : i32 to index
        %get3A_709 = arith.constant 16 : index
        %get3A_710 = tpu.vector_load %arg11[%get3A_708, %get3A_709] {strides = array<i32>} : memref<400x64xf32, #tpu.memory_space<vmem>>, vector<16xf32>,
        %mul3A_711 = arith.mulf %gather3A_698, %get3A_710 : vector<16xf32>
        %add3A_712 = arith.addf %add3A_648, %mul3A_711 : vector<16xf32>
        %add3A_713 = arith.constant 12 : i32
        %add3A_714 = arith.addi %mul3A_284, %add3A_713 : i32
        %get3A_715 = arith.index_cast %add3A_714 : i32 to index
        %get3A_716 = arith.constant 32 : index
        %get3A_717 = tpu.vector_load %arg11[%get3A_715, %get3A_716] {strides = array<i32>} : memref<400x64xf32, #tpu.memory_space<vmem>>, vector<16xf32>,
        %mul3A_718 = arith.mulf %gather3A_698, %get3A_717 : vector<16xf32>
        %add3A_719 = arith.addf %add3A_655, %mul3A_718 : vector<16xf32>
        %add3A_720 = arith.constant 12 : i32
        %add3A_721 = arith.addi %mul3A_284, %add3A_720 : i32
        %get3A_722 = arith.index_cast %add3A_721 : i32 to index
        %get3A_723 = arith.constant 48 : index
        %get3A_724 = tpu.vector_load %arg11[%get3A_722, %get3A_723] {strides = array<i32>} : memref<400x64xf32, #tpu.memory_space<vmem>>, vector<16xf32>,
        %mul3A_725 = arith.mulf %gather3A_698, %get3A_724 : vector<16xf32>
        %add3A_726 = arith.addf %add3A_662, %mul3A_725 : vector<16xf32>
        %broadcast_in_dim3A_727 = arith.constant 13 : i32
        %broadcast_in_dim3A_728 = vector.broadcast %broadcast_in_dim3A_727 : i32 to vector<16x1xi32>
        %gather3A_729 = vector.shape_cast %broadcast_in_dim3A_728 : vector<16x1xi32> to vector<16xi32>
        %gather3A_730 = tpu.dynamic_gather %gather3A[%gather3A_729] in [0] : vector<16xf32>, vector<16xi32> -> vector<16xf32>
        %add3A_731 = arith.constant 13 : i32
        %add3A_732 = arith.addi %mul3A_284, %add3A_731 : i32
        %get3A_733 = arith.index_cast %add3A_732 : i32 to index
        %get3A_734 = arith.constant 0 : index
        %get3A_735 = tpu.vector_load %arg11[%get3A_733, %get3A_734] {strides = array<i32>} : memref<400x64xf32, #tpu.memory_space<vmem>>, vector<16xf32>,
        %mul3A_736 = arith.mulf %gather3A_730, %get3A_735 : vector<16xf32>
        %add3A_737 = arith.addf %add3A_673, %mul3A_736 : vector<16xf32>
        %add3A_738 = arith.constant 13 : i32
        %add3A_739 = arith.addi %mul3A_284, %add3A_738 : i32
        %get3A_740 = arith.index_cast %add3A_739 : i32 to index
        %get3A_741 = arith.constant 16 : index
        %get3A_742 = tpu.vector_load %arg11[%get3A_740, %get3A_741] {strides = array<i32>} : memref<400x64xf32, #tpu.memory_space<vmem>>, vector<16xf32>,
        %mul3A_743 = arith.mulf %gather3A_730, %get3A_742 : vector<16xf32>
        %add3A_744 = arith.addf %add3A_680, %mul3A_743 : vector<16xf32>
        %add3A_745 = arith.constant 13 : i32
        %add3A_746 = arith.addi %mul3A_284, %add3A_745 : i32
        %get3A_747 = arith.index_cast %add3A_746 : i32 to index
        %get3A_748 = arith.constant 32 : index
        %get3A_749 = tpu.vector_load %arg11[%get3A_747, %get3A_748] {strides = array<i32>} : memref<400x64xf32, #tpu.memory_space<vmem>>, vector<16xf32>,
        %mul3A_750 = arith.mulf %gather3A_730, %get3A_749 : vector<16xf32>
        %add3A_751 = arith.addf %add3A_687, %mul3A_750 : vector<16xf32>
        %add3A_752 = arith.constant 13 : i32
        %add3A_753 = arith.addi %mul3A_284, %add3A_752 : i32
        %get3A_754 = arith.index_cast %add3A_753 : i32 to index
        %get3A_755 = arith.constant 48 : index
        %get3A_756 = tpu.vector_load %arg11[%get3A_754, %get3A_755] {strides = array<i32>} : memref<400x64xf32, #tpu.memory_space<vmem>>, vector<16xf32>,
        %mul3A_757 = arith.mulf %gather3A_730, %get3A_756 : vector<16xf32>
        %add3A_758 = arith.addf %add3A_694, %mul3A_757 : vector<16xf32>
        %broadcast_in_dim3A_759 = arith.constant 14 : i32
        %broadcast_in_dim3A_760 = vector.broadcast %broadcast_in_dim3A_759 : i32 to vector<16x1xi32>
        %gather3A_761 = vector.shape_cast %broadcast_in_dim3A_760 : vector<16x1xi32> to vector<16xi32>
        %gather3A_762 = tpu.dynamic_gather %gather3A[%gather3A_761] in [0] : vector<16xf32>, vector<16xi32> -> vector<16xf32>
        %add3A_763 = arith.constant 14 : i32
        %add3A_764 = arith.addi %mul3A_284, %add3A_763 : i32
        %get3A_765 = arith.index_cast %add3A_764 : i32 to index
        %get3A_766 = arith.constant 0 : index
        %get3A_767 = tpu.vector_load %arg11[%get3A_765, %get3A_766] {strides = array<i32>} : memref<400x64xf32, #tpu.memory_space<vmem>>, vector<16xf32>,
        %mul3A_768 = arith.mulf %gather3A_762, %get3A_767 : vector<16xf32>
        %add3A_769 = arith.addf %add3A_705, %mul3A_768 : vector<16xf32>
        %add3A_770 = arith.constant 14 : i32
        %add3A_771 = arith.addi %mul3A_284, %add3A_770 : i32
        %get3A_772 = arith.index_cast %add3A_771 : i32 to index
        %get3A_773 = arith.constant 16 : index
        %get3A_774 = tpu.vector_load %arg11[%get3A_772, %get3A_773] {strides = array<i32>} : memref<400x64xf32, #tpu.memory_space<vmem>>, vector<16xf32>,
        %mul3A_775 = arith.mulf %gather3A_762, %get3A_774 : vector<16xf32>
        %add3A_776 = arith.addf %add3A_712, %mul3A_775 : vector<16xf32>
        %add3A_777 = arith.constant 14 : i32
        %add3A_778 = arith.addi %mul3A_284, %add3A_777 : i32
        %get3A_779 = arith.index_cast %add3A_778 : i32 to index
        %get3A_780 = arith.constant 32 : index
        %get3A_781 = tpu.vector_load %arg11[%get3A_779, %get3A_780] {strides = array<i32>} : memref<400x64xf32, #tpu.memory_space<vmem>>, vector<16xf32>,
        %mul3A_782 = arith.mulf %gather3A_762, %get3A_781 : vector<16xf32>
        %add3A_783 = arith.addf %add3A_719, %mul3A_782 : vector<16xf32>
        %add3A_784 = arith.constant 14 : i32
        %add3A_785 = arith.addi %mul3A_284, %add3A_784 : i32
        %get3A_786 = arith.index_cast %add3A_785 : i32 to index
        %get3A_787 = arith.constant 48 : index
        %get3A_788 = tpu.vector_load %arg11[%get3A_786, %get3A_787] {strides = array<i32>} : memref<400x64xf32, #tpu.memory_space<vmem>>, vector<16xf32>,
        %mul3A_789 = arith.mulf %gather3A_762, %get3A_788 : vector<16xf32>
        %add3A_790 = arith.addf %add3A_726, %mul3A_789 : vector<16xf32>
        %broadcast_in_dim3A_791 = arith.constant 15 : i32
        %broadcast_in_dim3A_792 = vector.broadcast %broadcast_in_dim3A_791 : i32 to vector<16x1xi32>
        %gather3A_793 = vector.shape_cast %broadcast_in_dim3A_792 : vector<16x1xi32> to vector<16xi32>
        %gather3A_794 = tpu.dynamic_gather %gather3A[%gather3A_793] in [0] : vector<16xf32>, vector<16xi32> -> vector<16xf32>
        %add3A_795 = arith.constant 15 : i32
        %add3A_796 = arith.addi %mul3A_284, %add3A_795 : i32
        %get3A_797 = arith.index_cast %add3A_796 : i32 to index
        %get3A_798 = arith.constant 0 : index
        %get3A_799 = tpu.vector_load %arg11[%get3A_797, %get3A_798] {strides = array<i32>} : memref<400x64xf32, #tpu.memory_space<vmem>>, vector<16xf32>,
        %mul3A_800 = arith.mulf %gather3A_794, %get3A_799 : vector<16xf32>
        %add3A_801 = arith.addf %add3A_737, %mul3A_800 : vector<16xf32>
        %add3A_802 = arith.constant 15 : i32
        %add3A_803 = arith.addi %mul3A_284, %add3A_802 : i32
        %get3A_804 = arith.index_cast %add3A_803 : i32 to index
        %get3A_805 = arith.constant 16 : index
        %get3A_806 = tpu.vector_load %arg11[%get3A_804, %get3A_805] {strides = array<i32>} : memref<400x64xf32, #tpu.memory_space<vmem>>, vector<16xf32>,
        %mul3A_807 = arith.mulf %gather3A_794, %get3A_806 : vector<16xf32>
        %add3A_808 = arith.addf %add3A_744, %mul3A_807 : vector<16xf32>
        %add3A_809 = arith.constant 15 : i32
        %add3A_810 = arith.addi %mul3A_284, %add3A_809 : i32
        %get3A_811 = arith.index_cast %add3A_810 : i32 to index
        %get3A_812 = arith.constant 32 : index
        %get3A_813 = tpu.vector_load %arg11[%get3A_811, %get3A_812] {strides = array<i32>} : memref<400x64xf32, #tpu.memory_space<vmem>>, vector<16xf32>,
        %mul3A_814 = arith.mulf %gather3A_794, %get3A_813 : vector<16xf32>
        %add3A_815 = arith.addf %add3A_751, %mul3A_814 : vector<16xf32>
        %add3A_816 = arith.constant 15 : i32
        %add3A_817 = arith.addi %mul3A_284, %add3A_816 : i32
        %get3A_818 = arith.index_cast %add3A_817 : i32 to index
        %get3A_819 = arith.constant 48 : index
        %get3A_820 = tpu.vector_load %arg11[%get3A_818, %get3A_819] {strides = array<i32>} : memref<400x64xf32, #tpu.memory_space<vmem>>, vector<16xf32>,
        %mul3A_821 = arith.mulf %gather3A_794, %get3A_820 : vector<16xf32>
        %add3A_822 = arith.addf %add3A_758, %mul3A_821 : vector<16xf32>
        %broadcast_in_dim3A_823 = arith.constant 0 : i32
        %broadcast_in_dim3A_824 = vector.broadcast %broadcast_in_dim3A_823 : i32 to vector<16x1xi32>
        %gather3A_825 = vector.shape_cast %broadcast_in_dim3A_824 : vector<16x1xi32> to vector<16xi32>
        %gather3A_826 = tpu.dynamic_gather %gather3A_294[%gather3A_825] in [0] : vector<16xf32>, vector<16xi32> -> vector<16xf32>
        %add3A_827 = arith.constant 16 : i32
        %add3A_828 = arith.addi %mul3A_284, %add3A_827 : i32
        %get3A_829 = arith.index_cast %add3A_828 : i32 to index
        %get3A_830 = arith.constant 0 : index
        %get3A_831 = tpu.vector_load %arg11[%get3A_829, %get3A_830] {strides = array<i32>} : memref<400x64xf32, #tpu.memory_space<vmem>>, vector<16xf32>,
        %mul3A_832 = arith.mulf %gather3A_826, %get3A_831 : vector<16xf32>
        %add3A_833 = arith.addf %add3A_769, %mul3A_832 : vector<16xf32>
        %add3A_834 = arith.constant 16 : i32
        %add3A_835 = arith.addi %mul3A_284, %add3A_834 : i32
        %get3A_836 = arith.index_cast %add3A_835 : i32 to index
        %get3A_837 = arith.constant 16 : index
        %get3A_838 = tpu.vector_load %arg11[%get3A_836, %get3A_837] {strides = array<i32>} : memref<400x64xf32, #tpu.memory_space<vmem>>, vector<16xf32>,
        %mul3A_839 = arith.mulf %gather3A_826, %get3A_838 : vector<16xf32>
        %add3A_840 = arith.addf %add3A_776, %mul3A_839 : vector<16xf32>
        %add3A_841 = arith.constant 16 : i32
        %add3A_842 = arith.addi %mul3A_284, %add3A_841 : i32
        %get3A_843 = arith.index_cast %add3A_842 : i32 to index
        %get3A_844 = arith.constant 32 : index
        %get3A_845 = tpu.vector_load %arg11[%get3A_843, %get3A_844] {strides = array<i32>} : memref<400x64xf32, #tpu.memory_space<vmem>>, vector<16xf32>,
        %mul3A_846 = arith.mulf %gather3A_826, %get3A_845 : vector<16xf32>
        %add3A_847 = arith.addf %add3A_783, %mul3A_846 : vector<16xf32>
        %add3A_848 = arith.constant 16 : i32
        %add3A_849 = arith.addi %mul3A_284, %add3A_848 : i32
        %get3A_850 = arith.index_cast %add3A_849 : i32 to index
        %get3A_851 = arith.constant 48 : index
        %get3A_852 = tpu.vector_load %arg11[%get3A_850, %get3A_851] {strides = array<i32>} : memref<400x64xf32, #tpu.memory_space<vmem>>, vector<16xf32>,
        %mul3A_853 = arith.mulf %gather3A_826, %get3A_852 : vector<16xf32>
        %add3A_854 = arith.addf %add3A_790, %mul3A_853 : vector<16xf32>
        %broadcast_in_dim3A_855 = arith.constant 1 : i32
        %broadcast_in_dim3A_856 = vector.broadcast %broadcast_in_dim3A_855 : i32 to vector<16x1xi32>
        %gather3A_857 = vector.shape_cast %broadcast_in_dim3A_856 : vector<16x1xi32> to vector<16xi32>
        %gather3A_858 = tpu.dynamic_gather %gather3A_294[%gather3A_857] in [0] : vector<16xf32>, vector<16xi32> -> vector<16xf32>
        %add3A_859 = arith.constant 17 : i32
        %add3A_860 = arith.addi %mul3A_284, %add3A_859 : i32
        %get3A_861 = arith.index_cast %add3A_860 : i32 to index
        %get3A_862 = arith.constant 0 : index
        %get3A_863 = tpu.vector_load %arg11[%get3A_861, %get3A_862] {strides = array<i32>} : memref<400x64xf32, #tpu.memory_space<vmem>>, vector<16xf32>,
        %mul3A_864 = arith.mulf %gather3A_858, %get3A_863 : vector<16xf32>
        %add3A_865 = arith.addf %add3A_801, %mul3A_864 : vector<16xf32>
        %add3A_866 = arith.constant 17 : i32
        %add3A_867 = arith.addi %mul3A_284, %add3A_866 : i32
        %get3A_868 = arith.index_cast %add3A_867 : i32 to index
        %get3A_869 = arith.constant 16 : index
        %get3A_870 = tpu.vector_load %arg11[%get3A_868, %get3A_869] {strides = array<i32>} : memref<400x64xf32, #tpu.memory_space<vmem>>, vector<16xf32>,
        %mul3A_871 = arith.mulf %gather3A_858, %get3A_870 : vector<16xf32>
        %add3A_872 = arith.addf %add3A_808, %mul3A_871 : vector<16xf32>
        %add3A_873 = arith.constant 17 : i32
        %add3A_874 = arith.addi %mul3A_284, %add3A_873 : i32
        %get3A_875 = arith.index_cast %add3A_874 : i32 to index
        %get3A_876 = arith.constant 32 : index
        %get3A_877 = tpu.vector_load %arg11[%get3A_875, %get3A_876] {strides = array<i32>} : memref<400x64xf32, #tpu.memory_space<vmem>>, vector<16xf32>,
        %mul3A_878 = arith.mulf %gather3A_858, %get3A_877 : vector<16xf32>
        %add3A_879 = arith.addf %add3A_815, %mul3A_878 : vector<16xf32>
        %add3A_880 = arith.constant 17 : i32
        %add3A_881 = arith.addi %mul3A_284, %add3A_880 : i32
        %get3A_882 = arith.index_cast %add3A_881 : i32 to index
        %get3A_883 = arith.constant 48 : index
        %get3A_884 = tpu.vector_load %arg11[%get3A_882, %get3A_883] {strides = array<i32>} : memref<400x64xf32, #tpu.memory_space<vmem>>, vector<16xf32>,
        %mul3A_885 = arith.mulf %gather3A_858, %get3A_884 : vector<16xf32>
        %add3A_886 = arith.addf %add3A_822, %mul3A_885 : vector<16xf32>
        %broadcast_in_dim3A_887 = arith.constant 2 : i32
        %broadcast_in_dim3A_888 = vector.broadcast %broadcast_in_dim3A_887 : i32 to vector<16x1xi32>
        %gather3A_889 = vector.shape_cast %broadcast_in_dim3A_888 : vector<16x1xi32> to vector<16xi32>
        %gather3A_890 = tpu.dynamic_gather %gather3A_294[%gather3A_889] in [0] : vector<16xf32>, vector<16xi32> -> vector<16xf32>
        %add3A_891 = arith.constant 18 : i32
        %add3A_892 = arith.addi %mul3A_284, %add3A_891 : i32
        %get3A_893 = arith.index_cast %add3A_892 : i32 to index
        %get3A_894 = arith.constant 0 : index
        %get3A_895 = tpu.vector_load %arg11[%get3A_893, %get3A_894] {strides = array<i32>} : memref<400x64xf32, #tpu.memory_space<vmem>>, vector<16xf32>,
        %mul3A_896 = arith.mulf %gather3A_890, %get3A_895 : vector<16xf32>
        %add3A_897 = arith.addf %add3A_833, %mul3A_896 : vector<16xf32>
        %add3A_898 = arith.constant 18 : i32
        %add3A_899 = arith.addi %mul3A_284, %add3A_898 : i32
        %get3A_900 = arith.index_cast %add3A_899 : i32 to index
        %get3A_901 = arith.constant 16 : index
        %get3A_902 = tpu.vector_load %arg11[%get3A_900, %get3A_901] {strides = array<i32>} : memref<400x64xf32, #tpu.memory_space<vmem>>, vector<16xf32>,
        %mul3A_903 = arith.mulf %gather3A_890, %get3A_902 : vector<16xf32>
        %add3A_904 = arith.addf %add3A_840, %mul3A_903 : vector<16xf32>
        %add3A_905 = arith.constant 18 : i32
        %add3A_906 = arith.addi %mul3A_284, %add3A_905 : i32
        %get3A_907 = arith.index_cast %add3A_906 : i32 to index
        %get3A_908 = arith.constant 32 : index
        %get3A_909 = tpu.vector_load %arg11[%get3A_907, %get3A_908] {strides = array<i32>} : memref<400x64xf32, #tpu.memory_space<vmem>>, vector<16xf32>,
        %mul3A_910 = arith.mulf %gather3A_890, %get3A_909 : vector<16xf32>
        %add3A_911 = arith.addf %add3A_847, %mul3A_910 : vector<16xf32>
        %add3A_912 = arith.constant 18 : i32
        %add3A_913 = arith.addi %mul3A_284, %add3A_912 : i32
        %get3A_914 = arith.index_cast %add3A_913 : i32 to index
        %get3A_915 = arith.constant 48 : index
        %get3A_916 = tpu.vector_load %arg11[%get3A_914, %get3A_915] {strides = array<i32>} : memref<400x64xf32, #tpu.memory_space<vmem>>, vector<16xf32>,
        %mul3A_917 = arith.mulf %gather3A_890, %get3A_916 : vector<16xf32>
        %add3A_918 = arith.addf %add3A_854, %mul3A_917 : vector<16xf32>
        %broadcast_in_dim3A_919 = arith.constant 3 : i32
        %broadcast_in_dim3A_920 = vector.broadcast %broadcast_in_dim3A_919 : i32 to vector<16x1xi32>
        %gather3A_921 = vector.shape_cast %broadcast_in_dim3A_920 : vector<16x1xi32> to vector<16xi32>
        %gather3A_922 = tpu.dynamic_gather %gather3A_294[%gather3A_921] in [0] : vector<16xf32>, vector<16xi32> -> vector<16xf32>
        %add3A_923 = arith.constant 19 : i32
        %add3A_924 = arith.addi %mul3A_284, %add3A_923 : i32
        %get3A_925 = arith.index_cast %add3A_924 : i32 to index
        %get3A_926 = arith.constant 0 : index
        %get3A_927 = tpu.vector_load %arg11[%get3A_925, %get3A_926] {strides = array<i32>} : memref<400x64xf32, #tpu.memory_space<vmem>>, vector<16xf32>,
        %mul3A_928 = arith.mulf %gather3A_922, %get3A_927 : vector<16xf32>
        %add3A_929 = arith.addf %add3A_865, %mul3A_928 : vector<16xf32>
        %add3A_930 = arith.constant 19 : i32
        %add3A_931 = arith.addi %mul3A_284, %add3A_930 : i32
        %get3A_932 = arith.index_cast %add3A_931 : i32 to index
        %get3A_933 = arith.constant 16 : index
        %get3A_934 = tpu.vector_load %arg11[%get3A_932, %get3A_933] {strides = array<i32>} : memref<400x64xf32, #tpu.memory_space<vmem>>, vector<16xf32>,
        %mul3A_935 = arith.mulf %gather3A_922, %get3A_934 : vector<16xf32>
        %add3A_936 = arith.addf %add3A_872, %mul3A_935 : vector<16xf32>
        %add3A_937 = arith.constant 19 : i32
        %add3A_938 = arith.addi %mul3A_284, %add3A_937 : i32
        %get3A_939 = arith.index_cast %add3A_938 : i32 to index
        %get3A_940 = arith.constant 32 : index
        %get3A_941 = tpu.vector_load %arg11[%get3A_939, %get3A_940] {strides = array<i32>} : memref<400x64xf32, #tpu.memory_space<vmem>>, vector<16xf32>,
        %mul3A_942 = arith.mulf %gather3A_922, %get3A_941 : vector<16xf32>
        %add3A_943 = arith.addf %add3A_879, %mul3A_942 : vector<16xf32>
        %add3A_944 = arith.constant 19 : i32
        %add3A_945 = arith.addi %mul3A_284, %add3A_944 : i32
        %get3A_946 = arith.index_cast %add3A_945 : i32 to index
        %get3A_947 = arith.constant 48 : index
        %get3A_948 = tpu.vector_load %arg11[%get3A_946, %get3A_947] {strides = array<i32>} : memref<400x64xf32, #tpu.memory_space<vmem>>, vector<16xf32>,
        %mul3A_949 = arith.mulf %gather3A_922, %get3A_948 : vector<16xf32>
        %add3A_950 = arith.addf %add3A_886, %mul3A_949 : vector<16xf32>
        %broadcast_in_dim3A_951 = arith.constant 4 : i32
        %broadcast_in_dim3A_952 = vector.broadcast %broadcast_in_dim3A_951 : i32 to vector<16x1xi32>
        %gather3A_953 = vector.shape_cast %broadcast_in_dim3A_952 : vector<16x1xi32> to vector<16xi32>
        %gather3A_954 = tpu.dynamic_gather %gather3A_294[%gather3A_953] in [0] : vector<16xf32>, vector<16xi32> -> vector<16xf32>
        %add3A_955 = arith.constant 20 : i32
        %add3A_956 = arith.addi %mul3A_284, %add3A_955 : i32
        %get3A_957 = arith.index_cast %add3A_956 : i32 to index
        %get3A_958 = arith.constant 0 : index
        %get3A_959 = tpu.vector_load %arg11[%get3A_957, %get3A_958] {strides = array<i32>} : memref<400x64xf32, #tpu.memory_space<vmem>>, vector<16xf32>,
        %mul3A_960 = arith.mulf %gather3A_954, %get3A_959 : vector<16xf32>
        %add3A_961 = arith.addf %add3A_897, %mul3A_960 : vector<16xf32>
        %add3A_962 = arith.constant 20 : i32
        %add3A_963 = arith.addi %mul3A_284, %add3A_962 : i32
        %get3A_964 = arith.index_cast %add3A_963 : i32 to index
        %get3A_965 = arith.constant 16 : index
        %get3A_966 = tpu.vector_load %arg11[%get3A_964, %get3A_965] {strides = array<i32>} : memref<400x64xf32, #tpu.memory_space<vmem>>, vector<16xf32>,
        %mul3A_967 = arith.mulf %gather3A_954, %get3A_966 : vector<16xf32>
        %add3A_968 = arith.addf %add3A_904, %mul3A_967 : vector<16xf32>
        %add3A_969 = arith.constant 20 : i32
        %add3A_970 = arith.addi %mul3A_284, %add3A_969 : i32
        %get3A_971 = arith.index_cast %add3A_970 : i32 to index
        %get3A_972 = arith.constant 32 : index
        %get3A_973 = tpu.vector_load %arg11[%get3A_971, %get3A_972] {strides = array<i32>} : memref<400x64xf32, #tpu.memory_space<vmem>>, vector<16xf32>,
        %mul3A_974 = arith.mulf %gather3A_954, %get3A_973 : vector<16xf32>
        %add3A_975 = arith.addf %add3A_911, %mul3A_974 : vector<16xf32>
        %add3A_976 = arith.constant 20 : i32
        %add3A_977 = arith.addi %mul3A_284, %add3A_976 : i32
        %get3A_978 = arith.index_cast %add3A_977 : i32 to index
        %get3A_979 = arith.constant 48 : index
        %get3A_980 = tpu.vector_load %arg11[%get3A_978, %get3A_979] {strides = array<i32>} : memref<400x64xf32, #tpu.memory_space<vmem>>, vector<16xf32>,
        %mul3A_981 = arith.mulf %gather3A_954, %get3A_980 : vector<16xf32>
        %add3A_982 = arith.addf %add3A_918, %mul3A_981 : vector<16xf32>
        %broadcast_in_dim3A_983 = arith.constant 5 : i32
        %broadcast_in_dim3A_984 = vector.broadcast %broadcast_in_dim3A_983 : i32 to vector<16x1xi32>
        %gather3A_985 = vector.shape_cast %broadcast_in_dim3A_984 : vector<16x1xi32> to vector<16xi32>
        %gather3A_986 = tpu.dynamic_gather %gather3A_294[%gather3A_985] in [0] : vector<16xf32>, vector<16xi32> -> vector<16xf32>
        %add3A_987 = arith.constant 21 : i32
        %add3A_988 = arith.addi %mul3A_284, %add3A_987 : i32
        %get3A_989 = arith.index_cast %add3A_988 : i32 to index
        %get3A_990 = arith.constant 0 : index
        %get3A_991 = tpu.vector_load %arg11[%get3A_989, %get3A_990] {strides = array<i32>} : memref<400x64xf32, #tpu.memory_space<vmem>>, vector<16xf32>,
        %mul3A_992 = arith.mulf %gather3A_986, %get3A_991 : vector<16xf32>
        %add3A_993 = arith.addf %add3A_929, %mul3A_992 : vector<16xf32>
        %add3A_994 = arith.constant 21 : i32
        %add3A_995 = arith.addi %mul3A_284, %add3A_994 : i32
        %get3A_996 = arith.index_cast %add3A_995 : i32 to index
        %get3A_997 = arith.constant 16 : index
        %get3A_998 = tpu.vector_load %arg11[%get3A_996, %get3A_997] {strides = array<i32>} : memref<400x64xf32, #tpu.memory_space<vmem>>, vector<16xf32>,
        %mul3A_999 = arith.mulf %gather3A_986, %get3A_998 : vector<16xf32>
        %add3A_1000 = arith.addf %add3A_936, %mul3A_999 : vector<16xf32>
        %add3A_1001 = arith.constant 21 : i32
        %add3A_1002 = arith.addi %mul3A_284, %add3A_1001 : i32
        %get3A_1003 = arith.index_cast %add3A_1002 : i32 to index
        %get3A_1004 = arith.constant 32 : index
        %get3A_1005 = tpu.vector_load %arg11[%get3A_1003, %get3A_1004] {strides = array<i32>} : memref<400x64xf32, #tpu.memory_space<vmem>>, vector<16xf32>,
        %mul3A_1006 = arith.mulf %gather3A_986, %get3A_1005 : vector<16xf32>
        %add3A_1007 = arith.addf %add3A_943, %mul3A_1006 : vector<16xf32>
        %add3A_1008 = arith.constant 21 : i32
        %add3A_1009 = arith.addi %mul3A_284, %add3A_1008 : i32
        %get3A_1010 = arith.index_cast %add3A_1009 : i32 to index
        %get3A_1011 = arith.constant 48 : index
        %get3A_1012 = tpu.vector_load %arg11[%get3A_1010, %get3A_1011] {strides = array<i32>} : memref<400x64xf32, #tpu.memory_space<vmem>>, vector<16xf32>,
        %mul3A_1013 = arith.mulf %gather3A_986, %get3A_1012 : vector<16xf32>
        %add3A_1014 = arith.addf %add3A_950, %mul3A_1013 : vector<16xf32>
        %broadcast_in_dim3A_1015 = arith.constant 6 : i32
        %broadcast_in_dim3A_1016 = vector.broadcast %broadcast_in_dim3A_1015 : i32 to vector<16x1xi32>
        %gather3A_1017 = vector.shape_cast %broadcast_in_dim3A_1016 : vector<16x1xi32> to vector<16xi32>
        %gather3A_1018 = tpu.dynamic_gather %gather3A_294[%gather3A_1017] in [0] : vector<16xf32>, vector<16xi32> -> vector<16xf32>
        %add3A_1019 = arith.constant 22 : i32
        %add3A_1020 = arith.addi %mul3A_284, %add3A_1019 : i32
        %get3A_1021 = arith.index_cast %add3A_1020 : i32 to index
        %get3A_1022 = arith.constant 0 : index
        %get3A_1023 = tpu.vector_load %arg11[%get3A_1021, %get3A_1022] {strides = array<i32>} : memref<400x64xf32, #tpu.memory_space<vmem>>, vector<16xf32>,
        %mul3A_1024 = arith.mulf %gather3A_1018, %get3A_1023 : vector<16xf32>
        %add3A_1025 = arith.addf %add3A_961, %mul3A_1024 : vector<16xf32>
        %add3A_1026 = arith.constant 22 : i32
        %add3A_1027 = arith.addi %mul3A_284, %add3A_1026 : i32
        %get3A_1028 = arith.index_cast %add3A_1027 : i32 to index
        %get3A_1029 = arith.constant 16 : index
        %get3A_1030 = tpu.vector_load %arg11[%get3A_1028, %get3A_1029] {strides = array<i32>} : memref<400x64xf32, #tpu.memory_space<vmem>>, vector<16xf32>,
        %mul3A_1031 = arith.mulf %gather3A_1018, %get3A_1030 : vector<16xf32>
        %add3A_1032 = arith.addf %add3A_968, %mul3A_1031 : vector<16xf32>
        %add3A_1033 = arith.constant 22 : i32
        %add3A_1034 = arith.addi %mul3A_284, %add3A_1033 : i32
        %get3A_1035 = arith.index_cast %add3A_1034 : i32 to index
        %get3A_1036 = arith.constant 32 : index
        %get3A_1037 = tpu.vector_load %arg11[%get3A_1035, %get3A_1036] {strides = array<i32>} : memref<400x64xf32, #tpu.memory_space<vmem>>, vector<16xf32>,
        %mul3A_1038 = arith.mulf %gather3A_1018, %get3A_1037 : vector<16xf32>
        %add3A_1039 = arith.addf %add3A_975, %mul3A_1038 : vector<16xf32>
        %add3A_1040 = arith.constant 22 : i32
        %add3A_1041 = arith.addi %mul3A_284, %add3A_1040 : i32
        %get3A_1042 = arith.index_cast %add3A_1041 : i32 to index
        %get3A_1043 = arith.constant 48 : index
        %get3A_1044 = tpu.vector_load %arg11[%get3A_1042, %get3A_1043] {strides = array<i32>} : memref<400x64xf32, #tpu.memory_space<vmem>>, vector<16xf32>,
        %mul3A_1045 = arith.mulf %gather3A_1018, %get3A_1044 : vector<16xf32>
        %add3A_1046 = arith.addf %add3A_982, %mul3A_1045 : vector<16xf32>
        %broadcast_in_dim3A_1047 = arith.constant 7 : i32
        %broadcast_in_dim3A_1048 = vector.broadcast %broadcast_in_dim3A_1047 : i32 to vector<16x1xi32>
        %gather3A_1049 = vector.shape_cast %broadcast_in_dim3A_1048 : vector<16x1xi32> to vector<16xi32>
        %gather3A_1050 = tpu.dynamic_gather %gather3A_294[%gather3A_1049] in [0] : vector<16xf32>, vector<16xi32> -> vector<16xf32>
        %add3A_1051 = arith.constant 23 : i32
        %add3A_1052 = arith.addi %mul3A_284, %add3A_1051 : i32
        %get3A_1053 = arith.index_cast %add3A_1052 : i32 to index
        %get3A_1054 = arith.constant 0 : index
        %get3A_1055 = tpu.vector_load %arg11[%get3A_1053, %get3A_1054] {strides = array<i32>} : memref<400x64xf32, #tpu.memory_space<vmem>>, vector<16xf32>,
        %mul3A_1056 = arith.mulf %gather3A_1050, %get3A_1055 : vector<16xf32>
        %add3A_1057 = arith.addf %add3A_993, %mul3A_1056 : vector<16xf32>
        %add3A_1058 = arith.constant 23 : i32
        %add3A_1059 = arith.addi %mul3A_284, %add3A_1058 : i32
        %get3A_1060 = arith.index_cast %add3A_1059 : i32 to index
        %get3A_1061 = arith.constant 16 : index
        %get3A_1062 = tpu.vector_load %arg11[%get3A_1060, %get3A_1061] {strides = array<i32>} : memref<400x64xf32, #tpu.memory_space<vmem>>, vector<16xf32>,
        %mul3A_1063 = arith.mulf %gather3A_1050, %get3A_1062 : vector<16xf32>
        %add3A_1064 = arith.addf %add3A_1000, %mul3A_1063 : vector<16xf32>
        %add3A_1065 = arith.constant 23 : i32
        %add3A_1066 = arith.addi %mul3A_284, %add3A_1065 : i32
        %get3A_1067 = arith.index_cast %add3A_1066 : i32 to index
        %get3A_1068 = arith.constant 32 : index
        %get3A_1069 = tpu.vector_load %arg11[%get3A_1067, %get3A_1068] {strides = array<i32>} : memref<400x64xf32, #tpu.memory_space<vmem>>, vector<16xf32>,
        %mul3A_1070 = arith.mulf %gather3A_1050, %get3A_1069 : vector<16xf32>
        %add3A_1071 = arith.addf %add3A_1007, %mul3A_1070 : vector<16xf32>
        %add3A_1072 = arith.constant 23 : i32
        %add3A_1073 = arith.addi %mul3A_284, %add3A_1072 : i32
        %get3A_1074 = arith.index_cast %add3A_1073 : i32 to index
        %get3A_1075 = arith.constant 48 : index
        %get3A_1076 = tpu.vector_load %arg11[%get3A_1074, %get3A_1075] {strides = array<i32>} : memref<400x64xf32, #tpu.memory_space<vmem>>, vector<16xf32>,
        %mul3A_1077 = arith.mulf %gather3A_1050, %get3A_1076 : vector<16xf32>
        %add3A_1078 = arith.addf %add3A_1014, %mul3A_1077 : vector<16xf32>
        %broadcast_in_dim3A_1079 = arith.constant 8 : i32
        %broadcast_in_dim3A_1080 = vector.broadcast %broadcast_in_dim3A_1079 : i32 to vector<16x1xi32>
        %gather3A_1081 = vector.shape_cast %broadcast_in_dim3A_1080 : vector<16x1xi32> to vector<16xi32>
        %gather3A_1082 = tpu.dynamic_gather %gather3A_294[%gather3A_1081] in [0] : vector<16xf32>, vector<16xi32> -> vector<16xf32>
        %add3A_1083 = arith.constant 24 : i32
        %add3A_1084 = arith.addi %mul3A_284, %add3A_1083 : i32
        %get3A_1085 = arith.index_cast %add3A_1084 : i32 to index
        %get3A_1086 = arith.constant 0 : index
        %get3A_1087 = tpu.vector_load %arg11[%get3A_1085, %get3A_1086] {strides = array<i32>} : memref<400x64xf32, #tpu.memory_space<vmem>>, vector<16xf32>,
        %mul3A_1088 = arith.mulf %gather3A_1082, %get3A_1087 : vector<16xf32>
        %add3A_1089 = arith.addf %add3A_1025, %mul3A_1088 : vector<16xf32>
        %add3A_1090 = arith.constant 24 : i32
        %add3A_1091 = arith.addi %mul3A_284, %add3A_1090 : i32
        %get3A_1092 = arith.index_cast %add3A_1091 : i32 to index
        %get3A_1093 = arith.constant 16 : index
        %get3A_1094 = tpu.vector_load %arg11[%get3A_1092, %get3A_1093] {strides = array<i32>} : memref<400x64xf32, #tpu.memory_space<vmem>>, vector<16xf32>,
        %mul3A_1095 = arith.mulf %gather3A_1082, %get3A_1094 : vector<16xf32>
        %add3A_1096 = arith.addf %add3A_1032, %mul3A_1095 : vector<16xf32>
        %add3A_1097 = arith.constant 24 : i32
        %add3A_1098 = arith.addi %mul3A_284, %add3A_1097 : i32
        %get3A_1099 = arith.index_cast %add3A_1098 : i32 to index
        %get3A_1100 = arith.constant 32 : index
        %get3A_1101 = tpu.vector_load %arg11[%get3A_1099, %get3A_1100] {strides = array<i32>} : memref<400x64xf32, #tpu.memory_space<vmem>>, vector<16xf32>,
        %mul3A_1102 = arith.mulf %gather3A_1082, %get3A_1101 : vector<16xf32>
        %add3A_1103 = arith.addf %add3A_1039, %mul3A_1102 : vector<16xf32>
        %add3A_1104 = arith.constant 24 : i32
        %add3A_1105 = arith.addi %mul3A_284, %add3A_1104 : i32
        %get3A_1106 = arith.index_cast %add3A_1105 : i32 to index
        %get3A_1107 = arith.constant 48 : index
        %get3A_1108 = tpu.vector_load %arg11[%get3A_1106, %get3A_1107] {strides = array<i32>} : memref<400x64xf32, #tpu.memory_space<vmem>>, vector<16xf32>,
        %mul3A_1109 = arith.mulf %gather3A_1082, %get3A_1108 : vector<16xf32>
        %add3A_1110 = arith.addf %add3A_1046, %mul3A_1109 : vector<16xf32>
        %broadcast_in_dim3A_1111 = arith.constant 9 : i32
        %broadcast_in_dim3A_1112 = vector.broadcast %broadcast_in_dim3A_1111 : i32 to vector<16x1xi32>
        %gather3A_1113 = vector.shape_cast %broadcast_in_dim3A_1112 : vector<16x1xi32> to vector<16xi32>
        %gather3A_1114 = tpu.dynamic_gather %gather3A_294[%gather3A_1113] in [0] : vector<16xf32>, vector<16xi32> -> vector<16xf32>
        %add3A_1115 = arith.constant 25 : i32
        %add3A_1116 = arith.addi %mul3A_284, %add3A_1115 : i32
        %get3A_1117 = arith.index_cast %add3A_1116 : i32 to index
        %get3A_1118 = arith.constant 0 : index
        %get3A_1119 = tpu.vector_load %arg11[%get3A_1117, %get3A_1118] {strides = array<i32>} : memref<400x64xf32, #tpu.memory_space<vmem>>, vector<16xf32>,
        %mul3A_1120 = arith.mulf %gather3A_1114, %get3A_1119 : vector<16xf32>
        %add3A_1121 = arith.addf %add3A_1057, %mul3A_1120 : vector<16xf32>
        %add3A_1122 = arith.constant 25 : i32
        %add3A_1123 = arith.addi %mul3A_284, %add3A_1122 : i32
        %get3A_1124 = arith.index_cast %add3A_1123 : i32 to index
        %get3A_1125 = arith.constant 16 : index
        %get3A_1126 = tpu.vector_load %arg11[%get3A_1124, %get3A_1125] {strides = array<i32>} : memref<400x64xf32, #tpu.memory_space<vmem>>, vector<16xf32>,
        %mul3A_1127 = arith.mulf %gather3A_1114, %get3A_1126 : vector<16xf32>
        %add3A_1128 = arith.addf %add3A_1064, %mul3A_1127 : vector<16xf32>
        %add3A_1129 = arith.constant 25 : i32
        %add3A_1130 = arith.addi %mul3A_284, %add3A_1129 : i32
        %get3A_1131 = arith.index_cast %add3A_1130 : i32 to index
        %get3A_1132 = arith.constant 32 : index
        %get3A_1133 = tpu.vector_load %arg11[%get3A_1131, %get3A_1132] {strides = array<i32>} : memref<400x64xf32, #tpu.memory_space<vmem>>, vector<16xf32>,
        %mul3A_1134 = arith.mulf %gather3A_1114, %get3A_1133 : vector<16xf32>
        %add3A_1135 = arith.addf %add3A_1071, %mul3A_1134 : vector<16xf32>
        %add3A_1136 = arith.constant 25 : i32
        %add3A_1137 = arith.addi %mul3A_284, %add3A_1136 : i32
        %get3A_1138 = arith.index_cast %add3A_1137 : i32 to index
        %get3A_1139 = arith.constant 48 : index
        %get3A_1140 = tpu.vector_load %arg11[%get3A_1138, %get3A_1139] {strides = array<i32>} : memref<400x64xf32, #tpu.memory_space<vmem>>, vector<16xf32>,
        %mul3A_1141 = arith.mulf %gather3A_1114, %get3A_1140 : vector<16xf32>
        %add3A_1142 = arith.addf %add3A_1078, %mul3A_1141 : vector<16xf32>
        %broadcast_in_dim3A_1143 = arith.constant 10 : i32
        %broadcast_in_dim3A_1144 = vector.broadcast %broadcast_in_dim3A_1143 : i32 to vector<16x1xi32>
        %gather3A_1145 = vector.shape_cast %broadcast_in_dim3A_1144 : vector<16x1xi32> to vector<16xi32>
        %gather3A_1146 = tpu.dynamic_gather %gather3A_294[%gather3A_1145] in [0] : vector<16xf32>, vector<16xi32> -> vector<16xf32>
        %add3A_1147 = arith.constant 26 : i32
        %add3A_1148 = arith.addi %mul3A_284, %add3A_1147 : i32
        %get3A_1149 = arith.index_cast %add3A_1148 : i32 to index
        %get3A_1150 = arith.constant 0 : index
        %get3A_1151 = tpu.vector_load %arg11[%get3A_1149, %get3A_1150] {strides = array<i32>} : memref<400x64xf32, #tpu.memory_space<vmem>>, vector<16xf32>,
        %mul3A_1152 = arith.mulf %gather3A_1146, %get3A_1151 : vector<16xf32>
        %add3A_1153 = arith.addf %add3A_1089, %mul3A_1152 : vector<16xf32>
        %add3A_1154 = arith.constant 26 : i32
        %add3A_1155 = arith.addi %mul3A_284, %add3A_1154 : i32
        %get3A_1156 = arith.index_cast %add3A_1155 : i32 to index
        %get3A_1157 = arith.constant 16 : index
        %get3A_1158 = tpu.vector_load %arg11[%get3A_1156, %get3A_1157] {strides = array<i32>} : memref<400x64xf32, #tpu.memory_space<vmem>>, vector<16xf32>,
        %mul3A_1159 = arith.mulf %gather3A_1146, %get3A_1158 : vector<16xf32>
        %add3A_1160 = arith.addf %add3A_1096, %mul3A_1159 : vector<16xf32>
        %add3A_1161 = arith.constant 26 : i32
        %add3A_1162 = arith.addi %mul3A_284, %add3A_1161 : i32
        %get3A_1163 = arith.index_cast %add3A_1162 : i32 to index
        %get3A_1164 = arith.constant 32 : index
        %get3A_1165 = tpu.vector_load %arg11[%get3A_1163, %get3A_1164] {strides = array<i32>} : memref<400x64xf32, #tpu.memory_space<vmem>>, vector<16xf32>,
        %mul3A_1166 = arith.mulf %gather3A_1146, %get3A_1165 : vector<16xf32>
        %add3A_1167 = arith.addf %add3A_1103, %mul3A_1166 : vector<16xf32>
        %add3A_1168 = arith.constant 26 : i32
        %add3A_1169 = arith.addi %mul3A_284, %add3A_1168 : i32
        %get3A_1170 = arith.index_cast %add3A_1169 : i32 to index
        %get3A_1171 = arith.constant 48 : index
        %get3A_1172 = tpu.vector_load %arg11[%get3A_1170, %get3A_1171] {strides = array<i32>} : memref<400x64xf32, #tpu.memory_space<vmem>>, vector<16xf32>,
        %mul3A_1173 = arith.mulf %gather3A_1146, %get3A_1172 : vector<16xf32>
        %add3A_1174 = arith.addf %add3A_1110, %mul3A_1173 : vector<16xf32>
        %broadcast_in_dim3A_1175 = arith.constant 11 : i32
        %broadcast_in_dim3A_1176 = vector.broadcast %broadcast_in_dim3A_1175 : i32 to vector<16x1xi32>
        %gather3A_1177 = vector.shape_cast %broadcast_in_dim3A_1176 : vector<16x1xi32> to vector<16xi32>
        %gather3A_1178 = tpu.dynamic_gather %gather3A_294[%gather3A_1177] in [0] : vector<16xf32>, vector<16xi32> -> vector<16xf32>
        %add3A_1179 = arith.constant 27 : i32
        %add3A_1180 = arith.addi %mul3A_284, %add3A_1179 : i32
        %get3A_1181 = arith.index_cast %add3A_1180 : i32 to index
        %get3A_1182 = arith.constant 0 : index
        %get3A_1183 = tpu.vector_load %arg11[%get3A_1181, %get3A_1182] {strides = array<i32>} : memref<400x64xf32, #tpu.memory_space<vmem>>, vector<16xf32>,
        %mul3A_1184 = arith.mulf %gather3A_1178, %get3A_1183 : vector<16xf32>
        %add3A_1185 = arith.addf %add3A_1121, %mul3A_1184 : vector<16xf32>
        %add3A_1186 = arith.constant 27 : i32
        %add3A_1187 = arith.addi %mul3A_284, %add3A_1186 : i32
        %get3A_1188 = arith.index_cast %add3A_1187 : i32 to index
        %get3A_1189 = arith.constant 16 : index
        %get3A_1190 = tpu.vector_load %arg11[%get3A_1188, %get3A_1189] {strides = array<i32>} : memref<400x64xf32, #tpu.memory_space<vmem>>, vector<16xf32>,
        %mul3A_1191 = arith.mulf %gather3A_1178, %get3A_1190 : vector<16xf32>
        %add3A_1192 = arith.addf %add3A_1128, %mul3A_1191 : vector<16xf32>
        %add3A_1193 = arith.constant 27 : i32
        %add3A_1194 = arith.addi %mul3A_284, %add3A_1193 : i32
        %get3A_1195 = arith.index_cast %add3A_1194 : i32 to index
        %get3A_1196 = arith.constant 32 : index
        %get3A_1197 = tpu.vector_load %arg11[%get3A_1195, %get3A_1196] {strides = array<i32>} : memref<400x64xf32, #tpu.memory_space<vmem>>, vector<16xf32>,
        %mul3A_1198 = arith.mulf %gather3A_1178, %get3A_1197 : vector<16xf32>
        %add3A_1199 = arith.addf %add3A_1135, %mul3A_1198 : vector<16xf32>
        %add3A_1200 = arith.constant 27 : i32
        %add3A_1201 = arith.addi %mul3A_284, %add3A_1200 : i32
        %get3A_1202 = arith.index_cast %add3A_1201 : i32 to index
        %get3A_1203 = arith.constant 48 : index
        %get3A_1204 = tpu.vector_load %arg11[%get3A_1202, %get3A_1203] {strides = array<i32>} : memref<400x64xf32, #tpu.memory_space<vmem>>, vector<16xf32>,
        %mul3A_1205 = arith.mulf %gather3A_1178, %get3A_1204 : vector<16xf32>
        %add3A_1206 = arith.addf %add3A_1142, %mul3A_1205 : vector<16xf32>
        %broadcast_in_dim3A_1207 = arith.constant 12 : i32
        %broadcast_in_dim3A_1208 = vector.broadcast %broadcast_in_dim3A_1207 : i32 to vector<16x1xi32>
        %gather3A_1209 = vector.shape_cast %broadcast_in_dim3A_1208 : vector<16x1xi32> to vector<16xi32>
        %gather3A_1210 = tpu.dynamic_gather %gather3A_294[%gather3A_1209] in [0] : vector<16xf32>, vector<16xi32> -> vector<16xf32>
        %add3A_1211 = arith.constant 28 : i32
        %add3A_1212 = arith.addi %mul3A_284, %add3A_1211 : i32
        %get3A_1213 = arith.index_cast %add3A_1212 : i32 to index
        %get3A_1214 = arith.constant 0 : index
        %get3A_1215 = tpu.vector_load %arg11[%get3A_1213, %get3A_1214] {strides = array<i32>} : memref<400x64xf32, #tpu.memory_space<vmem>>, vector<16xf32>,
        %mul3A_1216 = arith.mulf %gather3A_1210, %get3A_1215 : vector<16xf32>
        %add3A_1217 = arith.addf %add3A_1153, %mul3A_1216 : vector<16xf32>
        %add3A_1218 = arith.constant 28 : i32
        %add3A_1219 = arith.addi %mul3A_284, %add3A_1218 : i32
        %get3A_1220 = arith.index_cast %add3A_1219 : i32 to index
        %get3A_1221 = arith.constant 16 : index
        %get3A_1222 = tpu.vector_load %arg11[%get3A_1220, %get3A_1221] {strides = array<i32>} : memref<400x64xf32, #tpu.memory_space<vmem>>, vector<16xf32>,
        %mul3A_1223 = arith.mulf %gather3A_1210, %get3A_1222 : vector<16xf32>
        %add3A_1224 = arith.addf %add3A_1160, %mul3A_1223 : vector<16xf32>
        %add3A_1225 = arith.constant 28 : i32
        %add3A_1226 = arith.addi %mul3A_284, %add3A_1225 : i32
        %get3A_1227 = arith.index_cast %add3A_1226 : i32 to index
        %get3A_1228 = arith.constant 32 : index
        %get3A_1229 = tpu.vector_load %arg11[%get3A_1227, %get3A_1228] {strides = array<i32>} : memref<400x64xf32, #tpu.memory_space<vmem>>, vector<16xf32>,
        %mul3A_1230 = arith.mulf %gather3A_1210, %get3A_1229 : vector<16xf32>
        %add3A_1231 = arith.addf %add3A_1167, %mul3A_1230 : vector<16xf32>
        %add3A_1232 = arith.constant 28 : i32
        %add3A_1233 = arith.addi %mul3A_284, %add3A_1232 : i32
        %get3A_1234 = arith.index_cast %add3A_1233 : i32 to index
        %get3A_1235 = arith.constant 48 : index
        %get3A_1236 = tpu.vector_load %arg11[%get3A_1234, %get3A_1235] {strides = array<i32>} : memref<400x64xf32, #tpu.memory_space<vmem>>, vector<16xf32>,
        %mul3A_1237 = arith.mulf %gather3A_1210, %get3A_1236 : vector<16xf32>
        %add3A_1238 = arith.addf %add3A_1174, %mul3A_1237 : vector<16xf32>
        %broadcast_in_dim3A_1239 = arith.constant 13 : i32
        %broadcast_in_dim3A_1240 = vector.broadcast %broadcast_in_dim3A_1239 : i32 to vector<16x1xi32>
        %gather3A_1241 = vector.shape_cast %broadcast_in_dim3A_1240 : vector<16x1xi32> to vector<16xi32>
        %gather3A_1242 = tpu.dynamic_gather %gather3A_294[%gather3A_1241] in [0] : vector<16xf32>, vector<16xi32> -> vector<16xf32>
        %add3A_1243 = arith.constant 29 : i32
        %add3A_1244 = arith.addi %mul3A_284, %add3A_1243 : i32
        %get3A_1245 = arith.index_cast %add3A_1244 : i32 to index
        %get3A_1246 = arith.constant 0 : index
        %get3A_1247 = tpu.vector_load %arg11[%get3A_1245, %get3A_1246] {strides = array<i32>} : memref<400x64xf32, #tpu.memory_space<vmem>>, vector<16xf32>,
        %mul3A_1248 = arith.mulf %gather3A_1242, %get3A_1247 : vector<16xf32>
        %add3A_1249 = arith.addf %add3A_1185, %mul3A_1248 : vector<16xf32>
        %add3A_1250 = arith.constant 29 : i32
        %add3A_1251 = arith.addi %mul3A_284, %add3A_1250 : i32
        %get3A_1252 = arith.index_cast %add3A_1251 : i32 to index
        %get3A_1253 = arith.constant 16 : index
        %get3A_1254 = tpu.vector_load %arg11[%get3A_1252, %get3A_1253] {strides = array<i32>} : memref<400x64xf32, #tpu.memory_space<vmem>>, vector<16xf32>,
        %mul3A_1255 = arith.mulf %gather3A_1242, %get3A_1254 : vector<16xf32>
        %add3A_1256 = arith.addf %add3A_1192, %mul3A_1255 : vector<16xf32>
        %add3A_1257 = arith.constant 29 : i32
        %add3A_1258 = arith.addi %mul3A_284, %add3A_1257 : i32
        %get3A_1259 = arith.index_cast %add3A_1258 : i32 to index
        %get3A_1260 = arith.constant 32 : index
        %get3A_1261 = tpu.vector_load %arg11[%get3A_1259, %get3A_1260] {strides = array<i32>} : memref<400x64xf32, #tpu.memory_space<vmem>>, vector<16xf32>,
        %mul3A_1262 = arith.mulf %gather3A_1242, %get3A_1261 : vector<16xf32>
        %add3A_1263 = arith.addf %add3A_1199, %mul3A_1262 : vector<16xf32>
        %add3A_1264 = arith.constant 29 : i32
        %add3A_1265 = arith.addi %mul3A_284, %add3A_1264 : i32
        %get3A_1266 = arith.index_cast %add3A_1265 : i32 to index
        %get3A_1267 = arith.constant 48 : index
        %get3A_1268 = tpu.vector_load %arg11[%get3A_1266, %get3A_1267] {strides = array<i32>} : memref<400x64xf32, #tpu.memory_space<vmem>>, vector<16xf32>,
        %mul3A_1269 = arith.mulf %gather3A_1242, %get3A_1268 : vector<16xf32>
        %add3A_1270 = arith.addf %add3A_1206, %mul3A_1269 : vector<16xf32>
        %broadcast_in_dim3A_1271 = arith.constant 14 : i32
        %broadcast_in_dim3A_1272 = vector.broadcast %broadcast_in_dim3A_1271 : i32 to vector<16x1xi32>
        %gather3A_1273 = vector.shape_cast %broadcast_in_dim3A_1272 : vector<16x1xi32> to vector<16xi32>
        %gather3A_1274 = tpu.dynamic_gather %gather3A_294[%gather3A_1273] in [0] : vector<16xf32>, vector<16xi32> -> vector<16xf32>
        %add3A_1275 = arith.constant 30 : i32
        %add3A_1276 = arith.addi %mul3A_284, %add3A_1275 : i32
        %get3A_1277 = arith.index_cast %add3A_1276 : i32 to index
        %get3A_1278 = arith.constant 0 : index
        %get3A_1279 = tpu.vector_load %arg11[%get3A_1277, %get3A_1278] {strides = array<i32>} : memref<400x64xf32, #tpu.memory_space<vmem>>, vector<16xf32>,
        %mul3A_1280 = arith.mulf %gather3A_1274, %get3A_1279 : vector<16xf32>
        %add3A_1281 = arith.addf %add3A_1217, %mul3A_1280 : vector<16xf32>
        %add3A_1282 = arith.constant 30 : i32
        %add3A_1283 = arith.addi %mul3A_284, %add3A_1282 : i32
        %get3A_1284 = arith.index_cast %add3A_1283 : i32 to index
        %get3A_1285 = arith.constant 16 : index
        %get3A_1286 = tpu.vector_load %arg11[%get3A_1284, %get3A_1285] {strides = array<i32>} : memref<400x64xf32, #tpu.memory_space<vmem>>, vector<16xf32>,
        %mul3A_1287 = arith.mulf %gather3A_1274, %get3A_1286 : vector<16xf32>
        %add3A_1288 = arith.addf %add3A_1224, %mul3A_1287 : vector<16xf32>
        %add3A_1289 = arith.constant 30 : i32
        %add3A_1290 = arith.addi %mul3A_284, %add3A_1289 : i32
        %get3A_1291 = arith.index_cast %add3A_1290 : i32 to index
        %get3A_1292 = arith.constant 32 : index
        %get3A_1293 = tpu.vector_load %arg11[%get3A_1291, %get3A_1292] {strides = array<i32>} : memref<400x64xf32, #tpu.memory_space<vmem>>, vector<16xf32>,
        %mul3A_1294 = arith.mulf %gather3A_1274, %get3A_1293 : vector<16xf32>
        %add3A_1295 = arith.addf %add3A_1231, %mul3A_1294 : vector<16xf32>
        %add3A_1296 = arith.constant 30 : i32
        %add3A_1297 = arith.addi %mul3A_284, %add3A_1296 : i32
        %get3A_1298 = arith.index_cast %add3A_1297 : i32 to index
        %get3A_1299 = arith.constant 48 : index
        %get3A_1300 = tpu.vector_load %arg11[%get3A_1298, %get3A_1299] {strides = array<i32>} : memref<400x64xf32, #tpu.memory_space<vmem>>, vector<16xf32>,
        %mul3A_1301 = arith.mulf %gather3A_1274, %get3A_1300 : vector<16xf32>
        %add3A_1302 = arith.addf %add3A_1238, %mul3A_1301 : vector<16xf32>
        %broadcast_in_dim3A_1303 = arith.constant 15 : i32
        %broadcast_in_dim3A_1304 = vector.broadcast %broadcast_in_dim3A_1303 : i32 to vector<16x1xi32>
        %gather3A_1305 = vector.shape_cast %broadcast_in_dim3A_1304 : vector<16x1xi32> to vector<16xi32>
        %gather3A_1306 = tpu.dynamic_gather %gather3A_294[%gather3A_1305] in [0] : vector<16xf32>, vector<16xi32> -> vector<16xf32>
        %add3A_1307 = arith.constant 31 : i32
        %add3A_1308 = arith.addi %mul3A_284, %add3A_1307 : i32
        %get3A_1309 = arith.index_cast %add3A_1308 : i32 to index
        %get3A_1310 = arith.constant 0 : index
        %get3A_1311 = tpu.vector_load %arg11[%get3A_1309, %get3A_1310] {strides = array<i32>} : memref<400x64xf32, #tpu.memory_space<vmem>>, vector<16xf32>,
        %mul3A_1312 = arith.mulf %gather3A_1306, %get3A_1311 : vector<16xf32>
        %add3A_1313 = arith.addf %add3A_1249, %mul3A_1312 : vector<16xf32>
        %add3A_1314 = arith.constant 31 : i32
        %add3A_1315 = arith.addi %mul3A_284, %add3A_1314 : i32
        %get3A_1316 = arith.index_cast %add3A_1315 : i32 to index
        %get3A_1317 = arith.constant 16 : index
        %get3A_1318 = tpu.vector_load %arg11[%get3A_1316, %get3A_1317] {strides = array<i32>} : memref<400x64xf32, #tpu.memory_space<vmem>>, vector<16xf32>,
        %mul3A_1319 = arith.mulf %gather3A_1306, %get3A_1318 : vector<16xf32>
        %add3A_1320 = arith.addf %add3A_1256, %mul3A_1319 : vector<16xf32>
        %add3A_1321 = arith.constant 31 : i32
        %add3A_1322 = arith.addi %mul3A_284, %add3A_1321 : i32
        %get3A_1323 = arith.index_cast %add3A_1322 : i32 to index
        %get3A_1324 = arith.constant 32 : index
        %get3A_1325 = tpu.vector_load %arg11[%get3A_1323, %get3A_1324] {strides = array<i32>} : memref<400x64xf32, #tpu.memory_space<vmem>>, vector<16xf32>,
        %mul3A_1326 = arith.mulf %gather3A_1306, %get3A_1325 : vector<16xf32>
        %add3A_1327 = arith.addf %add3A_1263, %mul3A_1326 : vector<16xf32>
        %add3A_1328 = arith.constant 31 : i32
        %add3A_1329 = arith.addi %mul3A_284, %add3A_1328 : i32
        %get3A_1330 = arith.index_cast %add3A_1329 : i32 to index
        %get3A_1331 = arith.constant 48 : index
        %get3A_1332 = tpu.vector_load %arg11[%get3A_1330, %get3A_1331] {strides = array<i32>} : memref<400x64xf32, #tpu.memory_space<vmem>>, vector<16xf32>,
        %mul3A_1333 = arith.mulf %gather3A_1306, %get3A_1332 : vector<16xf32>
        %add3A_1334 = arith.addf %add3A_1270, %mul3A_1333 : vector<16xf32>
        %broadcast_in_dim3A_1335 = arith.constant 0 : i32
        %broadcast_in_dim3A_1336 = vector.broadcast %broadcast_in_dim3A_1335 : i32 to vector<16x1xi32>
        %gather3A_1337 = vector.shape_cast %broadcast_in_dim3A_1336 : vector<16x1xi32> to vector<16xi32>
        %gather3A_1338 = tpu.dynamic_gather %gather3A_298[%gather3A_1337] in [0] : vector<16xf32>, vector<16xi32> -> vector<16xf32>
        %add3A_1339 = arith.constant 32 : i32
        %add3A_1340 = arith.addi %mul3A_284, %add3A_1339 : i32
        %get3A_1341 = arith.index_cast %add3A_1340 : i32 to index
        %get3A_1342 = arith.constant 0 : index
        %get3A_1343 = tpu.vector_load %arg11[%get3A_1341, %get3A_1342] {strides = array<i32>} : memref<400x64xf32, #tpu.memory_space<vmem>>, vector<16xf32>,
        %mul3A_1344 = arith.mulf %gather3A_1338, %get3A_1343 : vector<16xf32>
        %add3A_1345 = arith.addf %add3A_1281, %mul3A_1344 : vector<16xf32>
        %add3A_1346 = arith.constant 32 : i32
        %add3A_1347 = arith.addi %mul3A_284, %add3A_1346 : i32
        %get3A_1348 = arith.index_cast %add3A_1347 : i32 to index
        %get3A_1349 = arith.constant 16 : index
        %get3A_1350 = tpu.vector_load %arg11[%get3A_1348, %get3A_1349] {strides = array<i32>} : memref<400x64xf32, #tpu.memory_space<vmem>>, vector<16xf32>,
        %mul3A_1351 = arith.mulf %gather3A_1338, %get3A_1350 : vector<16xf32>
        %add3A_1352 = arith.addf %add3A_1288, %mul3A_1351 : vector<16xf32>
        %add3A_1353 = arith.constant 32 : i32
        %add3A_1354 = arith.addi %mul3A_284, %add3A_1353 : i32
        %get3A_1355 = arith.index_cast %add3A_1354 : i32 to index
        %get3A_1356 = arith.constant 32 : index
        %get3A_1357 = tpu.vector_load %arg11[%get3A_1355, %get3A_1356] {strides = array<i32>} : memref<400x64xf32, #tpu.memory_space<vmem>>, vector<16xf32>,
        %mul3A_1358 = arith.mulf %gather3A_1338, %get3A_1357 : vector<16xf32>
        %add3A_1359 = arith.addf %add3A_1295, %mul3A_1358 : vector<16xf32>
        %add3A_1360 = arith.constant 32 : i32
        %add3A_1361 = arith.addi %mul3A_284, %add3A_1360 : i32
        %get3A_1362 = arith.index_cast %add3A_1361 : i32 to index
        %get3A_1363 = arith.constant 48 : index
        %get3A_1364 = tpu.vector_load %arg11[%get3A_1362, %get3A_1363] {strides = array<i32>} : memref<400x64xf32, #tpu.memory_space<vmem>>, vector<16xf32>,
        %mul3A_1365 = arith.mulf %gather3A_1338, %get3A_1364 : vector<16xf32>
        %add3A_1366 = arith.addf %add3A_1302, %mul3A_1365 : vector<16xf32>
        %broadcast_in_dim3A_1367 = arith.constant 1 : i32
        %broadcast_in_dim3A_1368 = vector.broadcast %broadcast_in_dim3A_1367 : i32 to vector<16x1xi32>
        %gather3A_1369 = vector.shape_cast %broadcast_in_dim3A_1368 : vector<16x1xi32> to vector<16xi32>
        %gather3A_1370 = tpu.dynamic_gather %gather3A_298[%gather3A_1369] in [0] : vector<16xf32>, vector<16xi32> -> vector<16xf32>
        %add3A_1371 = arith.constant 33 : i32
        %add3A_1372 = arith.addi %mul3A_284, %add3A_1371 : i32
        %get3A_1373 = arith.index_cast %add3A_1372 : i32 to index
        %get3A_1374 = arith.constant 0 : index
        %get3A_1375 = tpu.vector_load %arg11[%get3A_1373, %get3A_1374] {strides = array<i32>} : memref<400x64xf32, #tpu.memory_space<vmem>>, vector<16xf32>,
        %mul3A_1376 = arith.mulf %gather3A_1370, %get3A_1375 : vector<16xf32>
        %add3A_1377 = arith.addf %add3A_1313, %mul3A_1376 : vector<16xf32>
        %add3A_1378 = arith.constant 33 : i32
        %add3A_1379 = arith.addi %mul3A_284, %add3A_1378 : i32
        %get3A_1380 = arith.index_cast %add3A_1379 : i32 to index
        %get3A_1381 = arith.constant 16 : index
        %get3A_1382 = tpu.vector_load %arg11[%get3A_1380, %get3A_1381] {strides = array<i32>} : memref<400x64xf32, #tpu.memory_space<vmem>>, vector<16xf32>,
        %mul3A_1383 = arith.mulf %gather3A_1370, %get3A_1382 : vector<16xf32>
        %add3A_1384 = arith.addf %add3A_1320, %mul3A_1383 : vector<16xf32>
        %add3A_1385 = arith.constant 33 : i32
        %add3A_1386 = arith.addi %mul3A_284, %add3A_1385 : i32
        %get3A_1387 = arith.index_cast %add3A_1386 : i32 to index
        %get3A_1388 = arith.constant 32 : index
        %get3A_1389 = tpu.vector_load %arg11[%get3A_1387, %get3A_1388] {strides = array<i32>} : memref<400x64xf32, #tpu.memory_space<vmem>>, vector<16xf32>,
        %mul3A_1390 = arith.mulf %gather3A_1370, %get3A_1389 : vector<16xf32>
        %add3A_1391 = arith.addf %add3A_1327, %mul3A_1390 : vector<16xf32>
        %add3A_1392 = arith.constant 33 : i32
        %add3A_1393 = arith.addi %mul3A_284, %add3A_1392 : i32
        %get3A_1394 = arith.index_cast %add3A_1393 : i32 to index
        %get3A_1395 = arith.constant 48 : index
        %get3A_1396 = tpu.vector_load %arg11[%get3A_1394, %get3A_1395] {strides = array<i32>} : memref<400x64xf32, #tpu.memory_space<vmem>>, vector<16xf32>,
        %mul3A_1397 = arith.mulf %gather3A_1370, %get3A_1396 : vector<16xf32>
        %add3A_1398 = arith.addf %add3A_1334, %mul3A_1397 : vector<16xf32>
        %broadcast_in_dim3A_1399 = arith.constant 2 : i32
        %broadcast_in_dim3A_1400 = vector.broadcast %broadcast_in_dim3A_1399 : i32 to vector<16x1xi32>
        %gather3A_1401 = vector.shape_cast %broadcast_in_dim3A_1400 : vector<16x1xi32> to vector<16xi32>
        %gather3A_1402 = tpu.dynamic_gather %gather3A_298[%gather3A_1401] in [0] : vector<16xf32>, vector<16xi32> -> vector<16xf32>
        %add3A_1403 = arith.constant 34 : i32
        %add3A_1404 = arith.addi %mul3A_284, %add3A_1403 : i32
        %get3A_1405 = arith.index_cast %add3A_1404 : i32 to index
        %get3A_1406 = arith.constant 0 : index
        %get3A_1407 = tpu.vector_load %arg11[%get3A_1405, %get3A_1406] {strides = array<i32>} : memref<400x64xf32, #tpu.memory_space<vmem>>, vector<16xf32>,
        %mul3A_1408 = arith.mulf %gather3A_1402, %get3A_1407 : vector<16xf32>
        %add3A_1409 = arith.addf %add3A_1345, %mul3A_1408 : vector<16xf32>
        %add3A_1410 = arith.constant 34 : i32
        %add3A_1411 = arith.addi %mul3A_284, %add3A_1410 : i32
        %get3A_1412 = arith.index_cast %add3A_1411 : i32 to index
        %get3A_1413 = arith.constant 16 : index
        %get3A_1414 = tpu.vector_load %arg11[%get3A_1412, %get3A_1413] {strides = array<i32>} : memref<400x64xf32, #tpu.memory_space<vmem>>, vector<16xf32>,
        %mul3A_1415 = arith.mulf %gather3A_1402, %get3A_1414 : vector<16xf32>
        %add3A_1416 = arith.addf %add3A_1352, %mul3A_1415 : vector<16xf32>
        %add3A_1417 = arith.constant 34 : i32
        %add3A_1418 = arith.addi %mul3A_284, %add3A_1417 : i32
        %get3A_1419 = arith.index_cast %add3A_1418 : i32 to index
        %get3A_1420 = arith.constant 32 : index
        %get3A_1421 = tpu.vector_load %arg11[%get3A_1419, %get3A_1420] {strides = array<i32>} : memref<400x64xf32, #tpu.memory_space<vmem>>, vector<16xf32>,
        %mul3A_1422 = arith.mulf %gather3A_1402, %get3A_1421 : vector<16xf32>
        %add3A_1423 = arith.addf %add3A_1359, %mul3A_1422 : vector<16xf32>
        %add3A_1424 = arith.constant 34 : i32
        %add3A_1425 = arith.addi %mul3A_284, %add3A_1424 : i32
        %get3A_1426 = arith.index_cast %add3A_1425 : i32 to index
        %get3A_1427 = arith.constant 48 : index
        %get3A_1428 = tpu.vector_load %arg11[%get3A_1426, %get3A_1427] {strides = array<i32>} : memref<400x64xf32, #tpu.memory_space<vmem>>, vector<16xf32>,
        %mul3A_1429 = arith.mulf %gather3A_1402, %get3A_1428 : vector<16xf32>
        %add3A_1430 = arith.addf %add3A_1366, %mul3A_1429 : vector<16xf32>
        %broadcast_in_dim3A_1431 = arith.constant 3 : i32
        %broadcast_in_dim3A_1432 = vector.broadcast %broadcast_in_dim3A_1431 : i32 to vector<16x1xi32>
        %gather3A_1433 = vector.shape_cast %broadcast_in_dim3A_1432 : vector<16x1xi32> to vector<16xi32>
        %gather3A_1434 = tpu.dynamic_gather %gather3A_298[%gather3A_1433] in [0] : vector<16xf32>, vector<16xi32> -> vector<16xf32>
        %add3A_1435 = arith.constant 35 : i32
        %add3A_1436 = arith.addi %mul3A_284, %add3A_1435 : i32
        %get3A_1437 = arith.index_cast %add3A_1436 : i32 to index
        %get3A_1438 = arith.constant 0 : index
        %get3A_1439 = tpu.vector_load %arg11[%get3A_1437, %get3A_1438] {strides = array<i32>} : memref<400x64xf32, #tpu.memory_space<vmem>>, vector<16xf32>,
        %mul3A_1440 = arith.mulf %gather3A_1434, %get3A_1439 : vector<16xf32>
        %add3A_1441 = arith.addf %add3A_1377, %mul3A_1440 : vector<16xf32>
        %add3A_1442 = arith.constant 35 : i32
        %add3A_1443 = arith.addi %mul3A_284, %add3A_1442 : i32
        %get3A_1444 = arith.index_cast %add3A_1443 : i32 to index
        %get3A_1445 = arith.constant 16 : index
        %get3A_1446 = tpu.vector_load %arg11[%get3A_1444, %get3A_1445] {strides = array<i32>} : memref<400x64xf32, #tpu.memory_space<vmem>>, vector<16xf32>,
        %mul3A_1447 = arith.mulf %gather3A_1434, %get3A_1446 : vector<16xf32>
        %add3A_1448 = arith.addf %add3A_1384, %mul3A_1447 : vector<16xf32>
        %add3A_1449 = arith.constant 35 : i32
        %add3A_1450 = arith.addi %mul3A_284, %add3A_1449 : i32
        %get3A_1451 = arith.index_cast %add3A_1450 : i32 to index
        %get3A_1452 = arith.constant 32 : index
        %get3A_1453 = tpu.vector_load %arg11[%get3A_1451, %get3A_1452] {strides = array<i32>} : memref<400x64xf32, #tpu.memory_space<vmem>>, vector<16xf32>,
        %mul3A_1454 = arith.mulf %gather3A_1434, %get3A_1453 : vector<16xf32>
        %add3A_1455 = arith.addf %add3A_1391, %mul3A_1454 : vector<16xf32>
        %add3A_1456 = arith.constant 35 : i32
        %add3A_1457 = arith.addi %mul3A_284, %add3A_1456 : i32
        %get3A_1458 = arith.index_cast %add3A_1457 : i32 to index
        %get3A_1459 = arith.constant 48 : index
        %get3A_1460 = tpu.vector_load %arg11[%get3A_1458, %get3A_1459] {strides = array<i32>} : memref<400x64xf32, #tpu.memory_space<vmem>>, vector<16xf32>,
        %mul3A_1461 = arith.mulf %gather3A_1434, %get3A_1460 : vector<16xf32>
        %add3A_1462 = arith.addf %add3A_1398, %mul3A_1461 : vector<16xf32>
        %broadcast_in_dim3A_1463 = arith.constant 4 : i32
        %broadcast_in_dim3A_1464 = vector.broadcast %broadcast_in_dim3A_1463 : i32 to vector<16x1xi32>
        %gather3A_1465 = vector.shape_cast %broadcast_in_dim3A_1464 : vector<16x1xi32> to vector<16xi32>
        %gather3A_1466 = tpu.dynamic_gather %gather3A_298[%gather3A_1465] in [0] : vector<16xf32>, vector<16xi32> -> vector<16xf32>
        %add3A_1467 = arith.constant 36 : i32
        %add3A_1468 = arith.addi %mul3A_284, %add3A_1467 : i32
        %get3A_1469 = arith.index_cast %add3A_1468 : i32 to index
        %get3A_1470 = arith.constant 0 : index
        %get3A_1471 = tpu.vector_load %arg11[%get3A_1469, %get3A_1470] {strides = array<i32>} : memref<400x64xf32, #tpu.memory_space<vmem>>, vector<16xf32>,
        %mul3A_1472 = arith.mulf %gather3A_1466, %get3A_1471 : vector<16xf32>
        %add3A_1473 = arith.addf %add3A_1409, %mul3A_1472 : vector<16xf32>
        %add3A_1474 = arith.constant 36 : i32
        %add3A_1475 = arith.addi %mul3A_284, %add3A_1474 : i32
        %get3A_1476 = arith.index_cast %add3A_1475 : i32 to index
        %get3A_1477 = arith.constant 16 : index
        %get3A_1478 = tpu.vector_load %arg11[%get3A_1476, %get3A_1477] {strides = array<i32>} : memref<400x64xf32, #tpu.memory_space<vmem>>, vector<16xf32>,
        %mul3A_1479 = arith.mulf %gather3A_1466, %get3A_1478 : vector<16xf32>
        %add3A_1480 = arith.addf %add3A_1416, %mul3A_1479 : vector<16xf32>
        %add3A_1481 = arith.constant 36 : i32
        %add3A_1482 = arith.addi %mul3A_284, %add3A_1481 : i32
        %get3A_1483 = arith.index_cast %add3A_1482 : i32 to index
        %get3A_1484 = arith.constant 32 : index
        %get3A_1485 = tpu.vector_load %arg11[%get3A_1483, %get3A_1484] {strides = array<i32>} : memref<400x64xf32, #tpu.memory_space<vmem>>, vector<16xf32>,
        %mul3A_1486 = arith.mulf %gather3A_1466, %get3A_1485 : vector<16xf32>
        %add3A_1487 = arith.addf %add3A_1423, %mul3A_1486 : vector<16xf32>
        %add3A_1488 = arith.constant 36 : i32
        %add3A_1489 = arith.addi %mul3A_284, %add3A_1488 : i32
        %get3A_1490 = arith.index_cast %add3A_1489 : i32 to index
        %get3A_1491 = arith.constant 48 : index
        %get3A_1492 = tpu.vector_load %arg11[%get3A_1490, %get3A_1491] {strides = array<i32>} : memref<400x64xf32, #tpu.memory_space<vmem>>, vector<16xf32>,
        %mul3A_1493 = arith.mulf %gather3A_1466, %get3A_1492 : vector<16xf32>
        %add3A_1494 = arith.addf %add3A_1430, %mul3A_1493 : vector<16xf32>
        %broadcast_in_dim3A_1495 = arith.constant 5 : i32
        %broadcast_in_dim3A_1496 = vector.broadcast %broadcast_in_dim3A_1495 : i32 to vector<16x1xi32>
        %gather3A_1497 = vector.shape_cast %broadcast_in_dim3A_1496 : vector<16x1xi32> to vector<16xi32>
        %gather3A_1498 = tpu.dynamic_gather %gather3A_298[%gather3A_1497] in [0] : vector<16xf32>, vector<16xi32> -> vector<16xf32>
        %add3A_1499 = arith.constant 37 : i32
        %add3A_1500 = arith.addi %mul3A_284, %add3A_1499 : i32
        %get3A_1501 = arith.index_cast %add3A_1500 : i32 to index
        %get3A_1502 = arith.constant 0 : index
        %get3A_1503 = tpu.vector_load %arg11[%get3A_1501, %get3A_1502] {strides = array<i32>} : memref<400x64xf32, #tpu.memory_space<vmem>>, vector<16xf32>,
        %mul3A_1504 = arith.mulf %gather3A_1498, %get3A_1503 : vector<16xf32>
        %add3A_1505 = arith.addf %add3A_1441, %mul3A_1504 : vector<16xf32>
        %add3A_1506 = arith.constant 37 : i32
        %add3A_1507 = arith.addi %mul3A_284, %add3A_1506 : i32
        %get3A_1508 = arith.index_cast %add3A_1507 : i32 to index
        %get3A_1509 = arith.constant 16 : index
        %get3A_1510 = tpu.vector_load %arg11[%get3A_1508, %get3A_1509] {strides = array<i32>} : memref<400x64xf32, #tpu.memory_space<vmem>>, vector<16xf32>,
        %mul3A_1511 = arith.mulf %gather3A_1498, %get3A_1510 : vector<16xf32>
        %add3A_1512 = arith.addf %add3A_1448, %mul3A_1511 : vector<16xf32>
        %add3A_1513 = arith.constant 37 : i32
        %add3A_1514 = arith.addi %mul3A_284, %add3A_1513 : i32
        %get3A_1515 = arith.index_cast %add3A_1514 : i32 to index
        %get3A_1516 = arith.constant 32 : index
        %get3A_1517 = tpu.vector_load %arg11[%get3A_1515, %get3A_1516] {strides = array<i32>} : memref<400x64xf32, #tpu.memory_space<vmem>>, vector<16xf32>,
        %mul3A_1518 = arith.mulf %gather3A_1498, %get3A_1517 : vector<16xf32>
        %add3A_1519 = arith.addf %add3A_1455, %mul3A_1518 : vector<16xf32>
        %add3A_1520 = arith.constant 37 : i32
        %add3A_1521 = arith.addi %mul3A_284, %add3A_1520 : i32
        %get3A_1522 = arith.index_cast %add3A_1521 : i32 to index
        %get3A_1523 = arith.constant 48 : index
        %get3A_1524 = tpu.vector_load %arg11[%get3A_1522, %get3A_1523] {strides = array<i32>} : memref<400x64xf32, #tpu.memory_space<vmem>>, vector<16xf32>,
        %mul3A_1525 = arith.mulf %gather3A_1498, %get3A_1524 : vector<16xf32>
        %add3A_1526 = arith.addf %add3A_1462, %mul3A_1525 : vector<16xf32>
        %broadcast_in_dim3A_1527 = arith.constant 6 : i32
        %broadcast_in_dim3A_1528 = vector.broadcast %broadcast_in_dim3A_1527 : i32 to vector<16x1xi32>
        %gather3A_1529 = vector.shape_cast %broadcast_in_dim3A_1528 : vector<16x1xi32> to vector<16xi32>
        %gather3A_1530 = tpu.dynamic_gather %gather3A_298[%gather3A_1529] in [0] : vector<16xf32>, vector<16xi32> -> vector<16xf32>
        %add3A_1531 = arith.constant 38 : i32
        %add3A_1532 = arith.addi %mul3A_284, %add3A_1531 : i32
        %get3A_1533 = arith.index_cast %add3A_1532 : i32 to index
        %get3A_1534 = arith.constant 0 : index
        %get3A_1535 = tpu.vector_load %arg11[%get3A_1533, %get3A_1534] {strides = array<i32>} : memref<400x64xf32, #tpu.memory_space<vmem>>, vector<16xf32>,
        %mul3A_1536 = arith.mulf %gather3A_1530, %get3A_1535 : vector<16xf32>
        %add3A_1537 = arith.addf %add3A_1473, %mul3A_1536 : vector<16xf32>
        %add3A_1538 = arith.constant 38 : i32
        %add3A_1539 = arith.addi %mul3A_284, %add3A_1538 : i32
        %get3A_1540 = arith.index_cast %add3A_1539 : i32 to index
        %get3A_1541 = arith.constant 16 : index
        %get3A_1542 = tpu.vector_load %arg11[%get3A_1540, %get3A_1541] {strides = array<i32>} : memref<400x64xf32, #tpu.memory_space<vmem>>, vector<16xf32>,
        %mul3A_1543 = arith.mulf %gather3A_1530, %get3A_1542 : vector<16xf32>
        %add3A_1544 = arith.addf %add3A_1480, %mul3A_1543 : vector<16xf32>
        %add3A_1545 = arith.constant 38 : i32
        %add3A_1546 = arith.addi %mul3A_284, %add3A_1545 : i32
        %get3A_1547 = arith.index_cast %add3A_1546 : i32 to index
        %get3A_1548 = arith.constant 32 : index
        %get3A_1549 = tpu.vector_load %arg11[%get3A_1547, %get3A_1548] {strides = array<i32>} : memref<400x64xf32, #tpu.memory_space<vmem>>, vector<16xf32>,
        %mul3A_1550 = arith.mulf %gather3A_1530, %get3A_1549 : vector<16xf32>
        %add3A_1551 = arith.addf %add3A_1487, %mul3A_1550 : vector<16xf32>
        %add3A_1552 = arith.constant 38 : i32
        %add3A_1553 = arith.addi %mul3A_284, %add3A_1552 : i32
        %get3A_1554 = arith.index_cast %add3A_1553 : i32 to index
        %get3A_1555 = arith.constant 48 : index
        %get3A_1556 = tpu.vector_load %arg11[%get3A_1554, %get3A_1555] {strides = array<i32>} : memref<400x64xf32, #tpu.memory_space<vmem>>, vector<16xf32>,
        %mul3A_1557 = arith.mulf %gather3A_1530, %get3A_1556 : vector<16xf32>
        %add3A_1558 = arith.addf %add3A_1494, %mul3A_1557 : vector<16xf32>
        %broadcast_in_dim3A_1559 = arith.constant 7 : i32
        %broadcast_in_dim3A_1560 = vector.broadcast %broadcast_in_dim3A_1559 : i32 to vector<16x1xi32>
        %gather3A_1561 = vector.shape_cast %broadcast_in_dim3A_1560 : vector<16x1xi32> to vector<16xi32>
        %gather3A_1562 = tpu.dynamic_gather %gather3A_298[%gather3A_1561] in [0] : vector<16xf32>, vector<16xi32> -> vector<16xf32>
        %add3A_1563 = arith.constant 39 : i32
        %add3A_1564 = arith.addi %mul3A_284, %add3A_1563 : i32
        %get3A_1565 = arith.index_cast %add3A_1564 : i32 to index
        %get3A_1566 = arith.constant 0 : index
        %get3A_1567 = tpu.vector_load %arg11[%get3A_1565, %get3A_1566] {strides = array<i32>} : memref<400x64xf32, #tpu.memory_space<vmem>>, vector<16xf32>,
        %mul3A_1568 = arith.mulf %gather3A_1562, %get3A_1567 : vector<16xf32>
        %add3A_1569 = arith.addf %add3A_1505, %mul3A_1568 : vector<16xf32>
        %add3A_1570 = arith.constant 39 : i32
        %add3A_1571 = arith.addi %mul3A_284, %add3A_1570 : i32
        %get3A_1572 = arith.index_cast %add3A_1571 : i32 to index
        %get3A_1573 = arith.constant 16 : index
        %get3A_1574 = tpu.vector_load %arg11[%get3A_1572, %get3A_1573] {strides = array<i32>} : memref<400x64xf32, #tpu.memory_space<vmem>>, vector<16xf32>,
        %mul3A_1575 = arith.mulf %gather3A_1562, %get3A_1574 : vector<16xf32>
        %add3A_1576 = arith.addf %add3A_1512, %mul3A_1575 : vector<16xf32>
        %add3A_1577 = arith.constant 39 : i32
        %add3A_1578 = arith.addi %mul3A_284, %add3A_1577 : i32
        %get3A_1579 = arith.index_cast %add3A_1578 : i32 to index
        %get3A_1580 = arith.constant 32 : index
        %get3A_1581 = tpu.vector_load %arg11[%get3A_1579, %get3A_1580] {strides = array<i32>} : memref<400x64xf32, #tpu.memory_space<vmem>>, vector<16xf32>,
        %mul3A_1582 = arith.mulf %gather3A_1562, %get3A_1581 : vector<16xf32>
        %add3A_1583 = arith.addf %add3A_1519, %mul3A_1582 : vector<16xf32>
        %add3A_1584 = arith.constant 39 : i32
        %add3A_1585 = arith.addi %mul3A_284, %add3A_1584 : i32
        %get3A_1586 = arith.index_cast %add3A_1585 : i32 to index
        %get3A_1587 = arith.constant 48 : index
        %get3A_1588 = tpu.vector_load %arg11[%get3A_1586, %get3A_1587] {strides = array<i32>} : memref<400x64xf32, #tpu.memory_space<vmem>>, vector<16xf32>,
        %mul3A_1589 = arith.mulf %gather3A_1562, %get3A_1588 : vector<16xf32>
        %add3A_1590 = arith.addf %add3A_1526, %mul3A_1589 : vector<16xf32>
        %broadcast_in_dim3A_1591 = arith.constant 8 : i32
        %broadcast_in_dim3A_1592 = vector.broadcast %broadcast_in_dim3A_1591 : i32 to vector<16x1xi32>
        %gather3A_1593 = vector.shape_cast %broadcast_in_dim3A_1592 : vector<16x1xi32> to vector<16xi32>
        %gather3A_1594 = tpu.dynamic_gather %gather3A_298[%gather3A_1593] in [0] : vector<16xf32>, vector<16xi32> -> vector<16xf32>
        %add3A_1595 = arith.constant 40 : i32
        %add3A_1596 = arith.addi %mul3A_284, %add3A_1595 : i32
        %get3A_1597 = arith.index_cast %add3A_1596 : i32 to index
        %get3A_1598 = arith.constant 0 : index
        %get3A_1599 = tpu.vector_load %arg11[%get3A_1597, %get3A_1598] {strides = array<i32>} : memref<400x64xf32, #tpu.memory_space<vmem>>, vector<16xf32>,
        %mul3A_1600 = arith.mulf %gather3A_1594, %get3A_1599 : vector<16xf32>
        %add3A_1601 = arith.addf %add3A_1537, %mul3A_1600 : vector<16xf32>
        %add3A_1602 = arith.constant 40 : i32
        %add3A_1603 = arith.addi %mul3A_284, %add3A_1602 : i32
        %get3A_1604 = arith.index_cast %add3A_1603 : i32 to index
        %get3A_1605 = arith.constant 16 : index
        %get3A_1606 = tpu.vector_load %arg11[%get3A_1604, %get3A_1605] {strides = array<i32>} : memref<400x64xf32, #tpu.memory_space<vmem>>, vector<16xf32>,
        %mul3A_1607 = arith.mulf %gather3A_1594, %get3A_1606 : vector<16xf32>
        %add3A_1608 = arith.addf %add3A_1544, %mul3A_1607 : vector<16xf32>
        %add3A_1609 = arith.constant 40 : i32
        %add3A_1610 = arith.addi %mul3A_284, %add3A_1609 : i32
        %get3A_1611 = arith.index_cast %add3A_1610 : i32 to index
        %get3A_1612 = arith.constant 32 : index
        %get3A_1613 = tpu.vector_load %arg11[%get3A_1611, %get3A_1612] {strides = array<i32>} : memref<400x64xf32, #tpu.memory_space<vmem>>, vector<16xf32>,
        %mul3A_1614 = arith.mulf %gather3A_1594, %get3A_1613 : vector<16xf32>
        %add3A_1615 = arith.addf %add3A_1551, %mul3A_1614 : vector<16xf32>
        %add3A_1616 = arith.constant 40 : i32
        %add3A_1617 = arith.addi %mul3A_284, %add3A_1616 : i32
        %get3A_1618 = arith.index_cast %add3A_1617 : i32 to index
        %get3A_1619 = arith.constant 48 : index
        %get3A_1620 = tpu.vector_load %arg11[%get3A_1618, %get3A_1619] {strides = array<i32>} : memref<400x64xf32, #tpu.memory_space<vmem>>, vector<16xf32>,
        %mul3A_1621 = arith.mulf %gather3A_1594, %get3A_1620 : vector<16xf32>
        %add3A_1622 = arith.addf %add3A_1558, %mul3A_1621 : vector<16xf32>
        %broadcast_in_dim3A_1623 = arith.constant 9 : i32
        %broadcast_in_dim3A_1624 = vector.broadcast %broadcast_in_dim3A_1623 : i32 to vector<16x1xi32>
        %gather3A_1625 = vector.shape_cast %broadcast_in_dim3A_1624 : vector<16x1xi32> to vector<16xi32>
        %gather3A_1626 = tpu.dynamic_gather %gather3A_298[%gather3A_1625] in [0] : vector<16xf32>, vector<16xi32> -> vector<16xf32>
        %add3A_1627 = arith.constant 41 : i32
        %add3A_1628 = arith.addi %mul3A_284, %add3A_1627 : i32
        %get3A_1629 = arith.index_cast %add3A_1628 : i32 to index
        %get3A_1630 = arith.constant 0 : index
        %get3A_1631 = tpu.vector_load %arg11[%get3A_1629, %get3A_1630] {strides = array<i32>} : memref<400x64xf32, #tpu.memory_space<vmem>>, vector<16xf32>,
        %mul3A_1632 = arith.mulf %gather3A_1626, %get3A_1631 : vector<16xf32>
        %add3A_1633 = arith.addf %add3A_1569, %mul3A_1632 : vector<16xf32>
        %add3A_1634 = arith.constant 41 : i32
        %add3A_1635 = arith.addi %mul3A_284, %add3A_1634 : i32
        %get3A_1636 = arith.index_cast %add3A_1635 : i32 to index
        %get3A_1637 = arith.constant 16 : index
        %get3A_1638 = tpu.vector_load %arg11[%get3A_1636, %get3A_1637] {strides = array<i32>} : memref<400x64xf32, #tpu.memory_space<vmem>>, vector<16xf32>,
        %mul3A_1639 = arith.mulf %gather3A_1626, %get3A_1638 : vector<16xf32>
        %add3A_1640 = arith.addf %add3A_1576, %mul3A_1639 : vector<16xf32>
        %add3A_1641 = arith.constant 41 : i32
        %add3A_1642 = arith.addi %mul3A_284, %add3A_1641 : i32
        %get3A_1643 = arith.index_cast %add3A_1642 : i32 to index
        %get3A_1644 = arith.constant 32 : index
        %get3A_1645 = tpu.vector_load %arg11[%get3A_1643, %get3A_1644] {strides = array<i32>} : memref<400x64xf32, #tpu.memory_space<vmem>>, vector<16xf32>,
        %mul3A_1646 = arith.mulf %gather3A_1626, %get3A_1645 : vector<16xf32>
        %add3A_1647 = arith.addf %add3A_1583, %mul3A_1646 : vector<16xf32>
        %add3A_1648 = arith.constant 41 : i32
        %add3A_1649 = arith.addi %mul3A_284, %add3A_1648 : i32
        %get3A_1650 = arith.index_cast %add3A_1649 : i32 to index
        %get3A_1651 = arith.constant 48 : index
        %get3A_1652 = tpu.vector_load %arg11[%get3A_1650, %get3A_1651] {strides = array<i32>} : memref<400x64xf32, #tpu.memory_space<vmem>>, vector<16xf32>,
        %mul3A_1653 = arith.mulf %gather3A_1626, %get3A_1652 : vector<16xf32>
        %add3A_1654 = arith.addf %add3A_1590, %mul3A_1653 : vector<16xf32>
        %broadcast_in_dim3A_1655 = arith.constant 10 : i32
        %broadcast_in_dim3A_1656 = vector.broadcast %broadcast_in_dim3A_1655 : i32 to vector<16x1xi32>
        %gather3A_1657 = vector.shape_cast %broadcast_in_dim3A_1656 : vector<16x1xi32> to vector<16xi32>
        %gather3A_1658 = tpu.dynamic_gather %gather3A_298[%gather3A_1657] in [0] : vector<16xf32>, vector<16xi32> -> vector<16xf32>
        %add3A_1659 = arith.constant 42 : i32
        %add3A_1660 = arith.addi %mul3A_284, %add3A_1659 : i32
        %get3A_1661 = arith.index_cast %add3A_1660 : i32 to index
        %get3A_1662 = arith.constant 0 : index
        %get3A_1663 = tpu.vector_load %arg11[%get3A_1661, %get3A_1662] {strides = array<i32>} : memref<400x64xf32, #tpu.memory_space<vmem>>, vector<16xf32>,
        %mul3A_1664 = arith.mulf %gather3A_1658, %get3A_1663 : vector<16xf32>
        %add3A_1665 = arith.addf %add3A_1601, %mul3A_1664 : vector<16xf32>
        %add3A_1666 = arith.constant 42 : i32
        %add3A_1667 = arith.addi %mul3A_284, %add3A_1666 : i32
        %get3A_1668 = arith.index_cast %add3A_1667 : i32 to index
        %get3A_1669 = arith.constant 16 : index
        %get3A_1670 = tpu.vector_load %arg11[%get3A_1668, %get3A_1669] {strides = array<i32>} : memref<400x64xf32, #tpu.memory_space<vmem>>, vector<16xf32>,
        %mul3A_1671 = arith.mulf %gather3A_1658, %get3A_1670 : vector<16xf32>
        %add3A_1672 = arith.addf %add3A_1608, %mul3A_1671 : vector<16xf32>
        %add3A_1673 = arith.constant 42 : i32
        %add3A_1674 = arith.addi %mul3A_284, %add3A_1673 : i32
        %get3A_1675 = arith.index_cast %add3A_1674 : i32 to index
        %get3A_1676 = arith.constant 32 : index
        %get3A_1677 = tpu.vector_load %arg11[%get3A_1675, %get3A_1676] {strides = array<i32>} : memref<400x64xf32, #tpu.memory_space<vmem>>, vector<16xf32>,
        %mul3A_1678 = arith.mulf %gather3A_1658, %get3A_1677 : vector<16xf32>
        %add3A_1679 = arith.addf %add3A_1615, %mul3A_1678 : vector<16xf32>
        %add3A_1680 = arith.constant 42 : i32
        %add3A_1681 = arith.addi %mul3A_284, %add3A_1680 : i32
        %get3A_1682 = arith.index_cast %add3A_1681 : i32 to index
        %get3A_1683 = arith.constant 48 : index
        %get3A_1684 = tpu.vector_load %arg11[%get3A_1682, %get3A_1683] {strides = array<i32>} : memref<400x64xf32, #tpu.memory_space<vmem>>, vector<16xf32>,
        %mul3A_1685 = arith.mulf %gather3A_1658, %get3A_1684 : vector<16xf32>
        %add3A_1686 = arith.addf %add3A_1622, %mul3A_1685 : vector<16xf32>
        %broadcast_in_dim3A_1687 = arith.constant 11 : i32
        %broadcast_in_dim3A_1688 = vector.broadcast %broadcast_in_dim3A_1687 : i32 to vector<16x1xi32>
        %gather3A_1689 = vector.shape_cast %broadcast_in_dim3A_1688 : vector<16x1xi32> to vector<16xi32>
        %gather3A_1690 = tpu.dynamic_gather %gather3A_298[%gather3A_1689] in [0] : vector<16xf32>, vector<16xi32> -> vector<16xf32>
        %add3A_1691 = arith.constant 43 : i32
        %add3A_1692 = arith.addi %mul3A_284, %add3A_1691 : i32
        %get3A_1693 = arith.index_cast %add3A_1692 : i32 to index
        %get3A_1694 = arith.constant 0 : index
        %get3A_1695 = tpu.vector_load %arg11[%get3A_1693, %get3A_1694] {strides = array<i32>} : memref<400x64xf32, #tpu.memory_space<vmem>>, vector<16xf32>,
        %mul3A_1696 = arith.mulf %gather3A_1690, %get3A_1695 : vector<16xf32>
        %add3A_1697 = arith.addf %add3A_1633, %mul3A_1696 : vector<16xf32>
        %add3A_1698 = arith.constant 43 : i32
        %add3A_1699 = arith.addi %mul3A_284, %add3A_1698 : i32
        %get3A_1700 = arith.index_cast %add3A_1699 : i32 to index
        %get3A_1701 = arith.constant 16 : index
        %get3A_1702 = tpu.vector_load %arg11[%get3A_1700, %get3A_1701] {strides = array<i32>} : memref<400x64xf32, #tpu.memory_space<vmem>>, vector<16xf32>,
        %mul3A_1703 = arith.mulf %gather3A_1690, %get3A_1702 : vector<16xf32>
        %add3A_1704 = arith.addf %add3A_1640, %mul3A_1703 : vector<16xf32>
        %add3A_1705 = arith.constant 43 : i32
        %add3A_1706 = arith.addi %mul3A_284, %add3A_1705 : i32
        %get3A_1707 = arith.index_cast %add3A_1706 : i32 to index
        %get3A_1708 = arith.constant 32 : index
        %get3A_1709 = tpu.vector_load %arg11[%get3A_1707, %get3A_1708] {strides = array<i32>} : memref<400x64xf32, #tpu.memory_space<vmem>>, vector<16xf32>,
        %mul3A_1710 = arith.mulf %gather3A_1690, %get3A_1709 : vector<16xf32>
        %add3A_1711 = arith.addf %add3A_1647, %mul3A_1710 : vector<16xf32>
        %add3A_1712 = arith.constant 43 : i32
        %add3A_1713 = arith.addi %mul3A_284, %add3A_1712 : i32
        %get3A_1714 = arith.index_cast %add3A_1713 : i32 to index
        %get3A_1715 = arith.constant 48 : index
        %get3A_1716 = tpu.vector_load %arg11[%get3A_1714, %get3A_1715] {strides = array<i32>} : memref<400x64xf32, #tpu.memory_space<vmem>>, vector<16xf32>,
        %mul3A_1717 = arith.mulf %gather3A_1690, %get3A_1716 : vector<16xf32>
        %add3A_1718 = arith.addf %add3A_1654, %mul3A_1717 : vector<16xf32>
        %broadcast_in_dim3A_1719 = arith.constant 12 : i32
        %broadcast_in_dim3A_1720 = vector.broadcast %broadcast_in_dim3A_1719 : i32 to vector<16x1xi32>
        %gather3A_1721 = vector.shape_cast %broadcast_in_dim3A_1720 : vector<16x1xi32> to vector<16xi32>
        %gather3A_1722 = tpu.dynamic_gather %gather3A_298[%gather3A_1721] in [0] : vector<16xf32>, vector<16xi32> -> vector<16xf32>
        %add3A_1723 = arith.constant 44 : i32
        %add3A_1724 = arith.addi %mul3A_284, %add3A_1723 : i32
        %get3A_1725 = arith.index_cast %add3A_1724 : i32 to index
        %get3A_1726 = arith.constant 0 : index
        %get3A_1727 = tpu.vector_load %arg11[%get3A_1725, %get3A_1726] {strides = array<i32>} : memref<400x64xf32, #tpu.memory_space<vmem>>, vector<16xf32>,
        %mul3A_1728 = arith.mulf %gather3A_1722, %get3A_1727 : vector<16xf32>
        %add3A_1729 = arith.addf %add3A_1665, %mul3A_1728 : vector<16xf32>
        %add3A_1730 = arith.constant 44 : i32
        %add3A_1731 = arith.addi %mul3A_284, %add3A_1730 : i32
        %get3A_1732 = arith.index_cast %add3A_1731 : i32 to index
        %get3A_1733 = arith.constant 16 : index
        %get3A_1734 = tpu.vector_load %arg11[%get3A_1732, %get3A_1733] {strides = array<i32>} : memref<400x64xf32, #tpu.memory_space<vmem>>, vector<16xf32>,
        %mul3A_1735 = arith.mulf %gather3A_1722, %get3A_1734 : vector<16xf32>
        %add3A_1736 = arith.addf %add3A_1672, %mul3A_1735 : vector<16xf32>
        %add3A_1737 = arith.constant 44 : i32
        %add3A_1738 = arith.addi %mul3A_284, %add3A_1737 : i32
        %get3A_1739 = arith.index_cast %add3A_1738 : i32 to index
        %get3A_1740 = arith.constant 32 : index
        %get3A_1741 = tpu.vector_load %arg11[%get3A_1739, %get3A_1740] {strides = array<i32>} : memref<400x64xf32, #tpu.memory_space<vmem>>, vector<16xf32>,
        %mul3A_1742 = arith.mulf %gather3A_1722, %get3A_1741 : vector<16xf32>
        %add3A_1743 = arith.addf %add3A_1679, %mul3A_1742 : vector<16xf32>
        %add3A_1744 = arith.constant 44 : i32
        %add3A_1745 = arith.addi %mul3A_284, %add3A_1744 : i32
        %get3A_1746 = arith.index_cast %add3A_1745 : i32 to index
        %get3A_1747 = arith.constant 48 : index
        %get3A_1748 = tpu.vector_load %arg11[%get3A_1746, %get3A_1747] {strides = array<i32>} : memref<400x64xf32, #tpu.memory_space<vmem>>, vector<16xf32>,
        %mul3A_1749 = arith.mulf %gather3A_1722, %get3A_1748 : vector<16xf32>
        %add3A_1750 = arith.addf %add3A_1686, %mul3A_1749 : vector<16xf32>
        %broadcast_in_dim3A_1751 = arith.constant 13 : i32
        %broadcast_in_dim3A_1752 = vector.broadcast %broadcast_in_dim3A_1751 : i32 to vector<16x1xi32>
        %gather3A_1753 = vector.shape_cast %broadcast_in_dim3A_1752 : vector<16x1xi32> to vector<16xi32>
        %gather3A_1754 = tpu.dynamic_gather %gather3A_298[%gather3A_1753] in [0] : vector<16xf32>, vector<16xi32> -> vector<16xf32>
        %add3A_1755 = arith.constant 45 : i32
        %add3A_1756 = arith.addi %mul3A_284, %add3A_1755 : i32
        %get3A_1757 = arith.index_cast %add3A_1756 : i32 to index
        %get3A_1758 = arith.constant 0 : index
        %get3A_1759 = tpu.vector_load %arg11[%get3A_1757, %get3A_1758] {strides = array<i32>} : memref<400x64xf32, #tpu.memory_space<vmem>>, vector<16xf32>,
        %mul3A_1760 = arith.mulf %gather3A_1754, %get3A_1759 : vector<16xf32>
        %add3A_1761 = arith.addf %add3A_1697, %mul3A_1760 : vector<16xf32>
        %add3A_1762 = arith.constant 45 : i32
        %add3A_1763 = arith.addi %mul3A_284, %add3A_1762 : i32
        %get3A_1764 = arith.index_cast %add3A_1763 : i32 to index
        %get3A_1765 = arith.constant 16 : index
        %get3A_1766 = tpu.vector_load %arg11[%get3A_1764, %get3A_1765] {strides = array<i32>} : memref<400x64xf32, #tpu.memory_space<vmem>>, vector<16xf32>,
        %mul3A_1767 = arith.mulf %gather3A_1754, %get3A_1766 : vector<16xf32>
        %add3A_1768 = arith.addf %add3A_1704, %mul3A_1767 : vector<16xf32>
        %add3A_1769 = arith.constant 45 : i32
        %add3A_1770 = arith.addi %mul3A_284, %add3A_1769 : i32
        %get3A_1771 = arith.index_cast %add3A_1770 : i32 to index
        %get3A_1772 = arith.constant 32 : index
        %get3A_1773 = tpu.vector_load %arg11[%get3A_1771, %get3A_1772] {strides = array<i32>} : memref<400x64xf32, #tpu.memory_space<vmem>>, vector<16xf32>,
        %mul3A_1774 = arith.mulf %gather3A_1754, %get3A_1773 : vector<16xf32>
        %add3A_1775 = arith.addf %add3A_1711, %mul3A_1774 : vector<16xf32>
        %add3A_1776 = arith.constant 45 : i32
        %add3A_1777 = arith.addi %mul3A_284, %add3A_1776 : i32
        %get3A_1778 = arith.index_cast %add3A_1777 : i32 to index
        %get3A_1779 = arith.constant 48 : index
        %get3A_1780 = tpu.vector_load %arg11[%get3A_1778, %get3A_1779] {strides = array<i32>} : memref<400x64xf32, #tpu.memory_space<vmem>>, vector<16xf32>,
        %mul3A_1781 = arith.mulf %gather3A_1754, %get3A_1780 : vector<16xf32>
        %add3A_1782 = arith.addf %add3A_1718, %mul3A_1781 : vector<16xf32>
        %broadcast_in_dim3A_1783 = arith.constant 14 : i32
        %broadcast_in_dim3A_1784 = vector.broadcast %broadcast_in_dim3A_1783 : i32 to vector<16x1xi32>
        %gather3A_1785 = vector.shape_cast %broadcast_in_dim3A_1784 : vector<16x1xi32> to vector<16xi32>
        %gather3A_1786 = tpu.dynamic_gather %gather3A_298[%gather3A_1785] in [0] : vector<16xf32>, vector<16xi32> -> vector<16xf32>
        %add3A_1787 = arith.constant 46 : i32
        %add3A_1788 = arith.addi %mul3A_284, %add3A_1787 : i32
        %get3A_1789 = arith.index_cast %add3A_1788 : i32 to index
        %get3A_1790 = arith.constant 0 : index
        %get3A_1791 = tpu.vector_load %arg11[%get3A_1789, %get3A_1790] {strides = array<i32>} : memref<400x64xf32, #tpu.memory_space<vmem>>, vector<16xf32>,
        %mul3A_1792 = arith.mulf %gather3A_1786, %get3A_1791 : vector<16xf32>
        %add3A_1793 = arith.addf %add3A_1729, %mul3A_1792 : vector<16xf32>
        %add3A_1794 = arith.constant 46 : i32
        %add3A_1795 = arith.addi %mul3A_284, %add3A_1794 : i32
        %get3A_1796 = arith.index_cast %add3A_1795 : i32 to index
        %get3A_1797 = arith.constant 16 : index
        %get3A_1798 = tpu.vector_load %arg11[%get3A_1796, %get3A_1797] {strides = array<i32>} : memref<400x64xf32, #tpu.memory_space<vmem>>, vector<16xf32>,
        %mul3A_1799 = arith.mulf %gather3A_1786, %get3A_1798 : vector<16xf32>
        %add3A_1800 = arith.addf %add3A_1736, %mul3A_1799 : vector<16xf32>
        %add3A_1801 = arith.constant 46 : i32
        %add3A_1802 = arith.addi %mul3A_284, %add3A_1801 : i32
        %get3A_1803 = arith.index_cast %add3A_1802 : i32 to index
        %get3A_1804 = arith.constant 32 : index
        %get3A_1805 = tpu.vector_load %arg11[%get3A_1803, %get3A_1804] {strides = array<i32>} : memref<400x64xf32, #tpu.memory_space<vmem>>, vector<16xf32>,
        %mul3A_1806 = arith.mulf %gather3A_1786, %get3A_1805 : vector<16xf32>
        %add3A_1807 = arith.addf %add3A_1743, %mul3A_1806 : vector<16xf32>
        %add3A_1808 = arith.constant 46 : i32
        %add3A_1809 = arith.addi %mul3A_284, %add3A_1808 : i32
        %get3A_1810 = arith.index_cast %add3A_1809 : i32 to index
        %get3A_1811 = arith.constant 48 : index
        %get3A_1812 = tpu.vector_load %arg11[%get3A_1810, %get3A_1811] {strides = array<i32>} : memref<400x64xf32, #tpu.memory_space<vmem>>, vector<16xf32>,
        %mul3A_1813 = arith.mulf %gather3A_1786, %get3A_1812 : vector<16xf32>
        %add3A_1814 = arith.addf %add3A_1750, %mul3A_1813 : vector<16xf32>
        %broadcast_in_dim3A_1815 = arith.constant 15 : i32
        %broadcast_in_dim3A_1816 = vector.broadcast %broadcast_in_dim3A_1815 : i32 to vector<16x1xi32>
        %gather3A_1817 = vector.shape_cast %broadcast_in_dim3A_1816 : vector<16x1xi32> to vector<16xi32>
        %gather3A_1818 = tpu.dynamic_gather %gather3A_298[%gather3A_1817] in [0] : vector<16xf32>, vector<16xi32> -> vector<16xf32>
        %add3A_1819 = arith.constant 47 : i32
        %add3A_1820 = arith.addi %mul3A_284, %add3A_1819 : i32
        %get3A_1821 = arith.index_cast %add3A_1820 : i32 to index
        %get3A_1822 = arith.constant 0 : index
        %get3A_1823 = tpu.vector_load %arg11[%get3A_1821, %get3A_1822] {strides = array<i32>} : memref<400x64xf32, #tpu.memory_space<vmem>>, vector<16xf32>,
        %mul3A_1824 = arith.mulf %gather3A_1818, %get3A_1823 : vector<16xf32>
        %add3A_1825 = arith.addf %add3A_1761, %mul3A_1824 : vector<16xf32>
        %add3A_1826 = arith.constant 47 : i32
        %add3A_1827 = arith.addi %mul3A_284, %add3A_1826 : i32
        %get3A_1828 = arith.index_cast %add3A_1827 : i32 to index
        %get3A_1829 = arith.constant 16 : index
        %get3A_1830 = tpu.vector_load %arg11[%get3A_1828, %get3A_1829] {strides = array<i32>} : memref<400x64xf32, #tpu.memory_space<vmem>>, vector<16xf32>,
        %mul3A_1831 = arith.mulf %gather3A_1818, %get3A_1830 : vector<16xf32>
        %add3A_1832 = arith.addf %add3A_1768, %mul3A_1831 : vector<16xf32>
        %add3A_1833 = arith.constant 47 : i32
        %add3A_1834 = arith.addi %mul3A_284, %add3A_1833 : i32
        %get3A_1835 = arith.index_cast %add3A_1834 : i32 to index
        %get3A_1836 = arith.constant 32 : index
        %get3A_1837 = tpu.vector_load %arg11[%get3A_1835, %get3A_1836] {strides = array<i32>} : memref<400x64xf32, #tpu.memory_space<vmem>>, vector<16xf32>,
        %mul3A_1838 = arith.mulf %gather3A_1818, %get3A_1837 : vector<16xf32>
        %add3A_1839 = arith.addf %add3A_1775, %mul3A_1838 : vector<16xf32>
        %add3A_1840 = arith.constant 47 : i32
        %add3A_1841 = arith.addi %mul3A_284, %add3A_1840 : i32
        %get3A_1842 = arith.index_cast %add3A_1841 : i32 to index
        %get3A_1843 = arith.constant 48 : index
        %get3A_1844 = tpu.vector_load %arg11[%get3A_1842, %get3A_1843] {strides = array<i32>} : memref<400x64xf32, #tpu.memory_space<vmem>>, vector<16xf32>,
        %mul3A_1845 = arith.mulf %gather3A_1818, %get3A_1844 : vector<16xf32>
        %add3A_1846 = arith.addf %add3A_1782, %mul3A_1845 : vector<16xf32>
        %broadcast_in_dim3A_1847 = arith.constant 14 : i32
        %broadcast_in_dim3A_1848 = vector.broadcast %broadcast_in_dim3A_1847 : i32 to vector<16x1xi32>
        %gather3A_1849 = vector.shape_cast %broadcast_in_dim3A_1848 : vector<16x1xi32> to vector<16xi32>
        %gather3A_1850 = tpu.dynamic_gather %gather3A_302[%gather3A_1849] in [0] : vector<16xf32>, vector<16xi32> -> vector<16xf32>
        %add3A_1851 = arith.constant 48 : i32
        %add3A_1852 = arith.addi %mul3A_284, %add3A_1851 : i32
        %get3A_1853 = arith.index_cast %add3A_1852 : i32 to index
        %get3A_1854 = arith.constant 0 : index
        %get3A_1855 = tpu.vector_load %arg11[%get3A_1853, %get3A_1854] {strides = array<i32>} : memref<400x64xf32, #tpu.memory_space<vmem>>, vector<16xf32>,
        %mul3A_1856 = arith.mulf %gather3A_1850, %get3A_1855 : vector<16xf32>
        %add3A_1857 = arith.addf %add3A_1793, %mul3A_1856 : vector<16xf32>
        %add3A_1858 = arith.constant 48 : i32
        %add3A_1859 = arith.addi %mul3A_284, %add3A_1858 : i32
        %get3A_1860 = arith.index_cast %add3A_1859 : i32 to index
        %get3A_1861 = arith.constant 16 : index
        %get3A_1862 = tpu.vector_load %arg11[%get3A_1860, %get3A_1861] {strides = array<i32>} : memref<400x64xf32, #tpu.memory_space<vmem>>, vector<16xf32>,
        %mul3A_1863 = arith.mulf %gather3A_1850, %get3A_1862 : vector<16xf32>
        %add3A_1864 = arith.addf %add3A_1800, %mul3A_1863 : vector<16xf32>
        %add3A_1865 = arith.constant 48 : i32
        %add3A_1866 = arith.addi %mul3A_284, %add3A_1865 : i32
        %get3A_1867 = arith.index_cast %add3A_1866 : i32 to index
        %get3A_1868 = arith.constant 32 : index
        %get3A_1869 = tpu.vector_load %arg11[%get3A_1867, %get3A_1868] {strides = array<i32>} : memref<400x64xf32, #tpu.memory_space<vmem>>, vector<16xf32>,
        %mul3A_1870 = arith.mulf %gather3A_1850, %get3A_1869 : vector<16xf32>
        %add3A_1871 = arith.addf %add3A_1807, %mul3A_1870 : vector<16xf32>
        %add3A_1872 = arith.constant 48 : i32
        %add3A_1873 = arith.addi %mul3A_284, %add3A_1872 : i32
        %get3A_1874 = arith.index_cast %add3A_1873 : i32 to index
        %get3A_1875 = arith.constant 48 : index
        %get3A_1876 = tpu.vector_load %arg11[%get3A_1874, %get3A_1875] {strides = array<i32>} : memref<400x64xf32, #tpu.memory_space<vmem>>, vector<16xf32>,
        %mul3A_1877 = arith.mulf %gather3A_1850, %get3A_1876 : vector<16xf32>
        %add3A_1878 = arith.addf %add3A_1814, %mul3A_1877 : vector<16xf32>
        %broadcast_in_dim3A_1879 = arith.constant 15 : i32
        %broadcast_in_dim3A_1880 = vector.broadcast %broadcast_in_dim3A_1879 : i32 to vector<16x1xi32>
        %gather3A_1881 = vector.shape_cast %broadcast_in_dim3A_1880 : vector<16x1xi32> to vector<16xi32>
        %gather3A_1882 = tpu.dynamic_gather %gather3A_302[%gather3A_1881] in [0] : vector<16xf32>, vector<16xi32> -> vector<16xf32>
        %add3A_1883 = arith.constant 49 : i32
        %add3A_1884 = arith.addi %mul3A_284, %add3A_1883 : i32
        %get3A_1885 = arith.index_cast %add3A_1884 : i32 to index
        %get3A_1886 = arith.constant 0 : index
        %get3A_1887 = tpu.vector_load %arg11[%get3A_1885, %get3A_1886] {strides = array<i32>} : memref<400x64xf32, #tpu.memory_space<vmem>>, vector<16xf32>,
        %mul3A_1888 = arith.mulf %gather3A_1882, %get3A_1887 : vector<16xf32>
        %add3A_1889 = arith.addf %add3A_1825, %mul3A_1888 : vector<16xf32>
        %add3A_1890 = arith.constant 49 : i32
        %add3A_1891 = arith.addi %mul3A_284, %add3A_1890 : i32
        %get3A_1892 = arith.index_cast %add3A_1891 : i32 to index
        %get3A_1893 = arith.constant 16 : index
        %get3A_1894 = tpu.vector_load %arg11[%get3A_1892, %get3A_1893] {strides = array<i32>} : memref<400x64xf32, #tpu.memory_space<vmem>>, vector<16xf32>,
        %mul3A_1895 = arith.mulf %gather3A_1882, %get3A_1894 : vector<16xf32>
        %add3A_1896 = arith.addf %add3A_1832, %mul3A_1895 : vector<16xf32>
        %add3A_1897 = arith.constant 49 : i32
        %add3A_1898 = arith.addi %mul3A_284, %add3A_1897 : i32
        %get3A_1899 = arith.index_cast %add3A_1898 : i32 to index
        %get3A_1900 = arith.constant 32 : index
        %get3A_1901 = tpu.vector_load %arg11[%get3A_1899, %get3A_1900] {strides = array<i32>} : memref<400x64xf32, #tpu.memory_space<vmem>>, vector<16xf32>,
        %mul3A_1902 = arith.mulf %gather3A_1882, %get3A_1901 : vector<16xf32>
        %add3A_1903 = arith.addf %add3A_1839, %mul3A_1902 : vector<16xf32>
        %add3A_1904 = arith.constant 49 : i32
        %add3A_1905 = arith.addi %mul3A_284, %add3A_1904 : i32
        %get3A_1906 = arith.index_cast %add3A_1905 : i32 to index
        %get3A_1907 = arith.constant 48 : index
        %get3A_1908 = tpu.vector_load %arg11[%get3A_1906, %get3A_1907] {strides = array<i32>} : memref<400x64xf32, #tpu.memory_space<vmem>>, vector<16xf32>,
        %mul3A_1909 = arith.mulf %gather3A_1882, %get3A_1908 : vector<16xf32>
        %add3A_1910 = arith.addf %add3A_1846, %mul3A_1909 : vector<16xf32>
        %add3A_1911 = arith.addf %add3A_1857, %add3A_1889 : vector<16xf32>
        %swap3A = arith.index_cast %add3A_282 : i32 to index
        %swap3A_1912 = arith.constant 0 : index
        %swap3A_1913 = tpu.vector_load %arg13[%swap3A, %swap3A_1912] {strides = array<i32>} : memref<8x64xf32, #tpu.memory_space<vmem>>, vector<16xf32>,
        tpu.vector_store %arg13[%swap3A, %swap3A_1912], %add3A_1911 {strides = array<i32>} : memref<8x64xf32, #tpu.memory_space<vmem>>, vector<16xf32>,
        %add3A_1914 = arith.addf %add3A_1864, %add3A_1896 : vector<16xf32>
        %swap3A_1915 = arith.index_cast %add3A_282 : i32 to index
        %swap3A_1916 = arith.constant 16 : index
        %swap3A_1917 = tpu.vector_load %arg13[%swap3A_1915, %swap3A_1916] {strides = array<i32>} : memref<8x64xf32, #tpu.memory_space<vmem>>, vector<16xf32>,
        tpu.vector_store %arg13[%swap3A_1915, %swap3A_1916], %add3A_1914 {strides = array<i32>} : memref<8x64xf32, #tpu.memory_space<vmem>>, vector<16xf32>,
        %add3A_1918 = arith.addf %add3A_1871, %add3A_1903 : vector<16xf32>
        %swap3A_1919 = arith.index_cast %add3A_282 : i32 to index
        %swap3A_1920 = arith.constant 32 : index
        %swap3A_1921 = tpu.vector_load %arg13[%swap3A_1919, %swap3A_1920] {strides = array<i32>} : memref<8x64xf32, #tpu.memory_space<vmem>>, vector<16xf32>,
        tpu.vector_store %arg13[%swap3A_1919, %swap3A_1920], %add3A_1918 {strides = array<i32>} : memref<8x64xf32, #tpu.memory_space<vmem>>, vector<16xf32>,
        %add3A_1922 = arith.addf %add3A_1878, %add3A_1910 : vector<16xf32>
        %swap3A_1923 = arith.index_cast %add3A_282 : i32 to index
        %swap3A_1924 = arith.constant 48 : index
        %swap3A_1925 = tpu.vector_load %arg13[%swap3A_1923, %swap3A_1924] {strides = array<i32>} : memref<8x64xf32, #tpu.memory_space<vmem>>, vector<16xf32>,
        tpu.vector_store %arg13[%swap3A_1923, %swap3A_1924], %add3A_1922 {strides = array<i32>} : memref<8x64xf32, #tpu.memory_space<vmem>>, vector<16xf32>,
      }
      %scan3A_268 = arith.constant 8 : i32
      %mul3A_269 = arith.constant 512 : i32
      %mul3A_270 = arith.muli %add3A, %mul3A_269 : i32
      %mul3A_271 = arith.constant 8 : i32
      %mul3A_272 = arith.muli %add3A_196, %mul3A_271 : i32
      %add3A_273 = arith.addi %mul3A_270, %mul3A_272 : i32
      %dma_start3A_274 = arith.constant 0 : i32
      %dma_start3A_275 = tpu.memref_slice %arg6[%add3A_273, %dma_start3A_274] : memref<16384x64xf32, #tpu.memory_space<hbm>> -> memref<8x64xf32, #tpu.memory_space<hbm>>
      %dma_start3A_276 = arith.constant 0 : i32
      %dma_start3A_277 = tpu.memref_slice %arg6[%add3A_273, %dma_start3A_276] : memref<16384x64xf32, #tpu.memory_space<hbm>> -> memref<8x64xf32, #tpu.memory_space<hbm>>
      tpu.enqueue_dma source(%arg13 : memref<8x64xf32, #tpu.memory_space<vmem>>) target(%dma_start3A_277 : memref<8x64xf32, #tpu.memory_space<hbm>>) target_semaphore(%arg18 : memref<!tpu.dma_semaphore, #tpu.memory_space<semaphore_mem>>)
    }
    %scan3A_91 = arith.constant 32 : i32
    %mul3A_92 = arith.constant 512 : i32
    %mul3A_93 = arith.muli %add3A, %mul3A_92 : i32
    %add3A_94 = arith.constant 496 : i32
    %add3A_95 = arith.addi %mul3A_93, %add3A_94 : i32
    %dma_wait3A = arith.constant 0 : i32
    %dma_wait3A_96 = tpu.memref_slice %arg6[%add3A_95, %dma_wait3A] : memref<16384x64xf32, #tpu.memory_space<hbm>> -> memref<8x64xf32, #tpu.memory_space<hbm>>
    %dma_wait3A_97 = arith.constant 0 : i32
    %dma_wait3A_98 = tpu.memref_slice %arg6[%add3A_95, %dma_wait3A_97] : memref<16384x64xf32, #tpu.memory_space<hbm>> -> memref<8x64xf32, #tpu.memory_space<hbm>>
    tpu.wait_dma2 semaphore(%arg17 : memref<!tpu.dma_semaphore, #tpu.memory_space<semaphore_mem>>) src(%arg12 : memref<8x64xf32, #tpu.memory_space<vmem>>) dst(%dma_wait3A_98 : memref<8x64xf32, #tpu.memory_space<hbm>>)
    %mul3A_99 = arith.constant 512 : i32
    %mul3A_100 = arith.muli %add3A, %mul3A_99 : i32
    %add3A_101 = arith.constant 504 : i32
    %add3A_102 = arith.addi %mul3A_100, %add3A_101 : i32
    %dma_wait3A_103 = arith.constant 0 : i32
    %dma_wait3A_104 = tpu.memref_slice %arg6[%add3A_102, %dma_wait3A_103] : memref<16384x64xf32, #tpu.memory_space<hbm>> -> memref<8x64xf32, #tpu.memory_space<hbm>>
    %dma_wait3A_105 = arith.constant 0 : i32
    %dma_wait3A_106 = tpu.memref_slice %arg6[%add3A_102, %dma_wait3A_105] : memref<16384x64xf32, #tpu.memory_space<hbm>> -> memref<8x64xf32, #tpu.memory_space<hbm>>
    tpu.wait_dma2 semaphore(%arg18 : memref<!tpu.dma_semaphore, #tpu.memory_space<semaphore_mem>>) src(%arg13 : memref<8x64xf32, #tpu.memory_space<vmem>>) dst(%dma_wait3A_106 : memref<8x64xf32, #tpu.memory_space<hbm>>)
    return
  }
}

module attributes {stable_mosaic.version = 14 : i64} {
  func.func @body(%arg0: i32, %arg1: memref<64x16384xf32, #tpu.memory_space<vmem>>, %arg2: memref<64x16384xf32, #tpu.memory_space<vmem>>, %arg3: memref<16384x128xf32, #tpu.memory_space<vmem>>) attributes {dimension_semantics = [#tpu.dimension_semantics<arbitrary>], iteration_bounds = array<i64: 31>, scalar_prefetch = 0 : i64, scratch_operands = 0 : i64, tpu.core_type = #tpu.core_type<tc>, window_params = [{transform_indices = @transform_0, window_bounds = array<i64: 64, 16384>}, {transform_indices = @transform_1, window_bounds = array<i64: 64, 16384>}, {transform_indices = @transform_2, window_bounds = array<i64: 16384, 128>}]} {
    %get3A = arith.constant 0 : index
    %get3A_0 = arith.constant 0 : index
    %get3A_1 = vector.load %arg1[%get3A, %get3A_0] : memref<64x16384xf32, #tpu.memory_space<vmem>>, vector<64x16384xf32>
    %get3A_2 = arith.constant 0 : index
    %get3A_3 = arith.constant 0 : index
    %get3A_4 = vector.load %arg2[%get3A_2, %get3A_3] : memref<64x16384xf32, #tpu.memory_space<vmem>>, vector<64x16384xf32>
    %concatenate3A = tpu.concatenate %get3A_1, %get3A_4 in 0 : vector<64x16384xf32>, vector<64x16384xf32> -> vector<128x16384xf32>
    %transpose3A = tpu.transpose %concatenate3A, [1, 0] : vector<128x16384xf32> -> vector<16384x128xf32>
    %swap3A = arith.constant 0 : index
    %swap3A_5 = arith.constant 0 : index
    %swap3A_6 = vector.load %arg3[%swap3A, %swap3A_5] : memref<16384x128xf32, #tpu.memory_space<vmem>>, vector<16384x128xf32>
    tpu.vector_store %arg3[%swap3A, %swap3A_5], %transpose3A {strides = array<i32>} : memref<16384x128xf32, #tpu.memory_space<vmem>>, vector<16384x128xf32>,
    return
  }
  func.func @transform_0(%arg0: i32) -> (i32, i32) {
    %mul3A = arith.constant 2 : i32
    %mul3A_0 = arith.muli %mul3A, %arg0 : i32
    %c0_i32 = arith.constant 0 : i32
    %c0_i32_1 = arith.constant 0 : i32
    return %c0_i32, %mul3A_0 : i32, i32
  }
  func.func @transform_1(%arg0: i32) -> (i32, i32) {
    %mul3A = arith.constant 2 : i32
    %mul3A_0 = arith.muli %mul3A, %arg0 : i32
    %add3A = arith.constant 1 : i32
    %add3A_1 = arith.addi %mul3A_0, %add3A : i32
    %min3A = arith.constant 61 : i32
    %min3A_2 = arith.minsi %add3A_1, %min3A : i32
    %c0_i32 = arith.constant 0 : i32
    %c0_i32_3 = arith.constant 0 : i32
    return %c0_i32, %min3A_2 : i32, i32
  }
  func.func @transform_2(%arg0: i32) -> (i32, i32) {
    %c0_i32 = arith.constant 0 : i32
    %c0_i32_0 = arith.constant 0 : i32
    return %arg0, %c0_i32 : i32, i32
  }
}

</mosaic_0001>

<sc_bundles>
// kernel: kernel.4.cloned.1.call-start
scs
__scs_entry_jumppad:
0x0: {  	(pc) =	sbr.rel $0x88, $3  }
0x1: {  	(tag) =	ssettag $0x0;
	lr =	simm.s32 $0x1  }
0x2: {  	[smem:$0x3F9D] =	sst lr;
	_ =	strace $0xD0000000  }
0x3: {  	_ = 	snop  }
0x4: {  	_ = 	snop  }
0x5: {  	_ = 	snop  }
0x6: {  	_ = 	snop  }
0x7: {  	_ = 	snop  }
__scs_overlays_trampoline_lowered:
0x8: {  	[smem:$0x3FAC] =	sst s0  }
0x9: {  	[smem:$0x3FAD] =	sst s1  }
0xa: {  	[smem:$0x3FAE] =	sst s2  }
0xb: {  	[smem:$0x3FAF] =	sst s3  }
0xc: {  	[smem:$0x3FB0] =	sst s4  }
0xd: {  	[smem:$0x3FB1] =	sst s5  }
0xe: {  	[smem:$0x3FB2] =	sst s6  }
0xf: {  	[smem:$0x3FB3] =	sst s7  }
0x10: {  	[smem:$0x3FB4] =	sst s8  }
0x11: {  	[smem:$0x3FB5] =	sst s9;
	s0 =	simm.s32 @!p0 $0x0  }
0x12: {  	s1 =	sld [smem:$0x3F9B];
	s0 =	simm.s32 @p0 $0x1  }
0x13: {  	[smem:$0x3FB6] =	sst s0;
	s0 =	simm.s32 @!p1 $0x0  }
0x14: {  	s2 =	sld [smem:$0x3F9A];
	s0 =	simm.s32 @p1 $0x1  }
0x15: {  	[smem:$0x3FB7] =	sst s0;
	s0 =	simm.s32 @!p2 $0x0  }
0x16: {  	s3 =	sld [smem:$0x3FDB];
	s0 =	simm.s32 @p2 $0x1  }
0x17: {  	s4 =	simm.s32 $0x1BF5;
	[smem:$0x3FB9] =	sst s0  }
0x18: {  	s0 =	sld [smem:$0x3F9C];
	_ =	swait.ge [sflag:s4], $0x0  }
0x19: {  	s7 =	sld [smem:$0x3F9D]  }
0x1a: {  	s8 =	sadd.s32 $0xFFFFE003, lr  }
0x1b: {  	s9 =	sadd.s32 $0xFFFFFEF7, lr;
	s5 =	simm.s32 $0xFFFFFFFF;
	p2 =	slt.u32 s8, $0xFFFFF086  }
0x1c: {  	p1 =	slt.u32 s9, $0xF7A;
	s5 =	simm.s32 @!p2 $0x0  }
0x1d: {  	s5 =	simm.s32 @p1 $0x1;
	p0 =	seq.s32 s7, s2  }
0x1e: {  	s7 =	smul.u32 @!p0 $0xF7A, s2;
	p2 =	seq.s32 @!p0 s5, $0x0  }
0x1f: {  	s9 =	smul.u32 $0xF7A, s1;
	s8 =	simm.s32 @!p0 $0x1BF5;
	p2 =	por !p2, p0  }
0x20: {  	[sflag:s8] =	ssyncset.s32 @!p0 $0xFFFFF086;
	s6 =	sadd.s32 @!p0 s3, s7;
	s7 =	simm.s32 @!p0 $0x108  }
0x21: {  	s3 =	sadd.s32 s3, s9;
	s6 =	sadd.s32 @!p0 $0x88, s6;
	s7 =	simm.s32 @p2 $0x1082  }
0x22: {  	[simem:s7], [sflag:s8] =	dma.local @!p0 [hbm:s6], $0xF7A  }
0x23: {  	s9 =	sor.u32 $0xD0000000, s2;
	s6 =	simm.s32 $0x108;
	_ =	swait.ge @!p0 [sflag:s8], $0x0  }
0x24: {  	s3 =	sadd.s32 $0x88, s3;
	s6 =	simm.s32 @!p1 $0x1082;
	[sflag:s4] =	ssyncset.s32 $0xFFFFF086  }
0x25: {  	[simem:s6], [sflag:s4] =	dma.local [hbm:s3], $0xF7A  }
0x26: {  	[smem:$0x3F9D] =	sst s1;
	(tag) =	ssettag s2;
	_ =	strace s9  }
0x27: {  	s1 =	sld [smem:$0x3FAD]  }
0x28: {  	s2 =	sld [smem:$0x3FAE]  }
0x29: {  	s4 =	sld [smem:$0x3FB0]  }
0x2a: {  	p0 =	seq.s32 s5, $0x0;
	s5 =	sld [smem:$0x3FB1]  }
0x2b: {  	s6 =	sld [smem:$0x3FB2]  }
0x2c: {  	s7 =	sld [smem:$0x3FB3]  }
0x2d: {  	s3 =	simm.s32 $0x108;
	s8 =	sld [smem:$0x3FB4]  }
0x2e: {  	s3 =	simm.s32 @!p0 $0x1082;
	s9 =	sld [smem:$0x3FB5]  }
0x2f: {  	lr =	sadd.s32 s0, s3;
	s0 =	sld [smem:$0x3FAC]  }
0x30: {  	s3 =	sld [smem:$0x3FAF]  }
0x31: {  	[smem:$0x3FB8] =	sst s10  }
0x32: {  	s10 =	sld [smem:$0x3FB6];
	_ =	sdelay $0x3  }
0x33: {  	p0 =	seq.s32 s10, $0x1;
	s10 =	sld [smem:$0x3FB8];
	_ =	sdelay $0x3  }
0x34: {  	[smem:$0x3FB8] =	sst s10  }
0x35: {  	s10 =	sld [smem:$0x3FB7];
	_ =	sdelay $0x3  }
0x36: {  	p1 =	seq.s32 s10, $0x1;
	s10 =	sld [smem:$0x3FB8];
	_ =	sdelay $0x3  }
0x37: {  	[smem:$0x3FB8] =	sst s10  }
0x38: {  	s10 =	sld [smem:$0x3FB9]  }
0x39: {  	_ = 	snop;
	(pc) =	sbr.ind lr, $3  }
0x3a: {  	_ = 	snop  }
0x3b: {  	_ = 	snop  }
0x3c: {  	p2 =	seq.s32 s10, $0x1;
	s10 =	sld [smem:$0x3FB8]  }
0x3d: {  	_ =	shalt  }
0x3e: {  	_ =	shalt  }
0x3f: {  	_ =	shalt  }
0x40: {  	_ =	shalt  }
0x41: {  	_ =	shalt  }
0x42: {  	_ =	shalt  }
0x43: {  	_ =	shalt  }
0x44: {  	_ =	shalt  }
0x45: {  	_ =	shalt  }
0x46: {  	_ =	shalt  }
0x47: {  	_ =	shalt  }
0x48: {  	_ =	shalt  }
0x49: {  	_ =	shalt  }
0x4a: {  	_ =	shalt  }
0x4b: {  	_ =	shalt  }
0x4c: {  	_ =	shalt  }
0x4d: {  	_ =	shalt  }
0x4e: {  	_ =	shalt  }
0x4f: {  	_ =	shalt  }
0x50: {  	_ =	shalt  }
0x51: {  	_ =	shalt  }
0x52: {  	_ =	shalt  }
0x53: {  	_ =	shalt  }
0x54: {  	_ =	shalt  }
0x55: {  	_ =	shalt  }
0x56: {  	_ =	shalt  }
0x57: {  	_ =	shalt  }
0x58: {  	_ =	shalt  }
0x59: {  	_ =	shalt  }
0x5a: {  	_ =	shalt  }
0x5b: {  	_ =	shalt  }
0x5c: {  	_ =	shalt  }
0x5d: {  	_ =	shalt  }
0x5e: {  	_ =	shalt  }
0x5f: {  	_ =	shalt  }
0x60: {  	_ =	shalt  }
0x61: {  	_ =	shalt  }
0x62: {  	_ =	shalt  }
0x63: {  	_ =	shalt  }
0x64: {  	_ =	shalt  }
0x65: {  	_ =	shalt  }
0x66: {  	_ =	shalt  }
0x67: {  	_ =	shalt  }
0x68: {  	_ =	shalt  }
0x69: {  	_ =	shalt  }
0x6a: {  	_ =	shalt  }
0x6b: {  	_ =	shalt  }
0x6c: {  	_ =	shalt  }
0x6d: {  	_ =	shalt  }
0x6e: {  	_ =	shalt  }
0x6f: {  	_ =	shalt  }
0x70: {  	_ =	shalt  }
0x71: {  	_ =	shalt  }
0x72: {  	_ =	shalt  }
0x73: {  	_ =	shalt  }
0x74: {  	_ =	shalt  }
0x75: {  	_ =	shalt  }
0x76: {  	_ =	shalt  }
0x77: {  	_ =	shalt  }
0x78: {  	_ =	shalt  }
0x79: {  	_ =	shalt  }
0x7a: {  	_ =	shalt  }
0x7b: {  	_ =	shalt  }
0x7c: {  	_ =	shalt  }
0x7d: {  	_ =	shalt  }
0x7e: {  	_ =	shalt  }
0x7f: {  	_ =	shalt  }
0x80: {  	_ =	shalt  }
0x81: {  	_ =	shalt  }
0x82: {  	_ =	shalt  }
0x83: {  	_ =	shalt  }
0x84: {  	_ =	shalt  }
0x85: {  	_ =	shalt  }
0x86: {  	_ =	shalt  }
0x87: {  	_ =	shalt  }
.Lfunc_end0:
.L_simem_size_0:
called_computation_lowered:
.L_overlay_start_0:
0x88: {  	s2 =	sld [smem:$0x3FD9]  }
0x89: {  	s3 =	sld [smem:$0x3FFE];
	_ =	sdelay $0x1  }
0x8a: {  	s1 =	srdreg.scid  }
0x8b: {  	s0 =	sand.u32 $0x1, s1  }
0x8c: {  	s17 =	sshll.u32 s0, $0xA;
	s2 =	sadd.s32 s3, s2  }
0x8d: {  	s2 =	sadd.s32 s2, s17  }
0x8e: {  	[smem:$0x3FC4] =	sst s2  }
0x8f: {  	_ = 	snop  }
0x90: {  	s2 =	sld [smem:$0x3FC6]  }
0x91: {  	s18 =	sld [smem:$0x3FD0];
	(tm) =	ssettm $0x1  }
0x92: {  	s4 =	sld [smem:$0x3FFB];
	_ =	sdelay $0x3  }
0x93: {  	_ =	strace s4  }
0x94: {  	s4 =	sld [smem:$0x3FFC];
	_ =	sdelay $0x3  }
0x95: {  	_ =	strace s4  }
0x96: {  	s4 =	sld [smem:$0x3FFD];
	_ =	sdelay $0x3  }
0x97: {  	_ =	strace s4  }
0x98: {  	_ =	strace $0x8FFFFFFF  }
0x99: {  	s19 =	sld [smem:$0x3FDB];
	_ =	sdelay $0x1  }
0x9a: {  	s5 =	simm.s32 $_scs_section_size  }
0x9b: {  	s6 =	simm.s32 $_size__tile_overlayer_lowered;
	s7 =	simm.s32 $_tile_overlayer_lowered  }
0x9c: {  	s22 =	simm.s32 $0x1BFF;
	s21 =	sshll.u32 s7, $0x1;
	s4 =	sadd.s32 s5, s19  }
0x9d: {  	s8 =	simm.s32 $0x0;
	s20 =	sshll.u32 s6, $0x1;
	s6 =	sadd.s32 s21, s4  }
0x9e: {  	[timem:s8], [sflag:s22] =	dma.local [hbm:s6], s20  }
0x9f: {  	_ =	swait.ge [sflag:s22], s20  }
0xa0: {  	s5 =	ssub.s32 $0x0, s20;
	[sflag:s22] =	ssyncset.done $0x0  }
0xa1: {  	[sflag:s22] =	ssyncadd.s32 s5;
	_ =	sdelay $0x1  }
0xa2: {  	s23 =	simm.s32 $0x1B8B  }
0xa3: {  	_ =	swait.ge [sflag:s23], $0x1  }
0xa4: {  	[sflag:s23] =	ssyncset.done $0x0  }
0xa5: {  	s25 =	simm.s32 $0x1B8E;
	s24 =	sld [smem:$0x3FFE];
	[sflag:s23] =	ssyncadd.s32 $0xFFFFFFFF  }
0xa6: {  	s26 =	simm.s32 $execute0_lowered;
	[smem:$0x3FD2] =	sst s25  }
0xa7: {  	s6 =	sshll.u32 s26, $0x1;
	_ =	strace $0x80000046;
	[dreg:$0x1] =	wrdreg $0xFFFFFFFF  }
0xa8: {  	s28 =	simm.s32 $_size_execute0_lowered;
	s4 =	sadd.s32 s4, s6;
	[dreg:$0x0] =	wrdreg $0x0  }
0xa9: {  	s6 =	sshll.u32 s28, $0x1;
	[dreg:$0x2] =	wrdreg s4  }
0xaa: {  	[dreg:$0x3] =	wrdreg s6  }
0xab: {  	[dreg:$0x4] =	wrdreg $0xC0  }
0xac: {  	_ =	task [dreg:s8], $0x5FFFF  }
0xad: {  	[dreg:$0x1] =	wrdreg $0xFFFFFFFF  }
0xae: {  	[dreg:$0x0] =	wrdreg $0x60  }
0xaf: {  	[dreg:$0x2] =	wrdreg s24  }
0xb0: {  	[dreg:$0x3] =	wrdreg s2  }
0xb1: {  	[dreg:$0x4] =	wrdreg s18  }
0xb2: {  	[dreg:$0x5] =	wrdreg $0x9  }
0xb3: {  	_ =	task.clear_ibuf [dreg:s8], $0x6FFFF;
	_ =	strace $0x90000046  }
0xb4: {  	s29 =	simm.s32 $0x9;
	_ =	strace $0x80000048  }
0xb5: {  	_ =	swait.ge [sflag:s29], $0x1  }
0xb6: {  	[sflag:s29] =	ssyncadd.s32 $0xFFFFFFFF  }
0xb7: {  	_ =	strace $0x90000048  }
0xb8: {  	_ =	sfence  }
0xb9: {  	s30 =	sld [smem:$0x0];
	_ =	sdelay $0x2  }
0xba: {  	s31 =	sshll.u32 s1, $0xD;
	s1 =	sshrl.u32 s1, $0x2  }
0xbb: {  	s3 =	sand.u32 $0x4000, s31;
	s1 =	sadd.s32 s1, s30  }
0xbc: {  	s0 =	sor.u32 s3, s0;
	s1 =	sshll.u32 s1, $0x11  }
0xbd: {  	s0 =	sor.u32 s1, s0  }
0xbe: {  	s0 =	sadd.s32 $0x8F2B, s0  }
0xbf: {  	[sflag:s0] =	ssyncadd.remote.s32 $0x1  }
0xc0: {  	_ =	sfence.sel $0xFFFF  }
0xc1: {  	[dreg:$0x0] =	wrdreg $0xFFFFFFFF;
	(pc) =	sbr.abs _section_cstart, $3  }
0xc2: {  	[dreg:$0x1] =	wrdreg $0xFFFFFFFF  }
0xc3: {  	_ =	task.clear_ibuf [dreg:s8], $0x2FFFF;
	_ =	strace $0x9FFFFFFF  }
0xc4: {  	(tm) =	ssettm $0x7FFFFFFF  }
0xc5: {  	_ =	shalt  }
tec
execute0_lowered:
.L_overlay_start_1:
0x0: {  	(tag) =	ssettag $0x1  }
0x1: {  	s0 =	rddreg [dreg:$0x0]  }
0x2: {  	s1 =	rddreg [dreg:$0x2];
	s2 =	srdreg.scid  }
0x3: {  	s4 =	stileid.u32;
	s3 =	simm.s32 $0x0;
	s13 =	simm.s32 $0x5  }
0x4: {  	s15 =	simm.s32 $0x4000;
	s16 =	simm.s32 $0x7D00;
	s17 =	simm.s32 $0x80  }
0x5: {  	s18 =	simm.s32 $0x6400;
	s19 =	simm.s32 $0x50;
	s29 =	simm.s32 $0x14500  }
0x6: {  	s30 =	simm.s32 $0x15900;
	s31 =	simm.s32 $0x16D00;
	s12 =	simm.s32 $0x1A900  }
0x7: {  	s14 =	simm.s32 $0x2;
	s20 =	simm.s32 $0x1AB00;
	s21 =	simm.s32 $0x3  }
0x8: {  	s22 =	simm.s32 $0x4;
	s23 =	simm.s32 $0x0;
	s2 =	sand.u32 $0x1, s2  }
0x9: {  	s4 =	sshll.u32 s4, $0xA;
	s5 =	sshll.u32 s2, $0x9;
	s2 =	ssub.s32 $0x2, s2  }
0xa: {  	v0 =	vlaneseq.u32;
	[smem:$0x7FF] =	sst s3;
	s5 =	sor.u32 s5, s4;
	s6 =	sshrl.u32 s2, $0x1  }
0xb: {  	v1 =	vmul.u32 $0x200, v0;
	_ =	strace $0x80000047;
	s4 =	sshrl.u32 s5, $0x3;
	s24 =	ssub.s32 s2, s6  }
0xc: {  	s28 =	sshll.u32 s5, $0x3;
	s2 =	simm.s32 $0x1;
	s9 =	sadd.s32 s4, s0  }
0xd: {  	v3 =	vor.u32 $0x2000, v1;
	[tilespmem:$0x1FFC0] =	vst v1;
	s4 =	sadd.s32 $0x32600, s0;
	s10 =	sadd.s32 s1, s28;
	s11 =	smax.u32 s24, $0x1  }
0xe: {  	v4 =	vor.u32 $0x4000, v1;
	[tilespmem:$0x1FFD0] =	vst v3;
	s0 =	simm.s32 $0x18100;
	s1 =	simm.s32 $0x19500;
	s25 =	sadd.s32 $0x600, s9  }
0xf: {  	v53 =	vmul.u32 $0x32, v0;
	v5 =	vadd.s32 $0x4400, v1;
	[tilespmem:$0x1FFE0] =	vst v4;
	s26 =	sadd.s32 $0x19600, s9;
	s7 =	sadd.s32 $0x19610, s9;
	[dreg:$0x4] =	wrdreg s25  }
0x10: {  	[tilespmem:$0x1FFF0] =	vst v5;
	s8 =	sadd.s32 $0x19620, s9;
	s9 =	sadd.s32 $0x19630, s9;
	[dreg:$0x5] =	wrdreg s26  }
.LBB2_1:
0x11: {  	s5 =	rddreg [dreg:$0x1];
	s6 =	simm.s32 $0x1AD00  }
0x12: {  	[tilespmem:s6], [sflag:$0x5] =	stream.linear.gather [hbm4b:s5+s3], $0x40, $0x38;
	[tilespmem:$0x1AD40] =	vst v63  }
0x13: {  	_ =	swait.ge [sflag:s13], $0x40  }
0x14: {  	[sflag:s13] =	ssyncset.done $0x0  }
0x15: {  	s26 =	simm.s32 $0x200;
	s25 =	rddreg [dreg:$0x4];
	[sflag:s13] =	ssyncadd.s32 $0xFFFFFFC0  }
0x16: {  	[tilespmem:s16], [sflag:$0x5] =	stream.strided.gather [hbm4b:s25+s26], $0x6400, s15, s26, $0x38;
	[tilespmem:$0x1AD40] =	vst v63  }
0x17: {  	_ =	swait.ge [sflag:s13], $0x6400  }
0x18: {  	[sflag:s13] =	ssyncset.done $0x0  }
0x19: {  	[sflag:s13] =	ssyncadd.s32 $0xFFFF9C00  }
0x1a: {  	v6 =	vld [tilespmem:$0x1AD00]  }
0x1b: {  	v7 =	vld [tilespmem:$0x1AD10]  }
0x1c: {  	s28 =	rddreg [dreg:$0x5];
	v8 =	vld [tilespmem:$0x1AD20]  }
0x1d: {  	v9 =	vld [tilespmem:$0x1AD30];
	[tilespmem:s18], [sflag:$0x5] =	stream.strided.gather [hbm4b:s28+s17], $0x1900, s15, s17, $0x38  }
0x1e: {  	_ =	swait.ge [sflag:s13], $0x1900  }
0x1f: {  	[sflag:s13] =	ssyncset.done $0x0  }
0x20: {  	s5 =	simm.s32 $0x6440;
	[sflag:s13] =	ssyncadd.s32 $0xFFFFE700  }
0x21: {  	v2 =	vadd.s32 s3, v53;
	s24 =	simm.s32 $0x0;
	s25 =	simm.s32 $0x1;
	v0 =	vld [tilespmem:s5+$0xFFFFFFC0]  }
.LBB2_2:
0x22: {  	p0 =	sne.s32 s25, $0x31;
	_ =	sdelay $0x3  }
0x23: {  	s26 =	sadd.s32 $0x320, s24;
	[tilespmem:v2+s3+$0x0] =	vst.idx.msk $0xffff, v0  }
0x24: {  	v2 =	vadd.s32 s26, v53;
	v0 =	vld [tilespmem:s5+$0xFFFFFFD0];
	_ =	sdelay $0x4  }
0x25: {  	s26 =	sadd.s32 $0x640, s24;
	[tilespmem:v2+s3+$0x0] =	vst.idx.msk $0xffff, v0  }
0x26: {  	v2 =	vadd.s32 s26, v53;
	v0 =	vld [tilespmem:s5+$0xFFFFFFE0];
	_ =	sdelay $0x4  }
0x27: {  	s26 =	sadd.s32 $0x960, s24;
	[tilespmem:v2+s3+$0x0] =	vst.idx.msk $0xffff, v0  }
0x28: {  	v2 =	vadd.s32 s26, v53;
	v0 =	vld [tilespmem:s5+$0xFFFFFFF0];
	_ =	sdelay $0x4  }
0x29: {  	s26 =	sadd.s32 $0xC80, s24;
	[tilespmem:v2+s3+$0x0] =	vst.idx.msk $0xffff, v0  }
0x2a: {  	v2 =	vadd.s32 s26, v53;
	v0 =	vld [tilespmem:s5+$0x0];
	_ =	sdelay $0x4  }
0x2b: {  	s26 =	sadd.s32 $0xFA0, s24;
	[tilespmem:v2+s3+$0x0] =	vst.idx.msk $0xffff, v0  }
0x2c: {  	v2 =	vadd.s32 s26, v53;
	v0 =	vld [tilespmem:s5+$0x10];
	_ =	sdelay $0x4  }
0x2d: {  	s26 =	sadd.s32 $0x12C0, s24;
	[tilespmem:v2+s3+$0x0] =	vst.idx.msk $0xffff, v0  }
0x2e: {  	v2 =	vadd.s32 s26, v53;
	v0 =	vld [tilespmem:s5+$0x20];
	_ =	sdelay $0x4  }
0x2f: {  	s26 =	sadd.s32 $0x15E0, s24;
	s24 =	smov.u32 s25;
	[tilespmem:v2+s3+$0x0] =	vst.idx.msk $0xffff, v0  }
0x30: {  	v2 =	vadd.s32 s26, v53;
	v0 =	vld [tilespmem:s5+$0x30];
	_ =	sdelay $0x1  }
.Ltmp0:
0x31: {  	(pc) =	sbr.rel @p0 .LBB2_2-.Ltmp0, $3  }
0x32: {  	_ =	sdelay $0x1  }
0x33: {  	s5 =	sadd.s32 $0x80, s5;
	[tilespmem:v2+s3+$0x0] =	vst.idx.msk $0xffff, v0  }
0x34: {  	s25 =	sadd.s32 $0x1, s25;
	v2 =	vadd.s32 s24, v53;
	v0 =	vld [tilespmem:s5+$0xFFFFFFC0]  }
0x35: {  	_ =	sdelay $0x3  }
0x36: {  	s25 =	sadd.s32 $0x320, s24;
	[tilespmem:v2+s3+$0x0] =	vst.idx.msk $0xffff, v0  }
0x37: {  	v2 =	vadd.s32 s25, v53;
	v0 =	vld [tilespmem:s5+$0xFFFFFFD0];
	_ =	sdelay $0x4  }
0x38: {  	s6 =	sadd.s32 $0x640, s24;
	[tilespmem:v2+s3+$0x0] =	vst.idx.msk $0xffff, v0  }
0x39: {  	v2 =	vadd.s32 s6, v53;
	v0 =	vld [tilespmem:s5+$0xFFFFFFE0];
	_ =	sdelay $0x4  }
0x3a: {  	s26 =	sadd.s32 $0x960, s24;
	[tilespmem:v2+s3+$0x0] =	vst.idx.msk $0xffff, v0  }
0x3b: {  	v2 =	vadd.s32 s26, v53;
	v0 =	vld [tilespmem:s5+$0xFFFFFFF0];
	_ =	sdelay $0x4  }
0x3c: {  	s28 =	sadd.s32 $0xC80, s24;
	[tilespmem:v2+s3+$0x0] =	vst.idx.msk $0xffff, v0  }
0x3d: {  	v2 =	vadd.s32 s28, v53;
	v0 =	vld [tilespmem:s5+$0x0];
	_ =	sdelay $0x4  }
0x3e: {  	s6 =	sadd.s32 $0xFA0, s24;
	[tilespmem:v2+s3+$0x0] =	vst.idx.msk $0xffff, v0  }
0x3f: {  	v2 =	vadd.s32 s6, v53;
	v0 =	vld [tilespmem:s5+$0x10];
	_ =	sdelay $0x4  }
0x40: {  	s26 =	sadd.s32 $0x12C0, s24;
	[tilespmem:v2+s3+$0x0] =	vst.idx.msk $0xffff, v0  }
0x41: {  	v2 =	vadd.s32 s26, v53;
	v0 =	vld [tilespmem:s5+$0x20];
	_ =	sdelay $0x4  }
0x42: {  	s28 =	sadd.s32 $0x15E0, s24;
	[tilespmem:v2+s3+$0x0] =	vst.idx.msk $0xffff, v0  }
0x43: {  	v2 =	vadd.s32 s28, v53;
	v0 =	vld [tilespmem:s5+$0x30];
	_ =	sdelay $0x4  }
0x44: {  	[tilespmem:v2+s3+$0x0] =	vst.idx.msk $0xffff, v0  }
0x45: {  	[tilespmem:s18], [sflag:$0x5] =	stream.strided.gather [hbm4b:s7+s17], $0x1900, s15, s17, $0x38;
	[tilespmem:$0x1AD40] =	vst v63  }
0x46: {  	_ =	swait.ge [sflag:s13], $0x1900  }
0x47: {  	s25 =	simm.s32 $0x2EE1;
	s24 =	simm.s32 $0x6440;
	[sflag:s13] =	ssyncset.done $0x0  }
0x48: {  	s26 =	simm.s32 $0x1900;
	s5 =	simm.s32 $0x2EE0;
	[sflag:s13] =	ssyncadd.s32 $0xFFFFE700  }
.LBB2_4:
0x49: {  	p0 =	sne.s32 s25, $0x2F11;
	v0 =	vld [tilespmem:s24+$0xFFFFFFC0];
	v2 =	vadd.s32 s26, v53;
	_ =	sdelay $0x4  }
0x4a: {  	s26 =	sadd.s32 $0xFFFFED40, s5;
	[tilespmem:v2+s3+$0x0] =	vst.idx.msk $0xffff, v0  }
0x4b: {  	v2 =	vadd.s32 s26, v53;
	v0 =	vld [tilespmem:s24+$0xFFFFFFD0];
	_ =	sdelay $0x4  }
0x4c: {  	s26 =	sadd.s32 $0xFFFFF060, s5;
	[tilespmem:v2+s3+$0x0] =	vst.idx.msk $0xffff, v0  }
0x4d: {  	v2 =	vadd.s32 s26, v53;
	v0 =	vld [tilespmem:s24+$0xFFFFFFE0];
	_ =	sdelay $0x4  }
0x4e: {  	s26 =	sadd.s32 $0xFFFFF380, s5;
	[tilespmem:v2+s3+$0x0] =	vst.idx.msk $0xffff, v0  }
0x4f: {  	v2 =	vadd.s32 s26, v53;
	v0 =	vld [tilespmem:s24+$0xFFFFFFF0];
	_ =	sdelay $0x4  }
0x50: {  	s26 =	sadd.s32 $0xFFFFF6A0, s5;
	[tilespmem:v2+s3+$0x0] =	vst.idx.msk $0xffff, v0  }
0x51: {  	v2 =	vadd.s32 s26, v53;
	v0 =	vld [tilespmem:s24+$0x0];
	_ =	sdelay $0x4  }
0x52: {  	s26 =	sadd.s32 $0xFFFFF9C0, s5;
	[tilespmem:v2+s3+$0x0] =	vst.idx.msk $0xffff, v0  }
0x53: {  	v2 =	vadd.s32 s26, v53;
	v0 =	vld [tilespmem:s24+$0x10];
	_ =	sdelay $0x4  }
0x54: {  	s26 =	sadd.s32 $0xFFFFFCE0, s5;
	[tilespmem:v2+s3+$0x0] =	vst.idx.msk $0xffff, v0  }
0x55: {  	v2 =	vadd.s32 s26, v53;
	v0 =	vld [tilespmem:s24+$0x20];
	_ =	sdelay $0x4  }
0x56: {  	[tilespmem:v2+s3+$0x0] =	vst.idx.msk $0xffff, v0  }
0x57: {  	v2 =	vadd.s32 s5, v53;
	s5 =	smov.u32 s25;
	v0 =	vld [tilespmem:s24+$0x30]  }
.Ltmp1:
0x58: {  	(pc) =	sbr.rel @p0 .LBB2_4-.Ltmp1, $2  }
0x59: {  	_ =	sdelay $0x2  }
0x5a: {  	s25 =	sadd.s32 $0x1, s25;
	s26 =	sadd.s32 $0xFFFFEA20, s5;
	s24 =	sadd.s32 $0x80, s24;
	[tilespmem:v2+s3+$0x0] =	vst.idx.msk $0xffff, v0  }
0x5b: {  	v0 =	vld [tilespmem:s24+$0xFFFFFFC0];
	v2 =	vadd.s32 s26, v53;
	_ =	sdelay $0x4  }
0x5c: {  	s25 =	sadd.s32 $0xFFFFED40, s5;
	[tilespmem:v2+s3+$0x0] =	vst.idx.msk $0xffff, v0  }
0x5d: {  	v2 =	vadd.s32 s25, v53;
	v0 =	vld [tilespmem:s24+$0xFFFFFFD0];
	_ =	sdelay $0x4  }
0x5e: {  	s26 =	sadd.s32 $0xFFFFF060, s5;
	[tilespmem:v2+s3+$0x0] =	vst.idx.msk $0xffff, v0  }
0x5f: {  	v2 =	vadd.s32 s26, v53;
	v0 =	vld [tilespmem:s24+$0xFFFFFFE0];
	_ =	sdelay $0x4  }
0x60: {  	s28 =	sadd.s32 $0xFFFFF380, s5;
	[tilespmem:v2+s3+$0x0] =	vst.idx.msk $0xffff, v0  }
0x61: {  	v2 =	vadd.s32 s28, v53;
	v0 =	vld [tilespmem:s24+$0xFFFFFFF0];
	_ =	sdelay $0x4  }
0x62: {  	s6 =	sadd.s32 $0xFFFFF6A0, s5;
	[tilespmem:v2+s3+$0x0] =	vst.idx.msk $0xffff, v0  }
0x63: {  	v2 =	vadd.s32 s6, v53;
	v0 =	vld [tilespmem:s24+$0x0];
	_ =	sdelay $0x4  }
0x64: {  	s26 =	sadd.s32 $0xFFFFF9C0, s5;
	[tilespmem:v2+s3+$0x0] =	vst.idx.msk $0xffff, v0  }
0x65: {  	v2 =	vadd.s32 s26, v53;
	v0 =	vld [tilespmem:s24+$0x10];
	_ =	sdelay $0x4  }
0x66: {  	s28 =	sadd.s32 $0xFFFFFCE0, s5;
	[tilespmem:v2+s3+$0x0] =	vst.idx.msk $0xffff, v0  }
0x67: {  	v2 =	vadd.s32 s28, v53;
	v0 =	vld [tilespmem:s24+$0x20];
	_ =	sdelay $0x4  }
0x68: {  	[tilespmem:v2+s3+$0x0] =	vst.idx.msk $0xffff, v0  }
0x69: {  	v2 =	vadd.s32 s5, v53;
	v0 =	vld [tilespmem:s24+$0x30];
	_ =	sdelay $0x4  }
0x6a: {  	[tilespmem:v2+s3+$0x0] =	vst.idx.msk $0xffff, v0  }
0x6b: {  	[tilespmem:s18], [sflag:$0x5] =	stream.strided.gather [hbm4b:s8+s17], $0x1900, s15, s17, $0x38;
	[tilespmem:$0x1AD40] =	vst v63  }
0x6c: {  	_ =	swait.ge [sflag:s13], $0x1900  }
0x6d: {  	s25 =	simm.s32 $0x47E1;
	s26 =	simm.s32 $0x3200;
	[sflag:s13] =	ssyncset.done $0x0  }
0x6e: {  	s5 =	simm.s32 $0x47E0;
	s24 =	simm.s32 $0x6440;
	[sflag:s13] =	ssyncadd.s32 $0xFFFFE700  }
.LBB2_6:
0x6f: {  	p0 =	sne.s32 s25, $0x4811;
	v0 =	vld [tilespmem:s24+$0xFFFFFFC0];
	v2 =	vadd.s32 s26, v53;
	_ =	sdelay $0x4  }
0x70: {  	s26 =	sadd.s32 $0xFFFFED40, s5;
	[tilespmem:v2+s3+$0x0] =	vst.idx.msk $0xffff, v0  }
0x71: {  	v2 =	vadd.s32 s26, v53;
	v0 =	vld [tilespmem:s24+$0xFFFFFFD0];
	_ =	sdelay $0x4  }
0x72: {  	s26 =	sadd.s32 $0xFFFFF060, s5;
	[tilespmem:v2+s3+$0x0] =	vst.idx.msk $0xffff, v0  }
0x73: {  	v2 =	vadd.s32 s26, v53;
	v0 =	vld [tilespmem:s24+$0xFFFFFFE0];
	_ =	sdelay $0x4  }
0x74: {  	s26 =	sadd.s32 $0xFFFFF380, s5;
	[tilespmem:v2+s3+$0x0] =	vst.idx.msk $0xffff, v0  }
0x75: {  	v2 =	vadd.s32 s26, v53;
	v0 =	vld [tilespmem:s24+$0xFFFFFFF0];
	_ =	sdelay $0x4  }
0x76: {  	s26 =	sadd.s32 $0xFFFFF6A0, s5;
	[tilespmem:v2+s3+$0x0] =	vst.idx.msk $0xffff, v0  }
0x77: {  	v2 =	vadd.s32 s26, v53;
	v0 =	vld [tilespmem:s24+$0x0];
	_ =	sdelay $0x4  }
0x78: {  	s26 =	sadd.s32 $0xFFFFF9C0, s5;
	[tilespmem:v2+s3+$0x0] =	vst.idx.msk $0xffff, v0  }
0x79: {  	v2 =	vadd.s32 s26, v53;
	v0 =	vld [tilespmem:s24+$0x10];
	_ =	sdelay $0x4  }
0x7a: {  	s26 =	sadd.s32 $0xFFFFFCE0, s5;
	[tilespmem:v2+s3+$0x0] =	vst.idx.msk $0xffff, v0  }
0x7b: {  	v2 =	vadd.s32 s26, v53;
	v0 =	vld [tilespmem:s24+$0x20];
	_ =	sdelay $0x4  }
0x7c: {  	[tilespmem:v2+s3+$0x0] =	vst.idx.msk $0xffff, v0  }
0x7d: {  	v2 =	vadd.s32 s5, v53;
	s5 =	smov.u32 s25;
	v0 =	vld [tilespmem:s24+$0x30]  }
.Ltmp2:
0x7e: {  	(pc) =	sbr.rel @p0 .LBB2_6-.Ltmp2, $2  }
0x7f: {  	_ =	sdelay $0x2  }
0x80: {  	s25 =	sadd.s32 $0x1, s25;
	s26 =	sadd.s32 $0xFFFFEA20, s5;
	s24 =	sadd.s32 $0x80, s24;
	[tilespmem:v2+s3+$0x0] =	vst.idx.msk $0xffff, v0  }
0x81: {  	v0 =	vld [tilespmem:s24+$0xFFFFFFC0];
	v2 =	vadd.s32 s26, v53;
	_ =	sdelay $0x4  }
0x82: {  	s25 =	sadd.s32 $0xFFFFED40, s5;
	[tilespmem:v2+s3+$0x0] =	vst.idx.msk $0xffff, v0  }
0x83: {  	v2 =	vadd.s32 s25, v53;
	v0 =	vld [tilespmem:s24+$0xFFFFFFD0];
	_ =	sdelay $0x4  }
0x84: {  	s26 =	sadd.s32 $0xFFFFF060, s5;
	[tilespmem:v2+s3+$0x0] =	vst.idx.msk $0xffff, v0  }
0x85: {  	v2 =	vadd.s32 s26, v53;
	v0 =	vld [tilespmem:s24+$0xFFFFFFE0];
	_ =	sdelay $0x4  }
0x86: {  	s28 =	sadd.s32 $0xFFFFF380, s5;
	[tilespmem:v2+s3+$0x0] =	vst.idx.msk $0xffff, v0  }
0x87: {  	v2 =	vadd.s32 s28, v53;
	v0 =	vld [tilespmem:s24+$0xFFFFFFF0];
	_ =	sdelay $0x4  }
0x88: {  	s6 =	sadd.s32 $0xFFFFF6A0, s5;
	[tilespmem:v2+s3+$0x0] =	vst.idx.msk $0xffff, v0  }
0x89: {  	v2 =	vadd.s32 s6, v53;
	v0 =	vld [tilespmem:s24+$0x0];
	_ =	sdelay $0x4  }
0x8a: {  	s26 =	sadd.s32 $0xFFFFF9C0, s5;
	[tilespmem:v2+s3+$0x0] =	vst.idx.msk $0xffff, v0  }
0x8b: {  	v2 =	vadd.s32 s26, v53;
	v0 =	vld [tilespmem:s24+$0x10];
	_ =	sdelay $0x4  }
0x8c: {  	s28 =	sadd.s32 $0xFFFFFCE0, s5;
	[tilespmem:v2+s3+$0x0] =	vst.idx.msk $0xffff, v0  }
0x8d: {  	v2 =	vadd.s32 s28, v53;
	v0 =	vld [tilespmem:s24+$0x20];
	_ =	sdelay $0x4  }
0x8e: {  	[tilespmem:v2+s3+$0x0] =	vst.idx.msk $0xffff, v0  }
0x8f: {  	v2 =	vadd.s32 s5, v53;
	v0 =	vld [tilespmem:s24+$0x30]  }
0x90: {  	[tilespmem:$0x1FF80] =	vst v9  }
0x91: {  	[tilespmem:$0x1FF90] =	vst v8  }
0x92: {  	[tilespmem:$0x1FFA0] =	vst v7  }
0x93: {  	[tilespmem:$0x1FFB0] =	vst v6  }
0x94: {  	[tilespmem:v2+s3+$0x0] =	vst.idx.msk $0xffff, v0  }
0x95: {  	[tilespmem:s18], [sflag:$0x5] =	stream.strided.gather [hbm4b:s9+s17], $0x1900, s15, s17, $0x38;
	[tilespmem:$0x1AD40] =	vst v63  }
0x96: {  	_ =	swait.ge [sflag:s13], $0x1900  }
0x97: {  	s25 =	simm.s32 $0x60E1;
	s26 =	simm.s32 $0x4B00;
	[sflag:s13] =	ssyncset.done $0x0  }
0x98: {  	s5 =	simm.s32 $0x60E0;
	s24 =	simm.s32 $0x6440;
	[sflag:s13] =	ssyncadd.s32 $0xFFFFE700  }
.LBB2_8:
0x99: {  	p0 =	sne.s32 s25, $0x6111;
	v0 =	vld [tilespmem:s24+$0xFFFFFFC0];
	v2 =	vadd.s32 s26, v53;
	_ =	sdelay $0x4  }
0x9a: {  	s26 =	sadd.s32 $0xFFFFED40, s5;
	[tilespmem:v2+s3+$0x0] =	vst.idx.msk $0xffff, v0  }
0x9b: {  	v2 =	vadd.s32 s26, v53;
	v0 =	vld [tilespmem:s24+$0xFFFFFFD0];
	_ =	sdelay $0x4  }
0x9c: {  	s26 =	sadd.s32 $0xFFFFF060, s5;
	[tilespmem:v2+s3+$0x0] =	vst.idx.msk $0xffff, v0  }
0x9d: {  	v2 =	vadd.s32 s26, v53;
	v0 =	vld [tilespmem:s24+$0xFFFFFFE0];
	_ =	sdelay $0x4  }
0x9e: {  	s26 =	sadd.s32 $0xFFFFF380, s5;
	[tilespmem:v2+s3+$0x0] =	vst.idx.msk $0xffff, v0  }
0x9f: {  	v2 =	vadd.s32 s26, v53;
	v0 =	vld [tilespmem:s24+$0xFFFFFFF0];
	_ =	sdelay $0x4  }
0xa0: {  	s26 =	sadd.s32 $0xFFFFF6A0, s5;
	[tilespmem:v2+s3+$0x0] =	vst.idx.msk $0xffff, v0  }
0xa1: {  	v2 =	vadd.s32 s26, v53;
	v0 =	vld [tilespmem:s24+$0x0];
	_ =	sdelay $0x4  }
0xa2: {  	s26 =	sadd.s32 $0xFFFFF9C0, s5;
	[tilespmem:v2+s3+$0x0] =	vst.idx.msk $0xffff, v0  }
0xa3: {  	v2 =	vadd.s32 s26, v53;
	v0 =	vld [tilespmem:s24+$0x10];
	_ =	sdelay $0x4  }
0xa4: {  	s26 =	sadd.s32 $0xFFFFFCE0, s5;
	[tilespmem:v2+s3+$0x0] =	vst.idx.msk $0xffff, v0  }
0xa5: {  	v2 =	vadd.s32 s26, v53;
	v0 =	vld [tilespmem:s24+$0x20];
	_ =	sdelay $0x4  }
0xa6: {  	[tilespmem:v2+s3+$0x0] =	vst.idx.msk $0xffff, v0  }
0xa7: {  	v2 =	vadd.s32 s5, v53;
	s5 =	smov.u32 s25;
	v0 =	vld [tilespmem:s24+$0x30]  }
.Ltmp3:
0xa8: {  	(pc) =	sbr.rel @p0 .LBB2_8-.Ltmp3, $2  }
0xa9: {  	_ =	sdelay $0x2  }
0xaa: {  	s25 =	sadd.s32 $0x1, s25;
	s26 =	sadd.s32 $0xFFFFEA20, s5;
	s24 =	sadd.s32 $0x80, s24;
	[tilespmem:v2+s3+$0x0] =	vst.idx.msk $0xffff, v0  }
0xab: {  	v0 =	vld [tilespmem:s24+$0xFFFFFFC0];
	v2 =	vadd.s32 s26, v53;
	_ =	sdelay $0x4  }
0xac: {  	s25 =	sadd.s32 $0xFFFFED40, s5;
	[tilespmem:v2+s3+$0x0] =	vst.idx.msk $0xffff, v0  }
0xad: {  	v2 =	vadd.s32 s25, v53;
	v0 =	vld [tilespmem:s24+$0xFFFFFFD0];
	_ =	sdelay $0x4  }
0xae: {  	s28 =	sadd.s32 $0xFFFFF060, s5;
	[tilespmem:v2+s3+$0x0] =	vst.idx.msk $0xffff, v0  }
0xaf: {  	v2 =	vadd.s32 s28, v53;
	v0 =	vld [tilespmem:s24+$0xFFFFFFE0];
	_ =	sdelay $0x4  }
0xb0: {  	s6 =	sadd.s32 $0xFFFFF380, s5;
	[tilespmem:v2+s3+$0x0] =	vst.idx.msk $0xffff, v0  }
0xb1: {  	v2 =	vadd.s32 s6, v53;
	v0 =	vld [tilespmem:s24+$0xFFFFFFF0];
	_ =	sdelay $0x4  }
0xb2: {  	s26 =	sadd.s32 $0xFFFFF6A0, s5;
	[tilespmem:v2+s3+$0x0] =	vst.idx.msk $0xffff, v0  }
0xb3: {  	v2 =	vadd.s32 s26, v53;
	v0 =	vld [tilespmem:s24+$0x0];
	_ =	sdelay $0x4  }
0xb4: {  	s28 =	sadd.s32 $0xFFFFF9C0, s5;
	[tilespmem:v2+s3+$0x0] =	vst.idx.msk $0xffff, v0  }
0xb5: {  	v2 =	vadd.s32 s28, v53;
	v0 =	vld [tilespmem:s24+$0x10];
	_ =	sdelay $0x4  }
0xb6: {  	s6 =	sadd.s32 $0xFFFFFCE0, s5;
	[tilespmem:v2+s3+$0x0] =	vst.idx.msk $0xffff, v0  }
0xb7: {  	v2 =	vadd.s32 s6, v53;
	v0 =	vld [tilespmem:s24+$0x20];
	_ =	sdelay $0x4  }
0xb8: {  	[tilespmem:v2+s3+$0x0] =	vst.idx.msk $0xffff, v0  }
0xb9: {  	v2 =	vadd.s32 s5, v53;
	v0 =	vld [tilespmem:s24+$0x30];
	_ =	sdelay $0x4  }
0xba: {  	s25 =	simm.s32 $0xE100;
	s24 =	simm.s32 $0x0;
	[tilespmem:v2+s3+$0x0] =	vst.idx.msk $0xffff, v0  }
0xbb: {  	[tilespmem:s25], [sflag:$0x1] =	stream.indirect.gather [hbm4b:s4+s19], $0x40, s24, s19, $0xb8;
	[tilespmem:$0x1AD40] =	vst v63  }
0xbc: {  	s26 =	simm.s32 $0xF500  }
0xbd: {  	[tilespmem:s26], [sflag:$0x1] =	stream.indirect.gather [hbm4b:s4+s19], $0x40, s19, s19, $0xb8;
	[tilespmem:$0x1AD40] =	vst v63  }
0xbe: {  	s28 =	simm.s32 $0xA0;
	s6 =	simm.s32 $0x10900  }
0xbf: {  	[tilespmem:s6], [sflag:$0x1] =	stream.indirect.gather [hbm4b:s4+s19], $0x40, s28, s19, $0xb8;
	[tilespmem:$0x1AD40] =	vst v63  }
0xc0: {  	s25 =	simm.s32 $0x11D00;
	s6 =	simm.s32 $0xF0  }
0xc1: {  	[tilespmem:s25], [sflag:$0x1] =	stream.indirect.gather [hbm4b:s4+s19], $0x40, s6, s19, $0xb8;
	[tilespmem:$0x1AD40] =	vst v63  }
0xc2: {  	s26 =	simm.s32 $0x140;
	s28 =	simm.s32 $0x13100  }
0xc3: {  	[tilespmem:s28], [sflag:$0x1] =	stream.indirect.gather [hbm4b:s4+s19], $0x40, s26, s19, $0xb8;
	[tilespmem:$0x1AD40] =	vst v63  }
.LBB2_10:
0xc4: {  	s25 =	sshllo.u32 s24, $0x1  }
0xc5: {  	s5 =	smul.u32 $0x640, s25;
	_ =	sdelay $0x1  }
0xc6: {  	s5 =	sshra.s32 s5, $0x2  }
0xc7: {  	[tilespmem:s29], [sflag:$0x2] =	stream.indirect.gather [hbm4b:s4+s19], $0x40, s5, s19, $0xb8;
	[tilespmem:$0x1AD40] =	vst v63  }
0xc8: {  	s26 =	sadd.s32 $0x50, s5  }
0xc9: {  	[tilespmem:s30], [sflag:$0x2] =	stream.indirect.gather [hbm4b:s4+s19], $0x40, s26, s19, $0xb8;
	[tilespmem:$0x1AD40] =	vst v63  }
0xca: {  	s6 =	sadd.s32 $0xA0, s5  }
0xcb: {  	[tilespmem:s31], [sflag:$0x2] =	stream.indirect.gather [hbm4b:s4+s19], $0x40, s6, s19, $0xb8;
	[tilespmem:$0x1AD40] =	vst v63  }
0xcc: {  	s6 =	sadd.s32 $0xF0, s5  }
0xcd: {  	[tilespmem:s0], [sflag:$0x2] =	stream.indirect.gather [hbm4b:s4+s19], $0x40, s6, s19, $0xb8;
	[tilespmem:$0x1AD40] =	vst v63  }
0xce: {  	s5 =	sadd.s32 $0x140, s5  }
0xcf: {  	[tilespmem:s1], [sflag:$0x2] =	stream.indirect.gather [hbm4b:s4+s19], $0x40, s5, s19, $0xb8;
	[tilespmem:$0x1AD40] =	vst v63  }
0xd0: {  	_ =	swait.ge [sflag:s2], $0x1400  }
0xd1: {  	[sflag:s2] =	ssyncset.done $0x0  }
0xd2: {  	[sflag:s2] =	ssyncadd.s32 $0xFFFFEC00  }
0xd3: {  	_ =	swait.ge [sflag:s2], $0x1400  }
0xd4: {  	[sflag:s2] =	ssyncset.done $0x0  }
0xd5: {  	[sflag:s2] =	ssyncadd.s32 $0xFFFFEC00  }
0xd6: {  	_ =	swait.ge [sflag:s2], $0x1400  }
0xd7: {  	[sflag:s2] =	ssyncset.done $0x0  }
0xd8: {  	[sflag:s2] =	ssyncadd.s32 $0xFFFFEC00  }
0xd9: {  	_ =	swait.ge [sflag:s2], $0x1400  }
0xda: {  	[sflag:s2] =	ssyncset.done $0x0  }
0xdb: {  	[sflag:s2] =	ssyncadd.s32 $0xFFFFEC00  }
0xdc: {  	_ =	swait.ge [sflag:s2], $0x1400  }
0xdd: {  	p0 =	seq.s32 s24, $0x0;
	[sflag:s2] =	ssyncset.done $0x0  }
0xde: {  	s5 =	simm.s32 @!p0 $0x3;
	[sflag:s2] =	ssyncadd.s32 $0xFFFFEC00  }
0xdf: {  	_ =	swait.ge @!p0 [sflag:s5], $0x200  }
0xe0: {  	[sflag:s5] =	ssyncset.done @!p0 $0x0  }
0xe1: {  	s28 =	simm.s32 $0x0;
	v37 =	vimm.s32 $0x1;
	s26 =	sshll.u32 s24, $0x4;
	[sflag:s5] =	ssyncadd.s32 @!p0 $0xFFFFFE00  }
.LBB2_11:
0xe2: {  	s6 =	smul.u32 $0x3200, s28  }
0xe3: {  	s5 =	sadd.s32 s26, s28  }
0xe4: {  	v30 =	vld [tilespmem:$0x1FFA0];
	v0 =	vmov s5;
	s5 =	sshra.s32 s6, $0x2  }
0xe5: {  	v6 =	vld [tilespmem:s5+$0xE120]  }
0xe6: {  	v21 =	vld [tilespmem:s5+$0xE130]  }
0xe7: {  	v35 =	vld [tilespmem:s5+$0xE140]  }
0xe8: {  	v38 =	vld [tilespmem:s5+$0xE150]  }
0xe9: {  	v39 =	vld [tilespmem:s5+$0xE160]  }
0xea: {  	v42 =	vld [tilespmem:s5+$0xE170]  }
0xeb: {  	v34 =	vld [tilespmem:s5+$0xE180]  }
0xec: {  	v36 =	vld [tilespmem:s5+$0xE190]  }
0xed: {  	v41 =	vld [tilespmem:s5+$0xE1A0]  }
0xee: {  	v44 =	vld [tilespmem:s5+$0xE1B0]  }
0xef: {  	v45 =	vld [tilespmem:s5+$0xE1C0]  }
0xf0: {  	v46 =	vld [tilespmem:s5+$0xE1D0]  }
0xf1: {  	v49 =	vld [tilespmem:s5+$0xE1E0]  }
0xf2: {  	v50 =	vld [tilespmem:s5+$0xE1F0]  }
0xf3: {  	v51 =	vld [tilespmem:s5+$0xE200]  }
0xf4: {  	v54 =	vld [tilespmem:s5+$0xE210]  }
0xf5: {  	v55 =	vld [tilespmem:s5+$0xE220]  }
0xf6: {  	v0 =	vand.u32 $0x1F7, v0;
	v58 =	vld [tilespmem:s5+$0xE230]  }
0xf7: {  	v0 =	vbroadcast v0, $0x0;
	v59 =	vld [tilespmem:s5+$0xE240]  }
0xf8: {  	v60 =	vld [tilespmem:s5+$0xE250]  }
0xf9: {  	v2 =	vor.u32 v1, v0;
	v1 =	vld [tilespmem:$0x1FFD0]  }
0xfa: {  	v61 =	vld [tilespmem:s5+$0xE260]  }
0xfb: {  	v62 =	vld [tilespmem:s5+$0xE270]  }
0xfc: {  	v63 =	vld [tilespmem:s5+$0xE280]  }
0xfd: {  	v8 =	vld [tilespmem:s5+$0xE290]  }
0xfe: {  	v3 =	vor.u32 v1, v0;
	v1 =	vld [tilespmem:$0x1FFE0]  }
0xff: {  	v9 =	vld [tilespmem:s5+$0xE2A0]  }
0x100: {  	v10 =	vld [tilespmem:s5+$0xE2B0]  }
0x101: {  	v11 =	vld [tilespmem:s5+$0xE2C0]  }
0x102: {  	v12 =	vld [tilespmem:s5+$0xE2D0]  }
0x103: {  	v13 =	vld [tilespmem:s5+$0xE2E0];
	v4 =	vor.u32 v1, v0;
	v0 =	vor.u32 v5, v0  }
0x104: {  	v14 =	vld [tilespmem:s5+$0xE2F0]  }
0x105: {  	v15 =	vld [tilespmem:s5+$0xE300]  }
0x106: {  	v16 =	vld [tilespmem:s5+$0xE310]  }
0x107: {  	v17 =	vld [tilespmem:s5+$0xE320]  }
0x108: {  	v0 =	vld.idx.msk [tilespmem:v0+s16+$0x0], $0xffff  }
0x109: {  	v28 =	vld.idx.msk [tilespmem:v2+s16+$0x0], $0xffff  }
0x10a: {  	v18 =	vld [tilespmem:s5+$0xE330]  }
0x10b: {  	v19 =	vld [tilespmem:s5+$0xE340]  }
0x10c: {  	v1 =	vld [tilespmem:s5+$0xE470]  }
0x10d: {  	v22 =	vld [tilespmem:s5+$0xE350];
	[tilespmem:$0x1FF70] =	vst v0;
	v0 =	vimm.s32 $0x0  }
0x10e: {  	v20 =	vperm.xlane v28, v0;
	v0 =	vld [tilespmem:s5+$0xE450]  }
0x10f: {  	v23 =	vld [tilespmem:s5+$0xE360]  }
0x110: {  	v7 =	vld [tilespmem:s5+$0xE370]  }
0x111: {  	[tilespmem:$0x1FF50] =	vst v1;
	v1 =	vld [tilespmem:s5+$0xE480]  }
0x112: {  	v24 =	vld [tilespmem:s5+$0xE380]  }
0x113: {  	[tilespmem:$0x1FF30] =	vst v0;
	v0 =	vld [tilespmem:s5+$0xE460]  }
0x114: {  	v2 =	vld [tilespmem:s5+$0xE100]  }
0x115: {  	v27 =	vld.idx.msk [tilespmem:v3+s16+$0x0], $0xffff  }
0x116: {  	[tilespmem:$0x1FF60] =	vst v1;
	v1 =	vld [tilespmem:$0x1FFB0]  }
0x117: {  	v3 =	vld [tilespmem:s5+$0xE110]  }
0x118: {  	v25 =	vld [tilespmem:s5+$0xE3B0];
	[tilespmem:$0x1FF40] =	vst v0;
	v0 =	vimm.s32 $0x2  }
0x119: {  	v57 =	vld [tilespmem:s5+$0xE3C0];
	v2 =	vmul.f32 v2, v20;
	v0 =	vperm.xlane v28, v0  }
0x11a: {  	v56 =	vld [tilespmem:s5+$0xE3D0]  }
0x11b: {  	v32 =	vld [tilespmem:s5+$0xE3E0];
	v2 =	vadd.f32 v2, v1;
	v29 =	vmul.f32 v34, v0  }
0x11c: {  	v52 =	vld [tilespmem:s5+$0xE3F0];
	v3 =	vmul.f32 v3, v20  }
0x11d: {  	v2 =	vadd.f32 v29, v2;
	v29 =	vmul.f32 v41, v0;
	v41 =	vld [tilespmem:$0x1FF90]  }
0x11e: {  	v1 =	vperm.xlane v28, v37;
	v3 =	vadd.f32 v3, v30;
	v30 =	vld [tilespmem:$0x1FF80]  }
0x11f: {  	v47 =	vld [tilespmem:s5+$0xE400];
	v6 =	vmul.f32 v6, v20;
	v20 =	vmul.f32 v21, v20  }
0x120: {  	v48 =	vld [tilespmem:s5+$0xE410];
	v21 =	vmul.f32 v35, v1;
	v42 =	vmul.f32 v42, v1  }
0x121: {  	v43 =	vld [tilespmem:s5+$0xE420];
	v36 =	vmul.f32 v36, v0;
	v0 =	vmul.f32 v44, v0;
	v44 =	vimm.s32 $0x3  }
0x122: {  	v40 =	vld [tilespmem:s5+$0xE430];
	v44 =	vperm.xlane v28, v44;
	v6 =	vadd.f32 v6, v41;
	v41 =	vmul.f32 v38, v1  }
0x123: {  	v33 =	vld [tilespmem:s5+$0xE440];
	v21 =	vadd.f32 $0.0e+00, v21;
	v20 =	vadd.f32 v20, v30;
	v30 =	vmul.f32 v39, v1  }
0x124: {  	v5 =	vld [tilespmem:s5+$0xE390];
	v42 =	vadd.f32 $0.0e+00, v42;
	v46 =	vmul.f32 v46, v44;
	v31 =	vadd.f32 $0.0e+00, v41  }
0x125: {  	v26 =	vld.idx.msk [tilespmem:v4+s16+$0x0], $0xffff;
	v30 =	vadd.f32 $0.0e+00, v30;
	v45 =	vmul.f32 v45, v44;
	v1 =	vimm.s32 $0x4  }
0x126: {  	v4 =	vld [tilespmem:s5+$0xE3A0];
	v6 =	vadd.f32 v29, v6;
	v29 =	vadd.f32 v46, v31;
	v31 =	vperm.xlane v28, v1  }
0x127: {  	v37 =	vld [tilespmem:s5+$0xE4A0];
	v3 =	vadd.f32 v36, v3;
	v46 =	vmul.f32 v49, v44;
	v44 =	vmul.f32 v50, v44  }
0x128: {  	v35 =	vld [tilespmem:s5+$0xE4B0];
	v0 =	vadd.f32 v0, v20;
	v50 =	vmul.f32 v51, v31;
	v51 =	vmul.f32 v54, v31  }
0x129: {  	v39 =	vld [tilespmem:s5+$0xE4E0];
	v54 =	vmul.f32 v55, v31;
	v55 =	vimm.s32 $0x5;
	v31 =	vmul.f32 v58, v31  }
0x12a: {  	v34 =	vld [tilespmem:s5+$0xE490];
	v21 =	vadd.f32 v45, v21;
	v30 =	vadd.f32 v46, v30;
	v55 =	vperm.xlane v28, v55  }
0x12b: {  	v36 =	vld [tilespmem:s5+$0xE4C0];
	v42 =	vadd.f32 v44, v42;
	v0 =	vadd.f32 v31, v0  }
0x12c: {  	v20 =	vld [tilespmem:s5+$0xE500];
	v44 =	vmul.f32 v59, v55;
	v31 =	vmul.f32 v60, v55;
	v60 =	vimm.s32 $0x6  }
0x12d: {  	v38 =	vld [tilespmem:s5+$0xE4D0];
	v2 =	vadd.f32 v50, v2;
	v3 =	vadd.f32 v51, v3;
	v59 =	vperm.xlane v28, v60  }
0x12e: {  	v45 =	vld [tilespmem:s5+$0xE530];
	v6 =	vadd.f32 v54, v6;
	v60 =	vmul.f32 v62, v55;
	v21 =	vadd.f32 v44, v21  }
0x12f: {  	v41 =	vld [tilespmem:s5+$0xE4F0];
	v44 =	vmul.f32 v61, v55;
	v29 =	vadd.f32 v31, v29;
	v31 =	vmul.f32 v63, v59  }
0x130: {  	v1 =	vld [tilespmem:s5+$0xE510];
	v8 =	vmul.f32 v8, v59;
	v9 =	vmul.f32 v9, v59;
	v63 =	vimm.s32 $0x7  }
0x131: {  	v49 =	vld [tilespmem:s5+$0xE520];
	v42 =	vadd.f32 v60, v42;
	v30 =	vadd.f32 v44, v30;
	v44 =	vperm.xlane v28, v63  }
0x132: {  	v46 =	vld [tilespmem:s5+$0xE540];
	v31 =	vadd.f32 v31, v2;
	v2 =	vmul.f32 v10, v59;
	v8 =	vadd.f32 v8, v3  }
0x133: {  	v58 =	vld [tilespmem:s5+$0xE590];
	v6 =	vadd.f32 v9, v6;
	v3 =	vmul.f32 v11, v44;
	v11 =	vmul.f32 v14, v44  }
0x134: {  	v50 =	vld [tilespmem:s5+$0xE550];
	v0 =	vadd.f32 v2, v0;
	v2 =	vmul.f32 v12, v44;
	v12 =	vimm.s32 $0x8  }
0x135: {  	v51 =	vld [tilespmem:s5+$0xE560];
	v9 =	vperm.xlane v28, v12;
	v10 =	vadd.f32 v3, v21;
	v3 =	vmul.f32 v13, v44  }
0x136: {  	v54 =	vld [tilespmem:s5+$0xE570];
	v11 =	vadd.f32 v11, v42;
	v42 =	vimm.s32 $0xA;
	v12 =	vadd.f32 v2, v29  }
0x137: {  	v62 =	vld [tilespmem:s5+$0xE5D0];
	v21 =	vmul.f32 v15, v9;
	v44 =	vmul.f32 v16, v9;
	v15 =	vadd.f32 v3, v30  }
0x138: {  	v55 =	vld [tilespmem:s5+$0xE580];
	v29 =	vmul.f32 v17, v9;
	v3 =	vimm.s32 $0x9;
	v9 =	vmul.f32 v18, v9  }
0x139: {  	v61 =	vld [tilespmem:s5+$0xE5A0];
	v18 =	vperm.xlane v28, v42;
	v30 =	vperm.xlane v28, v3;
	v13 =	vadd.f32 v21, v31  }
0x13a: {  	v60 =	vld [tilespmem:s5+$0xE5C0];
	v8 =	vadd.f32 v44, v8;
	v14 =	vadd.f32 v29, v6  }
0x13b: {  	v63 =	vld [tilespmem:s5+$0xE5E0];
	v9 =	vadd.f32 v9, v0;
	v29 =	vmul.f32 v4, v18;
	v31 =	vmul.f32 v19, v30  }
0x13c: {  	v59 =	vld [tilespmem:s5+$0xE5B0];
	v4 =	vimm.s32 $0xB;
	v0 =	vmul.f32 v22, v30;
	v44 =	vmul.f32 v23, v30  }
0x13d: {  	v2 =	vld [tilespmem:s5+$0xE5F0];
	v7 =	vmul.f32 v7, v30;
	v30 =	vperm.xlane v28, v4;
	v14 =	vadd.f32 v29, v14  }
0x13e: {  	v3 =	vld [tilespmem:s5+$0xE600];
	v10 =	vadd.f32 v31, v10;
	v12 =	vadd.f32 v0, v12;
	v0 =	vmul.f32 v24, v18  }
0x13f: {  	v21 =	vld [tilespmem:s5+$0xE610];
	v24 =	vmul.f32 v5, v18;
	v15 =	vadd.f32 v44, v15;
	v11 =	vadd.f32 v7, v11  }
0x140: {  	v6 =	vld [tilespmem:s5+$0xE620];
	v18 =	vmul.f32 v25, v18;
	v31 =	vmul.f32 v57, v30;
	v57 =	vimm.s32 $0xD  }
0x141: {  	v22 =	vld [tilespmem:s5+$0xE630];
	v42 =	vmul.f32 v56, v30;
	v56 =	vimm.s32 $0xC;
	v44 =	vmul.f32 v32, v30  }
0x142: {  	v23 =	vld [tilespmem:s5+$0xE640];
	v19 =	vmul.f32 v52, v30;
	v9 =	vadd.f32 v18, v9;
	v18 =	vperm.xlane v28, v56  }
0x143: {  	v4 =	vld [tilespmem:s5+$0xE660];
	v52 =	vimm.s32 $0xE;
	v13 =	vadd.f32 v0, v13;
	v8 =	vadd.f32 v24, v8  }
0x144: {  	v5 =	vld [tilespmem:s5+$0xE650];
	v10 =	vadd.f32 v31, v10;
	v47 =	vmul.f32 v47, v18;
	v29 =	vmul.f32 v48, v18  }
0x145: {  	v15 =	vadd.f32 v44, v15;
	v31 =	vperm.xlane v28, v57;
	v48 =	vmul.f32 v43, v18;
	v43 =	vld [tilespmem:$0x1FF40]  }
0x146: {  	v13 =	vadd.f32 v47, v13;
	v47 =	vmul.f32 v40, v18;
	v8 =	vadd.f32 v29, v8;
	v40 =	vld [tilespmem:$0x1FF30]  }
0x147: {  	v44 =	vld [tilespmem:$0x1FF50];
	v14 =	vadd.f32 v48, v14;
	v48 =	vmul.f32 v33, v31;
	v29 =	vperm.xlane v28, v52  }
0x148: {  	v12 =	vadd.f32 v42, v12;
	v9 =	vadd.f32 v47, v9;
	v47 =	vld [tilespmem:$0x1FF60]  }
0x149: {  	v7 =	vld [tilespmem:s5+$0xE680];
	v11 =	vadd.f32 v19, v11;
	v10 =	vadd.f32 v48, v10;
	v34 =	vmul.f32 v34, v29  }
0x14a: {  	v25 =	vld [tilespmem:s5+$0xE6A0];
	v48 =	vmul.f32 v37, v29;
	v37 =	vimm.s32 $0xF;
	v16 =	vmul.f32 v43, v31  }
0x14b: {  	v30 =	vld [tilespmem:s5+$0xE6B0];
	v28 =	vperm.xlane v28, v37;
	v8 =	vadd.f32 v34, v8;
	v17 =	vmul.f32 v40, v31  }
0x14c: {  	v0 =	vld [tilespmem:s5+$0xE670];
	v14 =	vadd.f32 v48, v14;
	v31 =	vmul.f32 v44, v31;
	v44 =	vmul.f32 v35, v29  }
0x14d: {  	v24 =	vld [tilespmem:s5+$0xE690];
	v15 =	vadd.f32 v16, v15;
	v12 =	vadd.f32 v17, v12;
	v17 =	vmul.f32 v47, v29  }
0x14e: {  	v42 =	vld [tilespmem:s5+$0xE6C0];
	v47 =	vmul.f32 v36, v28;
	v9 =	vadd.f32 v44, v9;
	v44 =	vimm.s32 $0x0  }
0x14f: {  	v19 =	vld [tilespmem:s5+$0xE6E0];
	v48 =	vmul.f32 v38, v28;
	v11 =	vadd.f32 v31, v11;
	v34 =	vperm.xlane v27, v44  }
0x150: {  	v18 =	vld [tilespmem:s5+$0xE6D0];
	v13 =	vadd.f32 v17, v13;
	v10 =	vadd.f32 v47, v10;
	v47 =	vmul.f32 v39, v28  }
0x151: {  	v33 =	vld [tilespmem:s5+$0xE6F0];
	v28 =	vmul.f32 v41, v28;
	v12 =	vadd.f32 v48, v12;
	v48 =	vmul.f32 v20, v34  }
0x152: {  	v43 =	vld [tilespmem:s5+$0xE710];
	v41 =	vimm.s32 $0x1;
	v1 =	vmul.f32 v1, v34;
	v49 =	vmul.f32 v49, v34  }
0x153: {  	v37 =	vld [tilespmem:s5+$0xE720];
	v44 =	vperm.xlane v27, v41;
	v15 =	vadd.f32 v47, v15;
	v13 =	vadd.f32 v48, v13  }
0x154: {  	v40 =	vld [tilespmem:s5+$0xE700];
	v47 =	vmul.f32 v45, v34;
	v1 =	vadd.f32 v1, v8;
	v8 =	vadd.f32 v49, v14  }
0x155: {  	v35 =	vld [tilespmem:s5+$0xE750];
	v48 =	vmul.f32 v46, v44;
	v49 =	vmul.f32 v50, v44;
	v50 =	vimm.s32 $0x2  }
0x156: {  	v16 =	vld [tilespmem:s5+$0xE7A0];
	v11 =	vadd.f32 v28, v11;
	v51 =	vmul.f32 v51, v44;
	v34 =	vperm.xlane v27, v50  }
0x157: {  	v29 =	vld [tilespmem:s5+$0xE730];
	v38 =	vmul.f32 v54, v44;
	v9 =	vadd.f32 v47, v9;
	v10 =	vadd.f32 v48, v10  }
0x158: {  	v31 =	vld [tilespmem:s5+$0xE740];
	v12 =	vadd.f32 v49, v12;
	v14 =	vadd.f32 v51, v15;
	v17 =	vmul.f32 v55, v34  }
0x159: {  	v36 =	vld [tilespmem:s5+$0xE760];
	v45 =	vmul.f32 v58, v34;
	v54 =	vmul.f32 v61, v34;
	v55 =	vimm.s32 $0x3  }
0x15a: {  	v39 =	vld [tilespmem:s5+$0xE780];
	v11 =	vadd.f32 v38, v11;
	v59 =	vmul.f32 v59, v34;
	v58 =	vperm.xlane v27, v55  }
0x15b: {  	v20 =	vld [tilespmem:s5+$0xE770];
	v13 =	vadd.f32 v17, v13;
	v1 =	vadd.f32 v45, v1  }
0x15c: {  	v41 =	vld [tilespmem:s5+$0xE7B0];
	v8 =	vadd.f32 v54, v8;
	v9 =	vadd.f32 v59, v9;
	v60 =	vmul.f32 v60, v58  }
0x15d: {  	v28 =	vld [tilespmem:s5+$0xE790];
	v61 =	vmul.f32 v62, v58;
	v62 =	vimm.s32 $0x4;
	v54 =	vmul.f32 v63, v58  }
0x15e: {  	v44 =	vld [tilespmem:s5+$0xE7C0];
	v2 =	vmul.f32 v2, v58;
	v58 =	vimm.s32 $0x5;
	v32 =	vperm.xlane v27, v62  }
0x15f: {  	v46 =	vld [tilespmem:s5+$0xE7D0];
	v15 =	vperm.xlane v27, v58;
	v10 =	vadd.f32 v60, v10;
	v12 =	vadd.f32 v61, v12  }
0x160: {  	v47 =	vld [tilespmem:s5+$0xE820];
	v14 =	vadd.f32 v54, v14;
	v3 =	vmul.f32 v3, v32;
	v55 =	vmul.f32 v21, v32  }
0x161: {  	v50 =	vld [tilespmem:s5+$0xE840];
	v2 =	vadd.f32 v2, v11;
	v6 =	vmul.f32 v6, v32;
	v59 =	vmul.f32 v22, v32  }
0x162: {  	v48 =	vld [tilespmem:s5+$0xE7E0];
	v61 =	vimm.s32 $0x6;
	v60 =	vmul.f32 v23, v15;
	v5 =	vmul.f32 v5, v15  }
0x163: {  	v38 =	vld [tilespmem:s5+$0xE800];
	v54 =	vimm.s32 $0x8;
	v11 =	vperm.xlane v27, v61;
	v4 =	vmul.f32 v4, v15  }
0x164: {  	v49 =	vld [tilespmem:s5+$0xE810];
	v0 =	vmul.f32 v0, v15;
	v32 =	vimm.s32 $0x7;
	v3 =	vadd.f32 v3, v13  }
0x165: {  	v34 =	vld [tilespmem:s5+$0xE7F0];
	v23 =	vperm.xlane v27, v32;
	v1 =	vadd.f32 v55, v1;
	v6 =	vadd.f32 v6, v8  }
0x166: {  	v17 =	vld [tilespmem:s5+$0xE860];
	v32 =	vimm.s32 $0x0;
	v9 =	vadd.f32 v59, v9;
	v8 =	vadd.f32 v60, v10  }
0x167: {  	v21 =	vld [tilespmem:s5+$0xE830];
	v5 =	vadd.f32 v5, v12;
	v7 =	vmul.f32 v7, v11;
	v62 =	vmul.f32 v24, v11  }
0x168: {  	v22 =	vld [tilespmem:s5+$0xE870];
	v4 =	vadd.f32 v4, v14;
	v63 =	vmul.f32 v25, v11;
	v14 =	vperm.xlane v27, v54  }
0x169: {  	v15 =	vld [tilespmem:s5+$0xE890];
	v0 =	vadd.f32 v0, v2;
	v45 =	vmul.f32 v42, v23;
	v51 =	vmul.f32 v18, v23  }
0x16a: {  	v13 =	vld [tilespmem:s5+$0xE850];
	v55 =	vmul.f32 v19, v23;
	v58 =	vmul.f32 v33, v23;
	v2 =	vadd.f32 v7, v3  }
0x16b: {  	v10 =	vld [tilespmem:s5+$0xE880];
	v3 =	vmul.f32 v30, v11;
	v1 =	vadd.f32 v62, v1;
	v59 =	vmul.f32 v40, v14  }
0x16c: {  	v24 =	vld [tilespmem:s5+$0xE8A0];
	v6 =	vadd.f32 v63, v6;
	v60 =	vmul.f32 v43, v14;
	v61 =	vmul.f32 v37, v14  }
0x16d: {  	v12 =	vld [tilespmem:s5+$0xE8C0];
	v62 =	vimm.s32 $0x9;
	v40 =	vmul.f32 v29, v14;
	v8 =	vadd.f32 v45, v8  }
0x16e: {  	v18 =	vld [tilespmem:s5+$0xE8D0];
	v5 =	vadd.f32 v51, v5;
	v4 =	vadd.f32 v55, v4;
	v63 =	vperm.xlane v27, v62  }
0x16f: {  	v23 =	vld [tilespmem:s5+$0xE8E0];
	v0 =	vadd.f32 v58, v0;
	v45 =	vimm.s32 $0xA;
	v58 =	vimm.s32 $0xB  }
0x170: {  	v19 =	vld [tilespmem:s5+$0xE920];
	v62 =	vperm.xlane v27, v56;
	v3 =	vadd.f32 v3, v9;
	v25 =	vperm.xlane v27, v45  }
0x171: {  	v33 =	vld [tilespmem:s5+$0xE950];
	v2 =	vadd.f32 v59, v2;
	v42 =	vmul.f32 v31, v63;
	v43 =	vmul.f32 v35, v63  }
0x172: {  	v7 =	vld [tilespmem:s5+$0xE8B0];
	v1 =	vadd.f32 v60, v1;
	v51 =	vmul.f32 v36, v63;
	v20 =	vmul.f32 v20, v63  }
0x173: {  	v30 =	vld [tilespmem:s5+$0xE8F0];
	v6 =	vadd.f32 v61, v6;
	v45 =	vmul.f32 v38, v62;
	v54 =	vmul.f32 v39, v25  }
0x174: {  	v37 =	vld [tilespmem:s5+$0xE900];
	v38 =	vimm.s32 $0xF;
	v28 =	vmul.f32 v28, v25;
	v55 =	vmul.f32 v16, v25  }
0x175: {  	v14 =	vld [tilespmem:s5+$0xE910];
	v3 =	vadd.f32 v40, v3;
	v16 =	vperm.xlane v27, v58;
	v59 =	vmul.f32 v41, v25  }
0x176: {  	v29 =	vld [tilespmem:s5+$0xE930];
	v58 =	vperm.xlane v27, v52;
	v8 =	vadd.f32 v42, v8;
	v5 =	vadd.f32 v43, v5  }
0x177: {  	v11 =	vld [tilespmem:s5+$0xEA40];
	v4 =	vadd.f32 v51, v4;
	v0 =	vadd.f32 v20, v0;
	v51 =	vmul.f32 v21, v62  }
0x178: {  	v9 =	vld [tilespmem:s5+$0xEA30];
	v42 =	vimm.s32 $0x2;
	v43 =	vperm.xlane v26, v32;
	v60 =	vmul.f32 v44, v16  }
0x179: {  	v31 =	vld [tilespmem:s5+$0xE940];
	v2 =	vadd.f32 v54, v2;
	v61 =	vmul.f32 v46, v16;
	v63 =	vmul.f32 v48, v16  }
0x17a: {  	v35 =	vld [tilespmem:s5+$0xE960];
	v1 =	vadd.f32 v28, v1;
	v16 =	vmul.f32 v34, v16;
	v46 =	vmul.f32 v49, v62  }
0x17b: {  	v36 =	vld [tilespmem:s5+$0xE990];
	v6 =	vadd.f32 v55, v6;
	v48 =	vmul.f32 v47, v62;
	v49 =	vperm.xlane v27, v57  }
0x17c: {  	v25 =	vld [tilespmem:s5+$0xE980];
	v3 =	vadd.f32 v59, v3;
	v62 =	vmul.f32 v15, v58;
	v7 =	vmul.f32 v7, v58  }
0x17d: {  	v39 =	vld [tilespmem:s5+$0xE9B0];
	v44 =	vimm.s32 $0x3;
	v8 =	vadd.f32 v60, v8;
	v5 =	vadd.f32 v61, v5  }
0x17e: {  	v41 =	vld [tilespmem:s5+$0xE9C0];
	v14 =	vmul.f32 v14, v43;
	v4 =	vadd.f32 v63, v4;
	v0 =	vadd.f32 v16, v0  }
0x17f: {  	v20 =	vld [tilespmem:s5+$0xE970];
	v2 =	vadd.f32 v45, v2;
	v54 =	vmul.f32 v50, v49;
	v55 =	vmul.f32 v13, v49  }
0x180: {  	v21 =	vld [tilespmem:s5+$0xE9E0];
	v1 =	vadd.f32 v46, v1;
	v59 =	vmul.f32 v17, v49;
	v60 =	vmul.f32 v22, v49  }
0x181: {  	v32 =	vld [tilespmem:s5+$0xEBD0];
	v6 =	vadd.f32 v48, v6;
	v61 =	vmul.f32 v10, v58;
	v63 =	vmul.f32 v24, v58  }
0x182: {  	v34 =	vld [tilespmem:s5+$0xE9A0];
	v3 =	vadd.f32 v51, v3;
	v24 =	vperm.xlane v27, v38;
	v48 =	vmul.f32 v19, v43  }
0x183: {  	v28 =	vld [tilespmem:s5+$0xE9F0];
	v51 =	vperm.xlane v26, v42;
	v8 =	vadd.f32 v54, v8;
	v5 =	vadd.f32 v55, v5  }
0x184: {  	v15 =	vld [tilespmem:s5+$0xEA10];
	v42 =	vimm.s32 $0x6;
	v4 =	vadd.f32 v59, v4;
	v0 =	vadd.f32 v60, v0  }
0x185: {  	v16 =	vld [tilespmem:s5+$0xE9D0];
	v2 =	vadd.f32 v61, v2;
	v1 =	vadd.f32 v62, v1;
	v40 =	vmul.f32 v12, v24  }
0x186: {  	v22 =	vld [tilespmem:s5+$0xEA00];
	v3 =	vadd.f32 v7, v3;
	v7 =	vmul.f32 v18, v24;
	v46 =	vmul.f32 v23, v24  }
0x187: {  	v27 =	vld [tilespmem:s5+$0xEA20];
	v6 =	vadd.f32 v63, v6;
	v47 =	vmul.f32 v30, v24;
	v55 =	vmul.f32 v36, v51  }
0x188: {  	v45 =	vld [tilespmem:s5+$0xEA50];
	v59 =	vperm.xlane v26, v44;
	v60 =	vimm.s32 $0x4;
	v63 =	vimm.s32 $0x5  }
0x189: {  	v17 =	vld [tilespmem:s5+$0xEAF0];
	v58 =	vmul.f32 v34, v51;
	v62 =	vperm.xlane v26, v60;
	v60 =	vimm.s32 $0x8  }
0x18a: {  	v18 =	vld [tilespmem:s5+$0xEA60];
	v8 =	vadd.f32 v40, v8;
	v5 =	vadd.f32 v7, v5;
	v7 =	vmul.f32 v37, v43  }
0x18b: {  	v23 =	vld [tilespmem:s5+$0xEA70];
	v37 =	vimm.s32 $0x1;
	v4 =	vadd.f32 v46, v4;
	v0 =	vadd.f32 v47, v0  }
0x18c: {  	v24 =	vld [tilespmem:s5+$0xEA80];
	v1 =	vadd.f32 v14, v1;
	v61 =	vmul.f32 v41, v59;
	v36 =	vmul.f32 v21, v59  }
0x18d: {  	v12 =	vld [tilespmem:s5+$0xEA90];
	v49 =	vperm.xlane v26, v37;
	v2 =	vadd.f32 v7, v2;
	v7 =	vmul.f32 v29, v43  }
0x18e: {  	v30 =	vld [tilespmem:s5+$0xEAD0];
	v6 =	vadd.f32 v48, v6;
	v38 =	vmul.f32 v28, v59;
	v41 =	vperm.xlane v26, v63  }
0x18f: {  	v34 =	vld [tilespmem:s5+$0xEBE0];
	v46 =	vimm.s32 $0x7;
	v3 =	vadd.f32 v7, v3;
	v7 =	vmul.f32 v33, v49  }
0x190: {  	v14 =	vld [tilespmem:s5+$0xEAA0];
	v15 =	vmul.f32 v15, v62;
	v40 =	vmul.f32 v27, v62;
	v1 =	vadd.f32 v55, v1  }
0x191: {  	v47 =	vld [tilespmem:s5+$0xEB70];
	v6 =	vadd.f32 v58, v6;
	v5 =	vadd.f32 v7, v5;
	v7 =	vmul.f32 v25, v51  }
0x192: {  	v63 =	vld [tilespmem:s5+$0xEBC0];
	v44 =	vmul.f32 v11, v41;
	v58 =	vimm.s32 $0xA;
	v50 =	vmul.f32 v31, v49  }
0x193: {  	v29 =	vld [tilespmem:s5+$0xEAB0];
	v54 =	vmul.f32 v35, v49;
	v2 =	vadd.f32 v7, v2;
	v7 =	vmul.f32 v39, v51  }
0x194: {  	v43 =	vld [tilespmem:s5+$0xEB40];
	v19 =	vmul.f32 v20, v49;
	v1 =	vadd.f32 v15, v1;
	v6 =	vadd.f32 v40, v6  }
0x195: {  	v11 =	vld [tilespmem:s5+$0xEB60];
	v8 =	vadd.f32 v50, v8;
	v3 =	vadd.f32 v7, v3;
	v7 =	vmul.f32 v16, v59  }
0x196: {  	v55 =	vld [tilespmem:s5+$0xEBA0];
	v48 =	vmul.f32 v18, v41;
	v4 =	vadd.f32 v54, v4;
	v0 =	vadd.f32 v19, v0  }
0x197: {  	v33 =	vld [tilespmem:s5+$0xEAE0];
	v8 =	vadd.f32 v61, v8;
	v5 =	vadd.f32 v7, v5;
	v7 =	vmul.f32 v22, v62  }
0x198: {  	v20 =	vld [tilespmem:s5+$0xEAC0];
	v49 =	vmul.f32 v23, v41;
	v4 =	vadd.f32 v36, v4;
	v0 =	vadd.f32 v38, v0  }
0x199: {  	v50 =	vld [tilespmem:s5+$0xEB90];
	v8 =	vadd.f32 v44, v8;
	v2 =	vadd.f32 v7, v2;
	v7 =	vmul.f32 v9, v62  }
0x19a: {  	v54 =	vperm.xlane v26, v46;
	v39 =	vld [tilespmem:s5+$0xEB20];
	v4 =	vadd.f32 v48, v4;
	v0 =	vadd.f32 v49, v0  }
0x19b: {  	v18 =	vld [tilespmem:s5+$0xEB80];
	v3 =	vadd.f32 v7, v3;
	v7 =	vmul.f32 v45, v41;
	v45 =	vperm.xlane v26, v42  }
0x19c: {  	v25 =	vld [tilespmem:s5+$0xEB10];
	v33 =	vmul.f32 v33, v54;
	v44 =	vperm.xlane v26, v58;
	v59 =	vimm.s32 $0x9  }
0x19d: {  	v31 =	vld [tilespmem:s5+$0xECB0];
	v16 =	vperm.xlane v26, v60;
	v5 =	vadd.f32 v7, v5;
	v7 =	vmul.f32 v24, v45  }
0x19e: {  	v19 =	vld [tilespmem:s5+$0xEB00];
	v4 =	vadd.f32 v33, v4;
	v50 =	vmul.f32 v50, v44;
	v33 =	vperm.xlane v26, v57  }
0x19f: {  	v40 =	vld [tilespmem:s5+$0xEC00];
	v38 =	vmul.f32 v39, v16;
	v2 =	vadd.f32 v7, v2;
	v7 =	vmul.f32 v29, v45  }
0x1a0: {  	v48 =	vimm.s32 $0xB;
	v22 =	vld [tilespmem:s5+$0xEB30];
	v39 =	vperm.xlane v26, v59;
	v62 =	vmul.f32 v20, v54  }
0x1a1: {  	v61 =	vld [tilespmem:s5+$0xEBB0];
	v35 =	vmul.f32 v25, v16;
	v3 =	vadd.f32 v7, v3;
	v7 =	vmul.f32 v30, v54  }
0x1a2: {  	v9 =	vld [tilespmem:s5+$0xEB50];
	v46 =	vmul.f32 v11, v39;
	v47 =	vmul.f32 v47, v39;
	v8 =	vadd.f32 v62, v8  }
0x1a3: {  	v36 =	vld [tilespmem:s5+$0xEBF0];
	v42 =	vmul.f32 v43, v39;
	v5 =	vadd.f32 v7, v5;
	v7 =	vmul.f32 v19, v16  }
0x1a4: {  	v49 =	vld [tilespmem:s5+$0xEC40];
	v62 =	vimm.s32 $0xF;
	v4 =	vadd.f32 v46, v4;
	v12 =	vmul.f32 v12, v45  }
0x1a5: {  	v58 =	vld [tilespmem:s5+$0xEC70];
	v51 =	vmul.f32 v14, v45;
	v2 =	vadd.f32 v7, v2;
	v7 =	vmul.f32 v22, v16  }
0x1a6: {  	v60 =	vld [tilespmem:s5+$0xEC80];
	v14 =	vmul.f32 v17, v54;
	v8 =	vadd.f32 v42, v8;
	v1 =	vadd.f32 v12, v1  }
0x1a7: {  	v41 =	vld [tilespmem:s5+$0xEC10];
	v6 =	vadd.f32 v51, v6;
	v3 =	vadd.f32 v7, v3;
	v7 =	vmul.f32 v9, v39  }
0x1a8: {  	v43 =	vld [tilespmem:s5+$0xEC20];
	v46 =	vperm.xlane v26, v62;
	v0 =	vadd.f32 v14, v0;
	v1 =	vadd.f32 v35, v1  }
0x1a9: {  	v42 =	vld [tilespmem:s5+$0xED00];
	v22 =	vperm.xlane v26, v48;
	v5 =	vadd.f32 v7, v5;
	v7 =	vmul.f32 v18, v44  }
0x1aa: {  	v45 =	vld [tilespmem:s5+$0xEC30];
	v6 =	vadd.f32 v38, v6;
	v54 =	vmul.f32 v55, v44;
	v0 =	vadd.f32 v47, v0  }
0x1ab: {  	v51 =	vld [tilespmem:s5+$0xEC50];
	v59 =	vmul.f32 v63, v22;
	v2 =	vadd.f32 v7, v2;
	v7 =	vmul.f32 v61, v44  }
0x1ac: {  	v55 =	vld [tilespmem:s5+$0xEC60];
	v1 =	vadd.f32 v50, v1;
	v28 =	vmul.f32 v34, v22;
	v29 =	vmul.f32 v36, v22  }
0x1ad: {  	v34 =	vld [tilespmem:s5+$0xECC0];
	v61 =	vperm.xlane v26, v56;
	v3 =	vadd.f32 v7, v3;
	v7 =	vmul.f32 v32, v22  }
0x1ae: {  	v30 =	vld [tilespmem:s5+$0xECA0];
	v6 =	vadd.f32 v54, v6;
	v36 =	vmul.f32 v49, v33;
	v39 =	vperm.xlane v26, v52  }
0x1af: {  	v63 =	vld [tilespmem:s5+$0xEC90];
	v8 =	vadd.f32 v59, v8;
	v5 =	vadd.f32 v7, v5;
	v7 =	vmul.f32 v40, v61  }
0x1b0: {  	v35 =	vld [tilespmem:s5+$0xECD0];
	v9 =	vmul.f32 v58, v33;
	v4 =	vadd.f32 v28, v4;
	v0 =	vadd.f32 v29, v0  }
0x1b1: {  	v38 =	vld [tilespmem:s5+$0xECE0];
	v8 =	vadd.f32 v36, v8;
	v2 =	vadd.f32 v7, v2;
	v7 =	vmul.f32 v45, v61  }
0x1b2: {  	v50 =	vld [tilespmem:s5+$0xED40];
	v0 =	vadd.f32 v9, v0;
	v49 =	vmul.f32 v34, v46;
	v14 =	vmul.f32 v41, v61  }
0x1b3: {  	v32 =	vmul.f32 v43, v61;
	v3 =	vadd.f32 v7, v3;
	v7 =	vmul.f32 v51, v33;
	v51 =	vld [tilespmem:$0x1FF70]  }
0x1b4: {  	v44 =	vld [tilespmem:s5+$0xED10];
	v41 =	vmul.f32 v55, v33;
	v43 =	vmul.f32 v63, v39;
	v8 =	vadd.f32 v49, v8  }
0x1b5: {  	v1 =	vadd.f32 v14, v1;
	v40 =	vld [tilespmem:s5+$0xECF0];
	v5 =	vadd.f32 v7, v5;
	v7 =	vmul.f32 v60, v39  }
0x1b6: {  	v48 =	vld [tilespmem:s5+$0xED30];
	v55 =	vmul.f32 v38, v46;
	v6 =	vadd.f32 v32, v6;
	v4 =	vadd.f32 v41, v4  }
0x1b7: {  	v59 =	vld [tilespmem:s5+$0xED70];
	v45 =	vmul.f32 v30, v39;
	v2 =	vadd.f32 v7, v2;
	v7 =	vmul.f32 v31, v39  }
0x1b8: {  	v47 =	vld [tilespmem:s5+$0xED20];
	v1 =	vadd.f32 v43, v1;
	v4 =	vadd.f32 v55, v4;
	v52 =	vperm.xlane v51, v52  }
0x1b9: {  	v54 =	vld [tilespmem:s5+$0xED50];
	v58 =	vperm.xlane v51, v62;
	v3 =	vadd.f32 v7, v3;
	v7 =	vmul.f32 v35, v46  }
0x1ba: {  	v57 =	vld [tilespmem:s5+$0xED60];
	v6 =	vadd.f32 v45, v6;
	v56 =	vmul.f32 v40, v46;
	v60 =	vmul.f32 v44, v52  }
0x1bb: {  	v11 =	vmul.f32 v50, v58;
	v5 =	vadd.f32 v7, v5;
	v7 =	vmul.f32 v42, v52  }
0x1bc: {  	v0 =	vadd.f32 v56, v0;
	v9 =	vmul.f32 v48, v52;
	v63 =	vmul.f32 v59, v58  }
0x1bd: {  	v1 =	vadd.f32 v60, v1;
	v2 =	vadd.f32 v7, v2;
	v7 =	vmul.f32 v47, v52  }
0x1be: {  	v61 =	vmul.f32 v54, v58;
	v3 =	vadd.f32 v9, v3;
	v0 =	vadd.f32 v63, v0  }
0x1bf: {  	v62 =	vmul.f32 v57, v58;
	v6 =	vadd.f32 v7, v6;
	v7 =	vadd.f32 v11, v8  }
0x1c0: {  	p1 =	sne.s32 s28, $0x7;
	s6 =	sshll.u32 s28, $0x6;
	v5 =	vadd.f32 v61, v5;
	v0 =	vadd.f32 v0, v3  }
.Ltmp4:
0x1c1: {  	s5 =	sand.u32 $0x3FFFFFC0, s6;
	v4 =	vadd.f32 v62, v4;
	v2 =	vadd.f32 v7, v2;
	(pc) =	sbr.rel @p1 .LBB2_11-.Ltmp4, $4  }
0x1c2: {  	v3 =	vld [tilespmem:$0x1FFD0];
	v1 =	vadd.f32 v5, v1;
	[tilespmem:s5+$0x1A930] =	vst v0  }
0x1c3: {  	v5 =	vld [tilespmem:$0x1FFF0];
	[tilespmem:s5+$0x1A900] =	vst v2;
	v2 =	vadd.f32 v4, v6  }
0x1c4: {  	[tilespmem:s5+$0x1A910] =	vst v1;
	v1 =	vld [tilespmem:$0x1FFC0]  }
0x1c5: {  	s28 =	sadd.s32 $0x1, s28;
	v4 =	vld [tilespmem:$0x1FFE0];
	[tilespmem:s5+$0x1A920] =	vst v2  }
0x1c6: {  	s5 =	sshll.u32 s24, $0x7;
	p1 =	seq.s32 s24, $0x1F  }
0x1c7: {  	s5 =	sadd.s32 s5, s10;
	s26 =	smul.u32 @!p1 $0xC80, s24  }
0x1c8: {  	[hbm4b:s5+s3] =	stream.linear.scatter [tilespmem:s12], [sflag:$0x3], $0x200, $0x38;
	[tilespmem:$0x1AD40] =	vst v63  }
0x1c9: {  	s5 =	sshra.s32 @!p1 s26, $0x2  }
0x1ca: {  	s28 =	simm.s32 @!p1 $0x50;
	s6 =	simm.s32 @!p1 $0xE100;
	s26 =	sadd.s32 @!p1 $0x320, s5  }
0x1cb: {  	[tilespmem:s6], [sflag:$0x1] =	stream.indirect.gather @!p1 [hbm4b:s4+s28], $0x40, s26, s28, $0xb8;
	[tilespmem:$0x1AD40] =	vst v63  }
0x1cc: {  	s6 =	sadd.s32 @!p1 $0x370, s5;
	s26 =	simm.s32 @!p1 $0xF500  }
0x1cd: {  	[tilespmem:s26], [sflag:$0x1] =	stream.indirect.gather @!p1 [hbm4b:s4+s28], $0x40, s6, s28, $0xb8;
	[tilespmem:$0x1AD40] =	vst v63  }
0x1ce: {  	s6 =	sadd.s32 @!p1 $0x3C0, s5;
	s26 =	simm.s32 @!p1 $0x10900  }
0x1cf: {  	[tilespmem:s26], [sflag:$0x1] =	stream.indirect.gather @!p1 [hbm4b:s4+s28], $0x40, s6, s28, $0xb8;
	[tilespmem:$0x1AD40] =	vst v63  }
0x1d0: {  	s6 =	sadd.s32 @!p1 $0x410, s5;
	s26 =	simm.s32 @!p1 $0x11D00  }
0x1d1: {  	[tilespmem:s26], [sflag:$0x1] =	stream.indirect.gather @!p1 [hbm4b:s4+s28], $0x40, s6, s28, $0xb8;
	[tilespmem:$0x1AD40] =	vst v63  }
0x1d2: {  	s5 =	sadd.s32 @!p1 $0x460, s5;
	s6 =	simm.s32 @!p1 $0x13100  }
0x1d3: {  	[tilespmem:s6], [sflag:$0x1] =	stream.indirect.gather @!p1 [hbm4b:s4+s28], $0x40, s5, s28, $0xb8;
	[tilespmem:$0x1AD40] =	vst v63  }
0x1d4: {  	_ =	swait.ge [sflag:s14], $0x1400  }
0x1d5: {  	[sflag:s14] =	ssyncset.done $0x0  }
0x1d6: {  	[sflag:s14] =	ssyncadd.s32 $0xFFFFEC00  }
0x1d7: {  	_ =	swait.ge [sflag:s14], $0x1400  }
0x1d8: {  	[sflag:s14] =	ssyncset.done $0x0  }
0x1d9: {  	[sflag:s14] =	ssyncadd.s32 $0xFFFFEC00  }
0x1da: {  	_ =	swait.ge [sflag:s14], $0x1400  }
0x1db: {  	[sflag:s14] =	ssyncset.done $0x0  }
0x1dc: {  	[sflag:s14] =	ssyncadd.s32 $0xFFFFEC00  }
0x1dd: {  	_ =	swait.ge [sflag:s14], $0x1400  }
0x1de: {  	[sflag:s14] =	ssyncset.done $0x0  }
0x1df: {  	[sflag:s14] =	ssyncadd.s32 $0xFFFFEC00  }
0x1e0: {  	_ =	swait.ge [sflag:s14], $0x1400  }
0x1e1: {  	[sflag:s14] =	ssyncset.done $0x0  }
0x1e2: {  	s5 =	simm.s32 @!p0 $0x4;
	[sflag:s14] =	ssyncadd.s32 $0xFFFFEC00  }
0x1e3: {  	_ =	swait.ge @!p0 [sflag:s5], $0x200  }
0x1e4: {  	[sflag:s5] =	ssyncset.done @!p0 $0x0  }
0x1e5: {  	s26 =	sshll.u32 s25, $0x3;
	s28 =	simm.s32 $0x0;
	[sflag:s5] =	ssyncadd.s32 @!p0 $0xFFFFFE00  }
.LBB2_13:
0x1e6: {  	v1 =	vld [tilespmem:$0x1FFC0];
	s6 =	smul.u32 $0x3200, s28  }
0x1e7: {  	s5 =	sadd.s32 s26, s28;
	v25 =	vld [tilespmem:$0x1FFA0]  }
0x1e8: {  	v52 =	vld [tilespmem:$0x1FF80];
	v0 =	vmov s5;
	s5 =	sshra.s32 s6, $0x2  }
0x1e9: {  	v11 =	vld [tilespmem:s5+$0x14520]  }
0x1ea: {  	v12 =	vld [tilespmem:s5+$0x14530]  }
0x1eb: {  	v13 =	vld [tilespmem:s5+$0x14540]  }
0x1ec: {  	v14 =	vld [tilespmem:s5+$0x14550]  }
0x1ed: {  	v15 =	vld [tilespmem:s5+$0x14560]  }
0x1ee: {  	v16 =	vld [tilespmem:s5+$0x14570]  }
0x1ef: {  	v17 =	vld [tilespmem:s5+$0x14580]  }
0x1f0: {  	v18 =	vld [tilespmem:s5+$0x14590]  }
0x1f1: {  	v19 =	vld [tilespmem:s5+$0x145A0]  }
0x1f2: {  	v20 =	vld [tilespmem:s5+$0x145B0]  }
0x1f3: {  	v21 =	vld [tilespmem:s5+$0x145C0]  }
0x1f4: {  	v24 =	vld [tilespmem:s5+$0x145D0]  }
0x1f5: {  	v29 =	vld [tilespmem:s5+$0x145E0]  }
0x1f6: {  	v30 =	vld [tilespmem:s5+$0x145F0]  }
0x1f7: {  	v0 =	vand.u32 $0x7FFFFFFF, v0;
	v31 =	vld [tilespmem:s5+$0x14600]  }
0x1f8: {  	v45 =	vld [tilespmem:s5+$0x14610];
	v2 =	vadd.s32 v3, v0  }
0x1f9: {  	v46 =	vld [tilespmem:s5+$0x14620];
	v3 =	vadd.s32 v4, v0;
	v1 =	vadd.s32 v1, v0;
	v0 =	vadd.s32 v5, v0  }
0x1fa: {  	v50 =	vld [tilespmem:s5+$0x14630]  }
0x1fb: {  	v51 =	vld [tilespmem:s5+$0x14640]  }
0x1fc: {  	v54 =	vld [tilespmem:s5+$0x14650]  }
0x1fd: {  	v55 =	vld [tilespmem:s5+$0x14660]  }
0x1fe: {  	v0 =	vld.idx.msk [tilespmem:v0+s16+$0x0], $0xffff  }
0x1ff: {  	v28 =	vld.idx.msk [tilespmem:v1+s16+$0x0], $0xffff  }
0x200: {  	v58 =	vld [tilespmem:s5+$0x14670]  }
0x201: {  	v59 =	vld [tilespmem:s5+$0x14680]  }
0x202: {  	v60 =	vld [tilespmem:s5+$0x14690]  }
0x203: {  	v61 =	vld [tilespmem:s5+$0x146A0];
	[tilespmem:$0x1FF20] =	vst v0;
	v0 =	vimm.s32 $0x0  }
0x204: {  	v44 =	vperm.xlane v28, v0;
	v0 =	vld [tilespmem:s5+$0x14850]  }
0x205: {  	v62 =	vld [tilespmem:s5+$0x146B0]  }
0x206: {  	v63 =	vld [tilespmem:s5+$0x146C0]  }
0x207: {  	v34 =	vld [tilespmem:s5+$0x146D0]  }
0x208: {  	v35 =	vld [tilespmem:s5+$0x146E0]  }
0x209: {  	[tilespmem:$0x1FEE0] =	vst v0;
	v0 =	vld [tilespmem:s5+$0x14860]  }
0x20a: {  	v36 =	vld [tilespmem:s5+$0x146F0]  }
0x20b: {  	v37 =	vld [tilespmem:s5+$0x14700]  }
0x20c: {  	v38 =	vld [tilespmem:s5+$0x14710]  }
0x20d: {  	v39 =	vld [tilespmem:s5+$0x14720]  }
0x20e: {  	v41 =	vld [tilespmem:s5+$0x14730];
	[tilespmem:$0x1FEF0] =	vst v0;
	v0 =	vimm.s32 $0x2  }
0x20f: {  	v49 =	vperm.xlane v28, v0;
	v0 =	vld [tilespmem:s5+$0x14870]  }
0x210: {  	v42 =	vld [tilespmem:s5+$0x14740]  }
0x211: {  	v22 =	vld [tilespmem:s5+$0x14750]  }
0x212: {  	v26 =	vld.idx.msk [tilespmem:v3+s16+$0x0], $0xffff  }
0x213: {  	v3 =	vld [tilespmem:s5+$0x14510]  }
0x214: {  	[tilespmem:$0x1FF00] =	vst v0;
	v0 =	vld [tilespmem:s5+$0x14880]  }
0x215: {  	v7 =	vld [tilespmem:s5+$0x14760]  }
0x216: {  	v27 =	vld.idx.msk [tilespmem:v2+s16+$0x0], $0xffff  }
0x217: {  	v2 =	vld [tilespmem:s5+$0x14500]  }
0x218: {  	v23 =	vld [tilespmem:s5+$0x14770];
	v3 =	vmul.f32 v3, v44  }
0x219: {  	[tilespmem:$0x1FF10] =	vst v0;
	v0 =	vld [tilespmem:$0x1FFB0]  }
0x21a: {  	v6 =	vld [tilespmem:s5+$0x14790];
	v3 =	vadd.f32 v3, v25;
	v32 =	vmul.f32 v18, v49  }
0x21b: {  	v8 =	vld [tilespmem:s5+$0x147B0]  }
0x21c: {  	v2 =	vmul.f32 v2, v44;
	v3 =	vadd.f32 v32, v3;
	v32 =	vld [tilespmem:$0x1FF90]  }
0x21d: {  	v57 =	vld [tilespmem:s5+$0x147C0];
	v11 =	vmul.f32 v11, v44;
	v1 =	vmul.f32 v17, v49  }
0x21e: {  	v56 =	vld [tilespmem:s5+$0x147D0];
	v19 =	vmul.f32 v19, v49;
	v2 =	vadd.f32 v2, v0;
	v0 =	vimm.s32 $0x1  }
0x21f: {  	v9 =	vld [tilespmem:s5+$0x147E0];
	v20 =	vmul.f32 v20, v49;
	v49 =	vimm.s32 $0x3;
	v0 =	vperm.xlane v28, v0  }
0x220: {  	v10 =	vld [tilespmem:s5+$0x147F0];
	v44 =	vmul.f32 v12, v44;
	v49 =	vperm.xlane v28, v49  }
0x221: {  	v47 =	vld [tilespmem:s5+$0x14800];
	v11 =	vadd.f32 v11, v32;
	v2 =	vadd.f32 v1, v2;
	v1 =	vmul.f32 v13, v0  }
0x222: {  	v48 =	vld [tilespmem:s5+$0x14810];
	v44 =	vadd.f32 v44, v52;
	v21 =	vmul.f32 v21, v49;
	v32 =	vmul.f32 v14, v0  }
0x223: {  	v43 =	vld [tilespmem:s5+$0x14820];
	v11 =	vadd.f32 v19, v11;
	v15 =	vmul.f32 v15, v0;
	v1 =	vadd.f32 $0.0e+00, v1  }
0x224: {  	v40 =	vld [tilespmem:s5+$0x14830];
	v24 =	vmul.f32 v24, v49;
	v19 =	vadd.f32 v20, v44;
	v52 =	vadd.f32 $0.0e+00, v32  }
0x225: {  	v33 =	vld [tilespmem:s5+$0x14840];
	v44 =	vimm.s32 $0x4;
	v15 =	vadd.f32 $0.0e+00, v15;
	v1 =	vadd.f32 v21, v1  }
0x226: {  	v4 =	vld [tilespmem:s5+$0x147A0];
	v20 =	vadd.f32 v24, v52;
	v21 =	vperm.xlane v28, v44;
	v52 =	vmul.f32 v29, v49  }
0x227: {  	v5 =	vld [tilespmem:s5+$0x14780];
	v0 =	vmul.f32 v16, v0;
	v29 =	vmul.f32 v30, v49  }
0x228: {  	v12 =	vld [tilespmem:s5+$0x148C0];
	v30 =	vmul.f32 v31, v21;
	v31 =	vmul.f32 v45, v21;
	v15 =	vadd.f32 v52, v15  }
0x229: {  	v25 =	vld [tilespmem:s5+$0x148B0];
	v24 =	vmul.f32 v46, v21;
	v52 =	vimm.s32 $0x5;
	v21 =	vmul.f32 v50, v21  }
0x22a: {  	v17 =	vld [tilespmem:s5+$0x14890];
	v0 =	vadd.f32 $0.0e+00, v0;
	v52 =	vperm.xlane v28, v52  }
0x22b: {  	v18 =	vld [tilespmem:s5+$0x148A0];
	v11 =	vadd.f32 v24, v11;
	v19 =	vadd.f32 v21, v19  }
0x22c: {  	v13 =	vld [tilespmem:s5+$0x148D0];
	v24 =	vmul.f32 v51, v52;
	v21 =	vmul.f32 v54, v52;
	v54 =	vimm.s32 $0x6  }
0x22d: {  	v14 =	vld [tilespmem:s5+$0x148E0];
	v0 =	vadd.f32 v29, v0;
	v29 =	vperm.xlane v28, v54  }
0x22e: {  	v16 =	vld [tilespmem:s5+$0x14900];
	v2 =	vadd.f32 v30, v2;
	v1 =	vadd.f32 v24, v1;
	v24 =	vmul.f32 v55, v52  }
0x22f: {  	v32 =	vld [tilespmem:s5+$0x148F0];
	v30 =	vmul.f32 v58, v52;
	v20 =	vadd.f32 v21, v20;
	v21 =	vmul.f32 v59, v29  }
0x230: {  	v44 =	vld [tilespmem:s5+$0x14910];
	v15 =	vadd.f32 v24, v15;
	v24 =	vmul.f32 v61, v29;
	v61 =	vimm.s32 $0x7  }
0x231: {  	v49 =	vld [tilespmem:s5+$0x14920];
	v3 =	vadd.f32 v31, v3;
	v31 =	vmul.f32 v60, v29;
	v52 =	vperm.xlane v28, v61  }
0x232: {  	v45 =	vld [tilespmem:s5+$0x14930];
	v21 =	vadd.f32 v21, v2;
	v2 =	vmul.f32 v62, v29  }
0x233: {  	v46 =	vld [tilespmem:s5+$0x14940];
	v29 =	vadd.f32 v31, v3;
	v3 =	vmul.f32 v63, v52  }
0x234: {  	v50 =	vld [tilespmem:s5+$0x14950];
	v19 =	vadd.f32 v2, v19;
	v2 =	vmul.f32 v34, v52;
	v34 =	vimm.s32 $0x8  }
0x235: {  	v51 =	vld [tilespmem:s5+$0x14960];
	v11 =	vadd.f32 v24, v11;
	v24 =	vperm.xlane v28, v34  }
0x236: {  	v58 =	vld [tilespmem:s5+$0x14990];
	v1 =	vadd.f32 v3, v1;
	v3 =	vmul.f32 v35, v52  }
0x237: {  	v54 =	vld [tilespmem:s5+$0x14970];
	v0 =	vadd.f32 v30, v0;
	v30 =	vmul.f32 v36, v52;
	v31 =	vmul.f32 v37, v24  }
0x238: {  	v55 =	vld [tilespmem:s5+$0x14980];
	v34 =	vmul.f32 v38, v24;
	v15 =	vadd.f32 v3, v15;
	v3 =	vimm.s32 $0x9  }
0x239: {  	v59 =	vld [tilespmem:s5+$0x149B0];
	v20 =	vadd.f32 v2, v20;
	v35 =	vmul.f32 v39, v24;
	v52 =	vperm.xlane v28, v3  }
0x23a: {  	v60 =	vld [tilespmem:s5+$0x149C0];
	v0 =	vadd.f32 v30, v0;
	v38 =	vmul.f32 v41, v24;
	v30 =	vadd.f32 v31, v21  }
0x23b: {  	v61 =	vld [tilespmem:s5+$0x149A0];
	v29 =	vadd.f32 v34, v29;
	v11 =	vadd.f32 v35, v11;
	v39 =	vmul.f32 v42, v52  }
0x23c: {  	v62 =	vld [tilespmem:s5+$0x149D0];
	v41 =	vmul.f32 v22, v52;
	v42 =	vimm.s32 $0xA;
	v7 =	vmul.f32 v7, v52  }
0x23d: {  	v63 =	vld [tilespmem:s5+$0x149E0];
	v19 =	vadd.f32 v38, v19;
	v35 =	vperm.xlane v28, v42;
	v1 =	vadd.f32 v39, v1  }
0x23e: {  	v36 =	vld [tilespmem:s5+$0x14AF0];
	v34 =	vmul.f32 v23, v52;
	v20 =	vadd.f32 v41, v20;
	v7 =	vadd.f32 v7, v15  }
0x23f: {  	v2 =	vld [tilespmem:s5+$0x149F0];
	v52 =	vmul.f32 v5, v35;
	v41 =	vmul.f32 v4, v35;
	v4 =	vimm.s32 $0xB  }
0x240: {  	v24 =	vld [tilespmem:s5+$0x14A20];
	v34 =	vadd.f32 v34, v0;
	v6 =	vmul.f32 v6, v35;
	v42 =	vperm.xlane v28, v4  }
0x241: {  	v37 =	vld [tilespmem:s5+$0x14AB0];
	v8 =	vmul.f32 v8, v35;
	v30 =	vadd.f32 v52, v30;
	v52 =	vimm.s32 $0xC  }
0x242: {  	v3 =	vld [tilespmem:s5+$0x14A00];
	v29 =	vadd.f32 v6, v29;
	v39 =	vmul.f32 v57, v42;
	v31 =	vperm.xlane v28, v52  }
0x243: {  	v21 =	vld [tilespmem:s5+$0x14A10];
	v11 =	vadd.f32 v41, v11;
	v41 =	vmul.f32 v56, v42;
	v9 =	vmul.f32 v9, v42  }
0x244: {  	v22 =	vld [tilespmem:s5+$0x14A30];
	v57 =	vimm.s32 $0xD;
	v10 =	vmul.f32 v10, v42;
	v42 =	vmul.f32 v47, v31  }
0x245: {  	v23 =	vld [tilespmem:s5+$0x14A40];
	v8 =	vadd.f32 v8, v19;
	v38 =	vperm.xlane v28, v57;
	v47 =	vmul.f32 v48, v31  }
0x246: {  	v19 =	vadd.f32 v41, v20;
	v48 =	vmul.f32 v43, v31;
	v20 =	vadd.f32 v42, v30;
	v42 =	vld [tilespmem:$0x1FEE0]  }
0x247: {  	v7 =	vadd.f32 v9, v7;
	v43 =	vimm.s32 $0xE;
	v29 =	vadd.f32 v47, v29;
	v47 =	vld [tilespmem:$0x1FEF0]  }
0x248: {  	v10 =	vadd.f32 v10, v34;
	v34 =	vperm.xlane v28, v43;
	v9 =	vadd.f32 v48, v11;
	v48 =	vld [tilespmem:$0x1FF00]  }
0x249: {  	v0 =	vld [tilespmem:s5+$0x14A70];
	v1 =	vadd.f32 v39, v1;
	v40 =	vmul.f32 v40, v31;
	v41 =	vmul.f32 v33, v38  }
0x24a: {  	v56 =	vimm.s32 $0xF;
	v43 =	vld [tilespmem:$0x1FF10];
	v17 =	vmul.f32 v17, v34  }
0x24b: {  	v15 =	vld [tilespmem:s5+$0x14AA0];
	v8 =	vadd.f32 v40, v8;
	v1 =	vadd.f32 v41, v1;
	v25 =	vmul.f32 v25, v34  }
0x24c: {  	v5 =	vld [tilespmem:s5+$0x14A50];
	v17 =	vadd.f32 v17, v29;
	v30 =	vmul.f32 v42, v38;
	v11 =	vmul.f32 v47, v38  }
0x24d: {  	v35 =	vld [tilespmem:s5+$0x14A90];
	v8 =	vadd.f32 v25, v8;
	v38 =	vmul.f32 v48, v38;
	v47 =	vmul.f32 v18, v34  }
0x24e: {  	v4 =	vld [tilespmem:s5+$0x14A60];
	v48 =	vperm.xlane v28, v56;
	v19 =	vadd.f32 v30, v19;
	v7 =	vadd.f32 v11, v7  }
0x24f: {  	v6 =	vld [tilespmem:s5+$0x14A80];
	v30 =	vmul.f32 v43, v34;
	v10 =	vadd.f32 v38, v10;
	v9 =	vadd.f32 v47, v9  }
0x250: {  	v39 =	vld [tilespmem:s5+$0x14AC0];
	v42 =	vmul.f32 v12, v48;
	v13 =	vmul.f32 v13, v48;
	v43 =	vimm.s32 $0x0  }
0x251: {  	v31 =	vld [tilespmem:s5+$0x14AD0];
	v47 =	vmul.f32 v14, v48;
	v25 =	vperm.xlane v27, v43;
	v20 =	vadd.f32 v30, v20  }
0x252: {  	v33 =	vld [tilespmem:s5+$0x14AE0];
	v48 =	vmul.f32 v32, v48;
	v1 =	vadd.f32 v42, v1;
	v13 =	vadd.f32 v13, v19  }
0x253: {  	v40 =	vld [tilespmem:s5+$0x14B00];
	v7 =	vadd.f32 v47, v7;
	v42 =	vmul.f32 v44, v25;
	v44 =	vimm.s32 $0x1  }
0x254: {  	v41 =	vld [tilespmem:s5+$0x14B10];
	v10 =	vadd.f32 v48, v10;
	v16 =	vmul.f32 v16, v25;
	v34 =	vperm.xlane v27, v44  }
0x255: {  	v29 =	vld [tilespmem:s5+$0x14B50];
	v43 =	vmul.f32 v49, v25;
	v45 =	vmul.f32 v45, v25;
	v49 =	vimm.s32 $0x2  }
0x256: {  	v28 =	vld [tilespmem:s5+$0x14B20];
	v25 =	vperm.xlane v27, v49;
	v14 =	vadd.f32 v16, v20;
	v47 =	vmul.f32 v46, v34  }
0x257: {  	v18 =	vld [tilespmem:s5+$0x14B60];
	v17 =	vadd.f32 v42, v17;
	v48 =	vmul.f32 v50, v34;
	v50 =	vmul.f32 v51, v34  }
0x258: {  	v12 =	vld [tilespmem:s5+$0x14B40];
	v9 =	vadd.f32 v43, v9;
	v34 =	vmul.f32 v54, v34;
	v51 =	vmul.f32 v55, v25  }
0x259: {  	v32 =	vld [tilespmem:s5+$0x14B70];
	v8 =	vadd.f32 v45, v8;
	v54 =	vmul.f32 v58, v25;
	v55 =	vmul.f32 v61, v25  }
0x25a: {  	v38 =	vld [tilespmem:s5+$0x14B80];
	v58 =	vimm.s32 $0x3;
	v1 =	vadd.f32 v47, v1;
	v13 =	vadd.f32 v48, v13  }
0x25b: {  	v11 =	vld [tilespmem:s5+$0x14C80];
	v46 =	vperm.xlane v27, v58;
	v7 =	vadd.f32 v50, v7;
	v10 =	vadd.f32 v34, v10  }
0x25c: {  	v30 =	vld [tilespmem:s5+$0x14B30];
	v59 =	vmul.f32 v59, v25;
	v14 =	vadd.f32 v51, v14;
	v17 =	vadd.f32 v54, v17  }
0x25d: {  	v19 =	vld [tilespmem:s5+$0x14BA0];
	v9 =	vadd.f32 v55, v9;
	v55 =	vimm.s32 $0x4;
	v61 =	vmul.f32 v60, v46  }
0x25e: {  	v49 =	vld [tilespmem:s5+$0x14C40];
	v8 =	vadd.f32 v59, v8;
	v54 =	vmul.f32 v62, v46;
	v44 =	vperm.xlane v27, v55  }
0x25f: {  	v20 =	vld [tilespmem:s5+$0x14B90];
	v51 =	vimm.s32 $0x7;
	v58 =	vmul.f32 v63, v46;
	v2 =	vmul.f32 v2, v46  }
0x260: {  	v42 =	vld [tilespmem:s5+$0x14BB0];
	v1 =	vadd.f32 v61, v1;
	v13 =	vadd.f32 v54, v13;
	v3 =	vmul.f32 v3, v44  }
0x261: {  	v43 =	vld [tilespmem:s5+$0x14BC0];
	v59 =	vmul.f32 v21, v44;
	v7 =	vadd.f32 v58, v7;
	v60 =	vmul.f32 v24, v44  }
0x262: {  	v45 =	vld [tilespmem:s5+$0x14BD0];
	v61 =	vimm.s32 $0x5;
	v2 =	vadd.f32 v2, v10;
	v62 =	vmul.f32 v22, v44  }
0x263: {  	v25 =	vld [tilespmem:s5+$0x14BF0];
	v44 =	vimm.s32 $0x0;
	v24 =	vperm.xlane v27, v61;
	v3 =	vadd.f32 v3, v14  }
0x264: {  	v47 =	vld [tilespmem:s5+$0x14BE0];
	v44 =	vperm.xlane v26, v44;
	v16 =	vadd.f32 v59, v17;
	v9 =	vadd.f32 v60, v9  }
0x265: {  	v34 =	vld [tilespmem:s5+$0x14C00];
	v8 =	vadd.f32 v62, v8;
	v63 =	vmul.f32 v23, v24;
	v23 =	vimm.s32 $0x6  }
0x266: {  	v48 =	vld [tilespmem:s5+$0x14C10];
	v59 =	vimm.s32 $0x8;
	v5 =	vmul.f32 v5, v24;
	v10 =	vperm.xlane v27, v23  }
0x267: {  	v46 =	vld [tilespmem:s5+$0x14C20];
	v4 =	vmul.f32 v4, v24;
	v0 =	vmul.f32 v0, v24;
	v1 =	vadd.f32 v63, v1  }
0x268: {  	v21 =	vld [tilespmem:s5+$0x14C30];
	v5 =	vadd.f32 v5, v13;
	v6 =	vmul.f32 v6, v10;
	v50 =	vmul.f32 v35, v10  }
0x269: {  	v22 =	vld [tilespmem:s5+$0x14C70];
	v4 =	vadd.f32 v4, v7;
	v7 =	vmul.f32 v15, v10;
	v15 =	vperm.xlane v27, v51  }
0x26a: {  	v14 =	vld [tilespmem:s5+$0x14C50];
	v0 =	vadd.f32 v0, v2;
	v2 =	vadd.f32 v6, v3;
	v3 =	vmul.f32 v37, v10  }
0x26b: {  	v17 =	vld [tilespmem:s5+$0x14C60];
	v54 =	vadd.f32 v50, v16;
	v55 =	vmul.f32 v39, v15;
	v58 =	vmul.f32 v31, v15  }
0x26c: {  	v24 =	vld [tilespmem:s5+$0x14CA0];
	v7 =	vadd.f32 v7, v9;
	v16 =	vperm.xlane v27, v59;
	v60 =	vmul.f32 v33, v15  }
0x26d: {  	v23 =	vld [tilespmem:s5+$0x14C90];
	v15 =	vmul.f32 v36, v15;
	v37 =	vimm.s32 $0x9;
	v50 =	vimm.s32 $0xA  }
0x26e: {  	v13 =	vld [tilespmem:s5+$0x14CC0];
	v59 =	vimm.s32 $0xB;
	v3 =	vadd.f32 v3, v8;
	v61 =	vmul.f32 v40, v16  }
0x26f: {  	v35 =	vld [tilespmem:s5+$0x14D90];
	v1 =	vadd.f32 v55, v1;
	v62 =	vmul.f32 v41, v16;
	v63 =	vmul.f32 v28, v16  }
0x270: {  	v6 =	vld [tilespmem:s5+$0x14CB0];
	v5 =	vadd.f32 v58, v5;
	v28 =	vperm.xlane v27, v37;
	v39 =	vmul.f32 v30, v16  }
0x271: {  	v31 =	vld [tilespmem:s5+$0x14CD0];
	v4 =	vadd.f32 v60, v4;
	v16 =	vperm.xlane v27, v50;
	v50 =	vperm.xlane v27, v57  }
0x272: {  	v33 =	vld [tilespmem:s5+$0x14CE0];
	v0 =	vadd.f32 v15, v0;
	v40 =	vmul.f32 v12, v28;
	v41 =	vmul.f32 v29, v28  }
0x273: {  	v36 =	vld [tilespmem:s5+$0x14CF0];
	v10 =	vadd.f32 v62, v54;
	v51 =	vmul.f32 v18, v28;
	v54 =	vmul.f32 v32, v28  }
0x274: {  	v37 =	vld [tilespmem:s5+$0x14D00];
	v2 =	vadd.f32 v61, v2;
	v55 =	vmul.f32 v38, v16;
	v20 =	vmul.f32 v20, v16  }
0x275: {  	v15 =	vld [tilespmem:s5+$0x14D10];
	v7 =	vadd.f32 v63, v7;
	v58 =	vmul.f32 v19, v16;
	v19 =	vperm.xlane v27, v59  }
0x276: {  	v30 =	vld [tilespmem:s5+$0x14D50];
	v3 =	vadd.f32 v39, v3;
	v60 =	vmul.f32 v42, v16;
	v63 =	vperm.xlane v27, v52  }
0x277: {  	v8 =	vld [tilespmem:s5+$0x14E30];
	v59 =	vimm.s32 $0xE;
	v1 =	vadd.f32 v40, v1;
	v5 =	vadd.f32 v41, v5  }
0x278: {  	v12 =	vld [tilespmem:s5+$0x14D20];
	v4 =	vadd.f32 v51, v4;
	v0 =	vadd.f32 v54, v0;
	v61 =	vmul.f32 v43, v19  }
0x279: {  	v29 =	vld [tilespmem:s5+$0x14D30];
	v2 =	vadd.f32 v55, v2;
	v62 =	vmul.f32 v45, v19;
	v43 =	vmul.f32 v47, v19  }
0x27a: {  	v28 =	vld [tilespmem:s5+$0x14D40];
	v10 =	vadd.f32 v20, v10;
	v19 =	vmul.f32 v25, v19;
	v45 =	vmul.f32 v34, v63  }
0x27b: {  	v32 =	vld [tilespmem:s5+$0x14D60];
	v7 =	vadd.f32 v58, v7;
	v47 =	vmul.f32 v48, v63;
	v48 =	vmul.f32 v46, v63  }
0x27c: {  	v16 =	vld [tilespmem:s5+$0x14D70];
	v3 =	vadd.f32 v60, v3;
	v51 =	vmul.f32 v21, v63;
	v54 =	vmul.f32 v49, v50  }
0x27d: {  	v18 =	vld [tilespmem:s5+$0x14D80];
	v55 =	vimm.s32 $0x2;
	v58 =	vmul.f32 v14, v50;
	v14 =	vperm.xlane v27, v59  }
0x27e: {  	v38 =	vld [tilespmem:s5+$0x14DB0];
	v60 =	vmul.f32 v17, v50;
	v41 =	vperm.xlane v27, v56;
	v1 =	vadd.f32 v61, v1  }
0x27f: {  	v42 =	vld [tilespmem:s5+$0x14E20];
	v15 =	vmul.f32 v15, v44;
	v5 =	vadd.f32 v62, v5;
	v4 =	vadd.f32 v43, v4  }
0x280: {  	v25 =	vld [tilespmem:s5+$0x14DA0];
	v0 =	vadd.f32 v19, v0;
	v2 =	vadd.f32 v45, v2;
	v61 =	vmul.f32 v22, v50  }
0x281: {  	v40 =	vld [tilespmem:s5+$0x14DC0];
	v10 =	vadd.f32 v47, v10;
	v62 =	vmul.f32 v11, v14;
	v63 =	vmul.f32 v23, v14  }
0x282: {  	v20 =	vld [tilespmem:s5+$0x14DE0];
	v7 =	vadd.f32 v48, v7;
	v39 =	vmul.f32 v24, v14;
	v6 =	vmul.f32 v6, v14  }
0x283: {  	v21 =	vld [tilespmem:s5+$0x14DF0];
	v3 =	vadd.f32 v51, v3;
	v43 =	vmul.f32 v13, v41;
	v45 =	vmul.f32 v33, v41  }
0x284: {  	v17 =	vld [tilespmem:s5+$0x14F00];
	v46 =	vmul.f32 v36, v41;
	v47 =	vimm.s32 $0x1;
	v51 =	vperm.xlane v26, v55  }
0x285: {  	v34 =	vld [tilespmem:s5+$0x14FD0];
	v55 =	vimm.s32 $0x4;
	v36 =	vimm.s32 $0x5;
	v48 =	vmul.f32 v12, v44  }
0x286: {  	v27 =	vld [tilespmem:s5+$0x15090];
	v49 =	vperm.xlane v26, v47;
	v1 =	vadd.f32 v54, v1;
	v5 =	vadd.f32 v58, v5  }
0x287: {  	v19 =	vld [tilespmem:s5+$0x14DD0];
	v47 =	vimm.s32 $0x7;
	v4 =	vadd.f32 v60, v4;
	v0 =	vadd.f32 v61, v0  }
0x288: {  	v22 =	vld [tilespmem:s5+$0x14E00];
	v2 =	vadd.f32 v62, v2;
	v3 =	vadd.f32 v6, v3;
	v6 =	vmul.f32 v31, v41  }
0x289: {  	v23 =	vld [tilespmem:s5+$0x14E10];
	v10 =	vadd.f32 v63, v10;
	v59 =	vmul.f32 v35, v51;
	v63 =	vperm.xlane v26, v55  }
0x28a: {  	v11 =	vld [tilespmem:s5+$0x14E40];
	v7 =	vadd.f32 v39, v7;
	v50 =	vmul.f32 v28, v49;
	v54 =	vmul.f32 v32, v49  }
0x28b: {  	v14 =	vld [tilespmem:s5+$0x14E50];
	v58 =	vimm.s32 $0x3;
	v12 =	vmul.f32 v16, v49;
	v60 =	vmul.f32 v25, v51  }
0x28c: {  	v24 =	vld [tilespmem:s5+$0x14E60];
	v61 =	vperm.xlane v26, v58;
	v5 =	vadd.f32 v6, v5;
	v6 =	vmul.f32 v37, v44  }
0x28d: {  	v33 =	vld [tilespmem:s5+$0x14E80];
	v58 =	vperm.xlane v26, v47;
	v1 =	vadd.f32 v43, v1;
	v4 =	vadd.f32 v45, v4  }
0x28e: {  	v13 =	vld [tilespmem:s5+$0x14E90];
	v0 =	vadd.f32 v46, v0;
	v2 =	vadd.f32 v6, v2;
	v6 =	vmul.f32 v29, v44  }
0x28f: {  	v31 =	vld [tilespmem:s5+$0x14E70];
	v32 =	vimm.s32 $0x9;
	v10 =	vadd.f32 v15, v10;
	v7 =	vadd.f32 v48, v7  }
0x290: {  	v39 =	vld [tilespmem:s5+$0x14F20];
	v41 =	vmul.f32 v42, v63;
	v3 =	vadd.f32 v6, v3;
	v6 =	vmul.f32 v30, v49  }
0x291: {  	v28 =	vld [tilespmem:s5+$0x14EB0];
	v42 =	vperm.xlane v26, v36;
	v43 =	vimm.s32 $0x6;
	v62 =	vmul.f32 v40, v61  }
0x292: {  	v16 =	vld [tilespmem:s5+$0x14EC0];
	v37 =	vmul.f32 v20, v61;
	v5 =	vadd.f32 v6, v5;
	v6 =	vmul.f32 v18, v51  }
0x293: {  	v15 =	vld [tilespmem:s5+$0x14EA0];
	v40 =	vmul.f32 v23, v63;
	v1 =	vadd.f32 v50, v1;
	v4 =	vadd.f32 v54, v4  }
0x294: {  	v48 =	vld [tilespmem:s5+$0x14F70];
	v0 =	vadd.f32 v12, v0;
	v2 =	vadd.f32 v6, v2;
	v6 =	vmul.f32 v38, v51  }
0x295: {  	v36 =	vld [tilespmem:s5+$0x14FE0];
	v46 =	vperm.xlane v26, v43;
	v10 =	vadd.f32 v59, v10;
	v7 =	vadd.f32 v60, v7  }
0x296: {  	v23 =	vld [tilespmem:s5+$0x14F30];
	v45 =	vmul.f32 v11, v42;
	v3 =	vadd.f32 v6, v3;
	v6 =	vmul.f32 v19, v61  }
0x297: {  	v12 =	vld [tilespmem:s5+$0x14EF0];
	v50 =	vmul.f32 v31, v42;
	v13 =	vmul.f32 v13, v46;
	v1 =	vadd.f32 v62, v1  }
0x298: {  	v44 =	vld [tilespmem:s5+$0x14F40];
	v4 =	vadd.f32 v37, v4;
	v5 =	vadd.f32 v6, v5;
	v6 =	vmul.f32 v22, v63  }
0x299: {  	v11 =	vld [tilespmem:s5+$0x14F60];
	v10 =	vadd.f32 v40, v10;
	v7 =	vadd.f32 v41, v7;
	v49 =	vmul.f32 v24, v42  }
0x29a: {  	v30 =	vld [tilespmem:s5+$0x14EE0];
	v40 =	vperm.xlane v26, v32;
	v2 =	vadd.f32 v6, v2;
	v6 =	vmul.f32 v8, v63  }
0x29b: {  	v29 =	vld [tilespmem:s5+$0x14ED0];
	v55 =	vmul.f32 v15, v46;
	v1 =	vadd.f32 v45, v1;
	v4 =	vadd.f32 v49, v4  }
0x29c: {  	v54 =	vld [tilespmem:s5+$0x14F90];
	v48 =	vmul.f32 v48, v40;
	v3 =	vadd.f32 v6, v3;
	v6 =	vmul.f32 v14, v42  }
0x29d: {  	v59 =	vld [tilespmem:s5+$0x14FA0];
	v10 =	vadd.f32 v13, v10;
	v12 =	vmul.f32 v12, v58;
	v43 =	vmul.f32 v44, v40  }
0x29e: {  	v60 =	vld [tilespmem:s5+$0x14FB0];
	v38 =	vmul.f32 v21, v61;
	v5 =	vadd.f32 v6, v5;
	v6 =	vmul.f32 v33, v46  }
0x29f: {  	v31 =	vld [tilespmem:s5+$0x150A0];
	v7 =	vadd.f32 v55, v7;
	v47 =	vmul.f32 v11, v40;
	v35 =	vmul.f32 v30, v58  }
0x2a0: {  	v62 =	vld [tilespmem:s5+$0x14FC0];
	v0 =	vadd.f32 v38, v0;
	v2 =	vadd.f32 v6, v2;
	v6 =	vmul.f32 v28, v46  }
0x2a1: {  	v41 =	vld [tilespmem:s5+$0x15000];
	v61 =	vmul.f32 v16, v58;
	v4 =	vadd.f32 v35, v4;
	v33 =	vimm.s32 $0x8  }
0x2a2: {  	v19 =	vld [tilespmem:s5+$0x14F10];
	v16 =	vperm.xlane v26, v33;
	v3 =	vadd.f32 v6, v3;
	v6 =	vmul.f32 v29, v58  }
0x2a3: {  	v55 =	vimm.s32 $0xB;
	v0 =	vadd.f32 v50, v0;
	v1 =	vadd.f32 v61, v1;
	v8 =	vld [tilespmem:s5+$0x14F50]  }
0x2a4: {  	v32 =	vld [tilespmem:s5+$0x150B0];
	v4 =	vadd.f32 v47, v4;
	v5 =	vadd.f32 v6, v5;
	v6 =	vmul.f32 v17, v16  }
0x2a5: {  	v51 =	vld [tilespmem:s5+$0x14F80];
	v63 =	vimm.s32 $0xA;
	v0 =	vadd.f32 v12, v0;
	v1 =	vadd.f32 v43, v1  }
0x2a6: {  	v49 =	vld [tilespmem:s5+$0x15040];
	v45 =	vperm.xlane v26, v63;
	v2 =	vadd.f32 v6, v2;
	v6 =	vmul.f32 v23, v16  }
0x2a7: {  	v44 =	vld [tilespmem:s5+$0x15020];
	v63 =	vimm.s32 $0xE;
	v37 =	vmul.f32 v19, v16;
	v39 =	vmul.f32 v39, v16  }
0x2a8: {  	v38 =	vld [tilespmem:s5+$0x14FF0];
	v0 =	vadd.f32 v48, v0;
	v3 =	vadd.f32 v6, v3;
	v6 =	vmul.f32 v8, v40  }
0x2a9: {  	v35 =	vld [tilespmem:s5+$0x150C0];
	v50 =	vmul.f32 v54, v45;
	v10 =	vadd.f32 v37, v10;
	v7 =	vadd.f32 v39, v7  }
0x2aa: {  	v61 =	vld [tilespmem:s5+$0x15080];
	v39 =	vperm.xlane v26, v63;
	v5 =	vadd.f32 v6, v5;
	v6 =	vmul.f32 v51, v45  }
0x2ab: {  	v42 =	vld [tilespmem:s5+$0x15010];
	v54 =	vmul.f32 v59, v45;
	v10 =	vadd.f32 v50, v10;
	v23 =	vperm.xlane v26, v55  }
0x2ac: {  	v48 =	vld [tilespmem:s5+$0x15130];
	v43 =	vmul.f32 v27, v39;
	v2 =	vadd.f32 v6, v2;
	v6 =	vmul.f32 v60, v45  }
0x2ad: {  	v46 =	vld [tilespmem:s5+$0x15030];
	v7 =	vadd.f32 v54, v7;
	v29 =	vmul.f32 v36, v23;
	v60 =	vmul.f32 v62, v23  }
0x2ae: {  	v58 =	vld [tilespmem:s5+$0x15060];
	v62 =	vperm.xlane v26, v52;
	v3 =	vadd.f32 v6, v3;
	v6 =	vmul.f32 v34, v23  }
0x2af: {  	v30 =	vmul.f32 v38, v23;
	v51 =	vld [tilespmem:s5+$0x15050];
	v4 =	vadd.f32 v29, v4;
	v45 =	vmul.f32 v31, v39  }
0x2b0: {  	v59 =	vld [tilespmem:s5+$0x15070];
	v12 =	vmul.f32 v42, v62;
	v5 =	vadd.f32 v6, v5;
	v6 =	vmul.f32 v41, v62  }
0x2b1: {  	v50 =	vld [tilespmem:s5+$0x15140];
	v0 =	vadd.f32 v30, v0;
	v33 =	vmul.f32 v44, v62;
	v34 =	vperm.xlane v26, v57  }
0x2b2: {  	v38 =	vld [tilespmem:s5+$0x150E0];
	v1 =	vadd.f32 v60, v1;
	v2 =	vadd.f32 v6, v2;
	v6 =	vmul.f32 v46, v62  }
0x2b3: {  	v40 =	vld [tilespmem:s5+$0x150F0];
	v10 =	vadd.f32 v12, v10;
	v7 =	vadd.f32 v33, v7;
	v37 =	vmul.f32 v49, v34  }
0x2b4: {  	v41 =	vmul.f32 v58, v34;
	v3 =	vadd.f32 v6, v3;
	v6 =	vmul.f32 v51, v34;
	v51 =	vld [tilespmem:$0x1FF20]  }
0x2b5: {  	v36 =	vld [tilespmem:s5+$0x150D0];
	v8 =	vmul.f32 v59, v34;
	v1 =	vadd.f32 v37, v1;
	v46 =	vperm.xlane v26, v56  }
0x2b6: {  	v44 =	vld [tilespmem:s5+$0x15110];
	v4 =	vadd.f32 v41, v4;
	v5 =	vadd.f32 v6, v5;
	v6 =	vmul.f32 v61, v39  }
0x2b7: {  	v42 =	vld [tilespmem:s5+$0x15100];
	v0 =	vadd.f32 v8, v0;
	v10 =	vadd.f32 v43, v10;
	v49 =	vmul.f32 v35, v46  }
0x2b8: {  	v60 =	vld [tilespmem:s5+$0x15170];
	v55 =	vmul.f32 v38, v46;
	v2 =	vadd.f32 v6, v2;
	v6 =	vmul.f32 v32, v39  }
0x2b9: {  	v47 =	vld [tilespmem:s5+$0x15120];
	v7 =	vadd.f32 v45, v7;
	v57 =	vmul.f32 v40, v46;
	v52 =	vperm.xlane v51, v63  }
0x2ba: {  	v54 =	vld [tilespmem:s5+$0x15150];
	v59 =	vperm.xlane v51, v56;
	v3 =	vadd.f32 v6, v3;
	v6 =	vmul.f32 v36, v46  }
0x2bb: {  	v58 =	vld [tilespmem:s5+$0x15160];
	v1 =	vadd.f32 v49, v1;
	v4 =	vadd.f32 v55, v4;
	v61 =	vmul.f32 v44, v52  }
0x2bc: {  	v11 =	vmul.f32 v50, v59;
	v5 =	vadd.f32 v6, v5;
	v6 =	vmul.f32 v42, v52  }
0x2bd: {  	v0 =	vadd.f32 v57, v0;
	v8 =	vmul.f32 v48, v52;
	v63 =	vmul.f32 v60, v59  }
0x2be: {  	v9 =	vadd.f32 v61, v10;
	v2 =	vadd.f32 v6, v2;
	v6 =	vmul.f32 v47, v52  }
0x2bf: {  	v62 =	vmul.f32 v54, v59;
	v3 =	vadd.f32 v8, v3;
	v0 =	vadd.f32 v63, v0  }
0x2c0: {  	v1 =	vadd.f32 v11, v1;
	v6 =	vadd.f32 v6, v7;
	v7 =	vmul.f32 v58, v59  }
0x2c1: {  	p0 =	sne.s32 s28, $0x7;
	s6 =	sshll.u32 s28, $0x6;
	v5 =	vadd.f32 v62, v5;
	v0 =	vadd.f32 v0, v3  }
.Ltmp5:
0x2c2: {  	s5 =	sand.u32 $0x3FFFFFC0, s6;
	v1 =	vadd.f32 v1, v2;
	v4 =	vadd.f32 v7, v4;
	(pc) =	sbr.rel @p0 .LBB2_13-.Ltmp5, $4  }
0x2c3: {  	v3 =	vld [tilespmem:$0x1FFD0];
	v2 =	vadd.f32 v5, v9;
	[tilespmem:s5+$0x1AB30] =	vst v0  }
0x2c4: {  	v5 =	vld [tilespmem:$0x1FFF0];
	[tilespmem:s5+$0x1AB00] =	vst v1;
	v1 =	vadd.f32 v4, v6  }
0x2c5: {  	[tilespmem:s5+$0x1AB10] =	vst v2;
	v4 =	vld [tilespmem:$0x1FFE0]  }
0x2c6: {  	s28 =	sadd.s32 $0x1, s28;
	[tilespmem:s5+$0x1AB20] =	vst v1;
	v1 =	vld [tilespmem:$0x1FFC0]  }
0x2c7: {  	s24 =	sadd.s32 $0x1, s24  }
0x2c8: {  	p0 =	sne.s32 s24, $0x20  }
.Ltmp6:
0x2c9: {  	_ = 	snop;
	(pc) =	sbr.rel @p0 .LBB2_10-.Ltmp6, $4  }
0x2ca: {  	_ = 	snop  }
0x2cb: {  	s5 =	sshll.u32 s25, $0x6  }
0x2cc: {  	s5 =	sadd.s32 s5, s10  }
0x2cd: {  	[hbm4b:s5+s3] =	stream.linear.scatter [tilespmem:s20], [sflag:$0x4], $0x200, $0x38;
	[tilespmem:$0x1AD40] =	vst v63  }
0x2ce: {  	s23 =	sadd.s32 $0x1, s23  }
0x2cf: {  	_ =	swait.ge [sflag:s21], $0x200;
	p0 =	sne.s32 s23, s11  }
.Ltmp7:
0x2d0: {  	[sflag:s21] =	ssyncset.done $0x0;
	(pc) =	sbr.rel @p0 .LBB2_1-.Ltmp7, $4  }
0x2d1: {  	[sflag:s21] =	ssyncadd.s32 $0xFFFFFE00  }
0x2d2: {  	_ =	swait.ge [sflag:s22], $0x200  }
0x2d3: {  	[sflag:s22] =	ssyncset.done $0x0  }
0x2d4: {  	[sflag:s22] =	ssyncadd.s32 $0xFFFFFE00  }
0x2d5: {  	_ =	sfence.sel $0x180000  }
0x2d6: {  	[bflag:$0x0] =	sbarrier.arrive $0xFFFF  }
0x2d7: {  	_ =	strace $0x90000047  }
0x2d8: {  	s0 =	stileid.u32;
	[bflag:$0x2] =	sbarrier.arrive $0xFFFF  }
0x2d9: {  	p0 =	sne.s32 s0, $0x0;
	s0 =	rddreg [dreg:$0x3]  }
0x2da: {  	s0 =	sadd.s32 @!p0 $0x100000, s0  }
0x2db: {  	[sflag:s0] =	ssyncadd.tile.s32 @!p0 $0x1;
	_ =	shalt  }
.Lfunc_end2:
_tile_overlayer_lowered:
.L_overlay_start_2:
0x2dc: {  	(tag) =	ssettag $0x2  }
0x2dd: {  	s0 =	rddreg [dreg:$0x0];
	s2 =	stileid.u32  }
0x2de: {  	s1 =	rddreg [dreg:$0x1];
	p0 =	sne.s32 s2, $0x0  }
0x2df: {  	s3 =	rddreg [dreg:$0x2];
	[bflag:$0x3] =	sbarrier.arrive $0xFFFF;
	s2 =	simm.s32 @!p0 $0x1C05  }
0x2e0: {  	[timem:s3], [sflag:s2] =	dma.local @!p0 [hbm:s0], s1  }
0x2e1: {  	s0 =	simm.s32 @!p0 $0x5  }
0x2e2: {  	_ =	swait.ge @!p0 [sflag:s0], s1  }
0x2e3: {  	s1 =	ssub.s32 @!p0 $0x0, s1;
	[sflag:s0] =	ssyncset.done @!p0 $0x0  }
0x2e4: {  	[sflag:s0] =	ssyncadd.s32 @!p0 s1  }
0x2e5: {  	[bflag:$0x3] =	sbarrier.arrive $0xFFFF  }
0x2e6: {  	_ =	shalt  }

</sc_bundles>
